<compile_context>
chip_gen: v7x
topology: tpu7x:2x2x1
jax: 0.10.2.dev20260603
libtpu: 0.0.44.dev20260713+nightly
codegen_flags: <defaults>
</compile_context>

<pallas_src>
import dataclasses
import functools

import jax
import jax.numpy as jnp
from jax import lax
from jax.experimental import pallas as pl
from jax.experimental.pallas import tpu as pltpu
from jax.experimental.pallas import tpu_sc as plsc

ROWS, COLS = 128, 32768
TOPK = 2048
LANES = 16
NTILES = 32
ROWS_PER_TILE = ROWS // NTILES
NV = COLS // LANES

DB1 = 10
NB1 = 1 << DB1
LOWB = 31 - DB1
HIST_WORDS = NB1 * LANES
UNROLL = 16


def _scan_hist(hist_ref, nbins, kth):
    ngroups = nbins // LANES

    def phase_a(g, carry):
        cnt, gsel, cnt_before, found = carry
        gi = ngroups - 1 - g
        acc = jnp.zeros((LANES,), jnp.int32)
        for j in range(LANES):
            acc = acc + hist_ref[pl.ds((gi * LANES + j) * LANES, LANES)]
        s = jnp.sum(acc)
        cross = jnp.logical_and(jnp.logical_not(found), cnt + s >= kth)
        gsel = jnp.where(cross, gi, gsel)
        cnt_before = jnp.where(cross, cnt, cnt_before)
        found = jnp.logical_or(found, cross)
        cnt = jnp.where(found, cnt, cnt + s)
        return cnt, gsel, cnt_before, found

    zero = jnp.int32(0)
    _, gsel, cnt_g, found_g = lax.fori_loop(
        0, ngroups, phase_a, (zero, zero, zero, False))

    def phase_b(j, carry):
        cnt, bsel, cnt_before, found = carry
        bi = gsel * LANES + (LANES - 1 - j)
        s = jnp.sum(hist_ref[pl.ds(bi * LANES, LANES)])
        cross = jnp.logical_and(jnp.logical_not(found), cnt + s >= kth)
        bsel = jnp.where(cross, bi, bsel)
        cnt_before = jnp.where(cross, cnt, cnt_before)
        found = jnp.logical_or(found, cross)
        cnt = jnp.where(found, cnt, cnt + s)
        return cnt, bsel, cnt_before, found

    _, bsel, cnt_b, found_b = lax.fori_loop(
        0, LANES, phase_b, (cnt_g, zero, zero, False))

    k_rem = kth - cnt_b
    return bsel, k_rem, jnp.logical_and(found_g, found_b)


def _process_row(row_ref, hist_ref, buf_ref):
    lanes = lax.iota(jnp.int32, LANES)
    ones = jnp.ones((LANES,), jnp.int32)
    zeros = jnp.zeros((LANES,), jnp.int32)

    @plsc.parallel_loop(0, HIST_WORDS // LANES, unroll=UNROLL)
    def _(i):
        hist_ref[pl.ds(i * LANES, LANES)] = zeros

    @plsc.parallel_loop(0, NV, unroll=UNROLL)
    def _(i):
        xv = row_ref[pl.ds(i * LANES, LANES)]
        key = plsc.bitcast(jnp.maximum(xv, 0.0), jnp.int32)
        m = xv > 0.0
        slot = (((key >> LOWB) & (NB1 - 1)) << 4) | lanes
        plsc.addupdate_scatter(hist_ref, [slot], ones, mask=m)

    b1, k1, f1 = _scan_hist(hist_ref, NB1, jnp.int32(TOPK))

    low_mask = (1 << LOWB) - 1
    b1v = jnp.full((LANES,), b1, jnp.int32)

    @plsc.parallel_loop(0, NV, unroll=UNROLL,
                        carry=jnp.zeros((LANES,), jnp.int32))
    def cntv(i, cv):
        xv = row_ref[pl.ds(i * LANES, LANES)]
        key = plsc.bitcast(jnp.maximum(xv, 0.0), jnp.int32)
        m = jnp.logical_and(xv > 0.0, ((key >> LOWB) & (NB1 - 1)) == b1v)
        pos = (cv << 4) | lanes
        plsc.store_scatter(buf_ref, [pos], key & low_mask, mask=m)
        return cv + jnp.where(m, 1, 0)

    nvb = jnp.max(cntv)

    def bit_step(bi, prefix):
        trial = prefix | (1 << (LOWB - 1 - bi))
        trialv = jnp.full((LANES,), trial, jnp.int32)

        @plsc.parallel_loop(0, nvb, unroll=4,
                            carry=(cntv, jnp.zeros((LANES,), jnp.int32)))
        def res(j, c):
            rem, acc = c
            kv = buf_ref[pl.ds(j * LANES, LANES)]
            valid = jnp.logical_and(kv >= trialv, rem > 0)
            return rem - 1, acc + jnp.where(valid, 1, 0)

        return jnp.where(jnp.sum(res[1]) >= k1, trial, prefix)

    low_bits = lax.fori_loop(0, LOWB, bit_step, jnp.int32(0))

    thresh = (b1 << LOWB) | low_bits
    thresh = jnp.where(f1, thresh, 0)
    tvec = jnp.full((LANES,), thresh, jnp.int32)

    @plsc.parallel_loop(0, NV, unroll=UNROLL)
    def _(i):
        xv = row_ref[pl.ds(i * LANES, LANES)]
        xr = jnp.maximum(xv, 0.0)
        key = plsc.bitcast(xr, jnp.int32)
        row_ref[pl.ds(i * LANES, LANES)] = jnp.where(key >= tvec, xr, 0.0)


def kernel(x):
    mesh = plsc.VectorSubcoreMesh(core_axis_name="c", subcore_axis_name="s")
    cp = pltpu.CompilerParams()
    if "needs_layout_passes" in pltpu.CompilerParams.__dataclass_fields__:
        cp = dataclasses.replace(cp, needs_layout_passes=False)

    @functools.partial(
        pl.kernel,
        out_type=jax.ShapeDtypeStruct((ROWS, COLS), jnp.float32),
        mesh=mesh,
        compiler_params=cp,
        scratch_types=[
            pltpu.VMEM((COLS,), jnp.float32),
            pltpu.VMEM((COLS,), jnp.float32),
            pltpu.VMEM((HIST_WORDS,), jnp.int32),
            pltpu.VMEM((COLS,), jnp.int32),
            pltpu.SemaphoreType.DMA,
            pltpu.SemaphoreType.DMA,
            pltpu.SemaphoreType.DMA,
            pltpu.SemaphoreType.DMA,
        ],
    )
    def run(x_hbm, out_hbm, row_a, row_b, hist_ref, buf_ref,
            sem_in_a, sem_in_b, sem_out_a, sem_out_b):
        wid = lax.axis_index("s") * 2 + lax.axis_index("c")
        base = wid * ROWS_PER_TILE

        bufs = [(row_a, sem_in_a, sem_out_a), (row_b, sem_in_b, sem_out_b)]

        pltpu.make_async_copy(x_hbm.at[base], row_a, sem_in_a).start()

        for r in range(ROWS_PER_TILE):
            cur, sin, sout = bufs[r % 2]
            pltpu.make_async_copy(x_hbm.at[base + r], cur, sin).wait()
            if r + 1 < ROWS_PER_TILE:
                nxt, snin, snout = bufs[(r + 1) % 2]
                if r >= 1:
                    pltpu.make_async_copy(
                        nxt, out_hbm.at[base + r - 1], snout).wait()
                pltpu.make_async_copy(x_hbm.at[base + r + 1], nxt,
                                      snin).start()
            _process_row(cur, hist_ref, buf_ref)
            pltpu.make_async_copy(cur, out_hbm.at[base + r], sout).start()

        for r in (ROWS_PER_TILE - 2, ROWS_PER_TILE - 1):
            cur, _, sout = bufs[r % 2]
            pltpu.make_async_copy(cur, out_hbm.at[base + r], sout).wait()

    return run(x)

# --- scband reference (transcript-rebuilt; emitter-appended) ---
"""Pipeline reference for scband-top-k-6433861009425 (READ-ONLY COPY).

The authoritative reference and input builder live on the scoring server;
editing this copy changes nothing except your own understanding.
"""

import jax, jax.numpy as jnp
import numpy as np

K = 2048

def setup_inputs(seed: int = 0) -> dict:
    key = jax.random.key(seed)
    x = jax.random.normal(key, (128, 32768), dtype=jnp.float32)
    return {"x": x}

def reference(x):
    # topk = torch.topk(x, k, dim=-1)
    values, indices = jax.lax.top_k(x, K)
    # postact_fn = ReLU
    values = jnp.maximum(values, 0.0)
    # result = zeros_like(x); result.scatter_(-1, indices, values)
    rows = jnp.arange(x.shape[0])[:, None]
    result = jnp.zeros_like(x)
    result = result.at[rows, indices].set(values)
    return result

if __name__ == "__main__":
    import jax
    _d = setup_inputs()
    print(jax.jit(kernel)(*tuple(_d.values())))

</pallas_src>

<mosaic_0001>
#map = affine_map<(d0, d1) -> (0, 0)>
module attributes {stable_mosaic.version = 14 : i64} {
  func.func @run(%arg0: i32, %arg1: i32, %arg2: memref<128x32768xf32, #tpu.memory_space<hbm>>, %arg3: memref<128x32768xf32, #tpu.memory_space<hbm>>, %arg4: memref<32768xf32, #tpu.memory_space<vmem>>, %arg5: memref<32768xf32, #tpu.memory_space<vmem>>, %arg6: memref<16384xi32, #tpu.memory_space<vmem>>, %arg7: memref<32768xi32, #tpu.memory_space<vmem>>, %arg8: memref<!tpu.dma_semaphore, #tpu.memory_space<semaphore_mem>>, %arg9: memref<!tpu.dma_semaphore, #tpu.memory_space<semaphore_mem>>, %arg10: memref<!tpu.dma_semaphore, #tpu.memory_space<semaphore_mem>>, %arg11: memref<!tpu.dma_semaphore, #tpu.memory_space<semaphore_mem>>) attributes {dimension_semantics = [#tpu.dimension_semantics<core_parallel>, #tpu.dimension_semantics<subcore_parallel>], iteration_bounds = array<i64: 2, 16>, scalar_prefetch = 0 : i64, scratch_operands = 8 : i64, tpu.core_type = #tpu.core_type<sc_vector_subcore>, window_params = [{transform_indices = #map}, {transform_indices = #map}]} {
    %mul3A = arith.constant 2 : i32
    %mul3A_0 = arith.muli %arg1, %mul3A : i32
    %add3A = arith.addi %mul3A_0, %arg0 : i32
    %mul3A_1 = arith.constant 4 : i32
    %mul3A_2 = arith.muli %add3A, %mul3A_1 : i32
    %dma_start3A = arith.constant 0 : i32
    %dma_start3A_3 = tpu.memref_slice %arg2[%mul3A_2, %dma_start3A] : memref<128x32768xf32, #tpu.memory_space<hbm>> -> memref<1x32768xf32, #tpu.memory_space<hbm>>
    %dma_start3A_4 = tpu.memref_squeeze %dma_start3A_3 : memref<1x32768xf32, #tpu.memory_space<hbm>> -> memref<32768xf32, #tpu.memory_space<hbm>>
    %dma_start3A_5 = arith.constant 0 : i32
    %dma_start3A_6 = tpu.memref_slice %arg2[%mul3A_2, %dma_start3A_5] : memref<128x32768xf32, #tpu.memory_space<hbm>> -> memref<1x32768xf32, #tpu.memory_space<hbm>>
    %dma_start3A_7 = tpu.memref_squeeze %dma_start3A_6 : memref<1x32768xf32, #tpu.memory_space<hbm>> -> memref<32768xf32, #tpu.memory_space<hbm>>
    tpu.enqueue_dma source(%dma_start3A_7 : memref<32768xf32, #tpu.memory_space<hbm>>) target(%arg4 : memref<32768xf32, #tpu.memory_space<vmem>>) target_semaphore(%arg8 : memref<!tpu.dma_semaphore, #tpu.memory_space<semaphore_mem>>)
    %add3A_8 = arith.constant 0 : i32
    %add3A_9 = arith.addi %mul3A_2, %add3A_8 : i32
    %dma_wait3A = arith.constant 0 : i32
    %dma_wait3A_10 = tpu.memref_slice %arg2[%add3A_9, %dma_wait3A] : memref<128x32768xf32, #tpu.memory_space<hbm>> -> memref<1x32768xf32, #tpu.memory_space<hbm>>
    %dma_wait3A_11 = tpu.memref_squeeze %dma_wait3A_10 : memref<1x32768xf32, #tpu.memory_space<hbm>> -> memref<32768xf32, #tpu.memory_space<hbm>>
    %dma_wait3A_12 = arith.constant 0 : i32
    %dma_wait3A_13 = tpu.memref_slice %arg2[%add3A_9, %dma_wait3A_12] : memref<128x32768xf32, #tpu.memory_space<hbm>> -> memref<1x32768xf32, #tpu.memory_space<hbm>>
    %dma_wait3A_14 = tpu.memref_squeeze %dma_wait3A_13 : memref<1x32768xf32, #tpu.memory_space<hbm>> -> memref<32768xf32, #tpu.memory_space<hbm>>
    tpu.wait_dma2 semaphore(%arg8 : memref<!tpu.dma_semaphore, #tpu.memory_space<semaphore_mem>>) src(%dma_wait3A_14 : memref<32768xf32, #tpu.memory_space<hbm>>) dst(%arg4 : memref<32768xf32, #tpu.memory_space<vmem>>)
    %add3A_15 = arith.constant 0 : i32
    %add3A_16 = arith.addi %mul3A_2, %add3A_15 : i32
    %add3A_17 = arith.constant 1 : i32
    %add3A_18 = arith.addi %add3A_16, %add3A_17 : i32
    %dma_start3A_19 = arith.constant 0 : i32
    %dma_start3A_20 = tpu.memref_slice %arg2[%add3A_18, %dma_start3A_19] : memref<128x32768xf32, #tpu.memory_space<hbm>> -> memref<1x32768xf32, #tpu.memory_space<hbm>>
    %dma_start3A_21 = tpu.memref_squeeze %dma_start3A_20 : memref<1x32768xf32, #tpu.memory_space<hbm>> -> memref<32768xf32, #tpu.memory_space<hbm>>
    %dma_start3A_22 = arith.constant 0 : i32
    %dma_start3A_23 = tpu.memref_slice %arg2[%add3A_18, %dma_start3A_22] : memref<128x32768xf32, #tpu.memory_space<hbm>> -> memref<1x32768xf32, #tpu.memory_space<hbm>>
    %dma_start3A_24 = tpu.memref_squeeze %dma_start3A_23 : memref<1x32768xf32, #tpu.memory_space<hbm>> -> memref<32768xf32, #tpu.memory_space<hbm>>
    tpu.enqueue_dma source(%dma_start3A_24 : memref<32768xf32, #tpu.memory_space<hbm>>) target(%arg5 : memref<32768xf32, #tpu.memory_space<vmem>>) target_semaphore(%arg9 : memref<!tpu.dma_semaphore, #tpu.memory_space<semaphore_mem>>)
    %iota3A = tpu.iota {dimensions = array<i32: 0>} : vector<16xi32>
    %broadcast_in_dim3A = arith.constant 1 : i32
    %broadcast_in_dim3A_25 = vector.broadcast %broadcast_in_dim3A : i32 to vector<16xi32>
    %broadcast_in_dim3A_26 = arith.constant 0 : i32
    %broadcast_in_dim3A_27 = vector.broadcast %broadcast_in_dim3A_26 : i32 to vector<16xi32>
    %parallel_loop3A = arith.constant 0 : i32
    %parallel_loop3A_28 = arith.constant 1024 : i32
    %parallel_loop3A_29 = arith.constant 1 : i32
    scf.for %parallel_loop3A_390 = %parallel_loop3A to %parallel_loop3A_28 step %parallel_loop3A_29  : i32 {
      %parallel_loop3A_391 = arith.constant 16 : i32
      %parallel_loop3A_392 = arith.muli %parallel_loop3A_390, %parallel_loop3A_391 : i32
      %parallel_loop3A_393 = arith.index_cast %parallel_loop3A_392 : i32 to index
      %parallel_loop3A_394 = tpu.vector_load %arg6[%parallel_loop3A_393] {strides = array<i32>} : memref<16384xi32, #tpu.memory_space<vmem>>, vector<16xi32>,
      tpu.vector_store %arg6[%parallel_loop3A_393], %broadcast_in_dim3A_27 {strides = array<i32>} : memref<16384xi32, #tpu.memory_space<vmem>>, vector<16xi32>,
    } {sc.loop_unroll_factor = 16 : i64, sc.parallel_access}
    %parallel_loop3A_30 = arith.constant 0 : i32
    %parallel_loop3A_31 = arith.constant 2048 : i32
    %parallel_loop3A_32 = arith.constant 1 : i32
    scf.for %parallel_loop3A_390 = %parallel_loop3A_30 to %parallel_loop3A_31 step %parallel_loop3A_32  : i32 {
      %parallel_loop3A_391 = arith.constant 16 : i32
      %parallel_loop3A_392 = arith.muli %parallel_loop3A_390, %parallel_loop3A_391 : i32
      %parallel_loop3A_393 = arith.index_cast %parallel_loop3A_392 : i32 to index
      %parallel_loop3A_394 = tpu.vector_load %arg4[%parallel_loop3A_393] {strides = array<i32>} : memref<32768xf32, #tpu.memory_space<vmem>>, vector<16xf32>,
      %parallel_loop3A_395 = arith.constant 0.000000e+00 : f32
      %parallel_loop3A_396 = vector.broadcast %parallel_loop3A_395 : f32 to vector<16xf32>
      %parallel_loop3A_397 = arith.maximumf %parallel_loop3A_394, %parallel_loop3A_396 : vector<16xf32>
      %parallel_loop3A_398 = vector.bitcast %parallel_loop3A_397 : vector<16xf32> to vector<16xi32>
      %parallel_loop3A_399 = arith.constant 0.000000e+00 : f32
      %parallel_loop3A_400 = vector.broadcast %parallel_loop3A_399 : f32 to vector<16xf32>
      %parallel_loop3A_401 = arith.cmpf ogt, %parallel_loop3A_394, %parallel_loop3A_400 : vector<16xf32>
      %parallel_loop3A_402 = arith.constant 21 : i32
      %parallel_loop3A_403 = vector.broadcast %parallel_loop3A_402 : i32 to vector<16xi32>
      %parallel_loop3A_404 = arith.shrsi %parallel_loop3A_398, %parallel_loop3A_403 : vector<16xi32>
      %parallel_loop3A_405 = arith.constant 1023 : i32
      %parallel_loop3A_406 = vector.broadcast %parallel_loop3A_405 : i32 to vector<16xi32>
      %parallel_loop3A_407 = arith.andi %parallel_loop3A_404, %parallel_loop3A_406 : vector<16xi32>
      %parallel_loop3A_408 = arith.constant 4 : i32
      %parallel_loop3A_409 = vector.broadcast %parallel_loop3A_408 : i32 to vector<16xi32>
      %parallel_loop3A_410 = arith.shli %parallel_loop3A_407, %parallel_loop3A_409 : vector<16xi32>
      %parallel_loop3A_411 = arith.ori %parallel_loop3A_410, %iota3A : vector<16xi32>
      tpu.vector_store_idx %arg6[%parallel_loop3A_411], %broadcast_in_dim3A_25 masked %parallel_loop3A_401 {add = true} : memref<16384xi32, #tpu.memory_space<vmem>>[vector<16xi32>], vector<16xi32>, vector<16xi1>
    } {sc.loop_unroll_factor = 16 : i64, sc.parallel_access}
    %scan3A = arith.constant 2048 : i32
    %scan3A_33 = arith.constant 0 : i32
    %scan3A_34 = arith.constant 0 : i32
    %scan3A_35 = arith.constant 0 : i32
    %scan3A_36 = arith.constant false
    %scan3A_37 = arith.constant 0 : i32
    %scan3A_38 = arith.constant 64 : i32
    %scan3A_39 = arith.addi %scan3A_37, %scan3A_38 : i32
    %scan3A_40 = arith.constant 1 : i32
    %scan3A_41:4 = scf.for %scan3A_390 = %scan3A_37 to %scan3A_39 step %scan3A_40 iter_args(%scan3A_391 = %scan3A_33, %scan3A_392 = %scan3A_34, %scan3A_393 = %scan3A_35, %scan3A_394 = %scan3A_36) -> (i32, i32, i32, i1)  : i32 {
      %sub3A_395 = arith.constant 63 : i32
      %sub3A_396 = arith.subi %sub3A_395, %scan3A_390 : i32
      %broadcast_in_dim3A_397 = arith.constant 0 : i32
      %broadcast_in_dim3A_398 = vector.broadcast %broadcast_in_dim3A_397 : i32 to vector<16xi32>
      %mul3A_399 = arith.constant 16 : i32
      %mul3A_400 = arith.muli %sub3A_396, %mul3A_399 : i32
      %add3A_401 = arith.constant 0 : i32
      %add3A_402 = arith.addi %mul3A_400, %add3A_401 : i32
      %mul3A_403 = arith.constant 16 : i32
      %mul3A_404 = arith.muli %add3A_402, %mul3A_403 : i32
      %get3A = arith.index_cast %mul3A_404 : i32 to index
      %get3A_405 = tpu.vector_load %arg6[%get3A] {strides = array<i32>} : memref<16384xi32, #tpu.memory_space<vmem>>, vector<16xi32>,
      %add3A_406 = arith.addi %broadcast_in_dim3A_398, %get3A_405 : vector<16xi32>
      %mul3A_407 = arith.constant 16 : i32
      %mul3A_408 = arith.muli %sub3A_396, %mul3A_407 : i32
      %add3A_409 = arith.constant 1 : i32
      %add3A_410 = arith.addi %mul3A_408, %add3A_409 : i32
      %mul3A_411 = arith.constant 16 : i32
      %mul3A_412 = arith.muli %add3A_410, %mul3A_411 : i32
      %get3A_413 = arith.index_cast %mul3A_412 : i32 to index
      %get3A_414 = tpu.vector_load %arg6[%get3A_413] {strides = array<i32>} : memref<16384xi32, #tpu.memory_space<vmem>>, vector<16xi32>,
      %add3A_415 = arith.addi %add3A_406, %get3A_414 : vector<16xi32>
      %mul3A_416 = arith.constant 16 : i32
      %mul3A_417 = arith.muli %sub3A_396, %mul3A_416 : i32
      %add3A_418 = arith.constant 2 : i32
      %add3A_419 = arith.addi %mul3A_417, %add3A_418 : i32
      %mul3A_420 = arith.constant 16 : i32
      %mul3A_421 = arith.muli %add3A_419, %mul3A_420 : i32
      %get3A_422 = arith.index_cast %mul3A_421 : i32 to index
      %get3A_423 = tpu.vector_load %arg6[%get3A_422] {strides = array<i32>} : memref<16384xi32, #tpu.memory_space<vmem>>, vector<16xi32>,
      %add3A_424 = arith.addi %add3A_415, %get3A_423 : vector<16xi32>
      %mul3A_425 = arith.constant 16 : i32
      %mul3A_426 = arith.muli %sub3A_396, %mul3A_425 : i32
      %add3A_427 = arith.constant 3 : i32
      %add3A_428 = arith.addi %mul3A_426, %add3A_427 : i32
      %mul3A_429 = arith.constant 16 : i32
      %mul3A_430 = arith.muli %add3A_428, %mul3A_429 : i32
      %get3A_431 = arith.index_cast %mul3A_430 : i32 to index
      %get3A_432 = tpu.vector_load %arg6[%get3A_431] {strides = array<i32>} : memref<16384xi32, #tpu.memory_space<vmem>>, vector<16xi32>,
      %add3A_433 = arith.addi %add3A_424, %get3A_432 : vector<16xi32>
      %mul3A_434 = arith.constant 16 : i32
      %mul3A_435 = arith.muli %sub3A_396, %mul3A_434 : i32
      %add3A_436 = arith.constant 4 : i32
      %add3A_437 = arith.addi %mul3A_435, %add3A_436 : i32
      %mul3A_438 = arith.constant 16 : i32
      %mul3A_439 = arith.muli %add3A_437, %mul3A_438 : i32
      %get3A_440 = arith.index_cast %mul3A_439 : i32 to index
      %get3A_441 = tpu.vector_load %arg6[%get3A_440] {strides = array<i32>} : memref<16384xi32, #tpu.memory_space<vmem>>, vector<16xi32>,
      %add3A_442 = arith.addi %add3A_433, %get3A_441 : vector<16xi32>
      %mul3A_443 = arith.constant 16 : i32
      %mul3A_444 = arith.muli %sub3A_396, %mul3A_443 : i32
      %add3A_445 = arith.constant 5 : i32
      %add3A_446 = arith.addi %mul3A_444, %add3A_445 : i32
      %mul3A_447 = arith.constant 16 : i32
      %mul3A_448 = arith.muli %add3A_446, %mul3A_447 : i32
      %get3A_449 = arith.index_cast %mul3A_448 : i32 to index
      %get3A_450 = tpu.vector_load %arg6[%get3A_449] {strides = array<i32>} : memref<16384xi32, #tpu.memory_space<vmem>>, vector<16xi32>,
      %add3A_451 = arith.addi %add3A_442, %get3A_450 : vector<16xi32>
      %mul3A_452 = arith.constant 16 : i32
      %mul3A_453 = arith.muli %sub3A_396, %mul3A_452 : i32
      %add3A_454 = arith.constant 6 : i32
      %add3A_455 = arith.addi %mul3A_453, %add3A_454 : i32
      %mul3A_456 = arith.constant 16 : i32
      %mul3A_457 = arith.muli %add3A_455, %mul3A_456 : i32
      %get3A_458 = arith.index_cast %mul3A_457 : i32 to index
      %get3A_459 = tpu.vector_load %arg6[%get3A_458] {strides = array<i32>} : memref<16384xi32, #tpu.memory_space<vmem>>, vector<16xi32>,
      %add3A_460 = arith.addi %add3A_451, %get3A_459 : vector<16xi32>
      %mul3A_461 = arith.constant 16 : i32
      %mul3A_462 = arith.muli %sub3A_396, %mul3A_461 : i32
      %add3A_463 = arith.constant 7 : i32
      %add3A_464 = arith.addi %mul3A_462, %add3A_463 : i32
      %mul3A_465 = arith.constant 16 : i32
      %mul3A_466 = arith.muli %add3A_464, %mul3A_465 : i32
      %get3A_467 = arith.index_cast %mul3A_466 : i32 to index
      %get3A_468 = tpu.vector_load %arg6[%get3A_467] {strides = array<i32>} : memref<16384xi32, #tpu.memory_space<vmem>>, vector<16xi32>,
      %add3A_469 = arith.addi %add3A_460, %get3A_468 : vector<16xi32>
      %mul3A_470 = arith.constant 16 : i32
      %mul3A_471 = arith.muli %sub3A_396, %mul3A_470 : i32
      %add3A_472 = arith.constant 8 : i32
      %add3A_473 = arith.addi %mul3A_471, %add3A_472 : i32
      %mul3A_474 = arith.constant 16 : i32
      %mul3A_475 = arith.muli %add3A_473, %mul3A_474 : i32
      %get3A_476 = arith.index_cast %mul3A_475 : i32 to index
      %get3A_477 = tpu.vector_load %arg6[%get3A_476] {strides = array<i32>} : memref<16384xi32, #tpu.memory_space<vmem>>, vector<16xi32>,
      %add3A_478 = arith.addi %add3A_469, %get3A_477 : vector<16xi32>
      %mul3A_479 = arith.constant 16 : i32
      %mul3A_480 = arith.muli %sub3A_396, %mul3A_479 : i32
      %add3A_481 = arith.constant 9 : i32
      %add3A_482 = arith.addi %mul3A_480, %add3A_481 : i32
      %mul3A_483 = arith.constant 16 : i32
      %mul3A_484 = arith.muli %add3A_482, %mul3A_483 : i32
      %get3A_485 = arith.index_cast %mul3A_484 : i32 to index
      %get3A_486 = tpu.vector_load %arg6[%get3A_485] {strides = array<i32>} : memref<16384xi32, #tpu.memory_space<vmem>>, vector<16xi32>,
      %add3A_487 = arith.addi %add3A_478, %get3A_486 : vector<16xi32>
      %mul3A_488 = arith.constant 16 : i32
      %mul3A_489 = arith.muli %sub3A_396, %mul3A_488 : i32
      %add3A_490 = arith.constant 10 : i32
      %add3A_491 = arith.addi %mul3A_489, %add3A_490 : i32
      %mul3A_492 = arith.constant 16 : i32
      %mul3A_493 = arith.muli %add3A_491, %mul3A_492 : i32
      %get3A_494 = arith.index_cast %mul3A_493 : i32 to index
      %get3A_495 = tpu.vector_load %arg6[%get3A_494] {strides = array<i32>} : memref<16384xi32, #tpu.memory_space<vmem>>, vector<16xi32>,
      %add3A_496 = arith.addi %add3A_487, %get3A_495 : vector<16xi32>
      %mul3A_497 = arith.constant 16 : i32
      %mul3A_498 = arith.muli %sub3A_396, %mul3A_497 : i32
      %add3A_499 = arith.constant 11 : i32
      %add3A_500 = arith.addi %mul3A_498, %add3A_499 : i32
      %mul3A_501 = arith.constant 16 : i32
      %mul3A_502 = arith.muli %add3A_500, %mul3A_501 : i32
      %get3A_503 = arith.index_cast %mul3A_502 : i32 to index
      %get3A_504 = tpu.vector_load %arg6[%get3A_503] {strides = array<i32>} : memref<16384xi32, #tpu.memory_space<vmem>>, vector<16xi32>,
      %add3A_505 = arith.addi %add3A_496, %get3A_504 : vector<16xi32>
      %mul3A_506 = arith.constant 16 : i32
      %mul3A_507 = arith.muli %sub3A_396, %mul3A_506 : i32
      %add3A_508 = arith.constant 12 : i32
      %add3A_509 = arith.addi %mul3A_507, %add3A_508 : i32
      %mul3A_510 = arith.constant 16 : i32
      %mul3A_511 = arith.muli %add3A_509, %mul3A_510 : i32
      %get3A_512 = arith.index_cast %mul3A_511 : i32 to index
      %get3A_513 = tpu.vector_load %arg6[%get3A_512] {strides = array<i32>} : memref<16384xi32, #tpu.memory_space<vmem>>, vector<16xi32>,
      %add3A_514 = arith.addi %add3A_505, %get3A_513 : vector<16xi32>
      %mul3A_515 = arith.constant 16 : i32
      %mul3A_516 = arith.muli %sub3A_396, %mul3A_515 : i32
      %add3A_517 = arith.constant 13 : i32
      %add3A_518 = arith.addi %mul3A_516, %add3A_517 : i32
      %mul3A_519 = arith.constant 16 : i32
      %mul3A_520 = arith.muli %add3A_518, %mul3A_519 : i32
      %get3A_521 = arith.index_cast %mul3A_520 : i32 to index
      %get3A_522 = tpu.vector_load %arg6[%get3A_521] {strides = array<i32>} : memref<16384xi32, #tpu.memory_space<vmem>>, vector<16xi32>,
      %add3A_523 = arith.addi %add3A_514, %get3A_522 : vector<16xi32>
      %mul3A_524 = arith.constant 16 : i32
      %mul3A_525 = arith.muli %sub3A_396, %mul3A_524 : i32
      %add3A_526 = arith.constant 14 : i32
      %add3A_527 = arith.addi %mul3A_525, %add3A_526 : i32
      %mul3A_528 = arith.constant 16 : i32
      %mul3A_529 = arith.muli %add3A_527, %mul3A_528 : i32
      %get3A_530 = arith.index_cast %mul3A_529 : i32 to index
      %get3A_531 = tpu.vector_load %arg6[%get3A_530] {strides = array<i32>} : memref<16384xi32, #tpu.memory_space<vmem>>, vector<16xi32>,
      %add3A_532 = arith.addi %add3A_523, %get3A_531 : vector<16xi32>
      %mul3A_533 = arith.constant 16 : i32
      %mul3A_534 = arith.muli %sub3A_396, %mul3A_533 : i32
      %add3A_535 = arith.constant 15 : i32
      %add3A_536 = arith.addi %mul3A_534, %add3A_535 : i32
      %mul3A_537 = arith.constant 16 : i32
      %mul3A_538 = arith.muli %add3A_536, %mul3A_537 : i32
      %get3A_539 = arith.index_cast %mul3A_538 : i32 to index
      %get3A_540 = tpu.vector_load %arg6[%get3A_539] {strides = array<i32>} : memref<16384xi32, #tpu.memory_space<vmem>>, vector<16xi32>,
      %add3A_541 = arith.addi %add3A_532, %get3A_540 : vector<16xi32>
      %reduce_sum3A = arith.constant true
      %reduce_sum3A_542 = vector.broadcast %reduce_sum3A : i1 to vector<16xi1>
      %reduce_sum3A_543 = tpu.scan <sum>, %add3A_541 masked %reduce_sum3A_542 : vector<16xi32>, vector<16xi1> -> vector<16xi32>
      %reduce_sum3A_544 = vector.extract %reduce_sum3A_543[15] : i32 from vector<16xi32>
      %not3A = arith.constant true
      %not3A_545 = arith.xori %scan3A_394, %not3A : i1
      %add3A_546 = arith.addi %scan3A_391, %reduce_sum3A_544 : i32
      %ge3A = arith.cmpi sge, %add3A_546, %scan3A : i32
      %and3A_547 = arith.andi %not3A_545, %ge3A : i1
      %select_n3A_548 = arith.select %and3A_547, %sub3A_396, %scan3A_392 : i32
      %select_n3A_549 = arith.select %and3A_547, %scan3A_391, %scan3A_393 : i32
      %or3A_550 = arith.ori %scan3A_394, %and3A_547 : i1
      %add3A_551 = arith.addi %scan3A_391, %reduce_sum3A_544 : i32
      %select_n3A_552 = arith.select %or3A_550, %scan3A_391, %add3A_551 : i32
      scf.yield %select_n3A_552, %select_n3A_548, %select_n3A_549, %or3A_550 : i32, i32, i32, i1
    }
    %scan3A_42 = arith.constant 64 : i32
    %scan3A_43 = arith.constant 2048 : i32
    %scan3A_44 = arith.constant 0 : i32
    %scan3A_45 = arith.constant 0 : i32
    %scan3A_46 = arith.constant false
    %scan3A_47 = arith.constant 0 : i32
    %scan3A_48 = arith.constant 16 : i32
    %scan3A_49 = arith.addi %scan3A_47, %scan3A_48 : i32
    %scan3A_50 = arith.constant 1 : i32
    %scan3A_51:4 = scf.for %scan3A_390 = %scan3A_47 to %scan3A_49 step %scan3A_50 iter_args(%scan3A_391 = %scan3A_41#2, %scan3A_392 = %scan3A_44, %scan3A_393 = %scan3A_45, %scan3A_394 = %scan3A_46) -> (i32, i32, i32, i1)  : i32 {
      %mul3A_395 = arith.constant 16 : i32
      %mul3A_396 = arith.muli %scan3A_41#1, %mul3A_395 : i32
      %sub3A_397 = arith.constant 15 : i32
      %sub3A_398 = arith.subi %sub3A_397, %scan3A_390 : i32
      %add3A_399 = arith.addi %mul3A_396, %sub3A_398 : i32
      %mul3A_400 = arith.constant 16 : i32
      %mul3A_401 = arith.muli %add3A_399, %mul3A_400 : i32
      %get3A = arith.index_cast %mul3A_401 : i32 to index
      %get3A_402 = tpu.vector_load %arg6[%get3A] {strides = array<i32>} : memref<16384xi32, #tpu.memory_space<vmem>>, vector<16xi32>,
      %reduce_sum3A = arith.constant true
      %reduce_sum3A_403 = vector.broadcast %reduce_sum3A : i1 to vector<16xi1>
      %reduce_sum3A_404 = tpu.scan <sum>, %get3A_402 masked %reduce_sum3A_403 : vector<16xi32>, vector<16xi1> -> vector<16xi32>
      %reduce_sum3A_405 = vector.extract %reduce_sum3A_404[15] : i32 from vector<16xi32>
      %not3A = arith.constant true
      %not3A_406 = arith.xori %scan3A_394, %not3A : i1
      %add3A_407 = arith.addi %scan3A_391, %reduce_sum3A_405 : i32
      %ge3A = arith.cmpi sge, %add3A_407, %scan3A_43 : i32
      %and3A_408 = arith.andi %not3A_406, %ge3A : i1
      %select_n3A_409 = arith.select %and3A_408, %add3A_399, %scan3A_392 : i32
      %select_n3A_410 = arith.select %and3A_408, %scan3A_391, %scan3A_393 : i32
      %or3A_411 = arith.ori %scan3A_394, %and3A_408 : i1
      %add3A_412 = arith.addi %scan3A_391, %reduce_sum3A_405 : i32
      %select_n3A_413 = arith.select %or3A_411, %scan3A_391, %add3A_412 : i32
      scf.yield %select_n3A_413, %select_n3A_409, %select_n3A_410, %or3A_411 : i32, i32, i32, i1
    }
    %scan3A_52 = arith.constant 16 : i32
    %sub3A = arith.constant 2048 : i32
    %sub3A_53 = arith.subi %sub3A, %scan3A_51#2 : i32
    %and3A = arith.andi %scan3A_41#3, %scan3A_51#3 : i1
    %broadcast_in_dim3A_54 = vector.broadcast %scan3A_51#1 : i32 to vector<16xi32>
    %broadcast_in_dim3A_55 = arith.constant 0 : i32
    %broadcast_in_dim3A_56 = vector.broadcast %broadcast_in_dim3A_55 : i32 to vector<16xi32>
    %parallel_loop3A_57 = arith.constant 0 : i32
    %parallel_loop3A_58 = arith.constant 2048 : i32
    %parallel_loop3A_59 = arith.constant 1 : i32
    %parallel_loop3A_60 = scf.for %parallel_loop3A_390 = %parallel_loop3A_57 to %parallel_loop3A_58 step %parallel_loop3A_59 iter_args(%parallel_loop3A_391 = %broadcast_in_dim3A_56) -> (vector<16xi32>)  : i32 {
      %parallel_loop3A_392 = arith.constant 16 : i32
      %parallel_loop3A_393 = arith.muli %parallel_loop3A_390, %parallel_loop3A_392 : i32
      %parallel_loop3A_394 = arith.index_cast %parallel_loop3A_393 : i32 to index
      %parallel_loop3A_395 = tpu.vector_load %arg4[%parallel_loop3A_394] {strides = array<i32>} : memref<32768xf32, #tpu.memory_space<vmem>>, vector<16xf32>,
      %parallel_loop3A_396 = arith.constant 0.000000e+00 : f32
      %parallel_loop3A_397 = vector.broadcast %parallel_loop3A_396 : f32 to vector<16xf32>
      %parallel_loop3A_398 = arith.maximumf %parallel_loop3A_395, %parallel_loop3A_397 : vector<16xf32>
      %parallel_loop3A_399 = vector.bitcast %parallel_loop3A_398 : vector<16xf32> to vector<16xi32>
      %parallel_loop3A_400 = arith.constant 0.000000e+00 : f32
      %parallel_loop3A_401 = vector.broadcast %parallel_loop3A_400 : f32 to vector<16xf32>
      %parallel_loop3A_402 = arith.cmpf ogt, %parallel_loop3A_395, %parallel_loop3A_401 : vector<16xf32>
      %parallel_loop3A_403 = arith.constant 21 : i32
      %parallel_loop3A_404 = vector.broadcast %parallel_loop3A_403 : i32 to vector<16xi32>
      %parallel_loop3A_405 = arith.shrsi %parallel_loop3A_399, %parallel_loop3A_404 : vector<16xi32>
      %parallel_loop3A_406 = arith.constant 1023 : i32
      %parallel_loop3A_407 = vector.broadcast %parallel_loop3A_406 : i32 to vector<16xi32>
      %parallel_loop3A_408 = arith.andi %parallel_loop3A_405, %parallel_loop3A_407 : vector<16xi32>
      %parallel_loop3A_409 = arith.cmpi eq, %parallel_loop3A_408, %broadcast_in_dim3A_54 : vector<16xi32>
      %parallel_loop3A_410 = arith.andi %parallel_loop3A_402, %parallel_loop3A_409 : vector<16xi1>
      %parallel_loop3A_411 = arith.constant 4 : i32
      %parallel_loop3A_412 = vector.broadcast %parallel_loop3A_411 : i32 to vector<16xi32>
      %parallel_loop3A_413 = arith.shli %parallel_loop3A_391, %parallel_loop3A_412 : vector<16xi32>
      %parallel_loop3A_414 = arith.ori %parallel_loop3A_413, %iota3A : vector<16xi32>
      %parallel_loop3A_415 = arith.constant 2097151 : i32
      %parallel_loop3A_416 = vector.broadcast %parallel_loop3A_415 : i32 to vector<16xi32>
      %parallel_loop3A_417 = arith.andi %parallel_loop3A_399, %parallel_loop3A_416 : vector<16xi32>
      tpu.vector_store_idx %arg7[%parallel_loop3A_414], %parallel_loop3A_417 masked %parallel_loop3A_410 : memref<32768xi32, #tpu.memory_space<vmem>>[vector<16xi32>], vector<16xi32>, vector<16xi1>
      %parallel_loop3A_418 = arith.constant 1 : i32
      %parallel_loop3A_419 = arith.constant 0 : i32
      %parallel_loop3A_420 = vector.broadcast %parallel_loop3A_418 : i32 to vector<16xi32>
      %parallel_loop3A_421 = vector.broadcast %parallel_loop3A_419 : i32 to vector<16xi32>
      %parallel_loop3A_422 = arith.select %parallel_loop3A_410, %parallel_loop3A_420, %parallel_loop3A_421 : vector<16xi1>, vector<16xi32>
      %parallel_loop3A_423 = arith.addi %parallel_loop3A_391, %parallel_loop3A_422 : vector<16xi32>
      scf.yield %parallel_loop3A_423 : vector<16xi32>
    } {sc.loop_unroll_factor = 16 : i64, sc.parallel_access}
    %reduce_max3A = arith.constant true
    %reduce_max3A_61 = vector.broadcast %reduce_max3A : i1 to vector<16xi1>
    %reduce_max3A_62 = arith.constant -2147483648 : i32
    %reduce_max3A_63 = vector.broadcast %reduce_max3A_62 : i32 to vector<16xi32>
    %reduce_max3A_64 = arith.xori %parallel_loop3A_60, %reduce_max3A_63 : vector<16xi32>
    %reduce_max3A_65 = tpu.scan <max>, %reduce_max3A_64 masked %reduce_max3A_61 : vector<16xi32>, vector<16xi1> -> vector<16xi32>
    %reduce_max3A_66 = arith.xori %reduce_max3A_65, %reduce_max3A_63 : vector<16xi32>
    %reduce_max3A_67 = vector.extract %reduce_max3A_66[15] : i32 from vector<16xi32>
    %scan3A_68 = arith.constant 0 : i32
    %scan3A_69 = arith.constant 0 : i32
    %scan3A_70 = arith.constant 21 : i32
    %scan3A_71 = arith.addi %scan3A_69, %scan3A_70 : i32
    %scan3A_72 = arith.constant 1 : i32
    %scan3A_73 = scf.for %scan3A_390 = %scan3A_69 to %scan3A_71 step %scan3A_72 iter_args(%scan3A_391 = %scan3A_68) -> (i32)  : i32 {
      %sub3A_392 = arith.constant 20 : i32
      %sub3A_393 = arith.subi %sub3A_392, %scan3A_390 : i32
      %shift_left3A_394 = arith.constant 1 : i32
      %shift_left3A_395 = arith.shli %shift_left3A_394, %sub3A_393 : i32
      %or3A_396 = arith.ori %scan3A_391, %shift_left3A_395 : i32
      %broadcast_in_dim3A_397 = vector.broadcast %or3A_396 : i32 to vector<16xi32>
      %broadcast_in_dim3A_398 = arith.constant 0 : i32
      %broadcast_in_dim3A_399 = vector.broadcast %broadcast_in_dim3A_398 : i32 to vector<16xi32>
      %parallel_loop3A_400 = arith.constant 0 : i32
      %parallel_loop3A_401 = arith.constant 1 : i32
      %parallel_loop3A_402:2 = scf.for %parallel_loop3A_407 = %parallel_loop3A_400 to %reduce_max3A_67 step %parallel_loop3A_401 iter_args(%parallel_loop3A_408 = %parallel_loop3A_60, %parallel_loop3A_409 = %broadcast_in_dim3A_399) -> (vector<16xi32>, vector<16xi32>)  : i32 {
        %parallel_loop3A_410 = arith.constant 16 : i32
        %parallel_loop3A_411 = arith.muli %parallel_loop3A_407, %parallel_loop3A_410 : i32
        %parallel_loop3A_412 = arith.index_cast %parallel_loop3A_411 : i32 to index
        %parallel_loop3A_413 = tpu.vector_load %arg7[%parallel_loop3A_412] {strides = array<i32>} : memref<32768xi32, #tpu.memory_space<vmem>>, vector<16xi32>,
        %parallel_loop3A_414 = arith.cmpi sge, %parallel_loop3A_413, %broadcast_in_dim3A_397 : vector<16xi32>
        %parallel_loop3A_415 = arith.constant 0 : i32
        %parallel_loop3A_416 = vector.broadcast %parallel_loop3A_415 : i32 to vector<16xi32>
        %parallel_loop3A_417 = arith.cmpi sgt, %parallel_loop3A_408, %parallel_loop3A_416 : vector<16xi32>
        %parallel_loop3A_418 = arith.andi %parallel_loop3A_414, %parallel_loop3A_417 : vector<16xi1>
        %parallel_loop3A_419 = arith.constant 1 : i32
        %parallel_loop3A_420 = vector.broadcast %parallel_loop3A_419 : i32 to vector<16xi32>
        %parallel_loop3A_421 = arith.subi %parallel_loop3A_408, %parallel_loop3A_420 : vector<16xi32>
        %parallel_loop3A_422 = arith.constant 1 : i32
        %parallel_loop3A_423 = arith.constant 0 : i32
        %parallel_loop3A_424 = vector.broadcast %parallel_loop3A_422 : i32 to vector<16xi32>
        %parallel_loop3A_425 = vector.broadcast %parallel_loop3A_423 : i32 to vector<16xi32>
        %parallel_loop3A_426 = arith.select %parallel_loop3A_418, %parallel_loop3A_424, %parallel_loop3A_425 : vector<16xi1>, vector<16xi32>
        %parallel_loop3A_427 = arith.addi %parallel_loop3A_409, %parallel_loop3A_426 : vector<16xi32>
        scf.yield %parallel_loop3A_421, %parallel_loop3A_427 : vector<16xi32>, vector<16xi32>
      } {sc.loop_unroll_factor = 4 : i64, sc.parallel_access}
      %reduce_sum3A = arith.constant true
      %reduce_sum3A_403 = vector.broadcast %reduce_sum3A : i1 to vector<16xi1>
      %reduce_sum3A_404 = tpu.scan <sum>, %parallel_loop3A_402#1 masked %reduce_sum3A_403 : vector<16xi32>, vector<16xi1> -> vector<16xi32>
      %reduce_sum3A_405 = vector.extract %reduce_sum3A_404[15] : i32 from vector<16xi32>
      %ge3A = arith.cmpi sge, %reduce_sum3A_405, %sub3A_53 : i32
      %select_n3A_406 = arith.select %ge3A, %or3A_396, %scan3A_391 : i32
      scf.yield %select_n3A_406 : i32
    }
    %scan3A_74 = arith.constant 21 : i32
    %shift_left3A = arith.constant 21 : i32
    %shift_left3A_75 = arith.shli %scan3A_51#1, %shift_left3A : i32
    %or3A = arith.ori %shift_left3A_75, %scan3A_73 : i32
    %jit3A = arith.constant 0 : i32
    %select_n3A = arith.select %and3A, %or3A, %jit3A : i32
    %broadcast_in_dim3A_76 = vector.broadcast %select_n3A : i32 to vector<16xi32>
    %parallel_loop3A_77 = arith.constant 0 : i32
    %parallel_loop3A_78 = arith.constant 2048 : i32
    %parallel_loop3A_79 = arith.constant 1 : i32
    scf.for %parallel_loop3A_390 = %parallel_loop3A_77 to %parallel_loop3A_78 step %parallel_loop3A_79  : i32 {
      %parallel_loop3A_391 = arith.constant 16 : i32
      %parallel_loop3A_392 = arith.muli %parallel_loop3A_390, %parallel_loop3A_391 : i32
      %parallel_loop3A_393 = arith.index_cast %parallel_loop3A_392 : i32 to index
      %parallel_loop3A_394 = tpu.vector_load %arg4[%parallel_loop3A_393] {strides = array<i32>} : memref<32768xf32, #tpu.memory_space<vmem>>, vector<16xf32>,
      %parallel_loop3A_395 = arith.constant 0.000000e+00 : f32
      %parallel_loop3A_396 = vector.broadcast %parallel_loop3A_395 : f32 to vector<16xf32>
      %parallel_loop3A_397 = arith.maximumf %parallel_loop3A_394, %parallel_loop3A_396 : vector<16xf32>
      %parallel_loop3A_398 = vector.bitcast %parallel_loop3A_397 : vector<16xf32> to vector<16xi32>
      %parallel_loop3A_399 = arith.cmpi sge, %parallel_loop3A_398, %broadcast_in_dim3A_76 : vector<16xi32>
      %parallel_loop3A_400 = arith.constant 0.000000e+00 : f32
      %parallel_loop3A_401 = vector.broadcast %parallel_loop3A_400 : f32 to vector<16xf32>
      %parallel_loop3A_402 = arith.select %parallel_loop3A_399, %parallel_loop3A_397, %parallel_loop3A_401 : vector<16xi1>, vector<16xf32>
      %parallel_loop3A_403 = arith.constant 16 : i32
      %parallel_loop3A_404 = arith.muli %parallel_loop3A_390, %parallel_loop3A_403 : i32
      %parallel_loop3A_405 = arith.index_cast %parallel_loop3A_404 : i32 to index
      %parallel_loop3A_406 = tpu.vector_load %arg4[%parallel_loop3A_405] {strides = array<i32>} : memref<32768xf32, #tpu.memory_space<vmem>>, vector<16xf32>,
      tpu.vector_store %arg4[%parallel_loop3A_405], %parallel_loop3A_402 {strides = array<i32>} : memref<32768xf32, #tpu.memory_space<vmem>>, vector<16xf32>,
    } {sc.loop_unroll_factor = 16 : i64, sc.parallel_access}
    %add3A_80 = arith.constant 0 : i32
    %add3A_81 = arith.addi %mul3A_2, %add3A_80 : i32
    %dma_start3A_82 = arith.constant 0 : i32
    %dma_start3A_83 = tpu.memref_slice %arg3[%add3A_81, %dma_start3A_82] : memref<128x32768xf32, #tpu.memory_space<hbm>> -> memref<1x32768xf32, #tpu.memory_space<hbm>>
    %dma_start3A_84 = tpu.memref_squeeze %dma_start3A_83 : memref<1x32768xf32, #tpu.memory_space<hbm>> -> memref<32768xf32, #tpu.memory_space<hbm>>
    %dma_start3A_85 = arith.constant 0 : i32
    %dma_start3A_86 = tpu.memref_slice %arg3[%add3A_81, %dma_start3A_85] : memref<128x32768xf32, #tpu.memory_space<hbm>> -> memref<1x32768xf32, #tpu.memory_space<hbm>>
    %dma_start3A_87 = tpu.memref_squeeze %dma_start3A_86 : memref<1x32768xf32, #tpu.memory_space<hbm>> -> memref<32768xf32, #tpu.memory_space<hbm>>
    tpu.enqueue_dma source(%arg4 : memref<32768xf32, #tpu.memory_space<vmem>>) target(%dma_start3A_87 : memref<32768xf32, #tpu.memory_space<hbm>>) target_semaphore(%arg10 : memref<!tpu.dma_semaphore, #tpu.memory_space<semaphore_mem>>)
    %add3A_88 = arith.constant 1 : i32
    %add3A_89 = arith.addi %mul3A_2, %add3A_88 : i32
    %dma_wait3A_90 = arith.constant 0 : i32
    %dma_wait3A_91 = tpu.memref_slice %arg2[%add3A_89, %dma_wait3A_90] : memref<128x32768xf32, #tpu.memory_space<hbm>> -> memref<1x32768xf32, #tpu.memory_space<hbm>>
    %dma_wait3A_92 = tpu.memref_squeeze %dma_wait3A_91 : memref<1x32768xf32, #tpu.memory_space<hbm>> -> memref<32768xf32, #tpu.memory_space<hbm>>
    %dma_wait3A_93 = arith.constant 0 : i32
    %dma_wait3A_94 = tpu.memref_slice %arg2[%add3A_89, %dma_wait3A_93] : memref<128x32768xf32, #tpu.memory_space<hbm>> -> memref<1x32768xf32, #tpu.memory_space<hbm>>
    %dma_wait3A_95 = tpu.memref_squeeze %dma_wait3A_94 : memref<1x32768xf32, #tpu.memory_space<hbm>> -> memref<32768xf32, #tpu.memory_space<hbm>>
    tpu.wait_dma2 semaphore(%arg9 : memref<!tpu.dma_semaphore, #tpu.memory_space<semaphore_mem>>) src(%dma_wait3A_95 : memref<32768xf32, #tpu.memory_space<hbm>>) dst(%arg5 : memref<32768xf32, #tpu.memory_space<vmem>>)
    %add3A_96 = arith.constant 1 : i32
    %add3A_97 = arith.addi %mul3A_2, %add3A_96 : i32
    %sub3A_98 = arith.constant 1 : i32
    %sub3A_99 = arith.subi %add3A_97, %sub3A_98 : i32
    %dma_wait3A_100 = arith.constant 0 : i32
    %dma_wait3A_101 = tpu.memref_slice %arg3[%sub3A_99, %dma_wait3A_100] : memref<128x32768xf32, #tpu.memory_space<hbm>> -> memref<1x32768xf32, #tpu.memory_space<hbm>>
    %dma_wait3A_102 = tpu.memref_squeeze %dma_wait3A_101 : memref<1x32768xf32, #tpu.memory_space<hbm>> -> memref<32768xf32, #tpu.memory_space<hbm>>
    %dma_wait3A_103 = arith.constant 0 : i32
    %dma_wait3A_104 = tpu.memref_slice %arg3[%sub3A_99, %dma_wait3A_103] : memref<128x32768xf32, #tpu.memory_space<hbm>> -> memref<1x32768xf32, #tpu.memory_space<hbm>>
    %dma_wait3A_105 = tpu.memref_squeeze %dma_wait3A_104 : memref<1x32768xf32, #tpu.memory_space<hbm>> -> memref<32768xf32, #tpu.memory_space<hbm>>
    tpu.wait_dma2 semaphore(%arg10 : memref<!tpu.dma_semaphore, #tpu.memory_space<semaphore_mem>>) src(%arg4 : memref<32768xf32, #tpu.memory_space<vmem>>) dst(%dma_wait3A_105 : memref<32768xf32, #tpu.memory_space<hbm>>)
    %add3A_106 = arith.constant 1 : i32
    %add3A_107 = arith.addi %mul3A_2, %add3A_106 : i32
    %add3A_108 = arith.constant 1 : i32
    %add3A_109 = arith.addi %add3A_107, %add3A_108 : i32
    %dma_start3A_110 = arith.constant 0 : i32
    %dma_start3A_111 = tpu.memref_slice %arg2[%add3A_109, %dma_start3A_110] : memref<128x32768xf32, #tpu.memory_space<hbm>> -> memref<1x32768xf32, #tpu.memory_space<hbm>>
    %dma_start3A_112 = tpu.memref_squeeze %dma_start3A_111 : memref<1x32768xf32, #tpu.memory_space<hbm>> -> memref<32768xf32, #tpu.memory_space<hbm>>
    %dma_start3A_113 = arith.constant 0 : i32
    %dma_start3A_114 = tpu.memref_slice %arg2[%add3A_109, %dma_start3A_113] : memref<128x32768xf32, #tpu.memory_space<hbm>> -> memref<1x32768xf32, #tpu.memory_space<hbm>>
    %dma_start3A_115 = tpu.memref_squeeze %dma_start3A_114 : memref<1x32768xf32, #tpu.memory_space<hbm>> -> memref<32768xf32, #tpu.memory_space<hbm>>
    tpu.enqueue_dma source(%dma_start3A_115 : memref<32768xf32, #tpu.memory_space<hbm>>) target(%arg4 : memref<32768xf32, #tpu.memory_space<vmem>>) target_semaphore(%arg8 : memref<!tpu.dma_semaphore, #tpu.memory_space<semaphore_mem>>)
    %iota3A_116 = tpu.iota {dimensions = array<i32: 0>} : vector<16xi32>
    %broadcast_in_dim3A_117 = arith.constant 1 : i32
    %broadcast_in_dim3A_118 = vector.broadcast %broadcast_in_dim3A_117 : i32 to vector<16xi32>
    %broadcast_in_dim3A_119 = arith.constant 0 : i32
    %broadcast_in_dim3A_120 = vector.broadcast %broadcast_in_dim3A_119 : i32 to vector<16xi32>
    %parallel_loop3A_121 = arith.constant 0 : i32
    %parallel_loop3A_122 = arith.constant 1024 : i32
    %parallel_loop3A_123 = arith.constant 1 : i32
    scf.for %parallel_loop3A_390 = %parallel_loop3A_121 to %parallel_loop3A_122 step %parallel_loop3A_123  : i32 {
      %parallel_loop3A_391 = arith.constant 16 : i32
      %parallel_loop3A_392 = arith.muli %parallel_loop3A_390, %parallel_loop3A_391 : i32
      %parallel_loop3A_393 = arith.index_cast %parallel_loop3A_392 : i32 to index
      %parallel_loop3A_394 = tpu.vector_load %arg6[%parallel_loop3A_393] {strides = array<i32>} : memref<16384xi32, #tpu.memory_space<vmem>>, vector<16xi32>,
      tpu.vector_store %arg6[%parallel_loop3A_393], %broadcast_in_dim3A_120 {strides = array<i32>} : memref<16384xi32, #tpu.memory_space<vmem>>, vector<16xi32>,
    } {sc.loop_unroll_factor = 16 : i64, sc.parallel_access}
    %parallel_loop3A_124 = arith.constant 0 : i32
    %parallel_loop3A_125 = arith.constant 2048 : i32
    %parallel_loop3A_126 = arith.constant 1 : i32
    scf.for %parallel_loop3A_390 = %parallel_loop3A_124 to %parallel_loop3A_125 step %parallel_loop3A_126  : i32 {
      %parallel_loop3A_391 = arith.constant 16 : i32
      %parallel_loop3A_392 = arith.muli %parallel_loop3A_390, %parallel_loop3A_391 : i32
      %parallel_loop3A_393 = arith.index_cast %parallel_loop3A_392 : i32 to index
      %parallel_loop3A_394 = tpu.vector_load %arg5[%parallel_loop3A_393] {strides = array<i32>} : memref<32768xf32, #tpu.memory_space<vmem>>, vector<16xf32>,
      %parallel_loop3A_395 = arith.constant 0.000000e+00 : f32
      %parallel_loop3A_396 = vector.broadcast %parallel_loop3A_395 : f32 to vector<16xf32>
      %parallel_loop3A_397 = arith.maximumf %parallel_loop3A_394, %parallel_loop3A_396 : vector<16xf32>
      %parallel_loop3A_398 = vector.bitcast %parallel_loop3A_397 : vector<16xf32> to vector<16xi32>
      %parallel_loop3A_399 = arith.constant 0.000000e+00 : f32
      %parallel_loop3A_400 = vector.broadcast %parallel_loop3A_399 : f32 to vector<16xf32>
      %parallel_loop3A_401 = arith.cmpf ogt, %parallel_loop3A_394, %parallel_loop3A_400 : vector<16xf32>
      %parallel_loop3A_402 = arith.constant 21 : i32
      %parallel_loop3A_403 = vector.broadcast %parallel_loop3A_402 : i32 to vector<16xi32>
      %parallel_loop3A_404 = arith.shrsi %parallel_loop3A_398, %parallel_loop3A_403 : vector<16xi32>
      %parallel_loop3A_405 = arith.constant 1023 : i32
      %parallel_loop3A_406 = vector.broadcast %parallel_loop3A_405 : i32 to vector<16xi32>
      %parallel_loop3A_407 = arith.andi %parallel_loop3A_404, %parallel_loop3A_406 : vector<16xi32>
      %parallel_loop3A_408 = arith.constant 4 : i32
      %parallel_loop3A_409 = vector.broadcast %parallel_loop3A_408 : i32 to vector<16xi32>
      %parallel_loop3A_410 = arith.shli %parallel_loop3A_407, %parallel_loop3A_409 : vector<16xi32>
      %parallel_loop3A_411 = arith.ori %parallel_loop3A_410, %iota3A_116 : vector<16xi32>
      tpu.vector_store_idx %arg6[%parallel_loop3A_411], %broadcast_in_dim3A_118 masked %parallel_loop3A_401 {add = true} : memref<16384xi32, #tpu.memory_space<vmem>>[vector<16xi32>], vector<16xi32>, vector<16xi1>
    } {sc.loop_unroll_factor = 16 : i64, sc.parallel_access}
    %scan3A_127 = arith.constant 2048 : i32
    %scan3A_128 = arith.constant 0 : i32
    %scan3A_129 = arith.constant 0 : i32
    %scan3A_130 = arith.constant 0 : i32
    %scan3A_131 = arith.constant false
    %scan3A_132 = arith.constant 0 : i32
    %scan3A_133 = arith.constant 64 : i32
    %scan3A_134 = arith.addi %scan3A_132, %scan3A_133 : i32
    %scan3A_135 = arith.constant 1 : i32
    %scan3A_136:4 = scf.for %scan3A_390 = %scan3A_132 to %scan3A_134 step %scan3A_135 iter_args(%scan3A_391 = %scan3A_128, %scan3A_392 = %scan3A_129, %scan3A_393 = %scan3A_130, %scan3A_394 = %scan3A_131) -> (i32, i32, i32, i1)  : i32 {
      %sub3A_395 = arith.constant 63 : i32
      %sub3A_396 = arith.subi %sub3A_395, %scan3A_390 : i32
      %broadcast_in_dim3A_397 = arith.constant 0 : i32
      %broadcast_in_dim3A_398 = vector.broadcast %broadcast_in_dim3A_397 : i32 to vector<16xi32>
      %mul3A_399 = arith.constant 16 : i32
      %mul3A_400 = arith.muli %sub3A_396, %mul3A_399 : i32
      %add3A_401 = arith.constant 0 : i32
      %add3A_402 = arith.addi %mul3A_400, %add3A_401 : i32
      %mul3A_403 = arith.constant 16 : i32
      %mul3A_404 = arith.muli %add3A_402, %mul3A_403 : i32
      %get3A = arith.index_cast %mul3A_404 : i32 to index
      %get3A_405 = tpu.vector_load %arg6[%get3A] {strides = array<i32>} : memref<16384xi32, #tpu.memory_space<vmem>>, vector<16xi32>,
      %add3A_406 = arith.addi %broadcast_in_dim3A_398, %get3A_405 : vector<16xi32>
      %mul3A_407 = arith.constant 16 : i32
      %mul3A_408 = arith.muli %sub3A_396, %mul3A_407 : i32
      %add3A_409 = arith.constant 1 : i32
      %add3A_410 = arith.addi %mul3A_408, %add3A_409 : i32
      %mul3A_411 = arith.constant 16 : i32
      %mul3A_412 = arith.muli %add3A_410, %mul3A_411 : i32
      %get3A_413 = arith.index_cast %mul3A_412 : i32 to index
      %get3A_414 = tpu.vector_load %arg6[%get3A_413] {strides = array<i32>} : memref<16384xi32, #tpu.memory_space<vmem>>, vector<16xi32>,
      %add3A_415 = arith.addi %add3A_406, %get3A_414 : vector<16xi32>
      %mul3A_416 = arith.constant 16 : i32
      %mul3A_417 = arith.muli %sub3A_396, %mul3A_416 : i32
      %add3A_418 = arith.constant 2 : i32
      %add3A_419 = arith.addi %mul3A_417, %add3A_418 : i32
      %mul3A_420 = arith.constant 16 : i32
      %mul3A_421 = arith.muli %add3A_419, %mul3A_420 : i32
      %get3A_422 = arith.index_cast %mul3A_421 : i32 to index
      %get3A_423 = tpu.vector_load %arg6[%get3A_422] {strides = array<i32>} : memref<16384xi32, #tpu.memory_space<vmem>>, vector<16xi32>,
      %add3A_424 = arith.addi %add3A_415, %get3A_423 : vector<16xi32>
      %mul3A_425 = arith.constant 16 : i32
      %mul3A_426 = arith.muli %sub3A_396, %mul3A_425 : i32
      %add3A_427 = arith.constant 3 : i32
      %add3A_428 = arith.addi %mul3A_426, %add3A_427 : i32
      %mul3A_429 = arith.constant 16 : i32
      %mul3A_430 = arith.muli %add3A_428, %mul3A_429 : i32
      %get3A_431 = arith.index_cast %mul3A_430 : i32 to index
      %get3A_432 = tpu.vector_load %arg6[%get3A_431] {strides = array<i32>} : memref<16384xi32, #tpu.memory_space<vmem>>, vector<16xi32>,
      %add3A_433 = arith.addi %add3A_424, %get3A_432 : vector<16xi32>
      %mul3A_434 = arith.constant 16 : i32
      %mul3A_435 = arith.muli %sub3A_396, %mul3A_434 : i32
      %add3A_436 = arith.constant 4 : i32
      %add3A_437 = arith.addi %mul3A_435, %add3A_436 : i32
      %mul3A_438 = arith.constant 16 : i32
      %mul3A_439 = arith.muli %add3A_437, %mul3A_438 : i32
      %get3A_440 = arith.index_cast %mul3A_439 : i32 to index
      %get3A_441 = tpu.vector_load %arg6[%get3A_440] {strides = array<i32>} : memref<16384xi32, #tpu.memory_space<vmem>>, vector<16xi32>,
      %add3A_442 = arith.addi %add3A_433, %get3A_441 : vector<16xi32>
      %mul3A_443 = arith.constant 16 : i32
      %mul3A_444 = arith.muli %sub3A_396, %mul3A_443 : i32
      %add3A_445 = arith.constant 5 : i32
      %add3A_446 = arith.addi %mul3A_444, %add3A_445 : i32
      %mul3A_447 = arith.constant 16 : i32
      %mul3A_448 = arith.muli %add3A_446, %mul3A_447 : i32
      %get3A_449 = arith.index_cast %mul3A_448 : i32 to index
      %get3A_450 = tpu.vector_load %arg6[%get3A_449] {strides = array<i32>} : memref<16384xi32, #tpu.memory_space<vmem>>, vector<16xi32>,
      %add3A_451 = arith.addi %add3A_442, %get3A_450 : vector<16xi32>
      %mul3A_452 = arith.constant 16 : i32
      %mul3A_453 = arith.muli %sub3A_396, %mul3A_452 : i32
      %add3A_454 = arith.constant 6 : i32
      %add3A_455 = arith.addi %mul3A_453, %add3A_454 : i32
      %mul3A_456 = arith.constant 16 : i32
      %mul3A_457 = arith.muli %add3A_455, %mul3A_456 : i32
      %get3A_458 = arith.index_cast %mul3A_457 : i32 to index
      %get3A_459 = tpu.vector_load %arg6[%get3A_458] {strides = array<i32>} : memref<16384xi32, #tpu.memory_space<vmem>>, vector<16xi32>,
      %add3A_460 = arith.addi %add3A_451, %get3A_459 : vector<16xi32>
      %mul3A_461 = arith.constant 16 : i32
      %mul3A_462 = arith.muli %sub3A_396, %mul3A_461 : i32
      %add3A_463 = arith.constant 7 : i32
      %add3A_464 = arith.addi %mul3A_462, %add3A_463 : i32
      %mul3A_465 = arith.constant 16 : i32
      %mul3A_466 = arith.muli %add3A_464, %mul3A_465 : i32
      %get3A_467 = arith.index_cast %mul3A_466 : i32 to index
      %get3A_468 = tpu.vector_load %arg6[%get3A_467] {strides = array<i32>} : memref<16384xi32, #tpu.memory_space<vmem>>, vector<16xi32>,
      %add3A_469 = arith.addi %add3A_460, %get3A_468 : vector<16xi32>
      %mul3A_470 = arith.constant 16 : i32
      %mul3A_471 = arith.muli %sub3A_396, %mul3A_470 : i32
      %add3A_472 = arith.constant 8 : i32
      %add3A_473 = arith.addi %mul3A_471, %add3A_472 : i32
      %mul3A_474 = arith.constant 16 : i32
      %mul3A_475 = arith.muli %add3A_473, %mul3A_474 : i32
      %get3A_476 = arith.index_cast %mul3A_475 : i32 to index
      %get3A_477 = tpu.vector_load %arg6[%get3A_476] {strides = array<i32>} : memref<16384xi32, #tpu.memory_space<vmem>>, vector<16xi32>,
      %add3A_478 = arith.addi %add3A_469, %get3A_477 : vector<16xi32>
      %mul3A_479 = arith.constant 16 : i32
      %mul3A_480 = arith.muli %sub3A_396, %mul3A_479 : i32
      %add3A_481 = arith.constant 9 : i32
      %add3A_482 = arith.addi %mul3A_480, %add3A_481 : i32
      %mul3A_483 = arith.constant 16 : i32
      %mul3A_484 = arith.muli %add3A_482, %mul3A_483 : i32
      %get3A_485 = arith.index_cast %mul3A_484 : i32 to index
      %get3A_486 = tpu.vector_load %arg6[%get3A_485] {strides = array<i32>} : memref<16384xi32, #tpu.memory_space<vmem>>, vector<16xi32>,
      %add3A_487 = arith.addi %add3A_478, %get3A_486 : vector<16xi32>
      %mul3A_488 = arith.constant 16 : i32
      %mul3A_489 = arith.muli %sub3A_396, %mul3A_488 : i32
      %add3A_490 = arith.constant 10 : i32
      %add3A_491 = arith.addi %mul3A_489, %add3A_490 : i32
      %mul3A_492 = arith.constant 16 : i32
      %mul3A_493 = arith.muli %add3A_491, %mul3A_492 : i32
      %get3A_494 = arith.index_cast %mul3A_493 : i32 to index
      %get3A_495 = tpu.vector_load %arg6[%get3A_494] {strides = array<i32>} : memref<16384xi32, #tpu.memory_space<vmem>>, vector<16xi32>,
      %add3A_496 = arith.addi %add3A_487, %get3A_495 : vector<16xi32>
      %mul3A_497 = arith.constant 16 : i32
      %mul3A_498 = arith.muli %sub3A_396, %mul3A_497 : i32
      %add3A_499 = arith.constant 11 : i32
      %add3A_500 = arith.addi %mul3A_498, %add3A_499 : i32
      %mul3A_501 = arith.constant 16 : i32
      %mul3A_502 = arith.muli %add3A_500, %mul3A_501 : i32
      %get3A_503 = arith.index_cast %mul3A_502 : i32 to index
      %get3A_504 = tpu.vector_load %arg6[%get3A_503] {strides = array<i32>} : memref<16384xi32, #tpu.memory_space<vmem>>, vector<16xi32>,
      %add3A_505 = arith.addi %add3A_496, %get3A_504 : vector<16xi32>
      %mul3A_506 = arith.constant 16 : i32
      %mul3A_507 = arith.muli %sub3A_396, %mul3A_506 : i32
      %add3A_508 = arith.constant 12 : i32
      %add3A_509 = arith.addi %mul3A_507, %add3A_508 : i32
      %mul3A_510 = arith.constant 16 : i32
      %mul3A_511 = arith.muli %add3A_509, %mul3A_510 : i32
      %get3A_512 = arith.index_cast %mul3A_511 : i32 to index
      %get3A_513 = tpu.vector_load %arg6[%get3A_512] {strides = array<i32>} : memref<16384xi32, #tpu.memory_space<vmem>>, vector<16xi32>,
      %add3A_514 = arith.addi %add3A_505, %get3A_513 : vector<16xi32>
      %mul3A_515 = arith.constant 16 : i32
      %mul3A_516 = arith.muli %sub3A_396, %mul3A_515 : i32
      %add3A_517 = arith.constant 13 : i32
      %add3A_518 = arith.addi %mul3A_516, %add3A_517 : i32
      %mul3A_519 = arith.constant 16 : i32
      %mul3A_520 = arith.muli %add3A_518, %mul3A_519 : i32
      %get3A_521 = arith.index_cast %mul3A_520 : i32 to index
      %get3A_522 = tpu.vector_load %arg6[%get3A_521] {strides = array<i32>} : memref<16384xi32, #tpu.memory_space<vmem>>, vector<16xi32>,
      %add3A_523 = arith.addi %add3A_514, %get3A_522 : vector<16xi32>
      %mul3A_524 = arith.constant 16 : i32
      %mul3A_525 = arith.muli %sub3A_396, %mul3A_524 : i32
      %add3A_526 = arith.constant 14 : i32
      %add3A_527 = arith.addi %mul3A_525, %add3A_526 : i32
      %mul3A_528 = arith.constant 16 : i32
      %mul3A_529 = arith.muli %add3A_527, %mul3A_528 : i32
      %get3A_530 = arith.index_cast %mul3A_529 : i32 to index
      %get3A_531 = tpu.vector_load %arg6[%get3A_530] {strides = array<i32>} : memref<16384xi32, #tpu.memory_space<vmem>>, vector<16xi32>,
      %add3A_532 = arith.addi %add3A_523, %get3A_531 : vector<16xi32>
      %mul3A_533 = arith.constant 16 : i32
      %mul3A_534 = arith.muli %sub3A_396, %mul3A_533 : i32
      %add3A_535 = arith.constant 15 : i32
      %add3A_536 = arith.addi %mul3A_534, %add3A_535 : i32
      %mul3A_537 = arith.constant 16 : i32
      %mul3A_538 = arith.muli %add3A_536, %mul3A_537 : i32
      %get3A_539 = arith.index_cast %mul3A_538 : i32 to index
      %get3A_540 = tpu.vector_load %arg6[%get3A_539] {strides = array<i32>} : memref<16384xi32, #tpu.memory_space<vmem>>, vector<16xi32>,
      %add3A_541 = arith.addi %add3A_532, %get3A_540 : vector<16xi32>
      %reduce_sum3A = arith.constant true
      %reduce_sum3A_542 = vector.broadcast %reduce_sum3A : i1 to vector<16xi1>
      %reduce_sum3A_543 = tpu.scan <sum>, %add3A_541 masked %reduce_sum3A_542 : vector<16xi32>, vector<16xi1> -> vector<16xi32>
      %reduce_sum3A_544 = vector.extract %reduce_sum3A_543[15] : i32 from vector<16xi32>
      %not3A = arith.constant true
      %not3A_545 = arith.xori %scan3A_394, %not3A : i1
      %add3A_546 = arith.addi %scan3A_391, %reduce_sum3A_544 : i32
      %ge3A = arith.cmpi sge, %add3A_546, %scan3A_127 : i32
      %and3A_547 = arith.andi %not3A_545, %ge3A : i1
      %select_n3A_548 = arith.select %and3A_547, %sub3A_396, %scan3A_392 : i32
      %select_n3A_549 = arith.select %and3A_547, %scan3A_391, %scan3A_393 : i32
      %or3A_550 = arith.ori %scan3A_394, %and3A_547 : i1
      %add3A_551 = arith.addi %scan3A_391, %reduce_sum3A_544 : i32
      %select_n3A_552 = arith.select %or3A_550, %scan3A_391, %add3A_551 : i32
      scf.yield %select_n3A_552, %select_n3A_548, %select_n3A_549, %or3A_550 : i32, i32, i32, i1
    }
    %scan3A_137 = arith.constant 64 : i32
    %scan3A_138 = arith.constant 2048 : i32
    %scan3A_139 = arith.constant 0 : i32
    %scan3A_140 = arith.constant 0 : i32
    %scan3A_141 = arith.constant false
    %scan3A_142 = arith.constant 0 : i32
    %scan3A_143 = arith.constant 16 : i32
    %scan3A_144 = arith.addi %scan3A_142, %scan3A_143 : i32
    %scan3A_145 = arith.constant 1 : i32
    %scan3A_146:4 = scf.for %scan3A_390 = %scan3A_142 to %scan3A_144 step %scan3A_145 iter_args(%scan3A_391 = %scan3A_136#2, %scan3A_392 = %scan3A_139, %scan3A_393 = %scan3A_140, %scan3A_394 = %scan3A_141) -> (i32, i32, i32, i1)  : i32 {
      %mul3A_395 = arith.constant 16 : i32
      %mul3A_396 = arith.muli %scan3A_136#1, %mul3A_395 : i32
      %sub3A_397 = arith.constant 15 : i32
      %sub3A_398 = arith.subi %sub3A_397, %scan3A_390 : i32
      %add3A_399 = arith.addi %mul3A_396, %sub3A_398 : i32
      %mul3A_400 = arith.constant 16 : i32
      %mul3A_401 = arith.muli %add3A_399, %mul3A_400 : i32
      %get3A = arith.index_cast %mul3A_401 : i32 to index
      %get3A_402 = tpu.vector_load %arg6[%get3A] {strides = array<i32>} : memref<16384xi32, #tpu.memory_space<vmem>>, vector<16xi32>,
      %reduce_sum3A = arith.constant true
      %reduce_sum3A_403 = vector.broadcast %reduce_sum3A : i1 to vector<16xi1>
      %reduce_sum3A_404 = tpu.scan <sum>, %get3A_402 masked %reduce_sum3A_403 : vector<16xi32>, vector<16xi1> -> vector<16xi32>
      %reduce_sum3A_405 = vector.extract %reduce_sum3A_404[15] : i32 from vector<16xi32>
      %not3A = arith.constant true
      %not3A_406 = arith.xori %scan3A_394, %not3A : i1
      %add3A_407 = arith.addi %scan3A_391, %reduce_sum3A_405 : i32
      %ge3A = arith.cmpi sge, %add3A_407, %scan3A_138 : i32
      %and3A_408 = arith.andi %not3A_406, %ge3A : i1
      %select_n3A_409 = arith.select %and3A_408, %add3A_399, %scan3A_392 : i32
      %select_n3A_410 = arith.select %and3A_408, %scan3A_391, %scan3A_393 : i32
      %or3A_411 = arith.ori %scan3A_394, %and3A_408 : i1
      %add3A_412 = arith.addi %scan3A_391, %reduce_sum3A_405 : i32
      %select_n3A_413 = arith.select %or3A_411, %scan3A_391, %add3A_412 : i32
      scf.yield %select_n3A_413, %select_n3A_409, %select_n3A_410, %or3A_411 : i32, i32, i32, i1
    }
    %scan3A_147 = arith.constant 16 : i32
    %sub3A_148 = arith.constant 2048 : i32
    %sub3A_149 = arith.subi %sub3A_148, %scan3A_146#2 : i32
    %and3A_150 = arith.andi %scan3A_136#3, %scan3A_146#3 : i1
    %broadcast_in_dim3A_151 = vector.broadcast %scan3A_146#1 : i32 to vector<16xi32>
    %broadcast_in_dim3A_152 = arith.constant 0 : i32
    %broadcast_in_dim3A_153 = vector.broadcast %broadcast_in_dim3A_152 : i32 to vector<16xi32>
    %parallel_loop3A_154 = arith.constant 0 : i32
    %parallel_loop3A_155 = arith.constant 2048 : i32
    %parallel_loop3A_156 = arith.constant 1 : i32
    %parallel_loop3A_157 = scf.for %parallel_loop3A_390 = %parallel_loop3A_154 to %parallel_loop3A_155 step %parallel_loop3A_156 iter_args(%parallel_loop3A_391 = %broadcast_in_dim3A_153) -> (vector<16xi32>)  : i32 {
      %parallel_loop3A_392 = arith.constant 16 : i32
      %parallel_loop3A_393 = arith.muli %parallel_loop3A_390, %parallel_loop3A_392 : i32
      %parallel_loop3A_394 = arith.index_cast %parallel_loop3A_393 : i32 to index
      %parallel_loop3A_395 = tpu.vector_load %arg5[%parallel_loop3A_394] {strides = array<i32>} : memref<32768xf32, #tpu.memory_space<vmem>>, vector<16xf32>,
      %parallel_loop3A_396 = arith.constant 0.000000e+00 : f32
      %parallel_loop3A_397 = vector.broadcast %parallel_loop3A_396 : f32 to vector<16xf32>
      %parallel_loop3A_398 = arith.maximumf %parallel_loop3A_395, %parallel_loop3A_397 : vector<16xf32>
      %parallel_loop3A_399 = vector.bitcast %parallel_loop3A_398 : vector<16xf32> to vector<16xi32>
      %parallel_loop3A_400 = arith.constant 0.000000e+00 : f32
      %parallel_loop3A_401 = vector.broadcast %parallel_loop3A_400 : f32 to vector<16xf32>
      %parallel_loop3A_402 = arith.cmpf ogt, %parallel_loop3A_395, %parallel_loop3A_401 : vector<16xf32>
      %parallel_loop3A_403 = arith.constant 21 : i32
      %parallel_loop3A_404 = vector.broadcast %parallel_loop3A_403 : i32 to vector<16xi32>
      %parallel_loop3A_405 = arith.shrsi %parallel_loop3A_399, %parallel_loop3A_404 : vector<16xi32>
      %parallel_loop3A_406 = arith.constant 1023 : i32
      %parallel_loop3A_407 = vector.broadcast %parallel_loop3A_406 : i32 to vector<16xi32>
      %parallel_loop3A_408 = arith.andi %parallel_loop3A_405, %parallel_loop3A_407 : vector<16xi32>
      %parallel_loop3A_409 = arith.cmpi eq, %parallel_loop3A_408, %broadcast_in_dim3A_151 : vector<16xi32>
      %parallel_loop3A_410 = arith.andi %parallel_loop3A_402, %parallel_loop3A_409 : vector<16xi1>
      %parallel_loop3A_411 = arith.constant 4 : i32
      %parallel_loop3A_412 = vector.broadcast %parallel_loop3A_411 : i32 to vector<16xi32>
      %parallel_loop3A_413 = arith.shli %parallel_loop3A_391, %parallel_loop3A_412 : vector<16xi32>
      %parallel_loop3A_414 = arith.ori %parallel_loop3A_413, %iota3A_116 : vector<16xi32>
      %parallel_loop3A_415 = arith.constant 2097151 : i32
      %parallel_loop3A_416 = vector.broadcast %parallel_loop3A_415 : i32 to vector<16xi32>
      %parallel_loop3A_417 = arith.andi %parallel_loop3A_399, %parallel_loop3A_416 : vector<16xi32>
      tpu.vector_store_idx %arg7[%parallel_loop3A_414], %parallel_loop3A_417 masked %parallel_loop3A_410 : memref<32768xi32, #tpu.memory_space<vmem>>[vector<16xi32>], vector<16xi32>, vector<16xi1>
      %parallel_loop3A_418 = arith.constant 1 : i32
      %parallel_loop3A_419 = arith.constant 0 : i32
      %parallel_loop3A_420 = vector.broadcast %parallel_loop3A_418 : i32 to vector<16xi32>
      %parallel_loop3A_421 = vector.broadcast %parallel_loop3A_419 : i32 to vector<16xi32>
      %parallel_loop3A_422 = arith.select %parallel_loop3A_410, %parallel_loop3A_420, %parallel_loop3A_421 : vector<16xi1>, vector<16xi32>
      %parallel_loop3A_423 = arith.addi %parallel_loop3A_391, %parallel_loop3A_422 : vector<16xi32>
      scf.yield %parallel_loop3A_423 : vector<16xi32>
    } {sc.loop_unroll_factor = 16 : i64, sc.parallel_access}
    %reduce_max3A_158 = arith.constant true
    %reduce_max3A_159 = vector.broadcast %reduce_max3A_158 : i1 to vector<16xi1>
    %reduce_max3A_160 = arith.constant -2147483648 : i32
    %reduce_max3A_161 = vector.broadcast %reduce_max3A_160 : i32 to vector<16xi32>
    %reduce_max3A_162 = arith.xori %parallel_loop3A_157, %reduce_max3A_161 : vector<16xi32>
    %reduce_max3A_163 = tpu.scan <max>, %reduce_max3A_162 masked %reduce_max3A_159 : vector<16xi32>, vector<16xi1> -> vector<16xi32>
    %reduce_max3A_164 = arith.xori %reduce_max3A_163, %reduce_max3A_161 : vector<16xi32>
    %reduce_max3A_165 = vector.extract %reduce_max3A_164[15] : i32 from vector<16xi32>
    %scan3A_166 = arith.constant 0 : i32
    %scan3A_167 = arith.constant 0 : i32
    %scan3A_168 = arith.constant 21 : i32
    %scan3A_169 = arith.addi %scan3A_167, %scan3A_168 : i32
    %scan3A_170 = arith.constant 1 : i32
    %scan3A_171 = scf.for %scan3A_390 = %scan3A_167 to %scan3A_169 step %scan3A_170 iter_args(%scan3A_391 = %scan3A_166) -> (i32)  : i32 {
      %sub3A_392 = arith.constant 20 : i32
      %sub3A_393 = arith.subi %sub3A_392, %scan3A_390 : i32
      %shift_left3A_394 = arith.constant 1 : i32
      %shift_left3A_395 = arith.shli %shift_left3A_394, %sub3A_393 : i32
      %or3A_396 = arith.ori %scan3A_391, %shift_left3A_395 : i32
      %broadcast_in_dim3A_397 = vector.broadcast %or3A_396 : i32 to vector<16xi32>
      %broadcast_in_dim3A_398 = arith.constant 0 : i32
      %broadcast_in_dim3A_399 = vector.broadcast %broadcast_in_dim3A_398 : i32 to vector<16xi32>
      %parallel_loop3A_400 = arith.constant 0 : i32
      %parallel_loop3A_401 = arith.constant 1 : i32
      %parallel_loop3A_402:2 = scf.for %parallel_loop3A_407 = %parallel_loop3A_400 to %reduce_max3A_165 step %parallel_loop3A_401 iter_args(%parallel_loop3A_408 = %parallel_loop3A_157, %parallel_loop3A_409 = %broadcast_in_dim3A_399) -> (vector<16xi32>, vector<16xi32>)  : i32 {
        %parallel_loop3A_410 = arith.constant 16 : i32
        %parallel_loop3A_411 = arith.muli %parallel_loop3A_407, %parallel_loop3A_410 : i32
        %parallel_loop3A_412 = arith.index_cast %parallel_loop3A_411 : i32 to index
        %parallel_loop3A_413 = tpu.vector_load %arg7[%parallel_loop3A_412] {strides = array<i32>} : memref<32768xi32, #tpu.memory_space<vmem>>, vector<16xi32>,
        %parallel_loop3A_414 = arith.cmpi sge, %parallel_loop3A_413, %broadcast_in_dim3A_397 : vector<16xi32>
        %parallel_loop3A_415 = arith.constant 0 : i32
        %parallel_loop3A_416 = vector.broadcast %parallel_loop3A_415 : i32 to vector<16xi32>
        %parallel_loop3A_417 = arith.cmpi sgt, %parallel_loop3A_408, %parallel_loop3A_416 : vector<16xi32>
        %parallel_loop3A_418 = arith.andi %parallel_loop3A_414, %parallel_loop3A_417 : vector<16xi1>
        %parallel_loop3A_419 = arith.constant 1 : i32
        %parallel_loop3A_420 = vector.broadcast %parallel_loop3A_419 : i32 to vector<16xi32>
        %parallel_loop3A_421 = arith.subi %parallel_loop3A_408, %parallel_loop3A_420 : vector<16xi32>
        %parallel_loop3A_422 = arith.constant 1 : i32
        %parallel_loop3A_423 = arith.constant 0 : i32
        %parallel_loop3A_424 = vector.broadcast %parallel_loop3A_422 : i32 to vector<16xi32>
        %parallel_loop3A_425 = vector.broadcast %parallel_loop3A_423 : i32 to vector<16xi32>
        %parallel_loop3A_426 = arith.select %parallel_loop3A_418, %parallel_loop3A_424, %parallel_loop3A_425 : vector<16xi1>, vector<16xi32>
        %parallel_loop3A_427 = arith.addi %parallel_loop3A_409, %parallel_loop3A_426 : vector<16xi32>
        scf.yield %parallel_loop3A_421, %parallel_loop3A_427 : vector<16xi32>, vector<16xi32>
      } {sc.loop_unroll_factor = 4 : i64, sc.parallel_access}
      %reduce_sum3A = arith.constant true
      %reduce_sum3A_403 = vector.broadcast %reduce_sum3A : i1 to vector<16xi1>
      %reduce_sum3A_404 = tpu.scan <sum>, %parallel_loop3A_402#1 masked %reduce_sum3A_403 : vector<16xi32>, vector<16xi1> -> vector<16xi32>
      %reduce_sum3A_405 = vector.extract %reduce_sum3A_404[15] : i32 from vector<16xi32>
      %ge3A = arith.cmpi sge, %reduce_sum3A_405, %sub3A_149 : i32
      %select_n3A_406 = arith.select %ge3A, %or3A_396, %scan3A_391 : i32
      scf.yield %select_n3A_406 : i32
    }
    %scan3A_172 = arith.constant 21 : i32
    %shift_left3A_173 = arith.constant 21 : i32
    %shift_left3A_174 = arith.shli %scan3A_146#1, %shift_left3A_173 : i32
    %or3A_175 = arith.ori %shift_left3A_174, %scan3A_171 : i32
    %jit3A_176 = arith.constant 0 : i32
    %select_n3A_177 = arith.select %and3A_150, %or3A_175, %jit3A_176 : i32
    %broadcast_in_dim3A_178 = vector.broadcast %select_n3A_177 : i32 to vector<16xi32>
    %parallel_loop3A_179 = arith.constant 0 : i32
    %parallel_loop3A_180 = arith.constant 2048 : i32
    %parallel_loop3A_181 = arith.constant 1 : i32
    scf.for %parallel_loop3A_390 = %parallel_loop3A_179 to %parallel_loop3A_180 step %parallel_loop3A_181  : i32 {
      %parallel_loop3A_391 = arith.constant 16 : i32
      %parallel_loop3A_392 = arith.muli %parallel_loop3A_390, %parallel_loop3A_391 : i32
      %parallel_loop3A_393 = arith.index_cast %parallel_loop3A_392 : i32 to index
      %parallel_loop3A_394 = tpu.vector_load %arg5[%parallel_loop3A_393] {strides = array<i32>} : memref<32768xf32, #tpu.memory_space<vmem>>, vector<16xf32>,
      %parallel_loop3A_395 = arith.constant 0.000000e+00 : f32
      %parallel_loop3A_396 = vector.broadcast %parallel_loop3A_395 : f32 to vector<16xf32>
      %parallel_loop3A_397 = arith.maximumf %parallel_loop3A_394, %parallel_loop3A_396 : vector<16xf32>
      %parallel_loop3A_398 = vector.bitcast %parallel_loop3A_397 : vector<16xf32> to vector<16xi32>
      %parallel_loop3A_399 = arith.cmpi sge, %parallel_loop3A_398, %broadcast_in_dim3A_178 : vector<16xi32>
      %parallel_loop3A_400 = arith.constant 0.000000e+00 : f32
      %parallel_loop3A_401 = vector.broadcast %parallel_loop3A_400 : f32 to vector<16xf32>
      %parallel_loop3A_402 = arith.select %parallel_loop3A_399, %parallel_loop3A_397, %parallel_loop3A_401 : vector<16xi1>, vector<16xf32>
      %parallel_loop3A_403 = arith.constant 16 : i32
      %parallel_loop3A_404 = arith.muli %parallel_loop3A_390, %parallel_loop3A_403 : i32
      %parallel_loop3A_405 = arith.index_cast %parallel_loop3A_404 : i32 to index
      %parallel_loop3A_406 = tpu.vector_load %arg5[%parallel_loop3A_405] {strides = array<i32>} : memref<32768xf32, #tpu.memory_space<vmem>>, vector<16xf32>,
      tpu.vector_store %arg5[%parallel_loop3A_405], %parallel_loop3A_402 {strides = array<i32>} : memref<32768xf32, #tpu.memory_space<vmem>>, vector<16xf32>,
    } {sc.loop_unroll_factor = 16 : i64, sc.parallel_access}
    %add3A_182 = arith.constant 1 : i32
    %add3A_183 = arith.addi %mul3A_2, %add3A_182 : i32
    %dma_start3A_184 = arith.constant 0 : i32
    %dma_start3A_185 = tpu.memref_slice %arg3[%add3A_183, %dma_start3A_184] : memref<128x32768xf32, #tpu.memory_space<hbm>> -> memref<1x32768xf32, #tpu.memory_space<hbm>>
    %dma_start3A_186 = tpu.memref_squeeze %dma_start3A_185 : memref<1x32768xf32, #tpu.memory_space<hbm>> -> memref<32768xf32, #tpu.memory_space<hbm>>
    %dma_start3A_187 = arith.constant 0 : i32
    %dma_start3A_188 = tpu.memref_slice %arg3[%add3A_183, %dma_start3A_187] : memref<128x32768xf32, #tpu.memory_space<hbm>> -> memref<1x32768xf32, #tpu.memory_space<hbm>>
    %dma_start3A_189 = tpu.memref_squeeze %dma_start3A_188 : memref<1x32768xf32, #tpu.memory_space<hbm>> -> memref<32768xf32, #tpu.memory_space<hbm>>
    tpu.enqueue_dma source(%arg5 : memref<32768xf32, #tpu.memory_space<vmem>>) target(%dma_start3A_189 : memref<32768xf32, #tpu.memory_space<hbm>>) target_semaphore(%arg11 : memref<!tpu.dma_semaphore, #tpu.memory_space<semaphore_mem>>)
    %add3A_190 = arith.constant 2 : i32
    %add3A_191 = arith.addi %mul3A_2, %add3A_190 : i32
    %dma_wait3A_192 = arith.constant 0 : i32
    %dma_wait3A_193 = tpu.memref_slice %arg2[%add3A_191, %dma_wait3A_192] : memref<128x32768xf32, #tpu.memory_space<hbm>> -> memref<1x32768xf32, #tpu.memory_space<hbm>>
    %dma_wait3A_194 = tpu.memref_squeeze %dma_wait3A_193 : memref<1x32768xf32, #tpu.memory_space<hbm>> -> memref<32768xf32, #tpu.memory_space<hbm>>
    %dma_wait3A_195 = arith.constant 0 : i32
    %dma_wait3A_196 = tpu.memref_slice %arg2[%add3A_191, %dma_wait3A_195] : memref<128x32768xf32, #tpu.memory_space<hbm>> -> memref<1x32768xf32, #tpu.memory_space<hbm>>
    %dma_wait3A_197 = tpu.memref_squeeze %dma_wait3A_196 : memref<1x32768xf32, #tpu.memory_space<hbm>> -> memref<32768xf32, #tpu.memory_space<hbm>>
    tpu.wait_dma2 semaphore(%arg8 : memref<!tpu.dma_semaphore, #tpu.memory_space<semaphore_mem>>) src(%dma_wait3A_197 : memref<32768xf32, #tpu.memory_space<hbm>>) dst(%arg4 : memref<32768xf32, #tpu.memory_space<vmem>>)
    %add3A_198 = arith.constant 2 : i32
    %add3A_199 = arith.addi %mul3A_2, %add3A_198 : i32
    %sub3A_200 = arith.constant 1 : i32
    %sub3A_201 = arith.subi %add3A_199, %sub3A_200 : i32
    %dma_wait3A_202 = arith.constant 0 : i32
    %dma_wait3A_203 = tpu.memref_slice %arg3[%sub3A_201, %dma_wait3A_202] : memref<128x32768xf32, #tpu.memory_space<hbm>> -> memref<1x32768xf32, #tpu.memory_space<hbm>>
    %dma_wait3A_204 = tpu.memref_squeeze %dma_wait3A_203 : memref<1x32768xf32, #tpu.memory_space<hbm>> -> memref<32768xf32, #tpu.memory_space<hbm>>
    %dma_wait3A_205 = arith.constant 0 : i32
    %dma_wait3A_206 = tpu.memref_slice %arg3[%sub3A_201, %dma_wait3A_205] : memref<128x32768xf32, #tpu.memory_space<hbm>> -> memref<1x32768xf32, #tpu.memory_space<hbm>>
    %dma_wait3A_207 = tpu.memref_squeeze %dma_wait3A_206 : memref<1x32768xf32, #tpu.memory_space<hbm>> -> memref<32768xf32, #tpu.memory_space<hbm>>
    tpu.wait_dma2 semaphore(%arg11 : memref<!tpu.dma_semaphore, #tpu.memory_space<semaphore_mem>>) src(%arg5 : memref<32768xf32, #tpu.memory_space<vmem>>) dst(%dma_wait3A_207 : memref<32768xf32, #tpu.memory_space<hbm>>)
    %add3A_208 = arith.constant 2 : i32
    %add3A_209 = arith.addi %mul3A_2, %add3A_208 : i32
    %add3A_210 = arith.constant 1 : i32
    %add3A_211 = arith.addi %add3A_209, %add3A_210 : i32
    %dma_start3A_212 = arith.constant 0 : i32
    %dma_start3A_213 = tpu.memref_slice %arg2[%add3A_211, %dma_start3A_212] : memref<128x32768xf32, #tpu.memory_space<hbm>> -> memref<1x32768xf32, #tpu.memory_space<hbm>>
    %dma_start3A_214 = tpu.memref_squeeze %dma_start3A_213 : memref<1x32768xf32, #tpu.memory_space<hbm>> -> memref<32768xf32, #tpu.memory_space<hbm>>
    %dma_start3A_215 = arith.constant 0 : i32
    %dma_start3A_216 = tpu.memref_slice %arg2[%add3A_211, %dma_start3A_215] : memref<128x32768xf32, #tpu.memory_space<hbm>> -> memref<1x32768xf32, #tpu.memory_space<hbm>>
    %dma_start3A_217 = tpu.memref_squeeze %dma_start3A_216 : memref<1x32768xf32, #tpu.memory_space<hbm>> -> memref<32768xf32, #tpu.memory_space<hbm>>
    tpu.enqueue_dma source(%dma_start3A_217 : memref<32768xf32, #tpu.memory_space<hbm>>) target(%arg5 : memref<32768xf32, #tpu.memory_space<vmem>>) target_semaphore(%arg9 : memref<!tpu.dma_semaphore, #tpu.memory_space<semaphore_mem>>)
    %iota3A_218 = tpu.iota {dimensions = array<i32: 0>} : vector<16xi32>
    %broadcast_in_dim3A_219 = arith.constant 1 : i32
    %broadcast_in_dim3A_220 = vector.broadcast %broadcast_in_dim3A_219 : i32 to vector<16xi32>
    %broadcast_in_dim3A_221 = arith.constant 0 : i32
    %broadcast_in_dim3A_222 = vector.broadcast %broadcast_in_dim3A_221 : i32 to vector<16xi32>
    %parallel_loop3A_223 = arith.constant 0 : i32
    %parallel_loop3A_224 = arith.constant 1024 : i32
    %parallel_loop3A_225 = arith.constant 1 : i32
    scf.for %parallel_loop3A_390 = %parallel_loop3A_223 to %parallel_loop3A_224 step %parallel_loop3A_225  : i32 {
      %parallel_loop3A_391 = arith.constant 16 : i32
      %parallel_loop3A_392 = arith.muli %parallel_loop3A_390, %parallel_loop3A_391 : i32
      %parallel_loop3A_393 = arith.index_cast %parallel_loop3A_392 : i32 to index
      %parallel_loop3A_394 = tpu.vector_load %arg6[%parallel_loop3A_393] {strides = array<i32>} : memref<16384xi32, #tpu.memory_space<vmem>>, vector<16xi32>,
      tpu.vector_store %arg6[%parallel_loop3A_393], %broadcast_in_dim3A_222 {strides = array<i32>} : memref<16384xi32, #tpu.memory_space<vmem>>, vector<16xi32>,
    } {sc.loop_unroll_factor = 16 : i64, sc.parallel_access}
    %parallel_loop3A_226 = arith.constant 0 : i32
    %parallel_loop3A_227 = arith.constant 2048 : i32
    %parallel_loop3A_228 = arith.constant 1 : i32
    scf.for %parallel_loop3A_390 = %parallel_loop3A_226 to %parallel_loop3A_227 step %parallel_loop3A_228  : i32 {
      %parallel_loop3A_391 = arith.constant 16 : i32
      %parallel_loop3A_392 = arith.muli %parallel_loop3A_390, %parallel_loop3A_391 : i32
      %parallel_loop3A_393 = arith.index_cast %parallel_loop3A_392 : i32 to index
      %parallel_loop3A_394 = tpu.vector_load %arg4[%parallel_loop3A_393] {strides = array<i32>} : memref<32768xf32, #tpu.memory_space<vmem>>, vector<16xf32>,
      %parallel_loop3A_395 = arith.constant 0.000000e+00 : f32
      %parallel_loop3A_396 = vector.broadcast %parallel_loop3A_395 : f32 to vector<16xf32>
      %parallel_loop3A_397 = arith.maximumf %parallel_loop3A_394, %parallel_loop3A_396 : vector<16xf32>
      %parallel_loop3A_398 = vector.bitcast %parallel_loop3A_397 : vector<16xf32> to vector<16xi32>
      %parallel_loop3A_399 = arith.constant 0.000000e+00 : f32
      %parallel_loop3A_400 = vector.broadcast %parallel_loop3A_399 : f32 to vector<16xf32>
      %parallel_loop3A_401 = arith.cmpf ogt, %parallel_loop3A_394, %parallel_loop3A_400 : vector<16xf32>
      %parallel_loop3A_402 = arith.constant 21 : i32
      %parallel_loop3A_403 = vector.broadcast %parallel_loop3A_402 : i32 to vector<16xi32>
      %parallel_loop3A_404 = arith.shrsi %parallel_loop3A_398, %parallel_loop3A_403 : vector<16xi32>
      %parallel_loop3A_405 = arith.constant 1023 : i32
      %parallel_loop3A_406 = vector.broadcast %parallel_loop3A_405 : i32 to vector<16xi32>
      %parallel_loop3A_407 = arith.andi %parallel_loop3A_404, %parallel_loop3A_406 : vector<16xi32>
      %parallel_loop3A_408 = arith.constant 4 : i32
      %parallel_loop3A_409 = vector.broadcast %parallel_loop3A_408 : i32 to vector<16xi32>
      %parallel_loop3A_410 = arith.shli %parallel_loop3A_407, %parallel_loop3A_409 : vector<16xi32>
      %parallel_loop3A_411 = arith.ori %parallel_loop3A_410, %iota3A_218 : vector<16xi32>
      tpu.vector_store_idx %arg6[%parallel_loop3A_411], %broadcast_in_dim3A_220 masked %parallel_loop3A_401 {add = true} : memref<16384xi32, #tpu.memory_space<vmem>>[vector<16xi32>], vector<16xi32>, vector<16xi1>
    } {sc.loop_unroll_factor = 16 : i64, sc.parallel_access}
    %scan3A_229 = arith.constant 2048 : i32
    %scan3A_230 = arith.constant 0 : i32
    %scan3A_231 = arith.constant 0 : i32
    %scan3A_232 = arith.constant 0 : i32
    %scan3A_233 = arith.constant false
    %scan3A_234 = arith.constant 0 : i32
    %scan3A_235 = arith.constant 64 : i32
    %scan3A_236 = arith.addi %scan3A_234, %scan3A_235 : i32
    %scan3A_237 = arith.constant 1 : i32
    %scan3A_238:4 = scf.for %scan3A_390 = %scan3A_234 to %scan3A_236 step %scan3A_237 iter_args(%scan3A_391 = %scan3A_230, %scan3A_392 = %scan3A_231, %scan3A_393 = %scan3A_232, %scan3A_394 = %scan3A_233) -> (i32, i32, i32, i1)  : i32 {
      %sub3A_395 = arith.constant 63 : i32
      %sub3A_396 = arith.subi %sub3A_395, %scan3A_390 : i32
      %broadcast_in_dim3A_397 = arith.constant 0 : i32
      %broadcast_in_dim3A_398 = vector.broadcast %broadcast_in_dim3A_397 : i32 to vector<16xi32>
      %mul3A_399 = arith.constant 16 : i32
      %mul3A_400 = arith.muli %sub3A_396, %mul3A_399 : i32
      %add3A_401 = arith.constant 0 : i32
      %add3A_402 = arith.addi %mul3A_400, %add3A_401 : i32
      %mul3A_403 = arith.constant 16 : i32
      %mul3A_404 = arith.muli %add3A_402, %mul3A_403 : i32
      %get3A = arith.index_cast %mul3A_404 : i32 to index
      %get3A_405 = tpu.vector_load %arg6[%get3A] {strides = array<i32>} : memref<16384xi32, #tpu.memory_space<vmem>>, vector<16xi32>,
      %add3A_406 = arith.addi %broadcast_in_dim3A_398, %get3A_405 : vector<16xi32>
      %mul3A_407 = arith.constant 16 : i32
      %mul3A_408 = arith.muli %sub3A_396, %mul3A_407 : i32
      %add3A_409 = arith.constant 1 : i32
      %add3A_410 = arith.addi %mul3A_408, %add3A_409 : i32
      %mul3A_411 = arith.constant 16 : i32
      %mul3A_412 = arith.muli %add3A_410, %mul3A_411 : i32
      %get3A_413 = arith.index_cast %mul3A_412 : i32 to index
      %get3A_414 = tpu.vector_load %arg6[%get3A_413] {strides = array<i32>} : memref<16384xi32, #tpu.memory_space<vmem>>, vector<16xi32>,
      %add3A_415 = arith.addi %add3A_406, %get3A_414 : vector<16xi32>
      %mul3A_416 = arith.constant 16 : i32
      %mul3A_417 = arith.muli %sub3A_396, %mul3A_416 : i32
      %add3A_418 = arith.constant 2 : i32
      %add3A_419 = arith.addi %mul3A_417, %add3A_418 : i32
      %mul3A_420 = arith.constant 16 : i32
      %mul3A_421 = arith.muli %add3A_419, %mul3A_420 : i32
      %get3A_422 = arith.index_cast %mul3A_421 : i32 to index
      %get3A_423 = tpu.vector_load %arg6[%get3A_422] {strides = array<i32>} : memref<16384xi32, #tpu.memory_space<vmem>>, vector<16xi32>,
      %add3A_424 = arith.addi %add3A_415, %get3A_423 : vector<16xi32>
      %mul3A_425 = arith.constant 16 : i32
      %mul3A_426 = arith.muli %sub3A_396, %mul3A_425 : i32
      %add3A_427 = arith.constant 3 : i32
      %add3A_428 = arith.addi %mul3A_426, %add3A_427 : i32
      %mul3A_429 = arith.constant 16 : i32
      %mul3A_430 = arith.muli %add3A_428, %mul3A_429 : i32
      %get3A_431 = arith.index_cast %mul3A_430 : i32 to index
      %get3A_432 = tpu.vector_load %arg6[%get3A_431] {strides = array<i32>} : memref<16384xi32, #tpu.memory_space<vmem>>, vector<16xi32>,
      %add3A_433 = arith.addi %add3A_424, %get3A_432 : vector<16xi32>
      %mul3A_434 = arith.constant 16 : i32
      %mul3A_435 = arith.muli %sub3A_396, %mul3A_434 : i32
      %add3A_436 = arith.constant 4 : i32
      %add3A_437 = arith.addi %mul3A_435, %add3A_436 : i32
      %mul3A_438 = arith.constant 16 : i32
      %mul3A_439 = arith.muli %add3A_437, %mul3A_438 : i32
      %get3A_440 = arith.index_cast %mul3A_439 : i32 to index
      %get3A_441 = tpu.vector_load %arg6[%get3A_440] {strides = array<i32>} : memref<16384xi32, #tpu.memory_space<vmem>>, vector<16xi32>,
      %add3A_442 = arith.addi %add3A_433, %get3A_441 : vector<16xi32>
      %mul3A_443 = arith.constant 16 : i32
      %mul3A_444 = arith.muli %sub3A_396, %mul3A_443 : i32
      %add3A_445 = arith.constant 5 : i32
      %add3A_446 = arith.addi %mul3A_444, %add3A_445 : i32
      %mul3A_447 = arith.constant 16 : i32
      %mul3A_448 = arith.muli %add3A_446, %mul3A_447 : i32
      %get3A_449 = arith.index_cast %mul3A_448 : i32 to index
      %get3A_450 = tpu.vector_load %arg6[%get3A_449] {strides = array<i32>} : memref<16384xi32, #tpu.memory_space<vmem>>, vector<16xi32>,
      %add3A_451 = arith.addi %add3A_442, %get3A_450 : vector<16xi32>
      %mul3A_452 = arith.constant 16 : i32
      %mul3A_453 = arith.muli %sub3A_396, %mul3A_452 : i32
      %add3A_454 = arith.constant 6 : i32
      %add3A_455 = arith.addi %mul3A_453, %add3A_454 : i32
      %mul3A_456 = arith.constant 16 : i32
      %mul3A_457 = arith.muli %add3A_455, %mul3A_456 : i32
      %get3A_458 = arith.index_cast %mul3A_457 : i32 to index
      %get3A_459 = tpu.vector_load %arg6[%get3A_458] {strides = array<i32>} : memref<16384xi32, #tpu.memory_space<vmem>>, vector<16xi32>,
      %add3A_460 = arith.addi %add3A_451, %get3A_459 : vector<16xi32>
      %mul3A_461 = arith.constant 16 : i32
      %mul3A_462 = arith.muli %sub3A_396, %mul3A_461 : i32
      %add3A_463 = arith.constant 7 : i32
      %add3A_464 = arith.addi %mul3A_462, %add3A_463 : i32
      %mul3A_465 = arith.constant 16 : i32
      %mul3A_466 = arith.muli %add3A_464, %mul3A_465 : i32
      %get3A_467 = arith.index_cast %mul3A_466 : i32 to index
      %get3A_468 = tpu.vector_load %arg6[%get3A_467] {strides = array<i32>} : memref<16384xi32, #tpu.memory_space<vmem>>, vector<16xi32>,
      %add3A_469 = arith.addi %add3A_460, %get3A_468 : vector<16xi32>
      %mul3A_470 = arith.constant 16 : i32
      %mul3A_471 = arith.muli %sub3A_396, %mul3A_470 : i32
      %add3A_472 = arith.constant 8 : i32
      %add3A_473 = arith.addi %mul3A_471, %add3A_472 : i32
      %mul3A_474 = arith.constant 16 : i32
      %mul3A_475 = arith.muli %add3A_473, %mul3A_474 : i32
      %get3A_476 = arith.index_cast %mul3A_475 : i32 to index
      %get3A_477 = tpu.vector_load %arg6[%get3A_476] {strides = array<i32>} : memref<16384xi32, #tpu.memory_space<vmem>>, vector<16xi32>,
      %add3A_478 = arith.addi %add3A_469, %get3A_477 : vector<16xi32>
      %mul3A_479 = arith.constant 16 : i32
      %mul3A_480 = arith.muli %sub3A_396, %mul3A_479 : i32
      %add3A_481 = arith.constant 9 : i32
      %add3A_482 = arith.addi %mul3A_480, %add3A_481 : i32
      %mul3A_483 = arith.constant 16 : i32
      %mul3A_484 = arith.muli %add3A_482, %mul3A_483 : i32
      %get3A_485 = arith.index_cast %mul3A_484 : i32 to index
      %get3A_486 = tpu.vector_load %arg6[%get3A_485] {strides = array<i32>} : memref<16384xi32, #tpu.memory_space<vmem>>, vector<16xi32>,
      %add3A_487 = arith.addi %add3A_478, %get3A_486 : vector<16xi32>
      %mul3A_488 = arith.constant 16 : i32
      %mul3A_489 = arith.muli %sub3A_396, %mul3A_488 : i32
      %add3A_490 = arith.constant 10 : i32
      %add3A_491 = arith.addi %mul3A_489, %add3A_490 : i32
      %mul3A_492 = arith.constant 16 : i32
      %mul3A_493 = arith.muli %add3A_491, %mul3A_492 : i32
      %get3A_494 = arith.index_cast %mul3A_493 : i32 to index
      %get3A_495 = tpu.vector_load %arg6[%get3A_494] {strides = array<i32>} : memref<16384xi32, #tpu.memory_space<vmem>>, vector<16xi32>,
      %add3A_496 = arith.addi %add3A_487, %get3A_495 : vector<16xi32>
      %mul3A_497 = arith.constant 16 : i32
      %mul3A_498 = arith.muli %sub3A_396, %mul3A_497 : i32
      %add3A_499 = arith.constant 11 : i32
      %add3A_500 = arith.addi %mul3A_498, %add3A_499 : i32
      %mul3A_501 = arith.constant 16 : i32
      %mul3A_502 = arith.muli %add3A_500, %mul3A_501 : i32
      %get3A_503 = arith.index_cast %mul3A_502 : i32 to index
      %get3A_504 = tpu.vector_load %arg6[%get3A_503] {strides = array<i32>} : memref<16384xi32, #tpu.memory_space<vmem>>, vector<16xi32>,
      %add3A_505 = arith.addi %add3A_496, %get3A_504 : vector<16xi32>
      %mul3A_506 = arith.constant 16 : i32
      %mul3A_507 = arith.muli %sub3A_396, %mul3A_506 : i32
      %add3A_508 = arith.constant 12 : i32
      %add3A_509 = arith.addi %mul3A_507, %add3A_508 : i32
      %mul3A_510 = arith.constant 16 : i32
      %mul3A_511 = arith.muli %add3A_509, %mul3A_510 : i32
      %get3A_512 = arith.index_cast %mul3A_511 : i32 to index
      %get3A_513 = tpu.vector_load %arg6[%get3A_512] {strides = array<i32>} : memref<16384xi32, #tpu.memory_space<vmem>>, vector<16xi32>,
      %add3A_514 = arith.addi %add3A_505, %get3A_513 : vector<16xi32>
      %mul3A_515 = arith.constant 16 : i32
      %mul3A_516 = arith.muli %sub3A_396, %mul3A_515 : i32
      %add3A_517 = arith.constant 13 : i32
      %add3A_518 = arith.addi %mul3A_516, %add3A_517 : i32
      %mul3A_519 = arith.constant 16 : i32
      %mul3A_520 = arith.muli %add3A_518, %mul3A_519 : i32
      %get3A_521 = arith.index_cast %mul3A_520 : i32 to index
      %get3A_522 = tpu.vector_load %arg6[%get3A_521] {strides = array<i32>} : memref<16384xi32, #tpu.memory_space<vmem>>, vector<16xi32>,
      %add3A_523 = arith.addi %add3A_514, %get3A_522 : vector<16xi32>
      %mul3A_524 = arith.constant 16 : i32
      %mul3A_525 = arith.muli %sub3A_396, %mul3A_524 : i32
      %add3A_526 = arith.constant 14 : i32
      %add3A_527 = arith.addi %mul3A_525, %add3A_526 : i32
      %mul3A_528 = arith.constant 16 : i32
      %mul3A_529 = arith.muli %add3A_527, %mul3A_528 : i32
      %get3A_530 = arith.index_cast %mul3A_529 : i32 to index
      %get3A_531 = tpu.vector_load %arg6[%get3A_530] {strides = array<i32>} : memref<16384xi32, #tpu.memory_space<vmem>>, vector<16xi32>,
      %add3A_532 = arith.addi %add3A_523, %get3A_531 : vector<16xi32>
      %mul3A_533 = arith.constant 16 : i32
      %mul3A_534 = arith.muli %sub3A_396, %mul3A_533 : i32
      %add3A_535 = arith.constant 15 : i32
      %add3A_536 = arith.addi %mul3A_534, %add3A_535 : i32
      %mul3A_537 = arith.constant 16 : i32
      %mul3A_538 = arith.muli %add3A_536, %mul3A_537 : i32
      %get3A_539 = arith.index_cast %mul3A_538 : i32 to index
      %get3A_540 = tpu.vector_load %arg6[%get3A_539] {strides = array<i32>} : memref<16384xi32, #tpu.memory_space<vmem>>, vector<16xi32>,
      %add3A_541 = arith.addi %add3A_532, %get3A_540 : vector<16xi32>
      %reduce_sum3A = arith.constant true
      %reduce_sum3A_542 = vector.broadcast %reduce_sum3A : i1 to vector<16xi1>
      %reduce_sum3A_543 = tpu.scan <sum>, %add3A_541 masked %reduce_sum3A_542 : vector<16xi32>, vector<16xi1> -> vector<16xi32>
      %reduce_sum3A_544 = vector.extract %reduce_sum3A_543[15] : i32 from vector<16xi32>
      %not3A = arith.constant true
      %not3A_545 = arith.xori %scan3A_394, %not3A : i1
      %add3A_546 = arith.addi %scan3A_391, %reduce_sum3A_544 : i32
      %ge3A = arith.cmpi sge, %add3A_546, %scan3A_229 : i32
      %and3A_547 = arith.andi %not3A_545, %ge3A : i1
      %select_n3A_548 = arith.select %and3A_547, %sub3A_396, %scan3A_392 : i32
      %select_n3A_549 = arith.select %and3A_547, %scan3A_391, %scan3A_393 : i32
      %or3A_550 = arith.ori %scan3A_394, %and3A_547 : i1
      %add3A_551 = arith.addi %scan3A_391, %reduce_sum3A_544 : i32
      %select_n3A_552 = arith.select %or3A_550, %scan3A_391, %add3A_551 : i32
      scf.yield %select_n3A_552, %select_n3A_548, %select_n3A_549, %or3A_550 : i32, i32, i32, i1
    }
    %scan3A_239 = arith.constant 64 : i32
    %scan3A_240 = arith.constant 2048 : i32
    %scan3A_241 = arith.constant 0 : i32
    %scan3A_242 = arith.constant 0 : i32
    %scan3A_243 = arith.constant false
    %scan3A_244 = arith.constant 0 : i32
    %scan3A_245 = arith.constant 16 : i32
    %scan3A_246 = arith.addi %scan3A_244, %scan3A_245 : i32
    %scan3A_247 = arith.constant 1 : i32
    %scan3A_248:4 = scf.for %scan3A_390 = %scan3A_244 to %scan3A_246 step %scan3A_247 iter_args(%scan3A_391 = %scan3A_238#2, %scan3A_392 = %scan3A_241, %scan3A_393 = %scan3A_242, %scan3A_394 = %scan3A_243) -> (i32, i32, i32, i1)  : i32 {
      %mul3A_395 = arith.constant 16 : i32
      %mul3A_396 = arith.muli %scan3A_238#1, %mul3A_395 : i32
      %sub3A_397 = arith.constant 15 : i32
      %sub3A_398 = arith.subi %sub3A_397, %scan3A_390 : i32
      %add3A_399 = arith.addi %mul3A_396, %sub3A_398 : i32
      %mul3A_400 = arith.constant 16 : i32
      %mul3A_401 = arith.muli %add3A_399, %mul3A_400 : i32
      %get3A = arith.index_cast %mul3A_401 : i32 to index
      %get3A_402 = tpu.vector_load %arg6[%get3A] {strides = array<i32>} : memref<16384xi32, #tpu.memory_space<vmem>>, vector<16xi32>,
      %reduce_sum3A = arith.constant true
      %reduce_sum3A_403 = vector.broadcast %reduce_sum3A : i1 to vector<16xi1>
      %reduce_sum3A_404 = tpu.scan <sum>, %get3A_402 masked %reduce_sum3A_403 : vector<16xi32>, vector<16xi1> -> vector<16xi32>
      %reduce_sum3A_405 = vector.extract %reduce_sum3A_404[15] : i32 from vector<16xi32>
      %not3A = arith.constant true
      %not3A_406 = arith.xori %scan3A_394, %not3A : i1
      %add3A_407 = arith.addi %scan3A_391, %reduce_sum3A_405 : i32
      %ge3A = arith.cmpi sge, %add3A_407, %scan3A_240 : i32
      %and3A_408 = arith.andi %not3A_406, %ge3A : i1
      %select_n3A_409 = arith.select %and3A_408, %add3A_399, %scan3A_392 : i32
      %select_n3A_410 = arith.select %and3A_408, %scan3A_391, %scan3A_393 : i32
      %or3A_411 = arith.ori %scan3A_394, %and3A_408 : i1
      %add3A_412 = arith.addi %scan3A_391, %reduce_sum3A_405 : i32
      %select_n3A_413 = arith.select %or3A_411, %scan3A_391, %add3A_412 : i32
      scf.yield %select_n3A_413, %select_n3A_409, %select_n3A_410, %or3A_411 : i32, i32, i32, i1
    }
    %scan3A_249 = arith.constant 16 : i32
    %sub3A_250 = arith.constant 2048 : i32
    %sub3A_251 = arith.subi %sub3A_250, %scan3A_248#2 : i32
    %and3A_252 = arith.andi %scan3A_238#3, %scan3A_248#3 : i1
    %broadcast_in_dim3A_253 = vector.broadcast %scan3A_248#1 : i32 to vector<16xi32>
    %broadcast_in_dim3A_254 = arith.constant 0 : i32
    %broadcast_in_dim3A_255 = vector.broadcast %broadcast_in_dim3A_254 : i32 to vector<16xi32>
    %parallel_loop3A_256 = arith.constant 0 : i32
    %parallel_loop3A_257 = arith.constant 2048 : i32
    %parallel_loop3A_258 = arith.constant 1 : i32
    %parallel_loop3A_259 = scf.for %parallel_loop3A_390 = %parallel_loop3A_256 to %parallel_loop3A_257 step %parallel_loop3A_258 iter_args(%parallel_loop3A_391 = %broadcast_in_dim3A_255) -> (vector<16xi32>)  : i32 {
      %parallel_loop3A_392 = arith.constant 16 : i32
      %parallel_loop3A_393 = arith.muli %parallel_loop3A_390, %parallel_loop3A_392 : i32
      %parallel_loop3A_394 = arith.index_cast %parallel_loop3A_393 : i32 to index
      %parallel_loop3A_395 = tpu.vector_load %arg4[%parallel_loop3A_394] {strides = array<i32>} : memref<32768xf32, #tpu.memory_space<vmem>>, vector<16xf32>,
      %parallel_loop3A_396 = arith.constant 0.000000e+00 : f32
      %parallel_loop3A_397 = vector.broadcast %parallel_loop3A_396 : f32 to vector<16xf32>
      %parallel_loop3A_398 = arith.maximumf %parallel_loop3A_395, %parallel_loop3A_397 : vector<16xf32>
      %parallel_loop3A_399 = vector.bitcast %parallel_loop3A_398 : vector<16xf32> to vector<16xi32>
      %parallel_loop3A_400 = arith.constant 0.000000e+00 : f32
      %parallel_loop3A_401 = vector.broadcast %parallel_loop3A_400 : f32 to vector<16xf32>
      %parallel_loop3A_402 = arith.cmpf ogt, %parallel_loop3A_395, %parallel_loop3A_401 : vector<16xf32>
      %parallel_loop3A_403 = arith.constant 21 : i32
      %parallel_loop3A_404 = vector.broadcast %parallel_loop3A_403 : i32 to vector<16xi32>
      %parallel_loop3A_405 = arith.shrsi %parallel_loop3A_399, %parallel_loop3A_404 : vector<16xi32>
      %parallel_loop3A_406 = arith.constant 1023 : i32
      %parallel_loop3A_407 = vector.broadcast %parallel_loop3A_406 : i32 to vector<16xi32>
      %parallel_loop3A_408 = arith.andi %parallel_loop3A_405, %parallel_loop3A_407 : vector<16xi32>
      %parallel_loop3A_409 = arith.cmpi eq, %parallel_loop3A_408, %broadcast_in_dim3A_253 : vector<16xi32>
      %parallel_loop3A_410 = arith.andi %parallel_loop3A_402, %parallel_loop3A_409 : vector<16xi1>
      %parallel_loop3A_411 = arith.constant 4 : i32
      %parallel_loop3A_412 = vector.broadcast %parallel_loop3A_411 : i32 to vector<16xi32>
      %parallel_loop3A_413 = arith.shli %parallel_loop3A_391, %parallel_loop3A_412 : vector<16xi32>
      %parallel_loop3A_414 = arith.ori %parallel_loop3A_413, %iota3A_218 : vector<16xi32>
      %parallel_loop3A_415 = arith.constant 2097151 : i32
      %parallel_loop3A_416 = vector.broadcast %parallel_loop3A_415 : i32 to vector<16xi32>
      %parallel_loop3A_417 = arith.andi %parallel_loop3A_399, %parallel_loop3A_416 : vector<16xi32>
      tpu.vector_store_idx %arg7[%parallel_loop3A_414], %parallel_loop3A_417 masked %parallel_loop3A_410 : memref<32768xi32, #tpu.memory_space<vmem>>[vector<16xi32>], vector<16xi32>, vector<16xi1>
      %parallel_loop3A_418 = arith.constant 1 : i32
      %parallel_loop3A_419 = arith.constant 0 : i32
      %parallel_loop3A_420 = vector.broadcast %parallel_loop3A_418 : i32 to vector<16xi32>
      %parallel_loop3A_421 = vector.broadcast %parallel_loop3A_419 : i32 to vector<16xi32>
      %parallel_loop3A_422 = arith.select %parallel_loop3A_410, %parallel_loop3A_420, %parallel_loop3A_421 : vector<16xi1>, vector<16xi32>
      %parallel_loop3A_423 = arith.addi %parallel_loop3A_391, %parallel_loop3A_422 : vector<16xi32>
      scf.yield %parallel_loop3A_423 : vector<16xi32>
    } {sc.loop_unroll_factor = 16 : i64, sc.parallel_access}
    %reduce_max3A_260 = arith.constant true
    %reduce_max3A_261 = vector.broadcast %reduce_max3A_260 : i1 to vector<16xi1>
    %reduce_max3A_262 = arith.constant -2147483648 : i32
    %reduce_max3A_263 = vector.broadcast %reduce_max3A_262 : i32 to vector<16xi32>
    %reduce_max3A_264 = arith.xori %parallel_loop3A_259, %reduce_max3A_263 : vector<16xi32>
    %reduce_max3A_265 = tpu.scan <max>, %reduce_max3A_264 masked %reduce_max3A_261 : vector<16xi32>, vector<16xi1> -> vector<16xi32>
    %reduce_max3A_266 = arith.xori %reduce_max3A_265, %reduce_max3A_263 : vector<16xi32>
    %reduce_max3A_267 = vector.extract %reduce_max3A_266[15] : i32 from vector<16xi32>
    %scan3A_268 = arith.constant 0 : i32
    %scan3A_269 = arith.constant 0 : i32
    %scan3A_270 = arith.constant 21 : i32
    %scan3A_271 = arith.addi %scan3A_269, %scan3A_270 : i32
    %scan3A_272 = arith.constant 1 : i32
    %scan3A_273 = scf.for %scan3A_390 = %scan3A_269 to %scan3A_271 step %scan3A_272 iter_args(%scan3A_391 = %scan3A_268) -> (i32)  : i32 {
      %sub3A_392 = arith.constant 20 : i32
      %sub3A_393 = arith.subi %sub3A_392, %scan3A_390 : i32
      %shift_left3A_394 = arith.constant 1 : i32
      %shift_left3A_395 = arith.shli %shift_left3A_394, %sub3A_393 : i32
      %or3A_396 = arith.ori %scan3A_391, %shift_left3A_395 : i32
      %broadcast_in_dim3A_397 = vector.broadcast %or3A_396 : i32 to vector<16xi32>
      %broadcast_in_dim3A_398 = arith.constant 0 : i32
      %broadcast_in_dim3A_399 = vector.broadcast %broadcast_in_dim3A_398 : i32 to vector<16xi32>
      %parallel_loop3A_400 = arith.constant 0 : i32
      %parallel_loop3A_401 = arith.constant 1 : i32
      %parallel_loop3A_402:2 = scf.for %parallel_loop3A_407 = %parallel_loop3A_400 to %reduce_max3A_267 step %parallel_loop3A_401 iter_args(%parallel_loop3A_408 = %parallel_loop3A_259, %parallel_loop3A_409 = %broadcast_in_dim3A_399) -> (vector<16xi32>, vector<16xi32>)  : i32 {
        %parallel_loop3A_410 = arith.constant 16 : i32
        %parallel_loop3A_411 = arith.muli %parallel_loop3A_407, %parallel_loop3A_410 : i32
        %parallel_loop3A_412 = arith.index_cast %parallel_loop3A_411 : i32 to index
        %parallel_loop3A_413 = tpu.vector_load %arg7[%parallel_loop3A_412] {strides = array<i32>} : memref<32768xi32, #tpu.memory_space<vmem>>, vector<16xi32>,
        %parallel_loop3A_414 = arith.cmpi sge, %parallel_loop3A_413, %broadcast_in_dim3A_397 : vector<16xi32>
        %parallel_loop3A_415 = arith.constant 0 : i32
        %parallel_loop3A_416 = vector.broadcast %parallel_loop3A_415 : i32 to vector<16xi32>
        %parallel_loop3A_417 = arith.cmpi sgt, %parallel_loop3A_408, %parallel_loop3A_416 : vector<16xi32>
        %parallel_loop3A_418 = arith.andi %parallel_loop3A_414, %parallel_loop3A_417 : vector<16xi1>
        %parallel_loop3A_419 = arith.constant 1 : i32
        %parallel_loop3A_420 = vector.broadcast %parallel_loop3A_419 : i32 to vector<16xi32>
        %parallel_loop3A_421 = arith.subi %parallel_loop3A_408, %parallel_loop3A_420 : vector<16xi32>
        %parallel_loop3A_422 = arith.constant 1 : i32
        %parallel_loop3A_423 = arith.constant 0 : i32
        %parallel_loop3A_424 = vector.broadcast %parallel_loop3A_422 : i32 to vector<16xi32>
        %parallel_loop3A_425 = vector.broadcast %parallel_loop3A_423 : i32 to vector<16xi32>
        %parallel_loop3A_426 = arith.select %parallel_loop3A_418, %parallel_loop3A_424, %parallel_loop3A_425 : vector<16xi1>, vector<16xi32>
        %parallel_loop3A_427 = arith.addi %parallel_loop3A_409, %parallel_loop3A_426 : vector<16xi32>
        scf.yield %parallel_loop3A_421, %parallel_loop3A_427 : vector<16xi32>, vector<16xi32>
      } {sc.loop_unroll_factor = 4 : i64, sc.parallel_access}
      %reduce_sum3A = arith.constant true
      %reduce_sum3A_403 = vector.broadcast %reduce_sum3A : i1 to vector<16xi1>
      %reduce_sum3A_404 = tpu.scan <sum>, %parallel_loop3A_402#1 masked %reduce_sum3A_403 : vector<16xi32>, vector<16xi1> -> vector<16xi32>
      %reduce_sum3A_405 = vector.extract %reduce_sum3A_404[15] : i32 from vector<16xi32>
      %ge3A = arith.cmpi sge, %reduce_sum3A_405, %sub3A_251 : i32
      %select_n3A_406 = arith.select %ge3A, %or3A_396, %scan3A_391 : i32
      scf.yield %select_n3A_406 : i32
    }
    %scan3A_274 = arith.constant 21 : i32
    %shift_left3A_275 = arith.constant 21 : i32
    %shift_left3A_276 = arith.shli %scan3A_248#1, %shift_left3A_275 : i32
    %or3A_277 = arith.ori %shift_left3A_276, %scan3A_273 : i32
    %jit3A_278 = arith.constant 0 : i32
    %select_n3A_279 = arith.select %and3A_252, %or3A_277, %jit3A_278 : i32
    %broadcast_in_dim3A_280 = vector.broadcast %select_n3A_279 : i32 to vector<16xi32>
    %parallel_loop3A_281 = arith.constant 0 : i32
    %parallel_loop3A_282 = arith.constant 2048 : i32
    %parallel_loop3A_283 = arith.constant 1 : i32
    scf.for %parallel_loop3A_390 = %parallel_loop3A_281 to %parallel_loop3A_282 step %parallel_loop3A_283  : i32 {
      %parallel_loop3A_391 = arith.constant 16 : i32
      %parallel_loop3A_392 = arith.muli %parallel_loop3A_390, %parallel_loop3A_391 : i32
      %parallel_loop3A_393 = arith.index_cast %parallel_loop3A_392 : i32 to index
      %parallel_loop3A_394 = tpu.vector_load %arg4[%parallel_loop3A_393] {strides = array<i32>} : memref<32768xf32, #tpu.memory_space<vmem>>, vector<16xf32>,
      %parallel_loop3A_395 = arith.constant 0.000000e+00 : f32
      %parallel_loop3A_396 = vector.broadcast %parallel_loop3A_395 : f32 to vector<16xf32>
      %parallel_loop3A_397 = arith.maximumf %parallel_loop3A_394, %parallel_loop3A_396 : vector<16xf32>
      %parallel_loop3A_398 = vector.bitcast %parallel_loop3A_397 : vector<16xf32> to vector<16xi32>
      %parallel_loop3A_399 = arith.cmpi sge, %parallel_loop3A_398, %broadcast_in_dim3A_280 : vector<16xi32>
      %parallel_loop3A_400 = arith.constant 0.000000e+00 : f32
      %parallel_loop3A_401 = vector.broadcast %parallel_loop3A_400 : f32 to vector<16xf32>
      %parallel_loop3A_402 = arith.select %parallel_loop3A_399, %parallel_loop3A_397, %parallel_loop3A_401 : vector<16xi1>, vector<16xf32>
      %parallel_loop3A_403 = arith.constant 16 : i32
      %parallel_loop3A_404 = arith.muli %parallel_loop3A_390, %parallel_loop3A_403 : i32
      %parallel_loop3A_405 = arith.index_cast %parallel_loop3A_404 : i32 to index
      %parallel_loop3A_406 = tpu.vector_load %arg4[%parallel_loop3A_405] {strides = array<i32>} : memref<32768xf32, #tpu.memory_space<vmem>>, vector<16xf32>,
      tpu.vector_store %arg4[%parallel_loop3A_405], %parallel_loop3A_402 {strides = array<i32>} : memref<32768xf32, #tpu.memory_space<vmem>>, vector<16xf32>,
    } {sc.loop_unroll_factor = 16 : i64, sc.parallel_access}
    %add3A_284 = arith.constant 2 : i32
    %add3A_285 = arith.addi %mul3A_2, %add3A_284 : i32
    %dma_start3A_286 = arith.constant 0 : i32
    %dma_start3A_287 = tpu.memref_slice %arg3[%add3A_285, %dma_start3A_286] : memref<128x32768xf32, #tpu.memory_space<hbm>> -> memref<1x32768xf32, #tpu.memory_space<hbm>>
    %dma_start3A_288 = tpu.memref_squeeze %dma_start3A_287 : memref<1x32768xf32, #tpu.memory_space<hbm>> -> memref<32768xf32, #tpu.memory_space<hbm>>
    %dma_start3A_289 = arith.constant 0 : i32
    %dma_start3A_290 = tpu.memref_slice %arg3[%add3A_285, %dma_start3A_289] : memref<128x32768xf32, #tpu.memory_space<hbm>> -> memref<1x32768xf32, #tpu.memory_space<hbm>>
    %dma_start3A_291 = tpu.memref_squeeze %dma_start3A_290 : memref<1x32768xf32, #tpu.memory_space<hbm>> -> memref<32768xf32, #tpu.memory_space<hbm>>
    tpu.enqueue_dma source(%arg4 : memref<32768xf32, #tpu.memory_space<vmem>>) target(%dma_start3A_291 : memref<32768xf32, #tpu.memory_space<hbm>>) target_semaphore(%arg10 : memref<!tpu.dma_semaphore, #tpu.memory_space<semaphore_mem>>)
    %add3A_292 = arith.constant 3 : i32
    %add3A_293 = arith.addi %mul3A_2, %add3A_292 : i32
    %dma_wait3A_294 = arith.constant 0 : i32
    %dma_wait3A_295 = tpu.memref_slice %arg2[%add3A_293, %dma_wait3A_294] : memref<128x32768xf32, #tpu.memory_space<hbm>> -> memref<1x32768xf32, #tpu.memory_space<hbm>>
    %dma_wait3A_296 = tpu.memref_squeeze %dma_wait3A_295 : memref<1x32768xf32, #tpu.memory_space<hbm>> -> memref<32768xf32, #tpu.memory_space<hbm>>
    %dma_wait3A_297 = arith.constant 0 : i32
    %dma_wait3A_298 = tpu.memref_slice %arg2[%add3A_293, %dma_wait3A_297] : memref<128x32768xf32, #tpu.memory_space<hbm>> -> memref<1x32768xf32, #tpu.memory_space<hbm>>
    %dma_wait3A_299 = tpu.memref_squeeze %dma_wait3A_298 : memref<1x32768xf32, #tpu.memory_space<hbm>> -> memref<32768xf32, #tpu.memory_space<hbm>>
    tpu.wait_dma2 semaphore(%arg9 : memref<!tpu.dma_semaphore, #tpu.memory_space<semaphore_mem>>) src(%dma_wait3A_299 : memref<32768xf32, #tpu.memory_space<hbm>>) dst(%arg5 : memref<32768xf32, #tpu.memory_space<vmem>>)
    %iota3A_300 = tpu.iota {dimensions = array<i32: 0>} : vector<16xi32>
    %broadcast_in_dim3A_301 = arith.constant 1 : i32
    %broadcast_in_dim3A_302 = vector.broadcast %broadcast_in_dim3A_301 : i32 to vector<16xi32>
    %broadcast_in_dim3A_303 = arith.constant 0 : i32
    %broadcast_in_dim3A_304 = vector.broadcast %broadcast_in_dim3A_303 : i32 to vector<16xi32>
    %parallel_loop3A_305 = arith.constant 0 : i32
    %parallel_loop3A_306 = arith.constant 1024 : i32
    %parallel_loop3A_307 = arith.constant 1 : i32
    scf.for %parallel_loop3A_390 = %parallel_loop3A_305 to %parallel_loop3A_306 step %parallel_loop3A_307  : i32 {
      %parallel_loop3A_391 = arith.constant 16 : i32
      %parallel_loop3A_392 = arith.muli %parallel_loop3A_390, %parallel_loop3A_391 : i32
      %parallel_loop3A_393 = arith.index_cast %parallel_loop3A_392 : i32 to index
      %parallel_loop3A_394 = tpu.vector_load %arg6[%parallel_loop3A_393] {strides = array<i32>} : memref<16384xi32, #tpu.memory_space<vmem>>, vector<16xi32>,
      tpu.vector_store %arg6[%parallel_loop3A_393], %broadcast_in_dim3A_304 {strides = array<i32>} : memref<16384xi32, #tpu.memory_space<vmem>>, vector<16xi32>,
    } {sc.loop_unroll_factor = 16 : i64, sc.parallel_access}
    %parallel_loop3A_308 = arith.constant 0 : i32
    %parallel_loop3A_309 = arith.constant 2048 : i32
    %parallel_loop3A_310 = arith.constant 1 : i32
    scf.for %parallel_loop3A_390 = %parallel_loop3A_308 to %parallel_loop3A_309 step %parallel_loop3A_310  : i32 {
      %parallel_loop3A_391 = arith.constant 16 : i32
      %parallel_loop3A_392 = arith.muli %parallel_loop3A_390, %parallel_loop3A_391 : i32
      %parallel_loop3A_393 = arith.index_cast %parallel_loop3A_392 : i32 to index
      %parallel_loop3A_394 = tpu.vector_load %arg5[%parallel_loop3A_393] {strides = array<i32>} : memref<32768xf32, #tpu.memory_space<vmem>>, vector<16xf32>,
      %parallel_loop3A_395 = arith.constant 0.000000e+00 : f32
      %parallel_loop3A_396 = vector.broadcast %parallel_loop3A_395 : f32 to vector<16xf32>
      %parallel_loop3A_397 = arith.maximumf %parallel_loop3A_394, %parallel_loop3A_396 : vector<16xf32>
      %parallel_loop3A_398 = vector.bitcast %parallel_loop3A_397 : vector<16xf32> to vector<16xi32>
      %parallel_loop3A_399 = arith.constant 0.000000e+00 : f32
      %parallel_loop3A_400 = vector.broadcast %parallel_loop3A_399 : f32 to vector<16xf32>
      %parallel_loop3A_401 = arith.cmpf ogt, %parallel_loop3A_394, %parallel_loop3A_400 : vector<16xf32>
      %parallel_loop3A_402 = arith.constant 21 : i32
      %parallel_loop3A_403 = vector.broadcast %parallel_loop3A_402 : i32 to vector<16xi32>
      %parallel_loop3A_404 = arith.shrsi %parallel_loop3A_398, %parallel_loop3A_403 : vector<16xi32>
      %parallel_loop3A_405 = arith.constant 1023 : i32
      %parallel_loop3A_406 = vector.broadcast %parallel_loop3A_405 : i32 to vector<16xi32>
      %parallel_loop3A_407 = arith.andi %parallel_loop3A_404, %parallel_loop3A_406 : vector<16xi32>
      %parallel_loop3A_408 = arith.constant 4 : i32
      %parallel_loop3A_409 = vector.broadcast %parallel_loop3A_408 : i32 to vector<16xi32>
      %parallel_loop3A_410 = arith.shli %parallel_loop3A_407, %parallel_loop3A_409 : vector<16xi32>
      %parallel_loop3A_411 = arith.ori %parallel_loop3A_410, %iota3A_300 : vector<16xi32>
      tpu.vector_store_idx %arg6[%parallel_loop3A_411], %broadcast_in_dim3A_302 masked %parallel_loop3A_401 {add = true} : memref<16384xi32, #tpu.memory_space<vmem>>[vector<16xi32>], vector<16xi32>, vector<16xi1>
    } {sc.loop_unroll_factor = 16 : i64, sc.parallel_access}
    %scan3A_311 = arith.constant 2048 : i32
    %scan3A_312 = arith.constant 0 : i32
    %scan3A_313 = arith.constant 0 : i32
    %scan3A_314 = arith.constant 0 : i32
    %scan3A_315 = arith.constant false
    %scan3A_316 = arith.constant 0 : i32
    %scan3A_317 = arith.constant 64 : i32
    %scan3A_318 = arith.addi %scan3A_316, %scan3A_317 : i32
    %scan3A_319 = arith.constant 1 : i32
    %scan3A_320:4 = scf.for %scan3A_390 = %scan3A_316 to %scan3A_318 step %scan3A_319 iter_args(%scan3A_391 = %scan3A_312, %scan3A_392 = %scan3A_313, %scan3A_393 = %scan3A_314, %scan3A_394 = %scan3A_315) -> (i32, i32, i32, i1)  : i32 {
      %sub3A_395 = arith.constant 63 : i32
      %sub3A_396 = arith.subi %sub3A_395, %scan3A_390 : i32
      %broadcast_in_dim3A_397 = arith.constant 0 : i32
      %broadcast_in_dim3A_398 = vector.broadcast %broadcast_in_dim3A_397 : i32 to vector<16xi32>
      %mul3A_399 = arith.constant 16 : i32
      %mul3A_400 = arith.muli %sub3A_396, %mul3A_399 : i32
      %add3A_401 = arith.constant 0 : i32
      %add3A_402 = arith.addi %mul3A_400, %add3A_401 : i32
      %mul3A_403 = arith.constant 16 : i32
      %mul3A_404 = arith.muli %add3A_402, %mul3A_403 : i32
      %get3A = arith.index_cast %mul3A_404 : i32 to index
      %get3A_405 = tpu.vector_load %arg6[%get3A] {strides = array<i32>} : memref<16384xi32, #tpu.memory_space<vmem>>, vector<16xi32>,
      %add3A_406 = arith.addi %broadcast_in_dim3A_398, %get3A_405 : vector<16xi32>
      %mul3A_407 = arith.constant 16 : i32
      %mul3A_408 = arith.muli %sub3A_396, %mul3A_407 : i32
      %add3A_409 = arith.constant 1 : i32
      %add3A_410 = arith.addi %mul3A_408, %add3A_409 : i32
      %mul3A_411 = arith.constant 16 : i32
      %mul3A_412 = arith.muli %add3A_410, %mul3A_411 : i32
      %get3A_413 = arith.index_cast %mul3A_412 : i32 to index
      %get3A_414 = tpu.vector_load %arg6[%get3A_413] {strides = array<i32>} : memref<16384xi32, #tpu.memory_space<vmem>>, vector<16xi32>,
      %add3A_415 = arith.addi %add3A_406, %get3A_414 : vector<16xi32>
      %mul3A_416 = arith.constant 16 : i32
      %mul3A_417 = arith.muli %sub3A_396, %mul3A_416 : i32
      %add3A_418 = arith.constant 2 : i32
      %add3A_419 = arith.addi %mul3A_417, %add3A_418 : i32
      %mul3A_420 = arith.constant 16 : i32
      %mul3A_421 = arith.muli %add3A_419, %mul3A_420 : i32
      %get3A_422 = arith.index_cast %mul3A_421 : i32 to index
      %get3A_423 = tpu.vector_load %arg6[%get3A_422] {strides = array<i32>} : memref<16384xi32, #tpu.memory_space<vmem>>, vector<16xi32>,
      %add3A_424 = arith.addi %add3A_415, %get3A_423 : vector<16xi32>
      %mul3A_425 = arith.constant 16 : i32
      %mul3A_426 = arith.muli %sub3A_396, %mul3A_425 : i32
      %add3A_427 = arith.constant 3 : i32
      %add3A_428 = arith.addi %mul3A_426, %add3A_427 : i32
      %mul3A_429 = arith.constant 16 : i32
      %mul3A_430 = arith.muli %add3A_428, %mul3A_429 : i32
      %get3A_431 = arith.index_cast %mul3A_430 : i32 to index
      %get3A_432 = tpu.vector_load %arg6[%get3A_431] {strides = array<i32>} : memref<16384xi32, #tpu.memory_space<vmem>>, vector<16xi32>,
      %add3A_433 = arith.addi %add3A_424, %get3A_432 : vector<16xi32>
      %mul3A_434 = arith.constant 16 : i32
      %mul3A_435 = arith.muli %sub3A_396, %mul3A_434 : i32
      %add3A_436 = arith.constant 4 : i32
      %add3A_437 = arith.addi %mul3A_435, %add3A_436 : i32
      %mul3A_438 = arith.constant 16 : i32
      %mul3A_439 = arith.muli %add3A_437, %mul3A_438 : i32
      %get3A_440 = arith.index_cast %mul3A_439 : i32 to index
      %get3A_441 = tpu.vector_load %arg6[%get3A_440] {strides = array<i32>} : memref<16384xi32, #tpu.memory_space<vmem>>, vector<16xi32>,
      %add3A_442 = arith.addi %add3A_433, %get3A_441 : vector<16xi32>
      %mul3A_443 = arith.constant 16 : i32
      %mul3A_444 = arith.muli %sub3A_396, %mul3A_443 : i32
      %add3A_445 = arith.constant 5 : i32
      %add3A_446 = arith.addi %mul3A_444, %add3A_445 : i32
      %mul3A_447 = arith.constant 16 : i32
      %mul3A_448 = arith.muli %add3A_446, %mul3A_447 : i32
      %get3A_449 = arith.index_cast %mul3A_448 : i32 to index
      %get3A_450 = tpu.vector_load %arg6[%get3A_449] {strides = array<i32>} : memref<16384xi32, #tpu.memory_space<vmem>>, vector<16xi32>,
      %add3A_451 = arith.addi %add3A_442, %get3A_450 : vector<16xi32>
      %mul3A_452 = arith.constant 16 : i32
      %mul3A_453 = arith.muli %sub3A_396, %mul3A_452 : i32
      %add3A_454 = arith.constant 6 : i32
      %add3A_455 = arith.addi %mul3A_453, %add3A_454 : i32
      %mul3A_456 = arith.constant 16 : i32
      %mul3A_457 = arith.muli %add3A_455, %mul3A_456 : i32
      %get3A_458 = arith.index_cast %mul3A_457 : i32 to index
      %get3A_459 = tpu.vector_load %arg6[%get3A_458] {strides = array<i32>} : memref<16384xi32, #tpu.memory_space<vmem>>, vector<16xi32>,
      %add3A_460 = arith.addi %add3A_451, %get3A_459 : vector<16xi32>
      %mul3A_461 = arith.constant 16 : i32
      %mul3A_462 = arith.muli %sub3A_396, %mul3A_461 : i32
      %add3A_463 = arith.constant 7 : i32
      %add3A_464 = arith.addi %mul3A_462, %add3A_463 : i32
      %mul3A_465 = arith.constant 16 : i32
      %mul3A_466 = arith.muli %add3A_464, %mul3A_465 : i32
      %get3A_467 = arith.index_cast %mul3A_466 : i32 to index
      %get3A_468 = tpu.vector_load %arg6[%get3A_467] {strides = array<i32>} : memref<16384xi32, #tpu.memory_space<vmem>>, vector<16xi32>,
      %add3A_469 = arith.addi %add3A_460, %get3A_468 : vector<16xi32>
      %mul3A_470 = arith.constant 16 : i32
      %mul3A_471 = arith.muli %sub3A_396, %mul3A_470 : i32
      %add3A_472 = arith.constant 8 : i32
      %add3A_473 = arith.addi %mul3A_471, %add3A_472 : i32
      %mul3A_474 = arith.constant 16 : i32
      %mul3A_475 = arith.muli %add3A_473, %mul3A_474 : i32
      %get3A_476 = arith.index_cast %mul3A_475 : i32 to index
      %get3A_477 = tpu.vector_load %arg6[%get3A_476] {strides = array<i32>} : memref<16384xi32, #tpu.memory_space<vmem>>, vector<16xi32>,
      %add3A_478 = arith.addi %add3A_469, %get3A_477 : vector<16xi32>
      %mul3A_479 = arith.constant 16 : i32
      %mul3A_480 = arith.muli %sub3A_396, %mul3A_479 : i32
      %add3A_481 = arith.constant 9 : i32
      %add3A_482 = arith.addi %mul3A_480, %add3A_481 : i32
      %mul3A_483 = arith.constant 16 : i32
      %mul3A_484 = arith.muli %add3A_482, %mul3A_483 : i32
      %get3A_485 = arith.index_cast %mul3A_484 : i32 to index
      %get3A_486 = tpu.vector_load %arg6[%get3A_485] {strides = array<i32>} : memref<16384xi32, #tpu.memory_space<vmem>>, vector<16xi32>,
      %add3A_487 = arith.addi %add3A_478, %get3A_486 : vector<16xi32>
      %mul3A_488 = arith.constant 16 : i32
      %mul3A_489 = arith.muli %sub3A_396, %mul3A_488 : i32
      %add3A_490 = arith.constant 10 : i32
      %add3A_491 = arith.addi %mul3A_489, %add3A_490 : i32
      %mul3A_492 = arith.constant 16 : i32
      %mul3A_493 = arith.muli %add3A_491, %mul3A_492 : i32
      %get3A_494 = arith.index_cast %mul3A_493 : i32 to index
      %get3A_495 = tpu.vector_load %arg6[%get3A_494] {strides = array<i32>} : memref<16384xi32, #tpu.memory_space<vmem>>, vector<16xi32>,
      %add3A_496 = arith.addi %add3A_487, %get3A_495 : vector<16xi32>
      %mul3A_497 = arith.constant 16 : i32
      %mul3A_498 = arith.muli %sub3A_396, %mul3A_497 : i32
      %add3A_499 = arith.constant 11 : i32
      %add3A_500 = arith.addi %mul3A_498, %add3A_499 : i32
      %mul3A_501 = arith.constant 16 : i32
      %mul3A_502 = arith.muli %add3A_500, %mul3A_501 : i32
      %get3A_503 = arith.index_cast %mul3A_502 : i32 to index
      %get3A_504 = tpu.vector_load %arg6[%get3A_503] {strides = array<i32>} : memref<16384xi32, #tpu.memory_space<vmem>>, vector<16xi32>,
      %add3A_505 = arith.addi %add3A_496, %get3A_504 : vector<16xi32>
      %mul3A_506 = arith.constant 16 : i32
      %mul3A_507 = arith.muli %sub3A_396, %mul3A_506 : i32
      %add3A_508 = arith.constant 12 : i32
      %add3A_509 = arith.addi %mul3A_507, %add3A_508 : i32
      %mul3A_510 = arith.constant 16 : i32
      %mul3A_511 = arith.muli %add3A_509, %mul3A_510 : i32
      %get3A_512 = arith.index_cast %mul3A_511 : i32 to index
      %get3A_513 = tpu.vector_load %arg6[%get3A_512] {strides = array<i32>} : memref<16384xi32, #tpu.memory_space<vmem>>, vector<16xi32>,
      %add3A_514 = arith.addi %add3A_505, %get3A_513 : vector<16xi32>
      %mul3A_515 = arith.constant 16 : i32
      %mul3A_516 = arith.muli %sub3A_396, %mul3A_515 : i32
      %add3A_517 = arith.constant 13 : i32
      %add3A_518 = arith.addi %mul3A_516, %add3A_517 : i32
      %mul3A_519 = arith.constant 16 : i32
      %mul3A_520 = arith.muli %add3A_518, %mul3A_519 : i32
      %get3A_521 = arith.index_cast %mul3A_520 : i32 to index
      %get3A_522 = tpu.vector_load %arg6[%get3A_521] {strides = array<i32>} : memref<16384xi32, #tpu.memory_space<vmem>>, vector<16xi32>,
      %add3A_523 = arith.addi %add3A_514, %get3A_522 : vector<16xi32>
      %mul3A_524 = arith.constant 16 : i32
      %mul3A_525 = arith.muli %sub3A_396, %mul3A_524 : i32
      %add3A_526 = arith.constant 14 : i32
      %add3A_527 = arith.addi %mul3A_525, %add3A_526 : i32
      %mul3A_528 = arith.constant 16 : i32
      %mul3A_529 = arith.muli %add3A_527, %mul3A_528 : i32
      %get3A_530 = arith.index_cast %mul3A_529 : i32 to index
      %get3A_531 = tpu.vector_load %arg6[%get3A_530] {strides = array<i32>} : memref<16384xi32, #tpu.memory_space<vmem>>, vector<16xi32>,
      %add3A_532 = arith.addi %add3A_523, %get3A_531 : vector<16xi32>
      %mul3A_533 = arith.constant 16 : i32
      %mul3A_534 = arith.muli %sub3A_396, %mul3A_533 : i32
      %add3A_535 = arith.constant 15 : i32
      %add3A_536 = arith.addi %mul3A_534, %add3A_535 : i32
      %mul3A_537 = arith.constant 16 : i32
      %mul3A_538 = arith.muli %add3A_536, %mul3A_537 : i32
      %get3A_539 = arith.index_cast %mul3A_538 : i32 to index
      %get3A_540 = tpu.vector_load %arg6[%get3A_539] {strides = array<i32>} : memref<16384xi32, #tpu.memory_space<vmem>>, vector<16xi32>,
      %add3A_541 = arith.addi %add3A_532, %get3A_540 : vector<16xi32>
      %reduce_sum3A = arith.constant true
      %reduce_sum3A_542 = vector.broadcast %reduce_sum3A : i1 to vector<16xi1>
      %reduce_sum3A_543 = tpu.scan <sum>, %add3A_541 masked %reduce_sum3A_542 : vector<16xi32>, vector<16xi1> -> vector<16xi32>
      %reduce_sum3A_544 = vector.extract %reduce_sum3A_543[15] : i32 from vector<16xi32>
      %not3A = arith.constant true
      %not3A_545 = arith.xori %scan3A_394, %not3A : i1
      %add3A_546 = arith.addi %scan3A_391, %reduce_sum3A_544 : i32
      %ge3A = arith.cmpi sge, %add3A_546, %scan3A_311 : i32
      %and3A_547 = arith.andi %not3A_545, %ge3A : i1
      %select_n3A_548 = arith.select %and3A_547, %sub3A_396, %scan3A_392 : i32
      %select_n3A_549 = arith.select %and3A_547, %scan3A_391, %scan3A_393 : i32
      %or3A_550 = arith.ori %scan3A_394, %and3A_547 : i1
      %add3A_551 = arith.addi %scan3A_391, %reduce_sum3A_544 : i32
      %select_n3A_552 = arith.select %or3A_550, %scan3A_391, %add3A_551 : i32
      scf.yield %select_n3A_552, %select_n3A_548, %select_n3A_549, %or3A_550 : i32, i32, i32, i1
    }
    %scan3A_321 = arith.constant 64 : i32
    %scan3A_322 = arith.constant 2048 : i32
    %scan3A_323 = arith.constant 0 : i32
    %scan3A_324 = arith.constant 0 : i32
    %scan3A_325 = arith.constant false
    %scan3A_326 = arith.constant 0 : i32
    %scan3A_327 = arith.constant 16 : i32
    %scan3A_328 = arith.addi %scan3A_326, %scan3A_327 : i32
    %scan3A_329 = arith.constant 1 : i32
    %scan3A_330:4 = scf.for %scan3A_390 = %scan3A_326 to %scan3A_328 step %scan3A_329 iter_args(%scan3A_391 = %scan3A_320#2, %scan3A_392 = %scan3A_323, %scan3A_393 = %scan3A_324, %scan3A_394 = %scan3A_325) -> (i32, i32, i32, i1)  : i32 {
      %mul3A_395 = arith.constant 16 : i32
      %mul3A_396 = arith.muli %scan3A_320#1, %mul3A_395 : i32
      %sub3A_397 = arith.constant 15 : i32
      %sub3A_398 = arith.subi %sub3A_397, %scan3A_390 : i32
      %add3A_399 = arith.addi %mul3A_396, %sub3A_398 : i32
      %mul3A_400 = arith.constant 16 : i32
      %mul3A_401 = arith.muli %add3A_399, %mul3A_400 : i32
      %get3A = arith.index_cast %mul3A_401 : i32 to index
      %get3A_402 = tpu.vector_load %arg6[%get3A] {strides = array<i32>} : memref<16384xi32, #tpu.memory_space<vmem>>, vector<16xi32>,
      %reduce_sum3A = arith.constant true
      %reduce_sum3A_403 = vector.broadcast %reduce_sum3A : i1 to vector<16xi1>
      %reduce_sum3A_404 = tpu.scan <sum>, %get3A_402 masked %reduce_sum3A_403 : vector<16xi32>, vector<16xi1> -> vector<16xi32>
      %reduce_sum3A_405 = vector.extract %reduce_sum3A_404[15] : i32 from vector<16xi32>
      %not3A = arith.constant true
      %not3A_406 = arith.xori %scan3A_394, %not3A : i1
      %add3A_407 = arith.addi %scan3A_391, %reduce_sum3A_405 : i32
      %ge3A = arith.cmpi sge, %add3A_407, %scan3A_322 : i32
      %and3A_408 = arith.andi %not3A_406, %ge3A : i1
      %select_n3A_409 = arith.select %and3A_408, %add3A_399, %scan3A_392 : i32
      %select_n3A_410 = arith.select %and3A_408, %scan3A_391, %scan3A_393 : i32
      %or3A_411 = arith.ori %scan3A_394, %and3A_408 : i1
      %add3A_412 = arith.addi %scan3A_391, %reduce_sum3A_405 : i32
      %select_n3A_413 = arith.select %or3A_411, %scan3A_391, %add3A_412 : i32
      scf.yield %select_n3A_413, %select_n3A_409, %select_n3A_410, %or3A_411 : i32, i32, i32, i1
    }
    %scan3A_331 = arith.constant 16 : i32
    %sub3A_332 = arith.constant 2048 : i32
    %sub3A_333 = arith.subi %sub3A_332, %scan3A_330#2 : i32
    %and3A_334 = arith.andi %scan3A_320#3, %scan3A_330#3 : i1
    %broadcast_in_dim3A_335 = vector.broadcast %scan3A_330#1 : i32 to vector<16xi32>
    %broadcast_in_dim3A_336 = arith.constant 0 : i32
    %broadcast_in_dim3A_337 = vector.broadcast %broadcast_in_dim3A_336 : i32 to vector<16xi32>
    %parallel_loop3A_338 = arith.constant 0 : i32
    %parallel_loop3A_339 = arith.constant 2048 : i32
    %parallel_loop3A_340 = arith.constant 1 : i32
    %parallel_loop3A_341 = scf.for %parallel_loop3A_390 = %parallel_loop3A_338 to %parallel_loop3A_339 step %parallel_loop3A_340 iter_args(%parallel_loop3A_391 = %broadcast_in_dim3A_337) -> (vector<16xi32>)  : i32 {
      %parallel_loop3A_392 = arith.constant 16 : i32
      %parallel_loop3A_393 = arith.muli %parallel_loop3A_390, %parallel_loop3A_392 : i32
      %parallel_loop3A_394 = arith.index_cast %parallel_loop3A_393 : i32 to index
      %parallel_loop3A_395 = tpu.vector_load %arg5[%parallel_loop3A_394] {strides = array<i32>} : memref<32768xf32, #tpu.memory_space<vmem>>, vector<16xf32>,
      %parallel_loop3A_396 = arith.constant 0.000000e+00 : f32
      %parallel_loop3A_397 = vector.broadcast %parallel_loop3A_396 : f32 to vector<16xf32>
      %parallel_loop3A_398 = arith.maximumf %parallel_loop3A_395, %parallel_loop3A_397 : vector<16xf32>
      %parallel_loop3A_399 = vector.bitcast %parallel_loop3A_398 : vector<16xf32> to vector<16xi32>
      %parallel_loop3A_400 = arith.constant 0.000000e+00 : f32
      %parallel_loop3A_401 = vector.broadcast %parallel_loop3A_400 : f32 to vector<16xf32>
      %parallel_loop3A_402 = arith.cmpf ogt, %parallel_loop3A_395, %parallel_loop3A_401 : vector<16xf32>
      %parallel_loop3A_403 = arith.constant 21 : i32
      %parallel_loop3A_404 = vector.broadcast %parallel_loop3A_403 : i32 to vector<16xi32>
      %parallel_loop3A_405 = arith.shrsi %parallel_loop3A_399, %parallel_loop3A_404 : vector<16xi32>
      %parallel_loop3A_406 = arith.constant 1023 : i32
      %parallel_loop3A_407 = vector.broadcast %parallel_loop3A_406 : i32 to vector<16xi32>
      %parallel_loop3A_408 = arith.andi %parallel_loop3A_405, %parallel_loop3A_407 : vector<16xi32>
      %parallel_loop3A_409 = arith.cmpi eq, %parallel_loop3A_408, %broadcast_in_dim3A_335 : vector<16xi32>
      %parallel_loop3A_410 = arith.andi %parallel_loop3A_402, %parallel_loop3A_409 : vector<16xi1>
      %parallel_loop3A_411 = arith.constant 4 : i32
      %parallel_loop3A_412 = vector.broadcast %parallel_loop3A_411 : i32 to vector<16xi32>
      %parallel_loop3A_413 = arith.shli %parallel_loop3A_391, %parallel_loop3A_412 : vector<16xi32>
      %parallel_loop3A_414 = arith.ori %parallel_loop3A_413, %iota3A_300 : vector<16xi32>
      %parallel_loop3A_415 = arith.constant 2097151 : i32
      %parallel_loop3A_416 = vector.broadcast %parallel_loop3A_415 : i32 to vector<16xi32>
      %parallel_loop3A_417 = arith.andi %parallel_loop3A_399, %parallel_loop3A_416 : vector<16xi32>
      tpu.vector_store_idx %arg7[%parallel_loop3A_414], %parallel_loop3A_417 masked %parallel_loop3A_410 : memref<32768xi32, #tpu.memory_space<vmem>>[vector<16xi32>], vector<16xi32>, vector<16xi1>
      %parallel_loop3A_418 = arith.constant 1 : i32
      %parallel_loop3A_419 = arith.constant 0 : i32
      %parallel_loop3A_420 = vector.broadcast %parallel_loop3A_418 : i32 to vector<16xi32>
      %parallel_loop3A_421 = vector.broadcast %parallel_loop3A_419 : i32 to vector<16xi32>
      %parallel_loop3A_422 = arith.select %parallel_loop3A_410, %parallel_loop3A_420, %parallel_loop3A_421 : vector<16xi1>, vector<16xi32>
      %parallel_loop3A_423 = arith.addi %parallel_loop3A_391, %parallel_loop3A_422 : vector<16xi32>
      scf.yield %parallel_loop3A_423 : vector<16xi32>
    } {sc.loop_unroll_factor = 16 : i64, sc.parallel_access}
    %reduce_max3A_342 = arith.constant true
    %reduce_max3A_343 = vector.broadcast %reduce_max3A_342 : i1 to vector<16xi1>
    %reduce_max3A_344 = arith.constant -2147483648 : i32
    %reduce_max3A_345 = vector.broadcast %reduce_max3A_344 : i32 to vector<16xi32>
    %reduce_max3A_346 = arith.xori %parallel_loop3A_341, %reduce_max3A_345 : vector<16xi32>
    %reduce_max3A_347 = tpu.scan <max>, %reduce_max3A_346 masked %reduce_max3A_343 : vector<16xi32>, vector<16xi1> -> vector<16xi32>
    %reduce_max3A_348 = arith.xori %reduce_max3A_347, %reduce_max3A_345 : vector<16xi32>
    %reduce_max3A_349 = vector.extract %reduce_max3A_348[15] : i32 from vector<16xi32>
    %scan3A_350 = arith.constant 0 : i32
    %scan3A_351 = arith.constant 0 : i32
    %scan3A_352 = arith.constant 21 : i32
    %scan3A_353 = arith.addi %scan3A_351, %scan3A_352 : i32
    %scan3A_354 = arith.constant 1 : i32
    %scan3A_355 = scf.for %scan3A_390 = %scan3A_351 to %scan3A_353 step %scan3A_354 iter_args(%scan3A_391 = %scan3A_350) -> (i32)  : i32 {
      %sub3A_392 = arith.constant 20 : i32
      %sub3A_393 = arith.subi %sub3A_392, %scan3A_390 : i32
      %shift_left3A_394 = arith.constant 1 : i32
      %shift_left3A_395 = arith.shli %shift_left3A_394, %sub3A_393 : i32
      %or3A_396 = arith.ori %scan3A_391, %shift_left3A_395 : i32
      %broadcast_in_dim3A_397 = vector.broadcast %or3A_396 : i32 to vector<16xi32>
      %broadcast_in_dim3A_398 = arith.constant 0 : i32
      %broadcast_in_dim3A_399 = vector.broadcast %broadcast_in_dim3A_398 : i32 to vector<16xi32>
      %parallel_loop3A_400 = arith.constant 0 : i32
      %parallel_loop3A_401 = arith.constant 1 : i32
      %parallel_loop3A_402:2 = scf.for %parallel_loop3A_407 = %parallel_loop3A_400 to %reduce_max3A_349 step %parallel_loop3A_401 iter_args(%parallel_loop3A_408 = %parallel_loop3A_341, %parallel_loop3A_409 = %broadcast_in_dim3A_399) -> (vector<16xi32>, vector<16xi32>)  : i32 {
        %parallel_loop3A_410 = arith.constant 16 : i32
        %parallel_loop3A_411 = arith.muli %parallel_loop3A_407, %parallel_loop3A_410 : i32
        %parallel_loop3A_412 = arith.index_cast %parallel_loop3A_411 : i32 to index
        %parallel_loop3A_413 = tpu.vector_load %arg7[%parallel_loop3A_412] {strides = array<i32>} : memref<32768xi32, #tpu.memory_space<vmem>>, vector<16xi32>,
        %parallel_loop3A_414 = arith.cmpi sge, %parallel_loop3A_413, %broadcast_in_dim3A_397 : vector<16xi32>
        %parallel_loop3A_415 = arith.constant 0 : i32
        %parallel_loop3A_416 = vector.broadcast %parallel_loop3A_415 : i32 to vector<16xi32>
        %parallel_loop3A_417 = arith.cmpi sgt, %parallel_loop3A_408, %parallel_loop3A_416 : vector<16xi32>
        %parallel_loop3A_418 = arith.andi %parallel_loop3A_414, %parallel_loop3A_417 : vector<16xi1>
        %parallel_loop3A_419 = arith.constant 1 : i32
        %parallel_loop3A_420 = vector.broadcast %parallel_loop3A_419 : i32 to vector<16xi32>
        %parallel_loop3A_421 = arith.subi %parallel_loop3A_408, %parallel_loop3A_420 : vector<16xi32>
        %parallel_loop3A_422 = arith.constant 1 : i32
        %parallel_loop3A_423 = arith.constant 0 : i32
        %parallel_loop3A_424 = vector.broadcast %parallel_loop3A_422 : i32 to vector<16xi32>
        %parallel_loop3A_425 = vector.broadcast %parallel_loop3A_423 : i32 to vector<16xi32>
        %parallel_loop3A_426 = arith.select %parallel_loop3A_418, %parallel_loop3A_424, %parallel_loop3A_425 : vector<16xi1>, vector<16xi32>
        %parallel_loop3A_427 = arith.addi %parallel_loop3A_409, %parallel_loop3A_426 : vector<16xi32>
        scf.yield %parallel_loop3A_421, %parallel_loop3A_427 : vector<16xi32>, vector<16xi32>
      } {sc.loop_unroll_factor = 4 : i64, sc.parallel_access}
      %reduce_sum3A = arith.constant true
      %reduce_sum3A_403 = vector.broadcast %reduce_sum3A : i1 to vector<16xi1>
      %reduce_sum3A_404 = tpu.scan <sum>, %parallel_loop3A_402#1 masked %reduce_sum3A_403 : vector<16xi32>, vector<16xi1> -> vector<16xi32>
      %reduce_sum3A_405 = vector.extract %reduce_sum3A_404[15] : i32 from vector<16xi32>
      %ge3A = arith.cmpi sge, %reduce_sum3A_405, %sub3A_333 : i32
      %select_n3A_406 = arith.select %ge3A, %or3A_396, %scan3A_391 : i32
      scf.yield %select_n3A_406 : i32
    }
    %scan3A_356 = arith.constant 21 : i32
    %shift_left3A_357 = arith.constant 21 : i32
    %shift_left3A_358 = arith.shli %scan3A_330#1, %shift_left3A_357 : i32
    %or3A_359 = arith.ori %shift_left3A_358, %scan3A_355 : i32
    %jit3A_360 = arith.constant 0 : i32
    %select_n3A_361 = arith.select %and3A_334, %or3A_359, %jit3A_360 : i32
    %broadcast_in_dim3A_362 = vector.broadcast %select_n3A_361 : i32 to vector<16xi32>
    %parallel_loop3A_363 = arith.constant 0 : i32
    %parallel_loop3A_364 = arith.constant 2048 : i32
    %parallel_loop3A_365 = arith.constant 1 : i32
    scf.for %parallel_loop3A_390 = %parallel_loop3A_363 to %parallel_loop3A_364 step %parallel_loop3A_365  : i32 {
      %parallel_loop3A_391 = arith.constant 16 : i32
      %parallel_loop3A_392 = arith.muli %parallel_loop3A_390, %parallel_loop3A_391 : i32
      %parallel_loop3A_393 = arith.index_cast %parallel_loop3A_392 : i32 to index
      %parallel_loop3A_394 = tpu.vector_load %arg5[%parallel_loop3A_393] {strides = array<i32>} : memref<32768xf32, #tpu.memory_space<vmem>>, vector<16xf32>,
      %parallel_loop3A_395 = arith.constant 0.000000e+00 : f32
      %parallel_loop3A_396 = vector.broadcast %parallel_loop3A_395 : f32 to vector<16xf32>
      %parallel_loop3A_397 = arith.maximumf %parallel_loop3A_394, %parallel_loop3A_396 : vector<16xf32>
      %parallel_loop3A_398 = vector.bitcast %parallel_loop3A_397 : vector<16xf32> to vector<16xi32>
      %parallel_loop3A_399 = arith.cmpi sge, %parallel_loop3A_398, %broadcast_in_dim3A_362 : vector<16xi32>
      %parallel_loop3A_400 = arith.constant 0.000000e+00 : f32
      %parallel_loop3A_401 = vector.broadcast %parallel_loop3A_400 : f32 to vector<16xf32>
      %parallel_loop3A_402 = arith.select %parallel_loop3A_399, %parallel_loop3A_397, %parallel_loop3A_401 : vector<16xi1>, vector<16xf32>
      %parallel_loop3A_403 = arith.constant 16 : i32
      %parallel_loop3A_404 = arith.muli %parallel_loop3A_390, %parallel_loop3A_403 : i32
      %parallel_loop3A_405 = arith.index_cast %parallel_loop3A_404 : i32 to index
      %parallel_loop3A_406 = tpu.vector_load %arg5[%parallel_loop3A_405] {strides = array<i32>} : memref<32768xf32, #tpu.memory_space<vmem>>, vector<16xf32>,
      tpu.vector_store %arg5[%parallel_loop3A_405], %parallel_loop3A_402 {strides = array<i32>} : memref<32768xf32, #tpu.memory_space<vmem>>, vector<16xf32>,
    } {sc.loop_unroll_factor = 16 : i64, sc.parallel_access}
    %add3A_366 = arith.constant 3 : i32
    %add3A_367 = arith.addi %mul3A_2, %add3A_366 : i32
    %dma_start3A_368 = arith.constant 0 : i32
    %dma_start3A_369 = tpu.memref_slice %arg3[%add3A_367, %dma_start3A_368] : memref<128x32768xf32, #tpu.memory_space<hbm>> -> memref<1x32768xf32, #tpu.memory_space<hbm>>
    %dma_start3A_370 = tpu.memref_squeeze %dma_start3A_369 : memref<1x32768xf32, #tpu.memory_space<hbm>> -> memref<32768xf32, #tpu.memory_space<hbm>>
    %dma_start3A_371 = arith.constant 0 : i32
    %dma_start3A_372 = tpu.memref_slice %arg3[%add3A_367, %dma_start3A_371] : memref<128x32768xf32, #tpu.memory_space<hbm>> -> memref<1x32768xf32, #tpu.memory_space<hbm>>
    %dma_start3A_373 = tpu.memref_squeeze %dma_start3A_372 : memref<1x32768xf32, #tpu.memory_space<hbm>> -> memref<32768xf32, #tpu.memory_space<hbm>>
    tpu.enqueue_dma source(%arg5 : memref<32768xf32, #tpu.memory_space<vmem>>) target(%dma_start3A_373 : memref<32768xf32, #tpu.memory_space<hbm>>) target_semaphore(%arg11 : memref<!tpu.dma_semaphore, #tpu.memory_space<semaphore_mem>>)
    %add3A_374 = arith.constant 2 : i32
    %add3A_375 = arith.addi %mul3A_2, %add3A_374 : i32
    %dma_wait3A_376 = arith.constant 0 : i32
    %dma_wait3A_377 = tpu.memref_slice %arg3[%add3A_375, %dma_wait3A_376] : memref<128x32768xf32, #tpu.memory_space<hbm>> -> memref<1x32768xf32, #tpu.memory_space<hbm>>
    %dma_wait3A_378 = tpu.memref_squeeze %dma_wait3A_377 : memref<1x32768xf32, #tpu.memory_space<hbm>> -> memref<32768xf32, #tpu.memory_space<hbm>>
    %dma_wait3A_379 = arith.constant 0 : i32
    %dma_wait3A_380 = tpu.memref_slice %arg3[%add3A_375, %dma_wait3A_379] : memref<128x32768xf32, #tpu.memory_space<hbm>> -> memref<1x32768xf32, #tpu.memory_space<hbm>>
    %dma_wait3A_381 = tpu.memref_squeeze %dma_wait3A_380 : memref<1x32768xf32, #tpu.memory_space<hbm>> -> memref<32768xf32, #tpu.memory_space<hbm>>
    tpu.wait_dma2 semaphore(%arg10 : memref<!tpu.dma_semaphore, #tpu.memory_space<semaphore_mem>>) src(%arg4 : memref<32768xf32, #tpu.memory_space<vmem>>) dst(%dma_wait3A_381 : memref<32768xf32, #tpu.memory_space<hbm>>)
    %add3A_382 = arith.constant 3 : i32
    %add3A_383 = arith.addi %mul3A_2, %add3A_382 : i32
    %dma_wait3A_384 = arith.constant 0 : i32
    %dma_wait3A_385 = tpu.memref_slice %arg3[%add3A_383, %dma_wait3A_384] : memref<128x32768xf32, #tpu.memory_space<hbm>> -> memref<1x32768xf32, #tpu.memory_space<hbm>>
    %dma_wait3A_386 = tpu.memref_squeeze %dma_wait3A_385 : memref<1x32768xf32, #tpu.memory_space<hbm>> -> memref<32768xf32, #tpu.memory_space<hbm>>
    %dma_wait3A_387 = arith.constant 0 : i32
    %dma_wait3A_388 = tpu.memref_slice %arg3[%add3A_383, %dma_wait3A_387] : memref<128x32768xf32, #tpu.memory_space<hbm>> -> memref<1x32768xf32, #tpu.memory_space<hbm>>
    %dma_wait3A_389 = tpu.memref_squeeze %dma_wait3A_388 : memref<1x32768xf32, #tpu.memory_space<hbm>> -> memref<32768xf32, #tpu.memory_space<hbm>>
    tpu.wait_dma2 semaphore(%arg11 : memref<!tpu.dma_semaphore, #tpu.memory_space<semaphore_mem>>) src(%arg5 : memref<32768xf32, #tpu.memory_space<vmem>>) dst(%dma_wait3A_389 : memref<32768xf32, #tpu.memory_space<hbm>>)
    return
  }
}

</mosaic_0001>

<sc_bundles>
// kernel: kernel.3.cloned.1.call-start
scs
__scs_entry_jumppad:
0x0: {  	(pc) =	sbr.rel $0x88, $3  }
0x1: {  	(tag) =	ssettag $0x0;
	lr =	simm.s32 $0x1  }
0x2: {  	[smem:$0x3FA0] =	sst lr;
	_ =	strace $0xD0000000  }
0x3: {  	_ = 	snop  }
0x4: {  	_ = 	snop  }
0x5: {  	_ = 	snop  }
0x6: {  	_ = 	snop  }
0x7: {  	_ = 	snop  }
__scs_overlays_trampoline_lowered:
0x8: {  	[smem:$0x3FAF] =	sst s0  }
0x9: {  	[smem:$0x3FB0] =	sst s1  }
0xa: {  	[smem:$0x3FB1] =	sst s2  }
0xb: {  	[smem:$0x3FB2] =	sst s3  }
0xc: {  	[smem:$0x3FB3] =	sst s4  }
0xd: {  	[smem:$0x3FB4] =	sst s5  }
0xe: {  	[smem:$0x3FB5] =	sst s6  }
0xf: {  	[smem:$0x3FB6] =	sst s7  }
0x10: {  	[smem:$0x3FB7] =	sst s8  }
0x11: {  	[smem:$0x3FB8] =	sst s9;
	s0 =	simm.s32 @!p0 $0x0  }
0x12: {  	s1 =	sld [smem:$0x3F9E];
	s0 =	simm.s32 @p0 $0x1  }
0x13: {  	[smem:$0x3FB9] =	sst s0;
	s0 =	simm.s32 @!p1 $0x0  }
0x14: {  	s2 =	sld [smem:$0x3F9D];
	s0 =	simm.s32 @p1 $0x1  }
0x15: {  	[smem:$0x3FBA] =	sst s0;
	s0 =	simm.s32 @!p2 $0x0  }
0x16: {  	s3 =	sld [smem:$0x3FDB];
	s0 =	simm.s32 @p2 $0x1  }
0x17: {  	s4 =	simm.s32 $0x1BF5;
	[smem:$0x3FBC] =	sst s0  }
0x18: {  	s0 =	sld [smem:$0x3F9F];
	_ =	swait.ge [sflag:s4], $0x0  }
0x19: {  	s7 =	sld [smem:$0x3FA0]  }
0x1a: {  	s8 =	sadd.s32 $0xFFFFE003, lr  }
0x1b: {  	s9 =	sadd.s32 $0xFFFFFEF7, lr;
	s5 =	simm.s32 $0xFFFFFFFF;
	p2 =	slt.u32 s8, $0xFFFFF086  }
0x1c: {  	p1 =	slt.u32 s9, $0xF7A;
	s5 =	simm.s32 @!p2 $0x0  }
0x1d: {  	s5 =	simm.s32 @p1 $0x1;
	p0 =	seq.s32 s7, s2  }
0x1e: {  	s7 =	smul.u32 @!p0 $0xF7A, s2;
	p2 =	seq.s32 @!p0 s5, $0x0  }
0x1f: {  	s9 =	smul.u32 $0xF7A, s1;
	s8 =	simm.s32 @!p0 $0x1BF5;
	p2 =	por !p2, p0  }
0x20: {  	[sflag:s8] =	ssyncset.s32 @!p0 $0xFFFFF086;
	s6 =	sadd.s32 @!p0 s3, s7;
	s7 =	simm.s32 @!p0 $0x108  }
0x21: {  	s3 =	sadd.s32 s3, s9;
	s6 =	sadd.s32 @!p0 $0x88, s6;
	s7 =	simm.s32 @p2 $0x1082  }
0x22: {  	[simem:s7], [sflag:s8] =	dma.local @!p0 [hbm:s6], $0xF7A  }
0x23: {  	s9 =	sor.u32 $0xD0000000, s2;
	s6 =	simm.s32 $0x108;
	_ =	swait.ge @!p0 [sflag:s8], $0x0  }
0x24: {  	s3 =	sadd.s32 $0x88, s3;
	s6 =	simm.s32 @!p1 $0x1082;
	[sflag:s4] =	ssyncset.s32 $0xFFFFF086  }
0x25: {  	[simem:s6], [sflag:s4] =	dma.local [hbm:s3], $0xF7A  }
0x26: {  	[smem:$0x3FA0] =	sst s1;
	(tag) =	ssettag s2;
	_ =	strace s9  }
0x27: {  	s1 =	sld [smem:$0x3FB0]  }
0x28: {  	s2 =	sld [smem:$0x3FB1]  }
0x29: {  	s4 =	sld [smem:$0x3FB3]  }
0x2a: {  	p0 =	seq.s32 s5, $0x0;
	s5 =	sld [smem:$0x3FB4]  }
0x2b: {  	s6 =	sld [smem:$0x3FB5]  }
0x2c: {  	s7 =	sld [smem:$0x3FB6]  }
0x2d: {  	s3 =	simm.s32 $0x108;
	s8 =	sld [smem:$0x3FB7]  }
0x2e: {  	s3 =	simm.s32 @!p0 $0x1082;
	s9 =	sld [smem:$0x3FB8]  }
0x2f: {  	lr =	sadd.s32 s0, s3;
	s0 =	sld [smem:$0x3FAF]  }
0x30: {  	s3 =	sld [smem:$0x3FB2]  }
0x31: {  	[smem:$0x3FBB] =	sst s10  }
0x32: {  	s10 =	sld [smem:$0x3FB9];
	_ =	sdelay $0x3  }
0x33: {  	p0 =	seq.s32 s10, $0x1;
	s10 =	sld [smem:$0x3FBB];
	_ =	sdelay $0x3  }
0x34: {  	[smem:$0x3FBB] =	sst s10  }
0x35: {  	s10 =	sld [smem:$0x3FBA];
	_ =	sdelay $0x3  }
0x36: {  	p1 =	seq.s32 s10, $0x1;
	s10 =	sld [smem:$0x3FBB];
	_ =	sdelay $0x3  }
0x37: {  	[smem:$0x3FBB] =	sst s10  }
0x38: {  	s10 =	sld [smem:$0x3FBC]  }
0x39: {  	_ = 	snop;
	(pc) =	sbr.ind lr, $3  }
0x3a: {  	_ = 	snop  }
0x3b: {  	_ = 	snop  }
0x3c: {  	p2 =	seq.s32 s10, $0x1;
	s10 =	sld [smem:$0x3FBB]  }
0x3d: {  	_ =	shalt  }
0x3e: {  	_ =	shalt  }
0x3f: {  	_ =	shalt  }
0x40: {  	_ =	shalt  }
0x41: {  	_ =	shalt  }
0x42: {  	_ =	shalt  }
0x43: {  	_ =	shalt  }
0x44: {  	_ =	shalt  }
0x45: {  	_ =	shalt  }
0x46: {  	_ =	shalt  }
0x47: {  	_ =	shalt  }
0x48: {  	_ =	shalt  }
0x49: {  	_ =	shalt  }
0x4a: {  	_ =	shalt  }
0x4b: {  	_ =	shalt  }
0x4c: {  	_ =	shalt  }
0x4d: {  	_ =	shalt  }
0x4e: {  	_ =	shalt  }
0x4f: {  	_ =	shalt  }
0x50: {  	_ =	shalt  }
0x51: {  	_ =	shalt  }
0x52: {  	_ =	shalt  }
0x53: {  	_ =	shalt  }
0x54: {  	_ =	shalt  }
0x55: {  	_ =	shalt  }
0x56: {  	_ =	shalt  }
0x57: {  	_ =	shalt  }
0x58: {  	_ =	shalt  }
0x59: {  	_ =	shalt  }
0x5a: {  	_ =	shalt  }
0x5b: {  	_ =	shalt  }
0x5c: {  	_ =	shalt  }
0x5d: {  	_ =	shalt  }
0x5e: {  	_ =	shalt  }
0x5f: {  	_ =	shalt  }
0x60: {  	_ =	shalt  }
0x61: {  	_ =	shalt  }
0x62: {  	_ =	shalt  }
0x63: {  	_ =	shalt  }
0x64: {  	_ =	shalt  }
0x65: {  	_ =	shalt  }
0x66: {  	_ =	shalt  }
0x67: {  	_ =	shalt  }
0x68: {  	_ =	shalt  }
0x69: {  	_ =	shalt  }
0x6a: {  	_ =	shalt  }
0x6b: {  	_ =	shalt  }
0x6c: {  	_ =	shalt  }
0x6d: {  	_ =	shalt  }
0x6e: {  	_ =	shalt  }
0x6f: {  	_ =	shalt  }
0x70: {  	_ =	shalt  }
0x71: {  	_ =	shalt  }
0x72: {  	_ =	shalt  }
0x73: {  	_ =	shalt  }
0x74: {  	_ =	shalt  }
0x75: {  	_ =	shalt  }
0x76: {  	_ =	shalt  }
0x77: {  	_ =	shalt  }
0x78: {  	_ =	shalt  }
0x79: {  	_ =	shalt  }
0x7a: {  	_ =	shalt  }
0x7b: {  	_ =	shalt  }
0x7c: {  	_ =	shalt  }
0x7d: {  	_ =	shalt  }
0x7e: {  	_ =	shalt  }
0x7f: {  	_ =	shalt  }
0x80: {  	_ =	shalt  }
0x81: {  	_ =	shalt  }
0x82: {  	_ =	shalt  }
0x83: {  	_ =	shalt  }
0x84: {  	_ =	shalt  }
0x85: {  	_ =	shalt  }
0x86: {  	_ =	shalt  }
0x87: {  	_ =	shalt  }
.Lfunc_end0:
.L_simem_size_0:
called_computation_lowered:
.L_overlay_start_0:
0x88: {  	s2 =	sld [smem:$0x3FD9]  }
0x89: {  	s3 =	sld [smem:$0x3FFE];
	_ =	sdelay $0x1  }
0x8a: {  	s1 =	srdreg.scid  }
0x8b: {  	s0 =	sand.u32 $0x1, s1  }
0x8c: {  	s18 =	sshll.u32 s0, $0xA;
	s2 =	sadd.s32 s3, s2  }
0x8d: {  	s2 =	sadd.s32 s2, s18  }
0x8e: {  	[smem:$0x3FC7] =	sst s2  }
0x8f: {  	_ = 	snop  }
0x90: {  	s2 =	sld [smem:$0x3FC9]  }
0x91: {  	s19 =	sld [smem:$0x3FD0];
	(tm) =	ssettm $0x1  }
0x92: {  	s4 =	sld [smem:$0x3FFB];
	_ =	sdelay $0x3  }
0x93: {  	_ =	strace s4  }
0x94: {  	s4 =	sld [smem:$0x3FFC];
	_ =	sdelay $0x3  }
0x95: {  	_ =	strace s4  }
0x96: {  	s4 =	sld [smem:$0x3FFD];
	_ =	sdelay $0x3  }
0x97: {  	_ =	strace s4  }
0x98: {  	_ =	strace $0x8FFFFFFF  }
0x99: {  	s20 =	sld [smem:$0x3FDB];
	_ =	sdelay $0x1  }
0x9a: {  	s5 =	simm.s32 $_scs_section_size  }
0x9b: {  	s6 =	simm.s32 $_size__tile_overlayer_lowered;
	s7 =	simm.s32 $_tile_overlayer_lowered  }
0x9c: {  	s23 =	simm.s32 $0x1BFF;
	s22 =	sshll.u32 s7, $0x1;
	s4 =	sadd.s32 s5, s20  }
0x9d: {  	s8 =	simm.s32 $0x0;
	s21 =	sshll.u32 s6, $0x1;
	s6 =	sadd.s32 s22, s4  }
0x9e: {  	[timem:s8], [sflag:s23] =	dma.local [hbm:s6], s21  }
0x9f: {  	_ =	swait.ge [sflag:s23], s21  }
0xa0: {  	s5 =	ssub.s32 $0x0, s21;
	[sflag:s23] =	ssyncset.done $0x0  }
0xa1: {  	[sflag:s23] =	ssyncadd.s32 s5;
	_ =	sdelay $0x1  }
0xa2: {  	s24 =	simm.s32 $0x1B8B  }
0xa3: {  	_ =	swait.ge [sflag:s24], $0x1  }
0xa4: {  	[sflag:s24] =	ssyncset.done $0x0  }
0xa5: {  	s25 =	simm.s32 $0x1B8E;
	[sflag:s24] =	ssyncadd.s32 $0xFFFFFFFF  }
0xa6: {  	s26 =	simm.s32 $execute0_lowered;
	[smem:$0x3FD2] =	sst s25  }
0xa7: {  	s5 =	sshll.u32 s26, $0x1;
	_ =	strace $0x80000046;
	[dreg:$0x1] =	wrdreg $0xFFFFFFFF  }
0xa8: {  	s28 =	simm.s32 $_size_execute0_lowered;
	s4 =	sadd.s32 s4, s5;
	[dreg:$0x0] =	wrdreg $0x0  }
0xa9: {  	s5 =	sshll.u32 s28, $0x1;
	[dreg:$0x2] =	wrdreg s4  }
0xaa: {  	[dreg:$0x3] =	wrdreg s5  }
0xab: {  	[dreg:$0x4] =	wrdreg $0xC0  }
0xac: {  	_ =	task [dreg:s8], $0x5FFFF  }
0xad: {  	[dreg:$0x1] =	wrdreg $0xFFFFFFFF  }
0xae: {  	[dreg:$0x0] =	wrdreg $0x60  }
0xaf: {  	[dreg:$0x2] =	wrdreg s2  }
0xb0: {  	[dreg:$0x3] =	wrdreg s19  }
0xb1: {  	[dreg:$0x4] =	wrdreg $0x9  }
0xb2: {  	_ =	task.clear_ibuf [dreg:s8], $0x5FFFF;
	_ =	strace $0x90000046  }
0xb3: {  	s29 =	simm.s32 $0x9;
	_ =	strace $0x80000048  }
0xb4: {  	_ =	swait.ge [sflag:s29], $0x1  }
0xb5: {  	[sflag:s29] =	ssyncadd.s32 $0xFFFFFFFF  }
0xb6: {  	_ =	strace $0x90000048  }
0xb7: {  	_ =	sfence  }
0xb8: {  	s30 =	sld [smem:$0x0];
	_ =	sdelay $0x2  }
0xb9: {  	s31 =	sshll.u32 s1, $0xD;
	s1 =	sshrl.u32 s1, $0x2  }
0xba: {  	s3 =	sand.u32 $0x4000, s31;
	s1 =	sadd.s32 s1, s30  }
0xbb: {  	s0 =	sor.u32 s3, s0;
	s1 =	sshll.u32 s1, $0x11  }
0xbc: {  	s0 =	sor.u32 s1, s0  }
0xbd: {  	s0 =	sadd.s32 $0x8F2B, s0  }
0xbe: {  	[sflag:s0] =	ssyncadd.remote.s32 $0x1  }
0xbf: {  	_ =	sfence.sel $0xFFFF  }
0xc0: {  	[dreg:$0x0] =	wrdreg $0xFFFFFFFF;
	(pc) =	sbr.abs _section_cstart, $3  }
0xc1: {  	[dreg:$0x1] =	wrdreg $0xFFFFFFFF  }
0xc2: {  	_ =	task.clear_ibuf [dreg:s8], $0x2FFFF;
	_ =	strace $0x9FFFFFFF  }
0xc3: {  	(tm) =	ssettm $0x7FFFFFFF  }
tec
execute0_lowered:
.L_overlay_start_1:
0x0: {  	(tag) =	ssettag $0x1  }
0x1: {  	s0 =	rddreg [dreg:$0x0]  }
0x2: {  	s1 =	rddreg [dreg:$0x1]  }
0x3: {  	s2 =	simm.s32 $0x0;
	s3 =	srdreg.scid;
	s5 =	stileid.u32  }
0x4: {  	s12 =	simm.s32 $0x80;
	s13 =	simm.s32 $0x400;
	s14 =	simm.s32 $0x1  }
0x5: {  	s15 =	simm.s32 $0x8000;
	s16 =	simm.s32 $0x10000;
	s17 =	simm.s32 $0x14000  }
0x6: {  	s18 =	simm.s32 $0x100000;
	s19 =	simm.s32 $0x2;
	s20 =	simm.s32 $0x3  }
0x7: {  	s21 =	simm.s32 $0x4;
	s22 =	simm.s32 $0x0;
	s3 =	sand.u32 $0x1, s3  }
0x8: {  	s5 =	sshll.u32 s5, $0xF;
	s4 =	ssub.s32 $0x2, s3;
	s3 =	sshll.u32 s3, $0x6  }
0x9: {  	[smem:$0x7FF] =	sst s2;
	s6 =	sshrl.u32 s4, $0x1;
	s3 =	sor.u32 s3, s5  }
0xa: {  	_ =	strace $0x80000047;
	s11 =	ssub.s32 s4, s6;
	s31 =	sadd.s32 s0, s3  }
0xb: {  	s7 =	sor.u32 $0x10, s3;
	s5 =	sadd.s32 s1, s3;
	s9 =	sor.u32 $0x20, s3  }
0xc: {  	s3 =	sor.u32 $0x30, s3;
	[dreg:$0x3] =	wrdreg s31;
	s4 =	sadd.s32 s0, s7  }
0xd: {  	s6 =	sadd.s32 s0, s9;
	s7 =	sadd.s32 s1, s7;
	s8 =	sadd.s32 s0, s3  }
0xe: {  	v0 =	vimm.s32 $0x0;
	v1 =	vlaneseq.u32;
	v2 =	vimm.s32 $0x1;
	s9 =	sadd.s32 s1, s9;
	s10 =	sadd.s32 s1, s3;
	s11 =	smax.u32 s11, $0x1  }
.LBB2_1:
0xf: {  	s0 =	rddreg [dreg:$0x3]  }
0x10: {  	[tilespmem:s2], [sflag:$0x1] =	stream.strided.gather [hbm4b:s0+s12], $0x8000, s13, s12, $0x38;
	[tilespmem:$0x1C000] =	vst v63  }
0x11: {  	_ =	swait.ge [sflag:s14], $0x8000  }
0x12: {  	[sflag:s14] =	ssyncset.done $0x0  }
0x13: {  	s0 =	simm.s32 $0x10080;
	[sflag:s14] =	ssyncadd.s32 $0xFFFF8000  }
0x14: {  	[tilespmem:s15], [sflag:$0x2] =	stream.strided.gather [hbm4b:s4+s12], $0x8000, s13, s12, $0x38;
	[tilespmem:$0x1C000] =	vst v63  }
0x15: {  	[tilespmem:s0+$0xFFFFFF80] =	vst v0  }
0x16: {  	[tilespmem:s0+$0x70] =	vst v0  }
0x17: {  	[tilespmem:s0+$0x60] =	vst v0  }
0x18: {  	[tilespmem:s0+$0x50] =	vst v0  }
0x19: {  	[tilespmem:s0+$0x40] =	vst v0  }
0x1a: {  	[tilespmem:s0+$0x30] =	vst v0  }
0x1b: {  	[tilespmem:s0+$0x20] =	vst v0  }
0x1c: {  	[tilespmem:s0+$0x10] =	vst v0  }
0x1d: {  	[tilespmem:s0+$0x0] =	vst v0  }
0x1e: {  	[tilespmem:s0+$0xFFFFFFF0] =	vst v0  }
0x1f: {  	[tilespmem:s0+$0xFFFFFFE0] =	vst v0  }
0x20: {  	[tilespmem:s0+$0xFFFFFFD0] =	vst v0  }
0x21: {  	[tilespmem:s0+$0xFFFFFFC0] =	vst v0  }
0x22: {  	[tilespmem:s0+$0xFFFFFFB0] =	vst v0  }
0x23: {  	s1 =	simm.s32 $0x0;
	[tilespmem:s0+$0xFFFFFFA0] =	vst v0  }
.LBB2_2:
0x24: {  	s1 =	sadd.s32 $0x10, s1;
	[tilespmem:s0+$0xFFFFFF90] =	vst v0;
	s0 =	sadd.s32 $0x100, s0  }
0x25: {  	[tilespmem:s0+$0xFFFFFF80] =	vst v0;
	p0 =	slt.u32 s1, $0x3F0  }
0x26: {  	[tilespmem:s0+$0x70] =	vst v0  }
0x27: {  	[tilespmem:s0+$0x60] =	vst v0  }
0x28: {  	[tilespmem:s0+$0x50] =	vst v0  }
0x29: {  	[tilespmem:s0+$0x40] =	vst v0  }
0x2a: {  	[tilespmem:s0+$0x30] =	vst v0  }
0x2b: {  	[tilespmem:s0+$0x20] =	vst v0  }
0x2c: {  	[tilespmem:s0+$0x10] =	vst v0  }
0x2d: {  	[tilespmem:s0+$0x0] =	vst v0  }
0x2e: {  	[tilespmem:s0+$0xFFFFFFF0] =	vst v0  }
.Ltmp0:
0x2f: {  	[tilespmem:s0+$0xFFFFFFE0] =	vst v0;
	(pc) =	sbr.rel @p0 .LBB2_2-.Ltmp0, $4  }
0x30: {  	[tilespmem:s0+$0xFFFFFFD0] =	vst v0  }
0x31: {  	[tilespmem:s0+$0xFFFFFFC0] =	vst v0  }
0x32: {  	[tilespmem:s0+$0xFFFFFFB0] =	vst v0  }
0x33: {  	[tilespmem:s0+$0xFFFFFFA0] =	vst v0  }
0x34: {  	[tilespmem:s0+$0xFFFFFF90] =	vst v0;
	s31 =	simm.s32 $0x80  }
0x35: {  	v9 =	vld [tilespmem:s31+$0x40]  }
0x36: {  	v7 =	vld [tilespmem:s31+$0xFFFFFF80]  }
0x37: {  	v10 =	vld [tilespmem:s31+$0x0]  }
0x38: {  	v11 =	vld [tilespmem:s31+$0x10]  }
0x39: {  	v5 =	vld [tilespmem:s31+$0xFFFFFFC0]  }
0x3a: {  	v6 =	vld [tilespmem:s31+$0xFFFFFFE0]  }
0x3b: {  	v14 =	vld [tilespmem:s31+$0x30]  }
0x3c: {  	v19 =	vld [tilespmem:s31+$0x20]  }
0x3d: {  	v18 =	vld [tilespmem:s31+$0xFFFFFF90]  }
0x3e: {  	v4 =	vmax.f32 v9, $0.0e+00;
	vm0 =	vgt.f32 v10, $0.0e+00;
	vm5 =	vgt.f32 v9, $0.0e+00  }
0x3f: {  	v21 =	vmax.f32 v7, $0.0e+00;
	v15 =	vmax.f32 v11, $0.0e+00;
	v10 =	vmax.f32 v10, $0.0e+00  }
0x40: {  	v8 =	vld [tilespmem:s31+$0xFFFFFFF0];
	v20 =	vmax.f32 v6, $0.0e+00;
	vm6 =	vgt.f32 v11, $0.0e+00;
	v11 =	vmax.f32 v5, $0.0e+00  }
0x41: {  	v3 =	vld [tilespmem:s31+$0xFFFFFFD0];
	vm3 =	vgt.f32 v14, $0.0e+00;
	v14 =	vmax.f32 v14, $0.0e+00;
	vm4 =	vgt.f32 v19, $0.0e+00  }
0x42: {  	v9 =	vld [tilespmem:s31+$0xFFFFFFA0];
	vm1 =	vgt.f32 v18, $0.0e+00;
	v63 =	vmax.f32 v19, $0.0e+00;
	v4 =	vshrl.u32 v4, $0x11  }
0x43: {  	v11 =	vshrl.u32 v11, $0x11;
	v14 =	vshrl.u32 v14, $0x11;
	v12 =	vand.u32 $0x3FF0, v4;
	v4 =	vld [tilespmem:s31+$0xFFFFFFB0]  }
0x44: {  	v17 =	vshrl.u32 v10, $0x11;
	v20 =	vshrl.u32 v20, $0x11;
	v11 =	vand.u32 $0x3FF0, v11  }
0x45: {  	v14 =	vand.u32 $0x3FF0, v14;
	v23 =	vor.u32 v1, v12;
	v12 =	vmax.f32 v8, $0.0e+00  }
0x46: {  	v13 =	vshrl.u32 v12, $0x11;
	v12 =	vshrl.u32 v15, $0x11;
	v15 =	vmax.f32 v3, $0.0e+00  }
0x47: {  	v16 =	vmax.f32 v9, $0.0e+00;
	vm2 =	vgt.f32 v9, $0.0e+00;
	v9 =	vand.u32 $0x3FF0, v12  }
0x48: {  	v24 =	vshrl.u32 v15, $0x11;
	v22 =	vor.u32 v1, v9;
	v15 =	vmax.f32 v4, $0.0e+00  }
0x49: {  	v12 =	vmax.f32 v18, $0.0e+00;
	v9 =	vshrl.u32 v16, $0x11;
	v16 =	vshrl.u32 v15, $0x11;
	v15 =	vld [tilespmem:s31+$0x60]  }
0x4a: {  	v19 =	vor.u32 v1, v14;
	v18 =	vld [tilespmem:s31+$0x70];
	v25 =	vshrl.u32 v12, $0x11;
	v12 =	vor.u32 v1, v11  }
0x4b: {  	v14 =	vand.u32 $0x3FF0, v24;
	v9 =	vand.u32 $0x3FF0, v9;
	v11 =	vand.u32 $0x3FF0, v25;
	[tilespmem:v23+s16+$0x0] =	vst.idx.add.s32.msk vm5, v2  }
0x4c: {  	s24 =	simm.s32 $0x0;
	v9 =	vor.u32 v1, v9;
	v11 =	vor.u32 v1, v11;
	v10 =	vand.u32 $0x3FF0, v16;
	v16 =	vld [tilespmem:s31+$0x50]  }
0x4d: {  	s26 =	simm.s32 $0x180;
	s23 =	simm.s32 $0x3F;
	s25 =	simm.s32 $0x13FF0;
	v10 =	vor.u32 v1, v10;
	[tilespmem:v22+s16+$0x0] =	vst.idx.add.s32.msk vm6, v2;
	v22 =	vshrl.u32 v21, $0x11;
	v21 =	vshrl.u32 v63, $0x11  }
.LBB2_4:
0x4e: {  	v23 =	vld [tilespmem:s26+$0xFFFFFFB0];
	s24 =	sadd.s32 $0x10, s24;
	v22 =	vand.u32 $0x3FF0, v22;
	v20 =	vand.u32 $0x3FF0, v20;
	v24 =	vmax.f32 v15, $0.0e+00;
	p0 =	por $0x0, $0x0  }
0x4f: {  	vm6 =	vgt.f32 v7, $0.0e+00;
	v7 =	vand.u32 $0x3FF0, v21;
	v25 =	vld [tilespmem:s26+$0x40];
	p1 =	slt.u32 s24, $0x7F0;
	v21 =	vshrl.u32 v24, $0x11  }
0x50: {  	vm5 =	vgt.f32 v15, $0.0e+00;
	v26 =	vor.u32 v1, v7;
	v24 =	vld [tilespmem:s26+$0xFFFFFFD0];
	v7 =	vand.u32 $0x3FF0, v21  }
0x51: {  	v17 =	vand.u32 $0x3FF0, v17;
	v15 =	vor.u32 v1, v22;
	[tilespmem:v19+s16+$0x0] =	vst.idx.add.s32.msk vm3, v2;
	v19 =	vor.u32 v1, v7  }
0x52: {  	v17 =	vor.u32 v1, v17;
	v21 =	vmax.f32 v16, $0.0e+00;
	v22 =	vmax.f32 v18, $0.0e+00;
	v7 =	vld [tilespmem:s26+$0xFFFFFF80]  }
0x53: {  	vm3 =	vgt.f32 v16, $0.0e+00;
	v16 =	vshrl.u32 v21, $0x11;
	v21 =	vshrl.u32 v22, $0x11;
	v27 =	vld [tilespmem:s26+$0xFFFFFFA0]  }
0x54: {  	vm7 =	vmmov vm2;
	v16 =	vand.u32 $0x3FF0, v16;
	v21 =	vand.u32 $0x3FF0, v21;
	v22 =	vld [tilespmem:s26+$0xFFFFFF90]  }
0x55: {  	v16 =	vor.u32 v1, v16;
	[tilespmem:v26+s16+$0x0] =	vst.idx.add.s32.msk vm4, v2  }
0x56: {  	v14 =	vor.u32 v1, v14;
	v28 =	vmax.f32 v25, $0.0e+00;
	v26 =	vld [tilespmem:s26+$0xFFFFFFC0]  }
0x57: {  	v28 =	vshrl.u32 v28, $0x11;
	[tilespmem:v17+s16+$0x0] =	vst.idx.add.s32.msk vm0, v2;
	vm0 =	vgt.f32 v18, $0.0e+00  }
0x58: {  	v13 =	vand.u32 $0x3FF0, v13;
	v21 =	vor.u32 v1, v21;
	v18 =	vand.u32 $0x3FF0, v28;
	v17 =	vld [tilespmem:s26+$0xFFFFFFE0]  }
0x59: {  	v13 =	vor.u32 v1, v13;
	v28 =	vld [tilespmem:s26+$0xFFFFFFF0]  }
0x5a: {  	vm11 =	vgt.f32 v8, $0.0e+00;
	v29 =	vld [tilespmem:s26+$0x0]  }
0x5b: {  	v30 =	vld [tilespmem:s26+$0x10]  }
0x5c: {  	vm10 =	vgt.f32 v6, $0.0e+00;
	v31 =	vld [tilespmem:s26+$0x30]  }
0x5d: {  	vm2 =	vgt.f32 v5, $0.0e+00;
	v20 =	vor.u32 v1, v20;
	v5 =	vmovc v26;
	[tilespmem:v21+s16+$0x0] =	vst.idx.add.s32.msk vm0, v2;
	v6 =	vmov v17  }
0x5e: {  	vm9 =	vgt.f32 v4, $0.0e+00;
	v4 =	vmovc v23;
	vm4 =	vgt.f32 v3, $0.0e+00;
	v3 =	vmovc v24;
	v21 =	vld [tilespmem:s26+$0x20];
	v8 =	vmov v28  }
0x5f: {  	vm8 =	vgt.f32 v25, $0.0e+00;
	v23 =	vor.u32 v1, v18;
	vm0 =	vgt.f32 v29, $0.0e+00;
	[tilespmem:v16+s16+$0x0] =	vst.idx.add.s32.msk vm3, v2  }
0x60: {  	v24 =	vmax.f32 v7, $0.0e+00;
	v16 =	vmax.f32 v8, $0.0e+00;
	v17 =	vmax.f32 v30, $0.0e+00;
	[tilespmem:v13+s16+$0x0] =	vst.idx.add.s32.msk vm11, v2  }
0x61: {  	v13 =	vshrl.u32 v16, $0x11;
	v16 =	vmax.f32 v29, $0.0e+00;
	v17 =	vshrl.u32 v17, $0x11;
	[tilespmem:v15+s16+$0x0] =	vst.idx.add.s32.msk vm6, v2  }
0x62: {  	v18 =	vmax.f32 v6, $0.0e+00;
	v15 =	vmax.f32 v3, $0.0e+00;
	vm6 =	vgt.f32 v30, $0.0e+00;
	[tilespmem:v20+s16+$0x0] =	vst.idx.add.s32.msk vm10, v2  }
0x63: {  	vm3 =	vgt.f32 v31, $0.0e+00;
	v20 =	vmax.f32 v5, $0.0e+00;
	v25 =	vshrl.u32 v15, $0x11;
	[tilespmem:v12+s16+$0x0] =	vst.idx.add.s32.msk vm2, v2  }
0x64: {  	v12 =	vmax.f32 v4, $0.0e+00;
	v15 =	vshrl.u32 v20, $0x11;
	v20 =	vmax.f32 v31, $0.0e+00;
	[tilespmem:v19+s16+$0x0] =	vst.idx.add.s32.msk vm5, v2  }
0x65: {  	v17 =	vand.u32 $0x3FF0, v17;
	vm2 =	vgt.f32 v27, $0.0e+00;
	v19 =	vmax.f32 v27, $0.0e+00;
	[tilespmem:v14+s16+$0x0] =	vst.idx.add.s32.msk vm4, v2  }
0x66: {  	v26 =	vor.u32 v1, v17;
	v15 =	vand.u32 $0x3FF0, v15;
	v14 =	vmax.f32 v22, $0.0e+00;
	[tilespmem:v9+s16+$0x0] =	vst.idx.add.s32.msk vm7, v2  }
0x67: {  	vm4 =	vgt.f32 v21, $0.0e+00;
	v9 =	vshrl.u32 v19, $0x11;
	v19 =	vshrl.u32 v12, $0x11;
	[tilespmem:v10+s16+$0x0] =	vst.idx.add.s32.msk vm9, v2  }
0x68: {  	v10 =	vshrl.u32 v14, $0x11;
	v9 =	vand.u32 $0x3FF0, v9;
	v14 =	vshrl.u32 v20, $0x11;
	[tilespmem:v11+s16+$0x0] =	vst.idx.add.s32.msk vm1, v2  }
.Ltmp1:
0x69: {  	v17 =	vshrl.u32 v16, $0x11;
	v12 =	vor.u32 v1, v15;
	v9 =	vor.u32 v1, v9;
	v15 =	vld [tilespmem:s26+$0x60];
	(pc) =	sbr.rel @p1 .LBB2_4-.Ltmp1, $4  }
0x6a: {  	v11 =	vand.u32 $0x3FF0, v10;
	v10 =	vand.u32 $0x3FF0, v19;
	v14 =	vand.u32 $0x3FF0, v14;
	v16 =	vld [tilespmem:s26+$0x50]  }
0x6b: {  	v21 =	vmax.f32 v21, $0.0e+00;
	vm1 =	vgt.f32 v22, $0.0e+00;
	v10 =	vor.u32 v1, v10;
	[tilespmem:v26+s16+$0x0] =	vst.idx.add.s32.msk vm6, v2  }
0x6c: {  	v20 =	vshrl.u32 v18, $0x11;
	v11 =	vor.u32 v1, v11;
	v19 =	vor.u32 v1, v14;
	v18 =	vld [tilespmem:s26+$0x70]  }
0x6d: {  	v21 =	vshrl.u32 v21, $0x11;
	v22 =	vshrl.u32 v24, $0x11;
	v14 =	vand.u32 $0x3FF0, v25;
	s26 =	sadd.s32 $0x100, s26;
	[tilespmem:v23+s16+$0x0] =	vst.idx.add.s32.msk vm8, v2  }
0x6e: {  	_ =	sdelay $0x1  }
0x6f: {  	v21 =	vand.u32 $0x3FF0, v21  }
0x70: {  	v17 =	vand.u32 $0x3FF0, v17;
	v21 =	vor.u32 v1, v21  }
0x71: {  	v13 =	vand.u32 $0x3FF0, v13;
	vm7 =	vgt.f32 v8, $0.0e+00;
	v17 =	vor.u32 v1, v17  }
0x72: {  	v22 =	vand.u32 $0x3FF0, v22;
	[tilespmem:v19+s16+$0x0] =	vst.idx.add.s32.msk vm3, v2;
	vm3 =	vgt.f32 v7, $0.0e+00;
	v7 =	vor.u32 v1, v13  }
0x73: {  	v8 =	vand.u32 $0x3FF0, v20;
	vm12 =	vgt.f32 v6, $0.0e+00;
	v61 =	vor.u32 v1, v22  }
0x74: {  	v60 =	vmax.f32 v15, $0.0e+00;
	vm13 =	vgt.f32 v5, $0.0e+00;
	[tilespmem:v11+s16+$0x0] =	vst.idx.add.s32.msk vm1, v2;
	v5 =	vor.u32 v1, v8  }
0x75: {  	vm8 =	vgt.f32 v15, $0.0e+00;
	vm14 =	vgt.f32 v3, $0.0e+00;
	vm2 =	vmmov vm2;
	[tilespmem:v21+s16+$0x0] =	vst.idx.add.s32.msk vm4, v2  }
0x76: {  	v3 =	vor.u32 v1, v14;
	vm15 =	vgt.f32 v4, $0.0e+00;
	v6 =	vshrl.u32 v60, $0x11;
	[tilespmem:v17+s16+$0x0] =	vst.idx.add.s32.msk vm0, v2  }
0x77: {  	v57 =	vmax.f32 v16, $0.0e+00;
	vm6 =	vgt.f32 v16, $0.0e+00;
	v6 =	vand.u32 $0x3FF0, v6;
	[tilespmem:v7+s16+$0x0] =	vst.idx.add.s32.msk vm7, v2  }
0x78: {  	v23 =	vmax.f32 v18, $0.0e+00;
	vm5 =	vgt.f32 v18, $0.0e+00;
	v18 =	vshrl.u32 v57, $0x11;
	[tilespmem:v61+s16+$0x0] =	vst.idx.add.s32.msk vm3, v2  }
0x79: {  	v6 =	vor.u32 v1, v6;
	v23 =	vshrl.u32 v23, $0x11;
	v58 =	vand.u32 $0x3FF0, v18;
	[tilespmem:v5+s16+$0x0] =	vst.idx.add.s32.msk vm12, v2  }
0x7a: {  	v23 =	vand.u32 $0x3FF0, v23;
	v16 =	vor.u32 v1, v58;
	[tilespmem:v12+s16+$0x0] =	vst.idx.add.s32.msk vm13, v2  }
0x7b: {  	v59 =	vor.u32 v1, v23;
	[tilespmem:v3+s16+$0x0] =	vst.idx.add.s32.msk vm14, v2  }
0x7c: {  	[tilespmem:v9+s16+$0x0] =	vst.idx.add.s32.msk vm2, v2  }
0x7d: {  	[tilespmem:v10+s16+$0x0] =	vst.idx.add.s32.msk vm15, v2  }
0x7e: {  	[tilespmem:v6+s16+$0x0] =	vst.idx.add.s32.msk vm8, v2  }
0x7f: {  	[tilespmem:v16+s16+$0x0] =	vst.idx.add.s32.msk vm6, v2  }
0x80: {  	[tilespmem:v59+s16+$0x0] =	vst.idx.add.s32.msk vm5, v2  }
0x81: {  	v3 =	vld [tilespmem:s25+$0xFFFFFF10]  }
0x82: {  	v4 =	vld [tilespmem:s25+$0xFFFFFF20]  }
0x83: {  	v5 =	vld [tilespmem:s25+$0xFFFFFF30]  }
0x84: {  	v6 =	vld [tilespmem:s25+$0xFFFFFF40]  }
0x85: {  	v7 =	vld [tilespmem:s25+$0xFFFFFF50]  }
0x86: {  	s0 =	simm.s32 $0x13EF0;
	v8 =	vld [tilespmem:s25+$0xFFFFFF60]  }
0x87: {  	v9 =	vld [tilespmem:s0+$0xFFFFFF10]  }
0x88: {  	v10 =	vld [tilespmem:s0+$0xFFFFFF80]  }
0x89: {  	v3 =	vadd.s32 v3, v4;
	v4 =	vld [tilespmem:s25+$0xFFFFFF70]  }
0x8a: {  	v3 =	vadd.s32 v5, v3;
	v5 =	vld [tilespmem:s25+$0xFFFFFF80]  }
0x8b: {  	v3 =	vadd.s32 v6, v3;
	v6 =	vld [tilespmem:s25+$0xFFFFFF90]  }
0x8c: {  	v3 =	vadd.s32 v7, v3;
	v7 =	vld [tilespmem:s25+$0xFFFFFFA0]  }
0x8d: {  	v3 =	vadd.s32 v8, v3;
	v8 =	vld [tilespmem:s25+$0xFFFFFFB0]  }
0x8e: {  	v3 =	vadd.s32 v4, v3;
	v4 =	vld [tilespmem:s25+$0xFFFFFFC0]  }
0x8f: {  	v3 =	vadd.s32 v5, v3;
	v5 =	vld [tilespmem:s25+$0xFFFFFFD0]  }
0x90: {  	v3 =	vadd.s32 v6, v3;
	v6 =	vld [tilespmem:s25+$0xFFFFFFE0]  }
0x91: {  	v3 =	vadd.s32 v7, v3;
	v7 =	vld [tilespmem:s25+$0xFFFFFFF0]  }
0x92: {  	v3 =	vadd.s32 v8, v3;
	v8 =	vld [tilespmem:s25+$0x0]  }
0x93: {  	v11 =	vld [tilespmem:s0+$0xFFFFFF90];
	v3 =	vadd.s32 v4, v3  }
0x94: {  	v4 =	vld [tilespmem:s0+$0xFFFFFF20];
	v3 =	vadd.s32 v5, v3  }
0x95: {  	v5 =	vld [tilespmem:s0+$0xFFFFFF30];
	v3 =	vadd.s32 v6, v3  }
0x96: {  	v6 =	vld [tilespmem:s0+$0xFFFFFF40];
	v3 =	vadd.s32 v7, v3  }
0x97: {  	v7 =	vld [tilespmem:s0+$0xFFFFFF50];
	v3 =	vadd.s32 v8, v3  }
0x98: {  	v8 =	vld [tilespmem:s0+$0xFFFFFF60];
	(xrf0) =	vadd.scan.msk.s32 $0xffff, v3  }
0x99: {  	v3 =	vld [tilespmem:s0+$0xFFFFFF70];
	v4 =	vadd.s32 v9, v4  }
0x9a: {  	v12 =	vld [tilespmem:s0+$0xFFFFFFA0];
	v4 =	vadd.s32 v5, v4  }
0x9b: {  	v9 =	vld [tilespmem:s0+$0xFFFFFFB0];
	v4 =	vadd.s32 v6, v4  }
0x9c: {  	v5 =	vld [tilespmem:s0+$0xFFFFFFC0];
	v4 =	vadd.s32 v7, v4  }
0x9d: {  	v6 =	vld [tilespmem:s0+$0xFFFFFFD0];
	v4 =	vadd.s32 v8, v4  }
0x9e: {  	v7 =	vld [tilespmem:s0+$0xFFFFFFE0];
	v3 =	vadd.s32 v3, v4;
	v62, _, _ =	vpop (xrf0)  }
0x9f: {  	v8 =	vld [tilespmem:s0+$0xFFFFFFF0];
	v3 =	vadd.s32 v10, v3;
	(v2sf) =	vpush v62, $0xF  }
0xa0: {  	s25 =	simm.s32 $0x13DF0;
	v4 =	vld [tilespmem:s0+$0x0];
	v3 =	vadd.s32 v11, v3  }
0xa1: {  	v10 =	vld [tilespmem:s25+$0xFFFFFF10];
	v3 =	vadd.s32 v12, v3  }
0xa2: {  	v11 =	vld [tilespmem:s25+$0xFFFFFF20];
	v3 =	vadd.s32 v9, v3  }
0xa3: {  	v63 =	vld [tilespmem:s25+$0xFFFFFF30];
	v3 =	vadd.s32 v5, v3  }
0xa4: {  	v9 =	vld [tilespmem:s25+$0xFFFFFF40];
	v3 =	vadd.s32 v6, v3  }
0xa5: {  	v5 =	vld [tilespmem:s25+$0xFFFFFF50];
	v3 =	vadd.s32 v7, v3  }
0xa6: {  	v6 =	vld [tilespmem:s25+$0xFFFFFF60];
	v3 =	vadd.s32 v8, v3  }
0xa7: {  	v7 =	vadd.s32 v10, v11;
	v10 =	vld [tilespmem:s25+$0xFFFFFF70];
	v3 =	vadd.s32 v4, v3  }
0xa8: {  	v7 =	vadd.s32 v63, v7;
	v8 =	vld [tilespmem:s25+$0xFFFFFF80];
	(xrf0) =	vadd.scan.msk.s32 $0xffff, v3  }
0xa9: {  	v4 =	vadd.s32 v9, v7;
	v7 =	vld [tilespmem:s25+$0xFFFFFF90]  }
0xaa: {  	v3 =	vadd.s32 v5, v4;
	v4 =	vld [tilespmem:s25+$0xFFFFFFA0]  }
0xab: {  	v3 =	vadd.s32 v6, v3;
	v6 =	vld [tilespmem:s25+$0xFFFFFFB0]  }
0xac: {  	v9 =	vld [tilespmem:s25+$0xFFFFFFC0];
	v3 =	vadd.s32 v10, v3  }
0xad: {  	s24 =	simm.s32 $0x0;
	s29 =	simm.s32 $0x3E;
	v5 =	vadd.s32 v8, v3;
	v3 =	vld [tilespmem:s25+$0xFFFFFFD0]  }
0xae: {  	s28 =	simm.s32 $0x3D;
	p1 =	por !p0, !p0;
	v7 =	vadd.s32 v7, v5;
	v5 =	vld [tilespmem:s25+$0xFFFFFFE0];
	v8, _, _ =	vpop (xrf0);
	s1 =	spop (v2sf)  }
0xaf: {  	s26 =	simm.s32 $0x3C;
	s30 =	simm.s32 $0x13CF0;
	v7 =	vadd.s32 v4, v7;
	v4 =	vld [tilespmem:s25+$0xFFFFFFF0];
	(v2sf) =	vpush v8, $0xF;
	s31 =	sadd.s32 $0x0, s1  }
0xb0: {  	s0 =	simm.s32 $0x0;
	v10 =	vadd.s32 v6, v7;
	v6 =	vld [tilespmem:s25+$0x0];
	s25 =	simm.s32 $0x0;
	p2 =	sgt.s32 s31, $0x7FF  }
0xb1: {  	s1 =	simm.s32 $0x3B;
	p3 =	por !p2, !p1;
	p0 =	por p0, p2  }
0xb2: {  	v7 =	vld [tilespmem:s30+$0xFFFFFF10];
	v8 =	vadd.s32 v9, v10;
	p1 =	por !p0, !p0;
	s31 =	smov.u32 @p0 s24;
	p3 =	por !p3, !p3  }
.LBB2_6:
0xb3: {  	s3 =	smov.u32 s31  }
0xb4: {  	p2 =	seq.s32 s1, $0x0;
	v3 =	vadd.s32 v3, v8;
	s24 =	smov.u32 @p3 s23;
	s25 =	smov.u32 @p3 s0;
	v9 =	vld [tilespmem:s30+$0xFFFFFF20]  }
0xb5: {  	s0 =	smov.u32 s31;
	s23 =	smov.u32 s29;
	s29 =	smov.u32 s28;
	v3 =	vadd.s32 v5, v3;
	v8 =	vld [tilespmem:s30+$0xFFFFFF30]  }
0xb6: {  	s28 =	smov.u32 s26;
	s26 =	smov.u32 s1;
	v3 =	vadd.s32 v4, v3;
	v5 =	vld [tilespmem:s30+$0xFFFFFF40]  }
0xb7: {  	v3 =	vadd.s32 v6, v3;
	v4 =	vld [tilespmem:s30+$0xFFFFFF50]  }
0xb8: {  	v6 =	vld [tilespmem:s30+$0xFFFFFF60];
	(xrf0) =	vadd.scan.msk.s32 $0xffff, v3  }
0xb9: {  	v3 =	vadd.s32 v7, v9;
	v7 =	vld [tilespmem:s30+$0xFFFFFF70]  }
0xba: {  	v3 =	vadd.s32 v8, v3;
	v8 =	vld [tilespmem:s30+$0xFFFFFF80]  }
0xbb: {  	v3 =	vadd.s32 v5, v3;
	v5 =	vld [tilespmem:s30+$0xFFFFFF90]  }
0xbc: {  	v3 =	vadd.s32 v4, v3;
	v4 =	vld [tilespmem:s30+$0xFFFFFFA0]  }
0xbd: {  	v3 =	vadd.s32 v6, v3;
	v6 =	vld [tilespmem:s30+$0xFFFFFFB0]  }
0xbe: {  	v3 =	vadd.s32 v7, v3;
	v9 =	vld [tilespmem:s30+$0xFFFFFFC0];
	v7, _, _ =	vpop (xrf0);
	s31 =	spop (v2sf)  }
.Ltmp2:
0xbf: {  	v8 =	vadd.s32 v8, v3;
	v3 =	vld [tilespmem:s30+$0xFFFFFFD0];
	(v2sf) =	vpush v7, $0xF;
	s31 =	sadd.s32 s3, s31;
	(pc) =	sbr.rel @!p2 .LBB2_6-.Ltmp2, $4  }
0xc0: {  	v7 =	vadd.s32 v5, v8;
	v5 =	vld [tilespmem:s30+$0xFFFFFFE0];
	p3 =	sgt.s32 s31, $0x7FF  }
0xc1: {  	v7 =	vadd.s32 v4, v7;
	v4 =	vld [tilespmem:s30+$0xFFFFFFF0];
	p4 =	por !p3, !p1;
	p0 =	por p0, p3  }
0xc2: {  	v8 =	vadd.s32 v6, v7;
	v6 =	vld [tilespmem:s30+$0x0];
	s30 =	sadd.s32 $0xFFFFFF00, s30;
	p1 =	por !p0, !p0;
	s31 =	smov.u32 @p0 s3  }
0xc3: {  	s1 =	sadd.s32 $0xFFFFFFFF, s1;
	p3 =	por !p4, !p4;
	v7 =	vld [tilespmem:s30+$0xFFFFFF10];
	v8 =	vadd.s32 v9, v8  }
0xc4: {  	v9 =	vld [tilespmem:s30+$0xFFFFFF20]  }
0xc5: {  	v10 =	vld [tilespmem:s30+$0xFFFFFF30]  }
0xc6: {  	v11 =	vld [tilespmem:s30+$0xFFFFFF40]  }
0xc7: {  	v12 =	vld [tilespmem:s30+$0xFFFFFF50]  }
0xc8: {  	v13 =	vld [tilespmem:s30+$0xFFFFFF60]  }
0xc9: {  	v56 =	vld [tilespmem:s30+$0xFFFFFF70];
	v7 =	vadd.s32 v7, v9  }
0xca: {  	v57 =	vld [tilespmem:s30+$0xFFFFFF80];
	v7 =	vadd.s32 v10, v7  }
0xcb: {  	v58 =	vld [tilespmem:s30+$0xFFFFFF90];
	v7 =	vadd.s32 v11, v7  }
0xcc: {  	v59 =	vld [tilespmem:s30+$0xFFFFFFA0];
	v7 =	vadd.s32 v12, v7  }
0xcd: {  	v60 =	vld [tilespmem:s30+$0xFFFFFFB0];
	v7 =	vadd.s32 v13, v7  }
0xce: {  	v61 =	vld [tilespmem:s30+$0xFFFFFFC0];
	v7 =	vadd.s32 v56, v7  }
0xcf: {  	v62 =	vld [tilespmem:s30+$0xFFFFFFD0];
	v7 =	vadd.s32 v57, v7  }
0xd0: {  	v3 =	vadd.s32 v3, v8;
	v63 =	vld [tilespmem:s30+$0xFFFFFFE0];
	v7 =	vadd.s32 v58, v7  }
0xd1: {  	v3 =	vadd.s32 v5, v3;
	v5 =	vadd.s32 v59, v7;
	v7 =	vld [tilespmem:s30+$0xFFFFFFF0]  }
0xd2: {  	v3 =	vadd.s32 v4, v3;
	v4 =	vadd.s32 v60, v5;
	v5 =	vld [tilespmem:s30+$0x0]  }
0xd3: {  	v3 =	vadd.s32 v6, v3;
	v4 =	vadd.s32 v61, v4  }
0xd4: {  	(xrf0) =	vadd.scan.msk.s32 $0xffff, v3;
	v3 =	vadd.s32 v62, v4  }
0xd5: {  	v3 =	vadd.s32 v63, v3  }
0xd6: {  	v3 =	vadd.s32 v7, v3  }
0xd7: {  	v3 =	vadd.s32 v5, v3  }
0xd8: {  	(xrf0) =	vadd.scan.msk.s32 $0xffff, v3;
	_ =	sdelay $0x1  }
0xd9: {  	v3, _, _ =	vpop (xrf0)  }
0xda: {  	(v2sf) =	vpush v3, $0xF;
	_ =	sdelay $0x2  }
0xdb: {  	v3, _, _ =	vpop (xrf0)  }
0xdc: {  	(v2sf) =	vpush v3, $0xF;
	_ =	sdelay $0x6  }
0xdd: {  	s1 =	spop (v2sf)  }
0xde: {  	s1 =	sadd.s32 s31, s1  }
0xdf: {  	p2 =	sgt.s32 s1, $0x7FF  }
0xe0: {  	p4 =	por p0, p2  }
0xe1: {  	s1 =	smov.u32 @p4 s31;
	s3 =	spop (v2sf)  }
0xe2: {  	s24 =	smov.u32 @p3 s23;
	s3 =	sadd.s32 s1, s3  }
0xe3: {  	s25 =	smov.u32 @p3 s0;
	p1 =	por !p2, !p1;
	p5 =	sgt.s32 s3, $0x7FF  }
0xe4: {  	p1 =	por !p1, !p1;
	p3 =	por !p4, !p4;
	p0 =	por p4, p5  }
0xe5: {  	s24 =	smov.u32 @p1 s29;
	s3 =	smov.u32 @p0 s1;
	s23 =	spop (v2sf)  }
0xe6: {  	s25 =	smov.u32 @p1 s31;
	p2 =	por !p5, !p3;
	s0 =	sadd.s32 s3, s23  }
0xe7: {  	p4 =	por !p0, !p0;
	p1 =	por !p2, !p2;
	p5 =	sgt.s32 s0, $0x7FF  }
0xe8: {  	s24 =	smov.u32 @p1 s28;
	p6 =	por !p5, !p4  }
0xe9: {  	s25 =	smov.u32 @p1 s1;
	p0 =	por p0, p5;
	p1 =	por !p6, !p6  }
0xea: {  	s0 =	simm.s32 @!p0 $0x0;
	s24 =	smov.u32 @p1 s26  }
0xeb: {  	s0 =	simm.s32 @p0 $0x1;
	s30 =	sshll.u32 s24, $0xA  }
0xec: {  	[smem:$0x7FD] =	sst s0;
	s0 =	sshra.s32 s30, $0x2  }
0xed: {  	s31 =	sadd.s32 $0x10000, s0  }
0xee: {  	v3 =	vmov s31;
	_ =	sdelay $0x3  }
0xef: {  	s25 =	smov.u32 @p1 s3;
	s3 =	simm.s32 $0xF0  }
0xf0: {  	v4 =	vld.idx.msk [tilespmem:v3+s3+$0x0 ss:$0x1], $0xffff;
	_ =	sdelay $0x4  }
0xf1: {  	(xrf0) =	vadd.scan.msk.s32 $0xffff, v4;
	_ =	sdelay $0x5  }
0xf2: {  	s23 =	simm.s32 $0xE0;
	v4, _, _ =	vpop (xrf0)  }
0xf3: {  	(v2sf) =	vpush v4, $0xF;
	v4 =	vld.idx.msk [tilespmem:v3+s23+$0x0 ss:$0x1], $0xffff;
	_ =	sdelay $0x2  }
0xf4: {  	s26 =	simm.s32 $0xD0  }
0xf5: {  	s28 =	simm.s32 $0xC0;
	v5 =	vld.idx.msk [tilespmem:v3+s26+$0x0 ss:$0x1], $0xffff  }
0xf6: {  	v6 =	vld.idx.msk [tilespmem:v3+s28+$0x0 ss:$0x1], $0xffff;
	(xrf0) =	vadd.scan.msk.s32 $0xffff, v4;
	_ =	sdelay $0x3  }
0xf7: {  	(xrf0) =	vadd.scan.msk.s32 $0xffff, v5  }
0xf8: {  	(xrf0) =	vadd.scan.msk.s32 $0xffff, v6  }
0xf9: {  	v4, _, _ =	vpop (xrf0)  }
0xfa: {  	(v2sf) =	vpush v4, $0xF;
	_ =	sdelay $0x2  }
0xfb: {  	v4, _, _ =	vpop (xrf0)  }
0xfc: {  	(v2sf) =	vpush v4, $0xF;
	v6, _, _ =	vpop (xrf0)  }
0xfd: {  	s29 =	simm.s32 $0xB0;
	s30 =	spop (v2sf);
	(v2sf) =	vpush v6, $0xF  }
0xfe: {  	v5 =	vld.idx.msk [tilespmem:v3+s29+$0x0 ss:$0x1], $0xffff  }
0xff: {  	p3 =	por $0x0, $0x0  }
0x100: {  	p4 =	por !p3, !p3  }
0x101: {  	s0 =	sshllo.u32 s24, $0x4;
	s24 =	simm.s32 $0x0;
	s1 =	sadd.s32 s25, s30  }
0x102: {  	s31 =	simm.s32 $0xA0;
	s3 =	simm.s32 $0x240;
	p5 =	sgt.s32 s1, $0x7FF  }
0x103: {  	s23 =	simm.s32 $0x0;
	(xrf0) =	vadd.scan.msk.s32 $0xffff, v5;
	p6 =	por !p5, !p4;
	p1 =	por p3, p5  }
0x104: {  	v4 =	vld.idx.msk [tilespmem:v3+s31+$0x0 ss:$0x1], $0xffff;
	p2 =	por !p6, !p6;
	s1 =	smov.u32 @p1 s25;
	p0 =	por !p1, !p1  }
0x105: {  	s23 =	smov.u32 @p2 s0;
	s24 =	smov.u32 @p2 s25;
	s25 =	smov.u32 s1  }
.LBB2_8:
0x106: {  	s26 =	smov.u32 s1;
	p2 =	sne.s32 s3, $0x0  }
0x107: {  	s28 =	smov.u32 s3;
	s3 =	sadd.s32 $0xFFFFFFC0, s3;
	s1 =	spop (v2sf)  }
.Ltmp3:
0x108: {  	s28 =	sshra.s32 s28, $0x2;
	s1 =	sadd.s32 s26, s1;
	(pc) =	sbr.rel @p2 .LBB2_8-.Ltmp3, $4  }
0x109: {  	(xrf0) =	vadd.scan.msk.s32 $0xffff, v4;
	v4 =	vld.idx.msk [tilespmem:v3+s28+$0x0 ss:$0x1], $0xffff;
	v5, _, _ =	vpop (xrf0);
	p3 =	sgt.s32 s1, $0x7FF  }
0x10a: {  	s0 =	sadd.s32 $0xFFFFFFFF, s0;
	(v2sf) =	vpush v5, $0xF;
	p4 =	por !p3, !p0;
	p1 =	por p1, p3  }
0x10b: {  	p0 =	por !p1, !p1;
	p3 =	por !p4, !p4;
	s1 =	smov.u32 @p1 s26  }
0x10c: {  	s23 =	smov.u32 @p3 s0;
	s24 =	smov.u32 @p3 s25;
	s25 =	smov.u32 s1  }
0x10d: {  	s3 =	spop (v2sf)  }
0x10e: {  	s26 =	sadd.s32 s1, s3  }
0x10f: {  	p6 =	sgt.s32 s26, $0x7FF  }
0x110: {  	p0 =	por !p6, !p0  }
0x111: {  	(xrf0) =	vadd.scan.msk.s32 $0xffff, v4;
	p2 =	por p1, p6;
	p0 =	por !p0, !p0  }
0x112: {  	s26 =	smov.u32 @p2 s1;
	s1 =	simm.s32 @!p0 $0x0  }
0x113: {  	s31 =	simm.s32 $0x80;
	v3, _, _ =	vpop (xrf0);
	s1 =	simm.s32 @p0 $0x1  }
0x114: {  	v4 =	vld [tilespmem:s31+$0x60];
	(v2sf) =	vpush v3, $0xF;
	[smem:$0x7FC] =	sst s1  }
0x115: {  	v5 =	vld [tilespmem:s31+$0x50]  }
0x116: {  	v6 =	vld [tilespmem:s31+$0x40]  }
0x117: {  	v3, _, _ =	vpop (xrf0);
	v7 =	vld [tilespmem:s31+$0x30]  }
0x118: {  	(v2sf) =	vpush v3, $0xF;
	v10 =	vld [tilespmem:s31+$0x20]  }
0x119: {  	v9 =	vld [tilespmem:s31+$0x10]  }
0x11a: {  	v11 =	vld [tilespmem:s31+$0x0]  }
0x11b: {  	s28 =	spop (v2sf);
	v12 =	vld [tilespmem:s31+$0xFFFFFFF0]  }
0x11c: {  	v8 =	vimm.s32 $0x0;
	s28 =	sadd.s32 s26, s28;
	vm0 =	vgt.f32 v4, $0.0e+00;
	v14 =	vld [tilespmem:s31+$0xFFFFFFE0]  }
0x11d: {  	v21 =	vimm.s32 $0x0;
	p1 =	sgt.s32 s28, $0x7FF;
	v4 =	vmax.f32 v4, $0.0e+00;
	v8 =	vsel vm0, $0xFFFFFFFF, v8;
	v15 =	vld [tilespmem:s31+$0xFFFFFFD0]  }
0x11e: {  	p4 =	por p2, p1;
	v16 =	vld [tilespmem:s31+$0xFFFFFFC0];
	[tilespmem:$0x1FFE0] =	vst v8;
	v8 =	vimm.s32 $0x0;
	vm0 =	vgt.f32 v6, $0.0e+00;
	vm2 =	vgt.f32 v10, $0.0e+00  }
0x11f: {  	s28 =	smov.u32 @p4 s26;
	s29 =	spop (v2sf);
	vm14 =	vgt.f32 v7, $0.0e+00;
	vm3 =	vgt.f32 v9, $0.0e+00;
	v6 =	vmax.f32 v6, $0.0e+00  }
0x120: {  	v17 =	vld [tilespmem:s31+$0xFFFFFFB0];
	s29 =	sadd.s32 s28, s29;
	vm8 =	vgt.f32 v12, $0.0e+00;
	vm6 =	vgt.f32 v11, $0.0e+00;
	v8 =	vsel vm0, $0xFFFFFFFF, v8  }
0x121: {  	s0 =	sadd.s32 $0xFFFFFFFF, s0;
	v7 =	vmax.f32 v7, $0.0e+00;
	p3 =	sgt.s32 s29, $0x7FF;
	vm0 =	vgt.f32 v5, $0.0e+00;
	[tilespmem:$0x1FFC0] =	vst v8;
	v8 =	vimm.s32 $0x0  }
0x122: {  	p6 =	por !p2, !p2;
	s23 =	smov.u32 @p0 s0;
	vm4 =	vgt.f32 v14, $0.0e+00;
	v9 =	vmax.f32 v9, $0.0e+00;
	p5 =	por p4, p3;
	v8 =	vsel vm0, $0xFFFFFFFF, v8  }
0x123: {  	s0 =	sadd.s32 $0xFFFFFFFF, s0;
	v13 =	vmax.f32 v10, $0.0e+00;
	vm9 =	vgt.f32 v16, $0.0e+00;
	v10 =	vmax.f32 v11, $0.0e+00;
	s29 =	smov.u32 @p5 s28;
	[tilespmem:$0x1FFD0] =	vst v8;
	s30 =	spop (v2sf)  }
0x124: {  	p6 =	por !p1, !p6;
	p0 =	por !p4, !p4;
	v11 =	vmax.f32 v14, $0.0e+00;
	v18 =	vmax.f32 v12, $0.0e+00;
	v12 =	vmax.f32 v15, $0.0e+00;
	v19 =	vld [tilespmem:s31+$0xFFFFFFA0];
	s30 =	sadd.s32 s29, s30  }
0x125: {  	vm11 =	vgt.f32 v17, $0.0e+00;
	v14 =	vmax.f32 v17, $0.0e+00;
	v23 =	vshrl.u32 v7, $0x15;
	p4 =	por !p6, !p6;
	p0 =	por !p3, !p0;
	v22 =	vld [tilespmem:s31+$0xFFFFFF90];
	p2 =	sgt.s32 s30, $0x7FF  }
0x126: {  	v24 =	vshrl.u32 v6, $0x15;
	v25 =	vshrl.u32 v18, $0x15;
	s23 =	smov.u32 @p4 s0;
	s0 =	sadd.s32 $0xFFFFFFFF, s0;
	v8 =	vmax.f32 v5, $0.0e+00;
	v5 =	vld [tilespmem:s31+$0xFFFFFF80];
	p1 =	por p5, p2  }
0x127: {  	v26 =	vshrl.u32 v10, $0x15;
	v27 =	vshrl.u32 v9, $0x15;
	v29 =	vshrl.u32 v12, $0x15;
	p6 =	por !p5, !p5;
	s30 =	smov.u32 @p1 s29;
	s3 =	spop (v2sf)  }
0x128: {  	v30 =	vshrl.u32 v11, $0x15;
	v34 =	vshrl.u32 v14, $0x15;
	v29 =	vand.u32 $0x3FF, v29;
	p5 =	por !p0, !p0;
	p2 =	por !p2, !p6;
	s1 =	sadd.s32 s30, s3  }
0x129: {  	v25 =	vand.u32 $0x3FF, v25;
	vm0 =	vgt.f32 v15, $0.0e+00;
	v15 =	vmax.f32 v16, $0.0e+00;
	s23 =	smov.u32 @p5 s0;
	p6 =	por !p1, !p1;
	p3 =	sgt.s32 s1, $0x7FF  }
0x12a: {  	v26 =	vand.u32 $0x3FF, v26;
	v28 =	vshrl.u32 v15, $0x15;
	s0 =	sadd.s32 $0xFFFFFFFF, s0;
	p0 =	por !p2, !p2;
	vm12 =	vgt.f32 v22, $0.0e+00;
	p2 =	por !p3, !p6  }
0x12b: {  	s23 =	smov.u32 @p0 s0;
	s0 =	sadd.s32 $0xFFFFFFFF, s0;
	vm7 =	vgt.f32 v19, $0.0e+00;
	vm13 =	vgt.f32 v5, $0.0e+00;
	v20 =	vmax.f32 v5, $0.0e+00;
	p6 =	por !p2, !p2  }
0x12c: {  	v16 =	vmax.f32 v22, $0.0e+00;
	v17 =	vmax.f32 v19, $0.0e+00;
	v32 =	vshrl.u32 v20, $0x15;
	s23 =	smov.u32 @p6 s0  }
0x12d: {  	v31 =	vshrl.u32 v16, $0x15;
	v32 =	vand.u32 $0x3FF, v32;
	v3 =	vmov s23  }
0x12e: {  	v33 =	vshrl.u32 v17, $0x15;
	v31 =	vand.u32 $0x3FF, v31;
	vm15 =	veq.s32 v32, v3  }
0x12f: {  	v61 =	vand.u32 $0x3FF, v33;
	vm1 =	vmand vm13, vm15;
	vm13 =	veq.s32 v31, v3  }
0x130: {  	v31 =	vand.u32 $0x3FF, v34;
	vm13 =	vmand vm12, vm13;
	vm12 =	veq.s32 v61, v3  }
0x131: {  	v28 =	vand.u32 $0x3FF, v28;
	vm12 =	vmand vm7, vm12;
	vm7 =	veq.s32 v31, v3  }
0x132: {  	v23 =	vand.u32 $0x3FF, v23;
	vm15 =	vmand vm11, vm7;
	vm7 =	veq.s32 v28, v3  }
0x133: {  	v28 =	vand.u32 $0x3FF, v30;
	vm9 =	vmand vm9, vm7;
	vm7 =	veq.s32 v29, v3  }
0x134: {  	v5 =	vshrl.u32 v8, $0x15;
	vm5 =	vmand vm0, vm7;
	vm0 =	veq.s32 v28, v3  }
0x135: {  	v19 =	vshrl.u32 v4, $0x15;
	vm10 =	vmand vm4, vm0;
	vm0 =	veq.s32 v25, v3  }
0x136: {  	v22 =	vshrl.u32 v13, $0x15;
	vm11 =	vmand vm8, vm0;
	vm0 =	veq.s32 v26, v3;
	v26 =	vld [tilespmem:$0x1FFC0]  }
0x137: {  	v19 =	vand.u32 $0x3FF, v19;
	v22 =	vand.u32 $0x3FF, v22;
	v25 =	vand.u32 $0x3FF, v27  }
0x138: {  	vm8 =	vmmov vm15;
	vm15 =	vmand vm6, vm0;
	vm0 =	veq.s32 v25, v3  }
0x139: {  	v30 =	vimm.s32 $0x0;
	vm0 =	vmand vm3, vm0;
	vm3 =	veq.s32 v22, v3  }
0x13a: {  	vm7 =	vmmov vm12;
	vm12 =	vmand vm2, vm3;
	vm2 =	veq.s32 v23, v3  }
0x13b: {  	v23 =	vimm.s32 $0x0;
	vm3 =	vmand vm14, vm2;
	vm2 =	vnez.u8 v26;
	v26 =	vld [tilespmem:$0x1FFD0]  }
0x13c: {  	v5 =	vand.u32 $0x3FF, v5;
	v30 =	vsel vm9, $0xFFFFFFFF, v30;
	v23 =	vsel vm1, $0xFFFFFFFF, v23  }
0x13d: {  	vm6 =	vmmov vm13;
	v22 =	vand.u32 $0x3FF, v24;
	[tilespmem:$0x1FFB0] =	vst v23;
	v23 =	vsel vm1, $0x1, v0  }
0x13e: {  	vm1 =	veq.s32 v22, v3;
	v22 =	vadd.s32 v23, v21;
	v23 =	vsel vm13, $0x1, v0  }
0x13f: {  	[tilespmem:$0x1FFF0] =	vst v30;
	vm4 =	vmand vm2, vm1;
	vm1 =	veq.s32 v5, v3;
	v5 =	vsel vm8, $0x1, v0  }
0x140: {  	v24 =	vld [tilespmem:s31+$0x70];
	v21 =	vshll.u32 v21, $0x4;
	v25 =	vadd.s32 v23, v22;
	vm2 =	vnez.u8 v26  }
0x141: {  	v23 =	vsel vm7, $0x1, v0;
	vm13 =	vmand vm2, vm1;
	vm1 =	veq.s32 v19, v3;
	v19 =	vld [tilespmem:$0x1FFE0]  }
0x142: {  	v21 =	vor.u32 v1, v21;
	v22 =	vshll.u32 v22, $0x4;
	v37 =	vadd.s32 v23, v25  }
0x143: {  	v23 =	vadd.s32 v5, v37;
	v5 =	vsel vm9, $0x1, v0;
	vm9 =	vmmov vm5  }
0x144: {  	v27 =	vadd.s32 v5, v23;
	v5 =	vsel vm5, $0x1, v0;
	vm5 =	vmmov vm15  }
0x145: {  	v23 =	vshll.u32 v23, $0x4;
	v30 =	vadd.s32 v5, v27;
	v5 =	vsel vm10, $0x1, v0  }
0x146: {  	v27 =	vshll.u32 v27, $0x4;
	vm2 =	vnez.u8 v19;
	v19 =	vmax.f32 v24, $0.0e+00  }
0x147: {  	v29 =	vadd.s32 v5, v30;
	v5 =	vsel vm11, $0x1, v0;
	v26 =	vshrl.u32 v19, $0x15  }
0x148: {  	vm14 =	vmand vm2, vm1;
	vm1 =	vgt.f32 v24, $0.0e+00;
	v26 =	vand.u32 $0x3FF, v26  }
0x149: {  	v24 =	vadd.s32 v5, v29;
	v5 =	vsel vm15, $0x1, v0;
	vm2 =	veq.s32 v26, v3;
	v26 =	vld [tilespmem:$0x1FFF0]  }
0x14a: {  	v30 =	vshll.u32 v30, $0x4;
	v62 =	vadd.s32 v5, v24;
	v5 =	vsel vm0, $0x1, v0  }
0x14b: {  	s31 =	sld [smem:$0x7FC];
	v63 =	vsel vm14, $0x1, v0;
	v31 =	vadd.s32 v5, v62;
	v5 =	vsel vm12, $0x1, v0  }
0x14c: {  	v32 =	vshll.u32 v62, $0x4;
	v35 =	vadd.s32 v5, v31;
	v5 =	vsel vm3, $0x1, v0  }
0x14d: {  	vm15 =	vmand vm1, vm2;
	v36 =	vadd.s32 v5, v35;
	v5 =	vsel vm4, $0x1, v0  }
0x14e: {  	p2 =	seq.s32 s31, $0x1;
	v5 =	vadd.s32 v5, v36;
	vm1 =	vnez.u8 v26;
	v26 =	vsel vm13, $0x1, v0  }
0x14f: {  	s24 =	smov.u32 @p2 s25;
	vm2 =	vmmov vm9;
	v38 =	vsel vm15, $0x1, v0;
	v28 =	vadd.s32 v26, v5  }
0x150: {  	s24 =	smov.u32 @p4 s26;
	v26 =	vshll.u32 v28, $0x4;
	v33 =	vadd.s32 v63, v28;
	v28 =	vshll.u32 v5, $0x4  }
0x151: {  	s24 =	smov.u32 @p5 s28;
	v34 =	vshll.u32 v33, $0x4;
	v5 =	vadd.s32 v38, v33;
	v33 =	vshll.u32 v31, $0x4  }
0x152: {  	p1 =	por p1, p3;
	s24 =	smov.u32 @p0 s29;
	v31 =	vshll.u32 v35, $0x4;
	v35 =	vshll.u32 v36, $0x4;
	v36 =	vshll.u32 v29, $0x4  }
0x153: {  	s25 =	simm.s32 $0x0;
	s26 =	simm.s32 $0x180;
	s24 =	smov.u32 @p6 s30;
	v29 =	vshll.u32 v24, $0x4;
	v24 =	vshll.u32 v25, $0x4;
	v25 =	vshll.u32 v37, $0x4  }
.LBB2_10:
0x154: {  	v33 =	vor.u32 v1, v33  }
0x155: {  	v37 =	vshll.u32 v5, $0x4;
	v38 =	vld [tilespmem:s26+$0x70];
	v28 =	vor.u32 v1, v28  }
0x156: {  	v26 =	vor.u32 v1, v26;
	v34 =	vor.u32 v1, v34;
	v39 =	vld [tilespmem:s26+$0x60];
	v31 =	vor.u32 v1, v31  }
0x157: {  	v35 =	vor.u32 v1, v35;
	v29 =	vor.u32 v1, v29;
	v32 =	vor.u32 v1, v32;
	v45 =	vld [tilespmem:$0x1FFB0]  }
0x158: {  	v40 =	vld [tilespmem:s26+$0x50];
	v27 =	vor.u32 v1, v27;
	v30 =	vor.u32 v1, v30;
	v13 =	vand.u32 $0x1FFFFF, v13  }
0x159: {  	v36 =	vor.u32 v1, v36;
	v24 =	vor.u32 v1, v24;
	v43 =	vld [tilespmem:s26+$0x20];
	v8 =	vand.u32 $0x1FFFFF, v8;
	[tilespmem:v33+s17+$0x0] =	vst.idx.msk vm12, v13  }
0x15a: {  	v41 =	vld [tilespmem:s26+$0x40];
	v25 =	vor.u32 v1, v25;
	v23 =	vor.u32 v1, v23;
	v4 =	vand.u32 $0x1FFFFF, v4;
	[tilespmem:v28+s17+$0x0] =	vst.idx.msk vm13, v8  }
0x15b: {  	v20 =	vand.u32 $0x1FFFFF, v20;
	v44 =	vand.u32 $0x1FFFFF, v16;
	v16 =	vld [tilespmem:s26+$0x10];
	v6 =	vand.u32 $0x1FFFFF, v6;
	[tilespmem:v26+s17+$0x0] =	vst.idx.msk vm14, v4  }
0x15c: {  	v42 =	vld [tilespmem:s26+$0x30];
	v22 =	vor.u32 v1, v22;
	v7 =	vand.u32 $0x1FFFFF, v7;
	vm9 =	vnez.u8 v45;
	[tilespmem:v35+s17+$0x0] =	vst.idx.msk vm4, v6  }
0x15d: {  	v48 =	vand.u32 $0x1FFFFF, v17;
	v17 =	vand.u32 $0x1FFFFF, v14;
	v9 =	vand.u32 $0x1FFFFF, v9;
	v51 =	vld [tilespmem:s26+$0xFFFFFF90];
	[tilespmem:v31+s17+$0x0] =	vst.idx.msk vm3, v7  }
0x15e: {  	v14 =	vand.u32 $0x1FFFFF, v15;
	v15 =	vld [tilespmem:s26+$0x0];
	v11 =	vand.u32 $0x1FFFFF, v11;
	v10 =	vand.u32 $0x1FFFFF, v10;
	[tilespmem:v32+s17+$0x0] =	vst.idx.msk vm0, v9  }
0x15f: {  	v18 =	vand.u32 $0x1FFFFF, v18;
	v8 =	vand.u32 $0x1FFFFF, v19;
	v13 =	vimm.s32 $0x0;
	v26 =	vld [tilespmem:s26+$0xFFFFFFA0];
	[tilespmem:v29+s17+$0x0] =	vst.idx.msk vm5, v10  }
0x160: {  	v50 =	vld [tilespmem:s26+$0xFFFFFFB0];
	v19 =	vmax.f32 v38, $0.0e+00;
	v4 =	vimm.s32 $0x0;
	vm4 =	vgt.f32 v16, $0.0e+00;
	[tilespmem:v25+s17+$0x0] =	vst.idx.msk vm8, v17  }
0x161: {  	v7 =	vimm.s32 $0x0;
	v9 =	vimm.s32 $0x0;
	v10 =	vimm.s32 $0x0;
	[tilespmem:v34+s17+$0x0] =	vst.idx.msk vm15, v8  }
0x162: {  	vm12 =	vgt.f32 v51, $0.0e+00;
	v25 =	vshrl.u32 v19, $0x15;
	[tilespmem:v21+s17+$0x0] =	vst.idx.msk vm9, v20;
	v20 =	vld [tilespmem:s26+$0xFFFFFFF0];
	vm9 =	vgt.f32 v39, $0.0e+00  }
0x163: {  	v8 =	vimm.s32 $0x0;
	v25 =	vand.u32 $0x3FF, v25;
	[tilespmem:v36+s17+$0x0] =	vst.idx.msk vm11, v18;
	v18 =	vld [tilespmem:s26+$0xFFFFFFE0];
	v13 =	vsel vm9, $0xFFFFFFFF, v13  }
0x164: {  	vm13 =	vgt.f32 v26, $0.0e+00;
	vm9 =	vgt.f32 v38, $0.0e+00;
	[tilespmem:$0x1FF70] =	vst v13;
	v13 =	vimm.s32 $0x0  }
0x165: {  	v28 =	vld [tilespmem:s26+$0xFFFFFFC0];
	v17 =	vmax.f32 v26, $0.0e+00;
	v13 =	vsel vm9, $0xFFFFFFFF, v13;
	vm9 =	vgt.f32 v41, $0.0e+00  }
0x166: {  	v21 =	vor.u32 v1, v37;
	v55 =	vshrl.u32 v17, $0x15;
	v31 =	vld [tilespmem:s26+$0xFFFFFF80];
	v8 =	vsel vm9, $0xFFFFFFFF, v8  }
0x167: {  	v35 =	vand.u32 $0x3FF, v55;
	vm9 =	vgt.f32 v40, $0.0e+00;
	[tilespmem:$0x1FF50] =	vst v8;
	v8 =	vimm.s32 $0x0  }
0x168: {  	[tilespmem:v30+s17+$0x0] =	vst.idx.msk vm10, v11;
	vm3 =	vgt.f32 v20, $0.0e+00;
	vm0 =	vgt.f32 v18, $0.0e+00;
	v11 =	vmax.f32 v18, $0.0e+00  }
0x169: {  	v49 =	vld [tilespmem:s26+$0xFFFFFFD0];
	[tilespmem:v23+s17+$0x0] =	vst.idx.msk vm1, v14;
	v18 =	vmax.f32 v20, $0.0e+00;
	v8 =	vsel vm9, $0xFFFFFFFF, v8;
	vm9 =	vgt.f32 v43, $0.0e+00  }
0x16a: {  	v7 =	vsel vm3, $0xFFFFFFFF, v7;
	vm3 =	vgt.f32 v15, $0.0e+00;
	v9 =	vsel vm0, $0xFFFFFFFF, v9;
	[tilespmem:$0x1FF60] =	vst v8  }
0x16b: {  	vm0 =	vgt.f32 v28, $0.0e+00;
	vm11 =	vgt.f32 v31, $0.0e+00;
	v20 =	vmax.f32 v31, $0.0e+00;
	[tilespmem:$0x1FF00] =	vst v7  }
0x16c: {  	v4 =	vsel vm9, $0xFFFFFFFF, v4;
	vm9 =	vgt.f32 v42, $0.0e+00;
	v8 =	vmax.f32 v40, $0.0e+00;
	[tilespmem:$0x1FEF0] =	vst v9  }
0x16d: {  	v7 =	vimm.s32 $0x0;
	v9 =	vmax.f32 v16, $0.0e+00;
	v10 =	vsel vm0, $0xFFFFFFFF, v10;
	[tilespmem:$0x1FF30] =	vst v4  }
0x16e: {  	vm0 =	vgt.f32 v49, $0.0e+00;
	v4 =	vimm.s32 $0x0;
	v7 =	vsel vm3, $0xFFFFFFFF, v7;
	[tilespmem:$0x1FED0] =	vst v10  }
0x16f: {  	v10 =	vimm.s32 $0x0;
	v23 =	vshrl.u32 v8, $0x15;
	v4 =	vsel vm9, $0xFFFFFFFF, v4;
	[tilespmem:$0x1FF10] =	vst v7  }
0x170: {  	v7 =	vmax.f32 v42, $0.0e+00;
	v10 =	vsel vm0, $0xFFFFFFFF, v10;
	[tilespmem:$0x1FF40] =	vst v4;
	v4 =	vmax.f32 v39, $0.0e+00  }
0x171: {  	[tilespmem:v24+s17+$0x0] =	vst.idx.msk vm7, v48;
	vm0 =	veq.s32 v25, v3;
	v25 =	vimm.s32 $0x0;
	v24 =	vshrl.u32 v4, $0x15  }
0x172: {  	v23 =	vand.u32 $0x3FF, v23;
	v25 =	vsel vm0, $0xFFFFFFFF, v25;
	v24 =	vand.u32 $0x3FF, v24  }
0x173: {  	vm15 =	veq.s32 v23, v3;
	v23 =	vimm.s32 $0x0;
	vm0 =	veq.s32 v24, v3  }
0x174: {  	v16 =	vmax.f32 v51, $0.0e+00;
	[tilespmem:$0x1FEE0] =	vst v10;
	v26 =	vshrl.u32 v7, $0x15;
	v23 =	vsel vm0, $0xFFFFFFFF, v23  }
0x175: {  	v57 =	vshrl.u32 v20, $0x15;
	v54 =	vshrl.u32 v16, $0x15;
	v26 =	vand.u32 $0x3FF, v26;
	[tilespmem:$0x1FF80] =	vst v23;
	v23 =	vld [tilespmem:$0x1FED0]  }
0x176: {  	v37 =	vand.u32 $0x3FF, v57;
	v34 =	vand.u32 $0x3FF, v54;
	vm9 =	veq.s32 v26, v3;
	v26 =	vld [tilespmem:$0x1FEE0]  }
0x177: {  	v10 =	vmax.f32 v15, $0.0e+00;
	v15 =	vmax.f32 v28, $0.0e+00;
	vm0 =	veq.s32 v37, v3  }
0x178: {  	v31 =	vshrl.u32 v15, $0x15;
	vm8 =	vmand vm11, vm0;
	vm0 =	veq.s32 v34, v3  }
0x179: {  	v31 =	vand.u32 $0x3FF, v31;
	vm12 =	vmand vm12, vm0;
	vm0 =	veq.s32 v35, v3  }
0x17a: {  	vm1 =	veq.s32 v31, v3;
	vm13 =	vmand vm13, vm0;
	vm0 =	vnez.u8 v23  }
0x17b: {  	v12 =	vand.u32 $0x1FFFFF, v12;
	vm1 =	vmand vm0, vm1;
	vm0 =	vnez.u8 v26;
	v26 =	vld [tilespmem:$0x1FEF0]  }
0x17c: {  	[tilespmem:v27+s17+$0x0] =	vst.idx.msk vm2, v12;
	v12 =	vmax.f32 v49, $0.0e+00  }
0x17d: {  	v52 =	vshrl.u32 v12, $0x15  }
0x17e: {  	v32 =	vand.u32 $0x3FF, v52  }
0x17f: {  	v14 =	vmax.f32 v50, $0.0e+00;
	vm2 =	veq.s32 v32, v3;
	[tilespmem:$0x1FF90] =	vst v13;
	v13 =	vmax.f32 v43, $0.0e+00  }
0x180: {  	[tilespmem:v22+s17+$0x0] =	vst.idx.msk vm6, v44;
	v22 =	vshrl.u32 v13, $0x15;
	vm2 =	vmand vm0, vm2;
	vm0 =	vnez.u8 v26;
	v26 =	vld [tilespmem:$0x1FF00]  }
0x181: {  	v56 =	vshrl.u32 v14, $0x15;
	vm10 =	vgt.f32 v50, $0.0e+00;
	v22 =	vand.u32 $0x3FF, v22  }
0x182: {  	v53 =	vshrl.u32 v11, $0x15;
	vm7 =	veq.s32 v22, v3;
	v22 =	vimm.s32 $0x0  }
0x183: {  	v36 =	vand.u32 $0x3FF, v56;
	v33 =	vand.u32 $0x3FF, v53;
	v22 =	vsel vm8, $0xFFFFFFFF, v22  }
0x184: {  	vm3 =	veq.s32 v33, v3;
	vm11 =	veq.s32 v36, v3;
	[tilespmem:$0x1FFB0] =	vst v22;
	v22 =	vsel vm8, $0x1, v0  }
0x185: {  	vm8 =	vmand vm10, vm11;
	vm10 =	vmand vm0, vm3;
	vm0 =	vnez.u8 v26;
	v26 =	vld [tilespmem:$0x1FF10];
	_ =	sdelay $0x1  }
0x186: {  	v6 =	vimm.s32 $0x0;
	v28 =	vshrl.u32 v18, $0x15  }
0x187: {  	v6 =	vsel vm4, $0xFFFFFFFF, v6;
	v28 =	vand.u32 $0x3FF, v28  }
0x188: {  	[tilespmem:$0x1FF20] =	vst v6;
	vm4 =	veq.s32 v28, v3  }
0x189: {  	vm11 =	vmand vm0, vm4;
	vm0 =	vnez.u8 v26;
	v26 =	vld [tilespmem:$0x1FF20];
	_ =	sdelay $0x1  }
0x18a: {  	v29 =	vshrl.u32 v10, $0x15  }
0x18b: {  	v29 =	vand.u32 $0x3FF, v29  }
0x18c: {  	vm5 =	veq.s32 v29, v3  }
0x18d: {  	vm5 =	vmand vm0, vm5;
	vm0 =	vnez.u8 v26;
	v26 =	vld [tilespmem:$0x1FF30];
	_ =	sdelay $0x4  }
0x18e: {  	vm3 =	vnez.u8 v26;
	v26 =	vld [tilespmem:$0x1FF40]  }
0x18f: {  	v30 =	vshrl.u32 v9, $0x15  }
0x190: {  	v30 =	vand.u32 $0x3FF, v30  }
0x191: {  	vm6 =	veq.s32 v30, v3  }
0x192: {  	v22 =	vadd.s32 v22, v5;
	v5 =	vsel vm12, $0x1, v0;
	vm0 =	vmand vm0, vm6  }
0x193: {  	vm6 =	vmmov vm12;
	vm12 =	vmand vm3, vm7;
	vm3 =	vnez.u8 v26;
	v26 =	vld [tilespmem:$0x1FF50]  }
0x194: {  	v6 =	vmax.f32 v41, $0.0e+00  }
0x195: {  	v27 =	vshrl.u32 v6, $0x15;
	v24 =	vadd.s32 v5, v22;
	v5 =	vsel vm13, $0x1, v0  }
0x196: {  	v27 =	vand.u32 $0x3FF, v27;
	[tilespmem:$0x1FFA0] =	vst v25;
	v25 =	vadd.s32 v5, v24;
	v5 =	vsel vm8, $0x1, v0  }
0x197: {  	vm14 =	veq.s32 v27, v3;
	v23 =	vadd.s32 v5, v25;
	v5 =	vsel vm1, $0x1, v0  }
0x198: {  	v27 =	vadd.s32 v5, v23;
	v5 =	vsel vm2, $0x1, v0;
	vm4 =	vnez.u8 v26;
	v26 =	vld [tilespmem:$0x1FF60]  }
0x199: {  	v28 =	vld [tilespmem:$0x1FF70];
	v30 =	vadd.s32 v5, v27;
	v5 =	vsel vm10, $0x1, v0  }
0x19a: {  	v29 =	vadd.s32 v5, v30;
	v5 =	vsel vm11, $0x1, v0  }
0x19b: {  	v58 =	vadd.s32 v5, v29;
	v5 =	vsel vm5, $0x1, v0  }
0x19c: {  	v59 =	vadd.s32 v5, v58  }
0x19d: {  	v5 =	vsel vm0, $0x1, v0;
	vm3 =	vmand vm3, vm9;
	vm9 =	vnez.u8 v26  }
0x19e: {  	vm7 =	vmmov vm13;
	vm13 =	vmand vm9, vm15;
	vm9 =	vnez.u8 v28;
	v28 =	vld [tilespmem:$0x1FF80]  }
0x19f: {  	v31 =	vadd.s32 v5, v59;
	v5 =	vsel vm12, $0x1, v0  }
0x1a0: {  	v60 =	vadd.s32 v5, v31;
	v5 =	vsel vm3, $0x1, v0;
	vm4 =	vmand vm4, vm14  }
0x1a1: {  	v61 =	vadd.s32 v5, v60;
	v5 =	vsel vm4, $0x1, v0  }
0x1a2: {  	v5 =	vadd.s32 v5, v61;
	v26 =	vsel vm13, $0x1, v0  }
0x1a3: {  	vm14 =	vnez.u8 v28;
	v28 =	vadd.s32 v26, v5;
	v26 =	vld [tilespmem:$0x1FF90];
	_ =	sdelay $0x4  }
0x1a4: {  	vm14 =	vmand vm9, vm14;
	vm9 =	vnez.u8 v26;
	v26 =	vld [tilespmem:$0x1FFA0];
	_ =	sdelay $0x1  }
0x1a5: {  	s25 =	sadd.s32 $0x10, s25;
	v22 =	vshll.u32 v22, $0x4;
	v24 =	vshll.u32 v24, $0x4;
	v25 =	vshll.u32 v25, $0x4  }
0x1a6: {  	p0 =	slt.u32 s25, $0x7F0;
	v23 =	vshll.u32 v23, $0x4;
	v27 =	vshll.u32 v27, $0x4;
	v30 =	vshll.u32 v30, $0x4  }
.Ltmp4:
0x1a7: {  	v36 =	vshll.u32 v29, $0x4;
	v29 =	vshll.u32 v58, $0x4;
	v62 =	vsel vm14, $0x1, v0;
	(pc) =	sbr.rel @p0 .LBB2_10-.Ltmp4, $4  }
0x1a8: {  	v32 =	vshll.u32 v59, $0x4;
	v33 =	vadd.s32 v62, v28;
	vm15 =	vnez.u8 v26  }
0x1a9: {  	v35 =	vshll.u32 v61, $0x4;
	v34 =	vshll.u32 v33, $0x4;
	vm15 =	vmand vm9, vm15  }
0x1aa: {  	v26 =	vshll.u32 v28, $0x4;
	v28 =	vshll.u32 v5, $0x4;
	v63 =	vsel vm15, $0x1, v0  }
0x1ab: {  	s26 =	sadd.s32 $0x100, s26;
	v5 =	vadd.s32 v63, v33;
	v33 =	vshll.u32 v31, $0x4;
	v31 =	vshll.u32 v60, $0x4  }
0x1ac: {  	v3 =	vxor.u32 $0x80000000, v5  }
0x1ad: {  	(xrf0) =	vmax.scan.msk.u32 $0xffff, v3;
	_ =	sdelay $0x5  }
0x1ae: {  	v3, _, _ =	vpop (xrf0)  }
0x1af: {  	(v2sf) =	vpush v3, $0xF;
	_ =	sdelay $0x4  }
0x1b0: {  	v26 =	vor.u32 v1, v26  }
0x1b1: {  	v56 =	vor.u32 v1, v35  }
0x1b2: {  	v57 =	vor.u32 v1, v31  }
0x1b3: {  	v58 =	vor.u32 v1, v32  }
0x1b4: {  	v55 =	vld [tilespmem:$0x1FFB0];
	v59 =	vor.u32 v1, v29;
	v4 =	vand.u32 $0x1FFFFF, v4  }
0x1b5: {  	v6 =	vand.u32 $0x1FFFFF, v6;
	[tilespmem:v26+s17+$0x0] =	vst.idx.msk vm14, v4;
	v3 =	vor.u32 v1, v36  }
0x1b6: {  	v33 =	vor.u32 v1, v33;
	v7 =	vand.u32 $0x1FFFFF, v7;
	[tilespmem:v56+s17+$0x0] =	vst.idx.msk vm4, v6  }
0x1b7: {  	v28 =	vor.u32 v1, v28;
	v9 =	vand.u32 $0x1FFFFF, v9;
	[tilespmem:v57+s17+$0x0] =	vst.idx.msk vm3, v7  }
0x1b8: {  	v34 =	vor.u32 v1, v34;
	v10 =	vand.u32 $0x1FFFFF, v10;
	[tilespmem:v58+s17+$0x0] =	vst.idx.msk vm0, v9  }
0x1b9: {  	v18 =	vand.u32 $0x1FFFFF, v18;
	vm9 =	vnez.u8 v55;
	v4 =	vor.u32 v1, v27;
	[tilespmem:v59+s17+$0x0] =	vst.idx.msk vm5, v10  }
0x1ba: {  	[tilespmem:v3+s17+$0x0] =	vst.idx.msk vm11, v18;
	v3 =	vand.u32 $0x1FFFFF, v13;
	s0 =	spop (v2sf)  }
0x1bb: {  	v7 =	vor.u32 v1, v25;
	[tilespmem:v33+s17+$0x0] =	vst.idx.msk vm12, v3;
	v3 =	vand.u32 $0x1FFFFF, v8;
	s1 =	sxor.u32 $0x80000000, s0  }
0x1bc: {  	v62 =	vor.u32 v1, v22;
	[tilespmem:v28+s17+$0x0] =	vst.idx.msk vm13, v3;
	v3 =	vand.u32 $0x1FFFFF, v19;
	s3 =	sshra.s32 s1, $0x1F  }
0x1bd: {  	v63 =	vand.u32 $0x1FFFFF, v12;
	[tilespmem:v34+s17+$0x0] =	vst.idx.msk vm15, v3;
	v3 =	vor.u32 v1, v30;
	s3 =	sshrl.u32 s3, $0x1E  }
0x1be: {  	v20 =	vand.u32 $0x1FFFFF, v20;
	v6 =	vor.u32 v1, v23;
	[tilespmem:v4+s17+$0x0] =	vst.idx.msk vm2, v63;
	s3 =	sadd.s32 s3, s1  }
0x1bf: {  	v60 =	vor.u32 v1, v24;
	v4 =	vand.u32 $0x1FFFFF, v14;
	[tilespmem:v21+s17+$0x0] =	vst.idx.msk vm9, v20;
	s25 =	sand.u32 $0xFFFFFFFC, s3  }
.Ltmp5:
0x1c0: {  	[tilespmem:v7+s17+$0x0] =	vst.idx.msk vm8, v4;
	v4 =	vand.u32 $0x1FFFFF, v16;
	s26 =	ssub.s32 s1, s25;
	(pc) =	sbr.rel .LBB2_12-.Ltmp5, $4  }
0x1c1: {  	v61 =	vand.u32 $0x1FFFFF, v11;
	[tilespmem:v62+s17+$0x0] =	vst.idx.msk vm6, v4;
	s0 =	sshll.u32 s0, $0x6;
	s31 =	sshll.u32 s26, $0x6  }
0x1c2: {  	s24 =	ssub.s32 $0x800, s24;
	[tilespmem:v3+s17+$0x0] =	vst.idx.msk vm10, v61;
	v3 =	vand.u32 $0x1FFFFF, v15;
	s0 =	ssub.s32 s0, s31  }
0x1c3: {  	s30 =	simm.s32 $0x0;
	[tilespmem:v6+s17+$0x0] =	vst.idx.msk vm1, v3;
	v3 =	vand.u32 $0x1FFFFF, v17;
	p0 =	slt.s32 s25, $0x1;
	s0 =	sshra.s32 s0, $0x2  }
0x1c4: {  	[tilespmem:v60+s17+$0x0] =	vst.idx.msk vm7, v3;
	p2 =	sge.s32 s25, s1;
	s28 =	sadd.s32 $0x14000, s0;
	s0 =	simm.s32 $0x0  }
.LBB2_16:
0x1c5: {  	(xrf0) =	vadd.scan.msk.s32 $0xffff, v4;
	_ =	sdelay $0x5  }
0x1c6: {  	v3, _, _ =	vpop (xrf0)  }
0x1c7: {  	(v2sf) =	vpush v3, $0xF;
	_ =	sdelay $0xe  }
0x1c8: {  	s1 =	spop (v2sf)  }
0x1c9: {  	s0 =	sadd.s32 $0x1, s0;
	p3 =	slt.s32 s1, s24  }
0x1ca: {  	s29 =	smov.u32 @p3 s30;
	p3 =	sne.s32 s0, $0x15  }
.Ltmp6:
0x1cb: {  	_ = 	snop;
	(pc) =	sbr.rel @!p3 .LBB2_17-.Ltmp6, $2  }
0x1cc: {  	_ =	sdelay $0x2  }
0x1cd: {  	s30 =	smov.u32 s29  }
.LBB2_12:
.Ltmp7:
0x1ce: {  	(pc) =	sbr.rel @p0 .LBB2_13-.Ltmp7, $4  }
0x1cf: {  	_ = 	snop  }
0x1d0: {  	s1 =	sshrl.u32 s18, s0  }
0x1d1: {  	s29 =	sor.u32 s1, s30  }
0x1d2: {  	v3 =	vmov s29  }
0x1d3: {  	s3 =	simm.s32 $0x14020  }
0x1d4: {  	v7 =	vld [tilespmem:s3+$0xFFFFFFE0];
	_ =	sdelay $0x2  }
0x1d5: {  	v4 =	vld [tilespmem:s3+$0x10]  }
0x1d6: {  	p3 =	sgt.s32 s25, $0x4;
	v8 =	vld [tilespmem:s3+$0xFFFFFFF0]  }
.Ltmp8:
0x1d7: {  	vm4 =	vge.s32 v7, v3;
	v7 =	vld [tilespmem:s3+$0x0];
	(pc) =	sbr.rel @!p3 .LBB2_77-.Ltmp8, $4  }
0x1d8: {  	v6 =	vimm.s32 $0x0;
	v9 =	vadd.s32 $0xFFFFFFFE, v5  }
0x1d9: {  	v10 =	vadd.s32 $0xFFFFFFFD, v5;
	vm2 =	vgt.s32 v5, $0x0;
	v11 =	vadd.s32 $0xFFFFFFFF, v5  }
0x1da: {  	vm0 =	vgt.s32 v10, $0x0;
	vm3 =	vgt.s32 v11, $0x0;
	vm1 =	vgt.s32 v9, $0x0  }
0x1db: {  	s1 =	simm.s32 $0x4;
	vm5 =	vge.s32 v8, v3;
	s3 =	simm.s32 $0x14060;
	vm4 =	vmand vm2, vm4;
	vm2 =	vge.s32 v4, v3;
	v4 =	vmovc v5  }
.LBB2_76:
0x1dc: {  	v8 =	vld [tilespmem:s3+$0x10];
	v9 =	vsel vm4, $0x1, v0;
	vm3 =	vmand vm3, vm5;
	vm4 =	vge.s32 v7, v3  }
0x1dd: {  	s1 =	sadd.s32 $0x4, s1;
	v10 =	vld [tilespmem:s3+$0xFFFFFFE0];
	v6 =	vadd.s32 v9, v6;
	v7 =	vsel vm3, $0x1, v0;
	vm1 =	vmand vm1, vm4  }
0x1de: {  	vm0 =	vmand vm0, vm2;
	p3 =	slt.s32 s1, s25;
	v9 =	vld [tilespmem:s3+$0xFFFFFFF0];
	v6 =	vadd.s32 v7, v6;
	v11 =	vsel vm1, $0x1, v0  }
.Ltmp9:
0x1df: {  	v4 =	vadd.s32 $0xFFFFFFFC, v4;
	v7 =	vld [tilespmem:s3+$0x0];
	v6 =	vadd.s32 v11, v6;
	v11 =	vsel vm0, $0x1, v0;
	(pc) =	sbr.rel @p3 .LBB2_76-.Ltmp9, $4  }
0x1e0: {  	v12 =	vadd.s32 $0xFFFFFFFE, v4;
	v13 =	vadd.s32 $0xFFFFFFFD, v4;
	v6 =	vadd.s32 v11, v6  }
0x1e1: {  	vm2 =	vgt.s32 v4, $0x0;
	vm0 =	vgt.s32 v13, $0x0;
	v11 =	vadd.s32 $0xFFFFFFFF, v4  }
0x1e2: {  	vm1 =	vgt.s32 v12, $0x0;
	vm3 =	vgt.s32 v11, $0x0;
	vm4 =	vge.s32 v10, v3  }
0x1e3: {  	s3 =	sadd.s32 $0x40, s3;
	vm4 =	vmand vm2, vm4;
	vm5 =	vge.s32 v9, v3;
	vm2 =	vge.s32 v8, v3  }
.LBB2_77:
.Ltmp10:
0x1e4: {  	v8 =	vsel vm4, $0x1, v0;
	vm3 =	vmand vm3, vm5;
	vm15 =	vge.s32 v7, v3;
	(pc) =	sbr.rel .LBB2_14-.Ltmp10, $4  }
0x1e5: {  	v6 =	vadd.s32 v8, v6;
	v7 =	vsel vm3, $0x1, v0;
	vm1 =	vmand vm1, vm15  }
0x1e6: {  	vm0 =	vmand vm0, vm2;
	v6 =	vadd.s32 v7, v6;
	v7 =	vsel vm1, $0x1, v0  }
0x1e7: {  	v8 =	vsel vm0, $0x1, v0;
	v7 =	vadd.s32 v7, v6  }
0x1e8: {  	v6 =	vadd.s32 $0xFFFFFFFC, v4;
	v4 =	vadd.s32 v8, v7  }
.LBB2_13:
0x1e9: {  	v4 =	vimm.s32 $0x0;
	v6 =	vmov v5  }
.LBB2_14:
.Ltmp11:
0x1ea: {  	(pc) =	sbr.rel @p2 .LBB2_16-.Ltmp11, $2  }
0x1eb: {  	_ =	sdelay $0x2  }
0x1ec: {  	s1 =	smov.u32 s28;
	s3 =	smov.u32 s26  }
.LBB2_15:
0x1ed: {  	v7 =	vld [tilespmem:s1+$0x0];
	_ =	sdelay $0x2  }
0x1ee: {  	p3 =	sne.s32 s3, $0x1  }
.Ltmp12:
0x1ef: {  	_ = 	snop;
	(pc) =	sbr.rel @p3 .LBB2_15-.Ltmp12, $4  }
0x1f0: {  	vm1 =	vgt.s32 v6, $0x0;
	vm0 =	vge.s32 v7, v3  }
0x1f1: {  	vm0 =	vmand vm1, vm0  }
0x1f2: {  	v7 =	vsel vm0, $0x1, v0  }
0x1f3: {  	v6 =	vadd.s32 $0xFFFFFFFF, v6;
	s1 =	sadd.s32 $0x10, s1;
	s3 =	sadd.s32 $0xFFFFFFFF, s3;
	v4 =	vadd.s32 v7, v4  }
.Ltmp13:
0x1f4: {  	_ = 	snop;
	(pc) =	sbr.rel .LBB2_16-.Ltmp13, $1  }
0x1f5: {  	_ =	sdelay $0x3  }
.LBB2_17:
0x1f6: {  	s24 =	simm.s32 $0x80  }
0x1f7: {  	s1 =	sld [smem:$0x7FD];
	v4 =	vld [tilespmem:s24+$0x70]  }
0x1f8: {  	s0 =	sshll.u32 s23, $0x15;
	v5 =	vld [tilespmem:s24+$0xFFFFFF90]  }
0x1f9: {  	s0 =	sor.u32 s0, s29;
	v6 =	vld [tilespmem:s24+$0xFFFFFFA0]  }
0x1fa: {  	v7 =	vld [tilespmem:s24+$0xFFFFFFB0];
	s0 =	simm.s32 @!p1 $0x0;
	p0 =	seq.s32 s1, $0x1  }
0x1fb: {  	v8 =	vld [tilespmem:s24+$0xFFFFFFC0];
	s0 =	simm.s32 @!p0 $0x0  }
0x1fc: {  	v9 =	vld [tilespmem:s24+$0xFFFFFFD0];
	v3 =	vmov s0;
	v4 =	vmax.f32 v4, $0.0e+00  }
0x1fd: {  	v10 =	vld [tilespmem:s24+$0xFFFFFFE0];
	v5 =	vmax.f32 v5, $0.0e+00;
	vm0 =	vgt.s32 v3, v4  }
0x1fe: {  	v11 =	vld [tilespmem:s24+$0xFFFFFFF0];
	v6 =	vmax.f32 v6, $0.0e+00;
	vm1 =	vgt.s32 v3, v5;
	v4 =	vsel vm0, $0x0, v4  }
0x1ff: {  	v12 =	vld [tilespmem:s24+$0x0];
	v7 =	vmax.f32 v7, $0.0e+00;
	v5 =	vsel vm1, $0x0, v5;
	vm0 =	vgt.s32 v3, v6;
	[tilespmem:s24+$0x70] =	vst v4  }
0x200: {  	[tilespmem:s24+$0xFFFFFF90] =	vst v5;
	v4 =	vsel vm0, $0x0, v6;
	vm0 =	vgt.s32 v3, v7;
	v5 =	vmax.f32 v8, $0.0e+00;
	v8 =	vld [tilespmem:s24+$0x10]  }
0x201: {  	v13 =	vld [tilespmem:s24+$0x20];
	v6 =	vmax.f32 v9, $0.0e+00;
	[tilespmem:s24+$0xFFFFFFA0] =	vst v4;
	v4 =	vsel vm0, $0x0, v7;
	vm0 =	vgt.s32 v3, v5  }
0x202: {  	v7 =	vmax.f32 v10, $0.0e+00;
	[tilespmem:s24+$0xFFFFFFB0] =	vst v4;
	v5 =	vsel vm0, $0x0, v5;
	vm0 =	vgt.s32 v3, v6;
	v4 =	vld [tilespmem:s24+$0x30]  }
0x203: {  	v9 =	vmax.f32 v11, $0.0e+00;
	[tilespmem:s24+$0xFFFFFFC0] =	vst v5;
	v6 =	vsel vm0, $0x0, v6;
	vm0 =	vgt.s32 v3, v7;
	v5 =	vld [tilespmem:s24+$0x40]  }
0x204: {  	v10 =	vmax.f32 v12, $0.0e+00;
	[tilespmem:s24+$0xFFFFFFD0] =	vst v6;
	v7 =	vsel vm0, $0x0, v7;
	vm0 =	vgt.s32 v3, v9;
	v6 =	vld [tilespmem:s24+$0x50]  }
0x205: {  	[tilespmem:s24+$0xFFFFFFE0] =	vst v7;
	v11 =	vsel vm0, $0x0, v9;
	vm0 =	vgt.s32 v3, v10;
	v9 =	vmax.f32 v8, $0.0e+00;
	v7 =	vld [tilespmem:s24+$0x60]  }
0x206: {  	s23 =	simm.s32 $0x180;
	s0 =	simm.s32 $0x0;
	v8 =	vld [tilespmem:s24+$0xFFFFFF80];
	[tilespmem:s24+$0xFFFFFFF0] =	vst v11;
	v11 =	vsel vm0, $0x0, v10;
	vm0 =	vgt.s32 v3, v9;
	v10 =	vmax.f32 v13, $0.0e+00  }
.LBB2_18:
0x207: {  	v12 =	vld [tilespmem:s23+$0x70];
	s0 =	sadd.s32 $0x10, s0;
	[tilespmem:s24+$0x0] =	vst v11;
	v9 =	vsel vm0, $0x0, v9;
	vm0 =	vgt.s32 v3, v10;
	v4 =	vmax.f32 v4, $0.0e+00  }
0x208: {  	v11 =	vld [tilespmem:s23+$0xFFFFFF90];
	p0 =	slt.u32 s0, $0x7F0;
	[tilespmem:s24+$0x10] =	vst v9;
	v9 =	vsel vm0, $0x0, v10;
	vm0 =	vgt.s32 v3, v4;
	v5 =	vmax.f32 v5, $0.0e+00  }
0x209: {  	v10 =	vld [tilespmem:s23+$0xFFFFFFA0];
	[tilespmem:s24+$0x20] =	vst v9;
	v4 =	vsel vm0, $0x0, v4;
	vm0 =	vgt.s32 v3, v5;
	v6 =	vmax.f32 v6, $0.0e+00  }
0x20a: {  	v9 =	vld [tilespmem:s23+$0xFFFFFFB0];
	[tilespmem:s24+$0x30] =	vst v4;
	v4 =	vsel vm0, $0x0, v5;
	vm0 =	vgt.s32 v3, v6;
	v5 =	vmax.f32 v7, $0.0e+00  }
0x20b: {  	v7 =	vld [tilespmem:s23+$0xFFFFFFC0];
	v8 =	vmax.f32 v8, $0.0e+00;
	[tilespmem:s24+$0x40] =	vst v4;
	v4 =	vsel vm0, $0x0, v6;
	vm0 =	vgt.s32 v3, v5  }
0x20c: {  	v6 =	vld [tilespmem:s23+$0xFFFFFFD0];
	v12 =	vmax.f32 v12, $0.0e+00;
	vm1 =	vgt.s32 v3, v8;
	[tilespmem:s24+$0x50] =	vst v4;
	v4 =	vsel vm0, $0x0, v5  }
0x20d: {  	v5 =	vmax.f32 v11, $0.0e+00;
	v11 =	vld [tilespmem:s23+$0xFFFFFFE0];
	vm0 =	vgt.s32 v3, v12;
	v8 =	vsel vm1, $0x0, v8;
	[tilespmem:s24+$0x60] =	vst v4  }
0x20e: {  	vm1 =	vgt.s32 v3, v5;
	v4 =	vmax.f32 v10, $0.0e+00;
	v10 =	vld [tilespmem:s23+$0xFFFFFFF0];
	v12 =	vsel vm0, $0x0, v12;
	[tilespmem:s24+$0xFFFFFF80] =	vst v8;
	s24 =	smov.u32 s23  }
0x20f: {  	v5 =	vsel vm1, $0x0, v5;
	vm0 =	vgt.s32 v3, v4;
	v8 =	vmax.f32 v9, $0.0e+00;
	v9 =	vld [tilespmem:s23+$0x0];
	[tilespmem:s23+$0x70] =	vst v12  }
0x210: {  	[tilespmem:s23+$0xFFFFFF90] =	vst v5;
	v4 =	vsel vm0, $0x0, v4;
	vm0 =	vgt.s32 v3, v8;
	v5 =	vmax.f32 v7, $0.0e+00;
	v7 =	vld [tilespmem:s23+$0x10]  }
0x211: {  	[tilespmem:s23+$0xFFFFFFA0] =	vst v4;
	v4 =	vsel vm0, $0x0, v8;
	vm0 =	vgt.s32 v3, v5;
	v6 =	vmax.f32 v6, $0.0e+00;
	v12 =	vld [tilespmem:s23+$0x20]  }
.Ltmp14:
0x212: {  	[tilespmem:s23+$0xFFFFFFB0] =	vst v4;
	v5 =	vsel vm0, $0x0, v5;
	vm0 =	vgt.s32 v3, v6;
	v8 =	vmax.f32 v11, $0.0e+00;
	v4 =	vld [tilespmem:s23+$0x30];
	(pc) =	sbr.rel @p0 .LBB2_18-.Ltmp14, $4  }
0x213: {  	[tilespmem:s23+$0xFFFFFFC0] =	vst v5;
	v6 =	vsel vm0, $0x0, v6;
	vm0 =	vgt.s32 v3, v8;
	v10 =	vmax.f32 v10, $0.0e+00;
	v5 =	vld [tilespmem:s23+$0x40]  }
0x214: {  	[tilespmem:s23+$0xFFFFFFD0] =	vst v6;
	v8 =	vsel vm0, $0x0, v8;
	vm0 =	vgt.s32 v3, v10;
	v11 =	vmax.f32 v9, $0.0e+00;
	v6 =	vld [tilespmem:s23+$0x50]  }
0x215: {  	[tilespmem:s23+$0xFFFFFFE0] =	vst v8;
	v10 =	vsel vm0, $0x0, v10;
	vm0 =	vgt.s32 v3, v11;
	v9 =	vmax.f32 v7, $0.0e+00;
	v7 =	vld [tilespmem:s23+$0x60]  }
0x216: {  	s23 =	sadd.s32 $0x100, s23;
	v8 =	vld [tilespmem:s24+$0xFFFFFF80];
	[tilespmem:s24+$0xFFFFFFF0] =	vst v10;
	v11 =	vsel vm0, $0x0, v11;
	vm0 =	vgt.s32 v3, v9;
	v10 =	vmax.f32 v12, $0.0e+00  }
0x217: {  	[tilespmem:s24+$0x0] =	vst v11;
	v9 =	vsel vm0, $0x0, v9;
	vm11 =	vgt.s32 v3, v10;
	v4 =	vmax.f32 v4, $0.0e+00  }
0x218: {  	[tilespmem:s24+$0x10] =	vst v9;
	v58 =	vsel vm11, $0x0, v10;
	vm12 =	vgt.s32 v3, v4;
	v5 =	vmax.f32 v5, $0.0e+00  }
0x219: {  	[tilespmem:s24+$0x20] =	vst v58;
	v4 =	vsel vm12, $0x0, v4;
	vm13 =	vgt.s32 v3, v5;
	v6 =	vmax.f32 v6, $0.0e+00  }
0x21a: {  	[tilespmem:s24+$0x30] =	vst v4;
	v59 =	vsel vm13, $0x0, v5;
	vm14 =	vgt.s32 v3, v6;
	v60 =	vmax.f32 v7, $0.0e+00  }
0x21b: {  	v61 =	vmax.f32 v8, $0.0e+00;
	[tilespmem:s24+$0x40] =	vst v59;
	v62 =	vsel vm14, $0x0, v6;
	vm15 =	vgt.s32 v3, v60  }
0x21c: {  	vm1 =	vgt.s32 v3, v61;
	[tilespmem:s24+$0x50] =	vst v62;
	v3 =	vsel vm15, $0x0, v60  }
0x21d: {  	v63 =	vsel vm1, $0x0, v61;
	[tilespmem:s24+$0x60] =	vst v3  }
0x21e: {  	[tilespmem:s24+$0xFFFFFF80] =	vst v63  }
0x21f: {  	[hbm4b:s5+s12] =	stream.strided.scatter [tilespmem:s2], [sflag:$0x3], $0x8000, s13, s12, $0x38;
	[tilespmem:$0x1C000] =	vst v63  }
0x220: {  	_ =	swait.ge [sflag:s19], $0x8000  }
0x221: {  	[sflag:s19] =	ssyncset.done $0x0  }
0x222: {  	[sflag:s19] =	ssyncadd.s32 $0xFFFF8000  }
0x223: {  	_ =	swait.ge [sflag:s20], $0x8000  }
0x224: {  	[sflag:s20] =	ssyncset.done $0x0  }
0x225: {  	s1 =	simm.s32 $0x10080;
	[sflag:s20] =	ssyncadd.s32 $0xFFFF8000  }
0x226: {  	[tilespmem:s2], [sflag:$0x1] =	stream.strided.gather [hbm4b:s6+s12], $0x8000, s13, s12, $0x38;
	[tilespmem:$0x1C000] =	vst v63  }
0x227: {  	[tilespmem:s1+$0xFFFFFF80] =	vst v0  }
0x228: {  	[tilespmem:s1+$0x70] =	vst v0  }
0x229: {  	[tilespmem:s1+$0x60] =	vst v0  }
0x22a: {  	[tilespmem:s1+$0x50] =	vst v0  }
0x22b: {  	[tilespmem:s1+$0x40] =	vst v0  }
0x22c: {  	[tilespmem:s1+$0x30] =	vst v0  }
0x22d: {  	[tilespmem:s1+$0x20] =	vst v0  }
0x22e: {  	[tilespmem:s1+$0x10] =	vst v0  }
0x22f: {  	[tilespmem:s1+$0x0] =	vst v0  }
0x230: {  	[tilespmem:s1+$0xFFFFFFF0] =	vst v0  }
0x231: {  	[tilespmem:s1+$0xFFFFFFE0] =	vst v0  }
0x232: {  	[tilespmem:s1+$0xFFFFFFD0] =	vst v0  }
0x233: {  	[tilespmem:s1+$0xFFFFFFC0] =	vst v0  }
0x234: {  	[tilespmem:s1+$0xFFFFFFB0] =	vst v0  }
0x235: {  	s3 =	simm.s32 $0x0;
	[tilespmem:s1+$0xFFFFFFA0] =	vst v0  }
.LBB2_20:
0x236: {  	s3 =	sadd.s32 $0x10, s3;
	[tilespmem:s1+$0xFFFFFF90] =	vst v0;
	s1 =	sadd.s32 $0x100, s1;
	s0 =	simm.s32 $0x8080  }
0x237: {  	[tilespmem:s1+$0xFFFFFF80] =	vst v0;
	p0 =	slt.u32 s3, $0x3F0  }
0x238: {  	[tilespmem:s1+$0x70] =	vst v0  }
0x239: {  	[tilespmem:s1+$0x60] =	vst v0  }
0x23a: {  	[tilespmem:s1+$0x50] =	vst v0  }
0x23b: {  	[tilespmem:s1+$0x40] =	vst v0  }
0x23c: {  	[tilespmem:s1+$0x30] =	vst v0  }
0x23d: {  	[tilespmem:s1+$0x20] =	vst v0  }
0x23e: {  	[tilespmem:s1+$0x10] =	vst v0  }
0x23f: {  	[tilespmem:s1+$0x0] =	vst v0  }
0x240: {  	[tilespmem:s1+$0xFFFFFFF0] =	vst v0  }
.Ltmp15:
0x241: {  	[tilespmem:s1+$0xFFFFFFE0] =	vst v0;
	(pc) =	sbr.rel @p0 .LBB2_20-.Ltmp15, $4  }
0x242: {  	[tilespmem:s1+$0xFFFFFFD0] =	vst v0  }
0x243: {  	[tilespmem:s1+$0xFFFFFFC0] =	vst v0  }
0x244: {  	[tilespmem:s1+$0xFFFFFFB0] =	vst v0  }
0x245: {  	[tilespmem:s1+$0xFFFFFFA0] =	vst v0  }
0x246: {  	[tilespmem:s1+$0xFFFFFF90] =	vst v0  }
0x247: {  	v9 =	vld [tilespmem:s0+$0x40]  }
0x248: {  	v7 =	vld [tilespmem:s0+$0xFFFFFF80]  }
0x249: {  	v10 =	vld [tilespmem:s0+$0x0]  }
0x24a: {  	v11 =	vld [tilespmem:s0+$0x10]  }
0x24b: {  	v5 =	vld [tilespmem:s0+$0xFFFFFFC0]  }
0x24c: {  	v6 =	vld [tilespmem:s0+$0xFFFFFFE0]  }
0x24d: {  	v14 =	vld [tilespmem:s0+$0x30]  }
0x24e: {  	v19 =	vld [tilespmem:s0+$0x20]  }
0x24f: {  	v17 =	vld [tilespmem:s0+$0xFFFFFF90]  }
0x250: {  	v4 =	vmax.f32 v9, $0.0e+00;
	vm1 =	vgt.f32 v10, $0.0e+00;
	vm5 =	vgt.f32 v9, $0.0e+00  }
0x251: {  	v21 =	vmax.f32 v7, $0.0e+00;
	v15 =	vmax.f32 v11, $0.0e+00;
	v10 =	vmax.f32 v10, $0.0e+00  }
0x252: {  	v8 =	vld [tilespmem:s0+$0xFFFFFFF0];
	v20 =	vmax.f32 v6, $0.0e+00;
	vm6 =	vgt.f32 v11, $0.0e+00;
	v11 =	vmax.f32 v5, $0.0e+00  }
0x253: {  	v3 =	vld [tilespmem:s0+$0xFFFFFFD0];
	vm3 =	vgt.f32 v14, $0.0e+00;
	v14 =	vmax.f32 v14, $0.0e+00;
	vm4 =	vgt.f32 v19, $0.0e+00  }
0x254: {  	v9 =	vld [tilespmem:s0+$0xFFFFFFA0];
	vm0 =	vgt.f32 v17, $0.0e+00;
	v63 =	vmax.f32 v19, $0.0e+00;
	v4 =	vshrl.u32 v4, $0x11  }
0x255: {  	v11 =	vshrl.u32 v11, $0x11;
	v14 =	vshrl.u32 v14, $0x11;
	v12 =	vand.u32 $0x3FF0, v4;
	v4 =	vld [tilespmem:s0+$0xFFFFFFB0]  }
0x256: {  	v18 =	vshrl.u32 v10, $0x11;
	v20 =	vshrl.u32 v20, $0x11;
	v11 =	vand.u32 $0x3FF0, v11  }
0x257: {  	v14 =	vand.u32 $0x3FF0, v14;
	v23 =	vor.u32 v1, v12;
	v12 =	vmax.f32 v8, $0.0e+00  }
0x258: {  	v13 =	vshrl.u32 v12, $0x11;
	v12 =	vshrl.u32 v15, $0x11;
	v15 =	vmax.f32 v3, $0.0e+00  }
0x259: {  	v16 =	vmax.f32 v9, $0.0e+00;
	vm2 =	vgt.f32 v9, $0.0e+00;
	v9 =	vand.u32 $0x3FF0, v12  }
0x25a: {  	v24 =	vshrl.u32 v15, $0x11;
	v22 =	vor.u32 v1, v9;
	v15 =	vmax.f32 v4, $0.0e+00  }
0x25b: {  	v12 =	vmax.f32 v17, $0.0e+00;
	v9 =	vshrl.u32 v16, $0x11;
	v16 =	vshrl.u32 v15, $0x11;
	v15 =	vld [tilespmem:s0+$0x60]  }
0x25c: {  	v19 =	vor.u32 v1, v14;
	v17 =	vld [tilespmem:s0+$0x70];
	v25 =	vshrl.u32 v12, $0x11;
	v12 =	vor.u32 v1, v11  }
0x25d: {  	v14 =	vand.u32 $0x3FF0, v24;
	v9 =	vand.u32 $0x3FF0, v9;
	v10 =	vand.u32 $0x3FF0, v25;
	[tilespmem:v23+s16+$0x0] =	vst.idx.add.s32.msk vm5, v2  }
0x25e: {  	v9 =	vor.u32 v1, v9;
	v10 =	vor.u32 v1, v10;
	v11 =	vand.u32 $0x3FF0, v16;
	v16 =	vld [tilespmem:s0+$0x50]  }
0x25f: {  	s24 =	simm.s32 $0x0;
	s25 =	simm.s32 $0x8180;
	v11 =	vor.u32 v1, v11;
	[tilespmem:v22+s16+$0x0] =	vst.idx.add.s32.msk vm6, v2;
	v22 =	vshrl.u32 v21, $0x11;
	v21 =	vshrl.u32 v63, $0x11  }
.LBB2_22:
0x260: {  	v23 =	vld [tilespmem:s25+$0xFFFFFFB0];
	s24 =	sadd.s32 $0x10, s24;
	v22 =	vand.u32 $0x3FF0, v22;
	v20 =	vand.u32 $0x3FF0, v20;
	v24 =	vmax.f32 v15, $0.0e+00  }
0x261: {  	vm6 =	vgt.f32 v7, $0.0e+00;
	v7 =	vand.u32 $0x3FF0, v21;
	v25 =	vld [tilespmem:s25+$0x40];
	p0 =	slt.u32 s24, $0x7F0;
	v21 =	vshrl.u32 v24, $0x11  }
0x262: {  	vm5 =	vgt.f32 v15, $0.0e+00;
	v26 =	vor.u32 v1, v7;
	v24 =	vld [tilespmem:s25+$0xFFFFFFD0];
	v7 =	vand.u32 $0x3FF0, v21  }
0x263: {  	v18 =	vand.u32 $0x3FF0, v18;
	v15 =	vor.u32 v1, v22;
	[tilespmem:v19+s16+$0x0] =	vst.idx.add.s32.msk vm3, v2;
	v19 =	vor.u32 v1, v7  }
0x264: {  	v18 =	vor.u32 v1, v18;
	v21 =	vmax.f32 v16, $0.0e+00;
	v22 =	vmax.f32 v17, $0.0e+00;
	v7 =	vld [tilespmem:s25+$0xFFFFFF80]  }
0x265: {  	vm3 =	vgt.f32 v16, $0.0e+00;
	v16 =	vshrl.u32 v21, $0x11;
	v21 =	vshrl.u32 v22, $0x11;
	v27 =	vld [tilespmem:s25+$0xFFFFFFA0]  }
0x266: {  	vm7 =	vmmov vm2;
	v16 =	vand.u32 $0x3FF0, v16;
	v21 =	vand.u32 $0x3FF0, v21;
	v22 =	vld [tilespmem:s25+$0xFFFFFF90]  }
0x267: {  	v16 =	vor.u32 v1, v16;
	[tilespmem:v26+s16+$0x0] =	vst.idx.add.s32.msk vm4, v2  }
0x268: {  	v14 =	vor.u32 v1, v14;
	v28 =	vmax.f32 v25, $0.0e+00;
	v26 =	vld [tilespmem:s25+$0xFFFFFFC0]  }
0x269: {  	v28 =	vshrl.u32 v28, $0x11;
	[tilespmem:v18+s16+$0x0] =	vst.idx.add.s32.msk vm1, v2;
	vm1 =	vgt.f32 v17, $0.0e+00  }
0x26a: {  	v13 =	vand.u32 $0x3FF0, v13;
	v21 =	vor.u32 v1, v21;
	v18 =	vand.u32 $0x3FF0, v28;
	v17 =	vld [tilespmem:s25+$0xFFFFFFE0]  }
0x26b: {  	v13 =	vor.u32 v1, v13;
	v28 =	vld [tilespmem:s25+$0xFFFFFFF0]  }
0x26c: {  	vm11 =	vgt.f32 v8, $0.0e+00;
	v29 =	vld [tilespmem:s25+$0x0]  }
0x26d: {  	v30 =	vld [tilespmem:s25+$0x10]  }
0x26e: {  	vm10 =	vgt.f32 v6, $0.0e+00;
	v31 =	vld [tilespmem:s25+$0x30]  }
0x26f: {  	vm2 =	vgt.f32 v5, $0.0e+00;
	v20 =	vor.u32 v1, v20;
	v5 =	vmovc v26;
	[tilespmem:v21+s16+$0x0] =	vst.idx.add.s32.msk vm1, v2;
	v6 =	vmov v17  }
0x270: {  	vm9 =	vgt.f32 v4, $0.0e+00;
	v4 =	vmovc v23;
	vm4 =	vgt.f32 v3, $0.0e+00;
	v3 =	vmovc v24;
	v17 =	vld [tilespmem:s25+$0x20];
	v8 =	vmov v28  }
0x271: {  	vm8 =	vgt.f32 v25, $0.0e+00;
	v23 =	vor.u32 v1, v18;
	vm1 =	vgt.f32 v29, $0.0e+00;
	[tilespmem:v16+s16+$0x0] =	vst.idx.add.s32.msk vm3, v2  }
0x272: {  	v21 =	vmax.f32 v7, $0.0e+00;
	v16 =	vmax.f32 v8, $0.0e+00;
	v18 =	vmax.f32 v30, $0.0e+00;
	[tilespmem:v13+s16+$0x0] =	vst.idx.add.s32.msk vm11, v2  }
0x273: {  	v13 =	vshrl.u32 v16, $0x11;
	v16 =	vmax.f32 v29, $0.0e+00;
	v18 =	vshrl.u32 v18, $0x11;
	[tilespmem:v15+s16+$0x0] =	vst.idx.add.s32.msk vm6, v2  }
0x274: {  	v24 =	vmax.f32 v6, $0.0e+00;
	v15 =	vmax.f32 v3, $0.0e+00;
	vm6 =	vgt.f32 v30, $0.0e+00;
	[tilespmem:v20+s16+$0x0] =	vst.idx.add.s32.msk vm10, v2  }
0x275: {  	vm3 =	vgt.f32 v31, $0.0e+00;
	v20 =	vmax.f32 v5, $0.0e+00;
	v25 =	vshrl.u32 v15, $0x11;
	[tilespmem:v12+s16+$0x0] =	vst.idx.add.s32.msk vm2, v2  }
0x276: {  	v12 =	vmax.f32 v4, $0.0e+00;
	v15 =	vshrl.u32 v20, $0x11;
	v20 =	vmax.f32 v31, $0.0e+00;
	[tilespmem:v19+s16+$0x0] =	vst.idx.add.s32.msk vm5, v2  }
0x277: {  	v18 =	vand.u32 $0x3FF0, v18;
	vm2 =	vgt.f32 v27, $0.0e+00;
	v19 =	vmax.f32 v27, $0.0e+00;
	[tilespmem:v14+s16+$0x0] =	vst.idx.add.s32.msk vm4, v2  }
0x278: {  	v26 =	vor.u32 v1, v18;
	v15 =	vand.u32 $0x3FF0, v15;
	v14 =	vmax.f32 v22, $0.0e+00;
	[tilespmem:v9+s16+$0x0] =	vst.idx.add.s32.msk vm7, v2  }
0x279: {  	vm4 =	vgt.f32 v17, $0.0e+00;
	v9 =	vshrl.u32 v19, $0x11;
	v19 =	vshrl.u32 v12, $0x11;
	[tilespmem:v11+s16+$0x0] =	vst.idx.add.s32.msk vm9, v2  }
0x27a: {  	v11 =	vshrl.u32 v14, $0x11;
	v9 =	vand.u32 $0x3FF0, v9;
	v14 =	vshrl.u32 v20, $0x11;
	[tilespmem:v10+s16+$0x0] =	vst.idx.add.s32.msk vm0, v2  }
.Ltmp16:
0x27b: {  	v18 =	vshrl.u32 v16, $0x11;
	v12 =	vor.u32 v1, v15;
	v9 =	vor.u32 v1, v9;
	v15 =	vld [tilespmem:s25+$0x60];
	(pc) =	sbr.rel @p0 .LBB2_22-.Ltmp16, $4  }
0x27c: {  	v10 =	vand.u32 $0x3FF0, v11;
	v11 =	vand.u32 $0x3FF0, v19;
	v14 =	vand.u32 $0x3FF0, v14;
	v16 =	vld [tilespmem:s25+$0x50]  }
0x27d: {  	vm0 =	vgt.f32 v22, $0.0e+00;
	v11 =	vor.u32 v1, v11;
	[tilespmem:v26+s16+$0x0] =	vst.idx.add.s32.msk vm6, v2;
	v26 =	vmax.f32 v17, $0.0e+00  }
0x27e: {  	v20 =	vshrl.u32 v24, $0x11;
	v10 =	vor.u32 v1, v10;
	v19 =	vor.u32 v1, v14;
	v17 =	vld [tilespmem:s25+$0x70]  }
0x27f: {  	s23 =	simm.s32 $0x3F;
	s0 =	simm.s32 $0x13FF0;
	v22 =	vshrl.u32 v21, $0x11;
	v14 =	vand.u32 $0x3FF0, v25;
	v21 =	vshrl.u32 v26, $0x11;
	s25 =	sadd.s32 $0x100, s25;
	[tilespmem:v23+s16+$0x0] =	vst.idx.add.s32.msk vm8, v2  }
0x280: {  	_ =	sdelay $0x1  }
0x281: {  	v21 =	vand.u32 $0x3FF0, v21  }
0x282: {  	v18 =	vand.u32 $0x3FF0, v18;
	v21 =	vor.u32 v1, v21  }
0x283: {  	v13 =	vand.u32 $0x3FF0, v13;
	vm7 =	vgt.f32 v8, $0.0e+00;
	v18 =	vor.u32 v1, v18  }
0x284: {  	v22 =	vand.u32 $0x3FF0, v22;
	[tilespmem:v19+s16+$0x0] =	vst.idx.add.s32.msk vm3, v2;
	vm3 =	vgt.f32 v7, $0.0e+00;
	v7 =	vor.u32 v1, v13  }
0x285: {  	v8 =	vand.u32 $0x3FF0, v20;
	vm12 =	vgt.f32 v6, $0.0e+00;
	v61 =	vor.u32 v1, v22  }
0x286: {  	v60 =	vmax.f32 v15, $0.0e+00;
	vm13 =	vgt.f32 v5, $0.0e+00;
	[tilespmem:v10+s16+$0x0] =	vst.idx.add.s32.msk vm0, v2;
	v5 =	vor.u32 v1, v8  }
0x287: {  	vm8 =	vgt.f32 v15, $0.0e+00;
	vm14 =	vgt.f32 v3, $0.0e+00;
	vm2 =	vmmov vm2;
	[tilespmem:v21+s16+$0x0] =	vst.idx.add.s32.msk vm4, v2  }
0x288: {  	v3 =	vor.u32 v1, v14;
	vm15 =	vgt.f32 v4, $0.0e+00;
	v6 =	vshrl.u32 v60, $0x11;
	[tilespmem:v18+s16+$0x0] =	vst.idx.add.s32.msk vm1, v2  }
0x289: {  	v57 =	vmax.f32 v16, $0.0e+00;
	vm6 =	vgt.f32 v16, $0.0e+00;
	v6 =	vand.u32 $0x3FF0, v6;
	[tilespmem:v7+s16+$0x0] =	vst.idx.add.s32.msk vm7, v2  }
0x28a: {  	v23 =	vmax.f32 v17, $0.0e+00;
	vm5 =	vgt.f32 v17, $0.0e+00;
	v17 =	vshrl.u32 v57, $0x11;
	[tilespmem:v61+s16+$0x0] =	vst.idx.add.s32.msk vm3, v2  }
0x28b: {  	v6 =	vor.u32 v1, v6;
	v23 =	vshrl.u32 v23, $0x11;
	v58 =	vand.u32 $0x3FF0, v17;
	[tilespmem:v5+s16+$0x0] =	vst.idx.add.s32.msk vm12, v2  }
0x28c: {  	v23 =	vand.u32 $0x3FF0, v23;
	v16 =	vor.u32 v1, v58;
	[tilespmem:v12+s16+$0x0] =	vst.idx.add.s32.msk vm13, v2  }
0x28d: {  	v59 =	vor.u32 v1, v23;
	[tilespmem:v3+s16+$0x0] =	vst.idx.add.s32.msk vm14, v2  }
0x28e: {  	[tilespmem:v9+s16+$0x0] =	vst.idx.add.s32.msk vm2, v2  }
0x28f: {  	[tilespmem:v11+s16+$0x0] =	vst.idx.add.s32.msk vm15, v2  }
0x290: {  	[tilespmem:v6+s16+$0x0] =	vst.idx.add.s32.msk vm8, v2  }
0x291: {  	[tilespmem:v16+s16+$0x0] =	vst.idx.add.s32.msk vm6, v2  }
0x292: {  	[tilespmem:v59+s16+$0x0] =	vst.idx.add.s32.msk vm5, v2  }
0x293: {  	v3 =	vld [tilespmem:s0+$0xFFFFFF10]  }
0x294: {  	v4 =	vld [tilespmem:s0+$0xFFFFFF20]  }
0x295: {  	v5 =	vld [tilespmem:s0+$0xFFFFFF30]  }
0x296: {  	v6 =	vld [tilespmem:s0+$0xFFFFFF40]  }
0x297: {  	v7 =	vld [tilespmem:s0+$0xFFFFFF50]  }
0x298: {  	s3 =	simm.s32 $0x13EF0;
	v8 =	vld [tilespmem:s0+$0xFFFFFF60]  }
0x299: {  	v9 =	vld [tilespmem:s3+$0xFFFFFF10]  }
0x29a: {  	v10 =	vld [tilespmem:s3+$0xFFFFFF80]  }
0x29b: {  	v3 =	vadd.s32 v3, v4;
	v4 =	vld [tilespmem:s0+$0xFFFFFF70]  }
0x29c: {  	v3 =	vadd.s32 v5, v3;
	v5 =	vld [tilespmem:s0+$0xFFFFFF80]  }
0x29d: {  	v3 =	vadd.s32 v6, v3;
	v6 =	vld [tilespmem:s0+$0xFFFFFF90]  }
0x29e: {  	v3 =	vadd.s32 v7, v3;
	v7 =	vld [tilespmem:s0+$0xFFFFFFA0]  }
0x29f: {  	v3 =	vadd.s32 v8, v3;
	v8 =	vld [tilespmem:s0+$0xFFFFFFB0]  }
0x2a0: {  	v3 =	vadd.s32 v4, v3;
	v4 =	vld [tilespmem:s0+$0xFFFFFFC0]  }
0x2a1: {  	v3 =	vadd.s32 v5, v3;
	v5 =	vld [tilespmem:s0+$0xFFFFFFD0]  }
0x2a2: {  	v3 =	vadd.s32 v6, v3;
	v6 =	vld [tilespmem:s0+$0xFFFFFFE0]  }
0x2a3: {  	v3 =	vadd.s32 v7, v3;
	v7 =	vld [tilespmem:s0+$0xFFFFFFF0]  }
0x2a4: {  	v3 =	vadd.s32 v8, v3;
	v8 =	vld [tilespmem:s0+$0x0]  }
0x2a5: {  	v11 =	vld [tilespmem:s3+$0xFFFFFF90];
	v3 =	vadd.s32 v4, v3  }
0x2a6: {  	v4 =	vld [tilespmem:s3+$0xFFFFFF20];
	v3 =	vadd.s32 v5, v3  }
0x2a7: {  	v5 =	vld [tilespmem:s3+$0xFFFFFF30];
	v3 =	vadd.s32 v6, v3  }
0x2a8: {  	v6 =	vld [tilespmem:s3+$0xFFFFFF40];
	v3 =	vadd.s32 v7, v3  }
0x2a9: {  	v7 =	vld [tilespmem:s3+$0xFFFFFF50];
	v3 =	vadd.s32 v8, v3  }
0x2aa: {  	v8 =	vld [tilespmem:s3+$0xFFFFFF60];
	(xrf0) =	vadd.scan.msk.s32 $0xffff, v3  }
0x2ab: {  	v3 =	vld [tilespmem:s3+$0xFFFFFF70];
	v4 =	vadd.s32 v9, v4  }
0x2ac: {  	v12 =	vld [tilespmem:s3+$0xFFFFFFA0];
	v4 =	vadd.s32 v5, v4  }
0x2ad: {  	v9 =	vld [tilespmem:s3+$0xFFFFFFB0];
	v4 =	vadd.s32 v6, v4  }
0x2ae: {  	v5 =	vld [tilespmem:s3+$0xFFFFFFC0];
	v4 =	vadd.s32 v7, v4  }
0x2af: {  	v6 =	vld [tilespmem:s3+$0xFFFFFFD0];
	v4 =	vadd.s32 v8, v4  }
0x2b0: {  	v7 =	vld [tilespmem:s3+$0xFFFFFFE0];
	v3 =	vadd.s32 v3, v4;
	v62, _, _ =	vpop (xrf0)  }
0x2b1: {  	v8 =	vld [tilespmem:s3+$0xFFFFFFF0];
	v3 =	vadd.s32 v10, v3;
	(v2sf) =	vpush v62, $0xF  }
0x2b2: {  	s25 =	simm.s32 $0x13DF0;
	v4 =	vld [tilespmem:s3+$0x0];
	v3 =	vadd.s32 v11, v3  }
0x2b3: {  	v10 =	vld [tilespmem:s25+$0xFFFFFF10];
	v3 =	vadd.s32 v12, v3  }
0x2b4: {  	v11 =	vld [tilespmem:s25+$0xFFFFFF20];
	v3 =	vadd.s32 v9, v3  }
0x2b5: {  	v63 =	vld [tilespmem:s25+$0xFFFFFF30];
	v3 =	vadd.s32 v5, v3  }
0x2b6: {  	v9 =	vld [tilespmem:s25+$0xFFFFFF40];
	v3 =	vadd.s32 v6, v3  }
0x2b7: {  	v5 =	vld [tilespmem:s25+$0xFFFFFF50];
	v3 =	vadd.s32 v7, v3  }
0x2b8: {  	v6 =	vld [tilespmem:s25+$0xFFFFFF60];
	v3 =	vadd.s32 v8, v3  }
0x2b9: {  	v7 =	vadd.s32 v10, v11;
	v10 =	vld [tilespmem:s25+$0xFFFFFF70];
	v3 =	vadd.s32 v4, v3  }
0x2ba: {  	v7 =	vadd.s32 v63, v7;
	v8 =	vld [tilespmem:s25+$0xFFFFFF80];
	(xrf0) =	vadd.scan.msk.s32 $0xffff, v3  }
0x2bb: {  	v4 =	vadd.s32 v9, v7;
	v7 =	vld [tilespmem:s25+$0xFFFFFF90]  }
0x2bc: {  	v3 =	vadd.s32 v5, v4;
	v4 =	vld [tilespmem:s25+$0xFFFFFFA0]  }
0x2bd: {  	v3 =	vadd.s32 v6, v3;
	v6 =	vld [tilespmem:s25+$0xFFFFFFB0]  }
0x2be: {  	v9 =	vld [tilespmem:s25+$0xFFFFFFC0];
	v3 =	vadd.s32 v10, v3  }
0x2bf: {  	s24 =	simm.s32 $0x0;
	p0 =	por $0x0, $0x0;
	s29 =	simm.s32 $0x3E;
	v5 =	vadd.s32 v8, v3;
	v3 =	vld [tilespmem:s25+$0xFFFFFFD0]  }
0x2c0: {  	s28 =	simm.s32 $0x3D;
	s26 =	simm.s32 $0x3C;
	v7 =	vadd.s32 v7, v5;
	v5 =	vld [tilespmem:s25+$0xFFFFFFE0];
	v8, _, _ =	vpop (xrf0);
	s1 =	spop (v2sf)  }
0x2c1: {  	s30 =	simm.s32 $0x13CF0;
	p1 =	por !p0, !p0;
	v7 =	vadd.s32 v4, v7;
	v4 =	vld [tilespmem:s25+$0xFFFFFFF0];
	(v2sf) =	vpush v8, $0xF;
	s31 =	sadd.s32 $0x0, s1  }
0x2c2: {  	s0 =	simm.s32 $0x0;
	v10 =	vadd.s32 v6, v7;
	v6 =	vld [tilespmem:s25+$0x0];
	s25 =	simm.s32 $0x0;
	p2 =	sgt.s32 s31, $0x7FF  }
0x2c3: {  	s1 =	simm.s32 $0x3B;
	p3 =	por !p2, !p1;
	p0 =	por p0, p2  }
0x2c4: {  	v7 =	vld [tilespmem:s30+$0xFFFFFF10];
	v8 =	vadd.s32 v9, v10;
	p1 =	por !p0, !p0;
	s31 =	smov.u32 @p0 s24;
	p3 =	por !p3, !p3  }
.LBB2_24:
0x2c5: {  	s3 =	smov.u32 s31  }
0x2c6: {  	p2 =	seq.s32 s1, $0x0;
	v3 =	vadd.s32 v3, v8;
	s24 =	smov.u32 @p3 s23;
	s25 =	smov.u32 @p3 s0;
	v9 =	vld [tilespmem:s30+$0xFFFFFF20]  }
0x2c7: {  	s0 =	smov.u32 s31;
	s23 =	smov.u32 s29;
	s29 =	smov.u32 s28;
	v3 =	vadd.s32 v5, v3;
	v8 =	vld [tilespmem:s30+$0xFFFFFF30]  }
0x2c8: {  	s28 =	smov.u32 s26;
	s26 =	smov.u32 s1;
	v3 =	vadd.s32 v4, v3;
	v5 =	vld [tilespmem:s30+$0xFFFFFF40]  }
0x2c9: {  	v3 =	vadd.s32 v6, v3;
	v4 =	vld [tilespmem:s30+$0xFFFFFF50]  }
0x2ca: {  	v6 =	vld [tilespmem:s30+$0xFFFFFF60];
	(xrf0) =	vadd.scan.msk.s32 $0xffff, v3  }
0x2cb: {  	v3 =	vadd.s32 v7, v9;
	v7 =	vld [tilespmem:s30+$0xFFFFFF70]  }
0x2cc: {  	v3 =	vadd.s32 v8, v3;
	v8 =	vld [tilespmem:s30+$0xFFFFFF80]  }
0x2cd: {  	v3 =	vadd.s32 v5, v3;
	v5 =	vld [tilespmem:s30+$0xFFFFFF90]  }
0x2ce: {  	v3 =	vadd.s32 v4, v3;
	v4 =	vld [tilespmem:s30+$0xFFFFFFA0]  }
0x2cf: {  	v3 =	vadd.s32 v6, v3;
	v6 =	vld [tilespmem:s30+$0xFFFFFFB0]  }
0x2d0: {  	v3 =	vadd.s32 v7, v3;
	v9 =	vld [tilespmem:s30+$0xFFFFFFC0];
	v7, _, _ =	vpop (xrf0);
	s31 =	spop (v2sf)  }
.Ltmp17:
0x2d1: {  	v8 =	vadd.s32 v8, v3;
	v3 =	vld [tilespmem:s30+$0xFFFFFFD0];
	(v2sf) =	vpush v7, $0xF;
	s31 =	sadd.s32 s3, s31;
	(pc) =	sbr.rel @!p2 .LBB2_24-.Ltmp17, $4  }
0x2d2: {  	v7 =	vadd.s32 v5, v8;
	v5 =	vld [tilespmem:s30+$0xFFFFFFE0];
	p3 =	sgt.s32 s31, $0x7FF  }
0x2d3: {  	v7 =	vadd.s32 v4, v7;
	v4 =	vld [tilespmem:s30+$0xFFFFFFF0];
	p4 =	por !p3, !p1;
	p0 =	por p0, p3  }
0x2d4: {  	v8 =	vadd.s32 v6, v7;
	v6 =	vld [tilespmem:s30+$0x0];
	s30 =	sadd.s32 $0xFFFFFF00, s30;
	p1 =	por !p0, !p0;
	s31 =	smov.u32 @p0 s3  }
0x2d5: {  	s1 =	sadd.s32 $0xFFFFFFFF, s1;
	p3 =	por !p4, !p4;
	v7 =	vld [tilespmem:s30+$0xFFFFFF10];
	v8 =	vadd.s32 v9, v8  }
0x2d6: {  	v9 =	vld [tilespmem:s30+$0xFFFFFF20]  }
0x2d7: {  	v10 =	vld [tilespmem:s30+$0xFFFFFF30]  }
0x2d8: {  	v11 =	vld [tilespmem:s30+$0xFFFFFF40]  }
0x2d9: {  	v12 =	vld [tilespmem:s30+$0xFFFFFF50]  }
0x2da: {  	v13 =	vld [tilespmem:s30+$0xFFFFFF60]  }
0x2db: {  	v56 =	vld [tilespmem:s30+$0xFFFFFF70];
	v7 =	vadd.s32 v7, v9  }
0x2dc: {  	v57 =	vld [tilespmem:s30+$0xFFFFFF80];
	v7 =	vadd.s32 v10, v7  }
0x2dd: {  	v58 =	vld [tilespmem:s30+$0xFFFFFF90];
	v7 =	vadd.s32 v11, v7  }
0x2de: {  	v59 =	vld [tilespmem:s30+$0xFFFFFFA0];
	v7 =	vadd.s32 v12, v7  }
0x2df: {  	v60 =	vld [tilespmem:s30+$0xFFFFFFB0];
	v7 =	vadd.s32 v13, v7  }
0x2e0: {  	v61 =	vld [tilespmem:s30+$0xFFFFFFC0];
	v7 =	vadd.s32 v56, v7  }
0x2e1: {  	v62 =	vld [tilespmem:s30+$0xFFFFFFD0];
	v7 =	vadd.s32 v57, v7  }
0x2e2: {  	v3 =	vadd.s32 v3, v8;
	v63 =	vld [tilespmem:s30+$0xFFFFFFE0];
	v7 =	vadd.s32 v58, v7  }
0x2e3: {  	v3 =	vadd.s32 v5, v3;
	v5 =	vadd.s32 v59, v7;
	v7 =	vld [tilespmem:s30+$0xFFFFFFF0]  }
0x2e4: {  	v3 =	vadd.s32 v4, v3;
	v4 =	vadd.s32 v60, v5;
	v5 =	vld [tilespmem:s30+$0x0]  }
0x2e5: {  	v3 =	vadd.s32 v6, v3;
	v4 =	vadd.s32 v61, v4  }
0x2e6: {  	(xrf0) =	vadd.scan.msk.s32 $0xffff, v3;
	v3 =	vadd.s32 v62, v4  }
0x2e7: {  	v3 =	vadd.s32 v63, v3  }
0x2e8: {  	v3 =	vadd.s32 v7, v3  }
0x2e9: {  	v3 =	vadd.s32 v5, v3  }
0x2ea: {  	(xrf0) =	vadd.scan.msk.s32 $0xffff, v3;
	_ =	sdelay $0x1  }
0x2eb: {  	v3, _, _ =	vpop (xrf0)  }
0x2ec: {  	(v2sf) =	vpush v3, $0xF;
	_ =	sdelay $0x2  }
0x2ed: {  	v3, _, _ =	vpop (xrf0)  }
0x2ee: {  	(v2sf) =	vpush v3, $0xF;
	_ =	sdelay $0x6  }
0x2ef: {  	s1 =	spop (v2sf)  }
0x2f0: {  	s1 =	sadd.s32 s31, s1  }
0x2f1: {  	p2 =	sgt.s32 s1, $0x7FF  }
0x2f2: {  	p4 =	por p0, p2  }
0x2f3: {  	s1 =	smov.u32 @p4 s31;
	s3 =	spop (v2sf)  }
0x2f4: {  	s24 =	smov.u32 @p3 s23;
	s3 =	sadd.s32 s1, s3  }
0x2f5: {  	s25 =	smov.u32 @p3 s0;
	p1 =	por !p2, !p1;
	p5 =	sgt.s32 s3, $0x7FF  }
0x2f6: {  	p1 =	por !p1, !p1;
	p3 =	por !p4, !p4;
	p0 =	por p4, p5  }
0x2f7: {  	s24 =	smov.u32 @p1 s29;
	s3 =	smov.u32 @p0 s1;
	s23 =	spop (v2sf)  }
0x2f8: {  	s25 =	smov.u32 @p1 s31;
	p2 =	por !p5, !p3;
	s0 =	sadd.s32 s3, s23  }
0x2f9: {  	p4 =	por !p0, !p0;
	p1 =	por !p2, !p2;
	p5 =	sgt.s32 s0, $0x7FF  }
0x2fa: {  	s24 =	smov.u32 @p1 s28;
	p6 =	por !p5, !p4  }
0x2fb: {  	s25 =	smov.u32 @p1 s1;
	p0 =	por p0, p5;
	p1 =	por !p6, !p6  }
0x2fc: {  	s0 =	simm.s32 @!p0 $0x0;
	s24 =	smov.u32 @p1 s26  }
0x2fd: {  	s0 =	simm.s32 @p0 $0x1;
	s30 =	sshll.u32 s24, $0xA  }
0x2fe: {  	[smem:$0x7FB] =	sst s0;
	s0 =	sshra.s32 s30, $0x2  }
0x2ff: {  	s31 =	sadd.s32 $0x10000, s0  }
0x300: {  	v3 =	vmov s31;
	_ =	sdelay $0x3  }
0x301: {  	s25 =	smov.u32 @p1 s3;
	s3 =	simm.s32 $0xF0  }
0x302: {  	v4 =	vld.idx.msk [tilespmem:v3+s3+$0x0 ss:$0x1], $0xffff;
	_ =	sdelay $0x4  }
0x303: {  	(xrf0) =	vadd.scan.msk.s32 $0xffff, v4;
	_ =	sdelay $0x5  }
0x304: {  	s23 =	simm.s32 $0xE0;
	v4, _, _ =	vpop (xrf0)  }
0x305: {  	(v2sf) =	vpush v4, $0xF;
	v4 =	vld.idx.msk [tilespmem:v3+s23+$0x0 ss:$0x1], $0xffff;
	_ =	sdelay $0x2  }
0x306: {  	s26 =	simm.s32 $0xD0  }
0x307: {  	s28 =	simm.s32 $0xC0;
	v5 =	vld.idx.msk [tilespmem:v3+s26+$0x0 ss:$0x1], $0xffff  }
0x308: {  	v6 =	vld.idx.msk [tilespmem:v3+s28+$0x0 ss:$0x1], $0xffff;
	(xrf0) =	vadd.scan.msk.s32 $0xffff, v4;
	_ =	sdelay $0x3  }
0x309: {  	(xrf0) =	vadd.scan.msk.s32 $0xffff, v5  }
0x30a: {  	(xrf0) =	vadd.scan.msk.s32 $0xffff, v6  }
0x30b: {  	v4, _, _ =	vpop (xrf0)  }
0x30c: {  	(v2sf) =	vpush v4, $0xF;
	_ =	sdelay $0x2  }
0x30d: {  	v4, _, _ =	vpop (xrf0)  }
0x30e: {  	(v2sf) =	vpush v4, $0xF;
	v6, _, _ =	vpop (xrf0)  }
0x30f: {  	s29 =	simm.s32 $0xB0;
	s30 =	spop (v2sf);
	(v2sf) =	vpush v6, $0xF  }
0x310: {  	v5 =	vld.idx.msk [tilespmem:v3+s29+$0x0 ss:$0x1], $0xffff  }
0x311: {  	p3 =	por $0x0, $0x0  }
0x312: {  	p4 =	por !p3, !p3  }
0x313: {  	s0 =	sshllo.u32 s24, $0x4;
	s24 =	simm.s32 $0x0;
	s1 =	sadd.s32 s25, s30  }
0x314: {  	s31 =	simm.s32 $0xA0;
	s3 =	simm.s32 $0x240;
	p5 =	sgt.s32 s1, $0x7FF  }
0x315: {  	s23 =	simm.s32 $0x0;
	(xrf0) =	vadd.scan.msk.s32 $0xffff, v5;
	p6 =	por !p5, !p4;
	p1 =	por p3, p5  }
0x316: {  	v4 =	vld.idx.msk [tilespmem:v3+s31+$0x0 ss:$0x1], $0xffff;
	p2 =	por !p6, !p6;
	s1 =	smov.u32 @p1 s25;
	p0 =	por !p1, !p1  }
0x317: {  	s23 =	smov.u32 @p2 s0;
	s24 =	smov.u32 @p2 s25;
	s25 =	smov.u32 s1  }
.LBB2_26:
0x318: {  	s26 =	smov.u32 s1;
	p2 =	sne.s32 s3, $0x0  }
0x319: {  	s28 =	smov.u32 s3;
	s3 =	sadd.s32 $0xFFFFFFC0, s3;
	s1 =	spop (v2sf)  }
.Ltmp18:
0x31a: {  	s28 =	sshra.s32 s28, $0x2;
	s1 =	sadd.s32 s26, s1;
	(pc) =	sbr.rel @p2 .LBB2_26-.Ltmp18, $4  }
0x31b: {  	(xrf0) =	vadd.scan.msk.s32 $0xffff, v4;
	v4 =	vld.idx.msk [tilespmem:v3+s28+$0x0 ss:$0x1], $0xffff;
	v5, _, _ =	vpop (xrf0);
	p3 =	sgt.s32 s1, $0x7FF  }
0x31c: {  	s0 =	sadd.s32 $0xFFFFFFFF, s0;
	(v2sf) =	vpush v5, $0xF;
	p4 =	por !p3, !p0;
	p1 =	por p1, p3  }
0x31d: {  	p0 =	por !p1, !p1;
	p3 =	por !p4, !p4;
	s1 =	smov.u32 @p1 s26  }
0x31e: {  	s23 =	smov.u32 @p3 s0;
	s24 =	smov.u32 @p3 s25;
	s25 =	smov.u32 s1  }
0x31f: {  	s3 =	spop (v2sf)  }
0x320: {  	s26 =	sadd.s32 s1, s3  }
0x321: {  	p6 =	sgt.s32 s26, $0x7FF  }
0x322: {  	p0 =	por !p6, !p0  }
0x323: {  	(xrf0) =	vadd.scan.msk.s32 $0xffff, v4;
	p2 =	por p1, p6;
	p0 =	por !p0, !p0  }
0x324: {  	s26 =	smov.u32 @p2 s1;
	s1 =	simm.s32 @!p0 $0x0  }
0x325: {  	s31 =	simm.s32 $0x8080;
	v3, _, _ =	vpop (xrf0);
	s1 =	simm.s32 @p0 $0x1  }
0x326: {  	v4 =	vld [tilespmem:s31+$0x60];
	(v2sf) =	vpush v3, $0xF;
	[smem:$0x7FA] =	sst s1  }
0x327: {  	v5 =	vld [tilespmem:s31+$0x50]  }
0x328: {  	v6 =	vld [tilespmem:s31+$0x40]  }
0x329: {  	v3, _, _ =	vpop (xrf0);
	v7 =	vld [tilespmem:s31+$0x30]  }
0x32a: {  	(v2sf) =	vpush v3, $0xF;
	v10 =	vld [tilespmem:s31+$0x20]  }
0x32b: {  	v9 =	vld [tilespmem:s31+$0x10]  }
0x32c: {  	v11 =	vld [tilespmem:s31+$0x0]  }
0x32d: {  	s28 =	spop (v2sf);
	v12 =	vld [tilespmem:s31+$0xFFFFFFF0]  }
0x32e: {  	v8 =	vimm.s32 $0x0;
	s28 =	sadd.s32 s26, s28;
	vm0 =	vgt.f32 v4, $0.0e+00;
	v14 =	vld [tilespmem:s31+$0xFFFFFFE0]  }
0x32f: {  	v21 =	vimm.s32 $0x0;
	p1 =	sgt.s32 s28, $0x7FF;
	v4 =	vmax.f32 v4, $0.0e+00;
	v8 =	vsel vm0, $0xFFFFFFFF, v8;
	v15 =	vld [tilespmem:s31+$0xFFFFFFD0]  }
0x330: {  	p4 =	por p2, p1;
	v16 =	vld [tilespmem:s31+$0xFFFFFFC0];
	[tilespmem:$0x1FEB0] =	vst v8;
	v8 =	vimm.s32 $0x0;
	vm0 =	vgt.f32 v6, $0.0e+00;
	vm2 =	vgt.f32 v10, $0.0e+00  }
0x331: {  	s28 =	smov.u32 @p4 s26;
	s29 =	spop (v2sf);
	vm14 =	vgt.f32 v7, $0.0e+00;
	vm3 =	vgt.f32 v9, $0.0e+00;
	v6 =	vmax.f32 v6, $0.0e+00  }
0x332: {  	v17 =	vld [tilespmem:s31+$0xFFFFFFB0];
	s29 =	sadd.s32 s28, s29;
	vm8 =	vgt.f32 v12, $0.0e+00;
	vm6 =	vgt.f32 v11, $0.0e+00;
	v8 =	vsel vm0, $0xFFFFFFFF, v8  }
0x333: {  	s0 =	sadd.s32 $0xFFFFFFFF, s0;
	v7 =	vmax.f32 v7, $0.0e+00;
	p3 =	sgt.s32 s29, $0x7FF;
	vm0 =	vgt.f32 v5, $0.0e+00;
	[tilespmem:$0x1FE90] =	vst v8;
	v8 =	vimm.s32 $0x0  }
0x334: {  	p6 =	por !p2, !p2;
	s23 =	smov.u32 @p0 s0;
	vm4 =	vgt.f32 v14, $0.0e+00;
	v9 =	vmax.f32 v9, $0.0e+00;
	p5 =	por p4, p3;
	v8 =	vsel vm0, $0xFFFFFFFF, v8  }
0x335: {  	s0 =	sadd.s32 $0xFFFFFFFF, s0;
	v13 =	vmax.f32 v10, $0.0e+00;
	vm9 =	vgt.f32 v16, $0.0e+00;
	v10 =	vmax.f32 v11, $0.0e+00;
	s29 =	smov.u32 @p5 s28;
	[tilespmem:$0x1FEA0] =	vst v8;
	s30 =	spop (v2sf)  }
0x336: {  	p6 =	por !p1, !p6;
	p0 =	por !p4, !p4;
	v11 =	vmax.f32 v14, $0.0e+00;
	v18 =	vmax.f32 v12, $0.0e+00;
	v12 =	vmax.f32 v15, $0.0e+00;
	v19 =	vld [tilespmem:s31+$0xFFFFFFA0];
	s30 =	sadd.s32 s29, s30  }
0x337: {  	vm11 =	vgt.f32 v17, $0.0e+00;
	v14 =	vmax.f32 v17, $0.0e+00;
	v23 =	vshrl.u32 v7, $0x15;
	p4 =	por !p6, !p6;
	p0 =	por !p3, !p0;
	v22 =	vld [tilespmem:s31+$0xFFFFFF90];
	p2 =	sgt.s32 s30, $0x7FF  }
0x338: {  	v24 =	vshrl.u32 v6, $0x15;
	v25 =	vshrl.u32 v18, $0x15;
	s23 =	smov.u32 @p4 s0;
	s0 =	sadd.s32 $0xFFFFFFFF, s0;
	v8 =	vmax.f32 v5, $0.0e+00;
	v5 =	vld [tilespmem:s31+$0xFFFFFF80];
	p1 =	por p5, p2  }
0x339: {  	v26 =	vshrl.u32 v10, $0x15;
	v27 =	vshrl.u32 v9, $0x15;
	v29 =	vshrl.u32 v12, $0x15;
	p6 =	por !p5, !p5;
	s30 =	smov.u32 @p1 s29;
	s3 =	spop (v2sf)  }
0x33a: {  	v30 =	vshrl.u32 v11, $0x15;
	v34 =	vshrl.u32 v14, $0x15;
	v29 =	vand.u32 $0x3FF, v29;
	p5 =	por !p0, !p0;
	p2 =	por !p2, !p6;
	s1 =	sadd.s32 s30, s3  }
0x33b: {  	v25 =	vand.u32 $0x3FF, v25;
	vm0 =	vgt.f32 v15, $0.0e+00;
	v15 =	vmax.f32 v16, $0.0e+00;
	s23 =	smov.u32 @p5 s0;
	p6 =	por !p1, !p1;
	p3 =	sgt.s32 s1, $0x7FF  }
0x33c: {  	v26 =	vand.u32 $0x3FF, v26;
	v28 =	vshrl.u32 v15, $0x15;
	s0 =	sadd.s32 $0xFFFFFFFF, s0;
	p0 =	por !p2, !p2;
	vm12 =	vgt.f32 v22, $0.0e+00;
	p2 =	por !p3, !p6  }
0x33d: {  	s23 =	smov.u32 @p0 s0;
	s0 =	sadd.s32 $0xFFFFFFFF, s0;
	vm7 =	vgt.f32 v19, $0.0e+00;
	vm13 =	vgt.f32 v5, $0.0e+00;
	v20 =	vmax.f32 v5, $0.0e+00;
	p6 =	por !p2, !p2  }
0x33e: {  	v16 =	vmax.f32 v22, $0.0e+00;
	v17 =	vmax.f32 v19, $0.0e+00;
	v32 =	vshrl.u32 v20, $0x15;
	s23 =	smov.u32 @p6 s0  }
0x33f: {  	v31 =	vshrl.u32 v16, $0x15;
	v32 =	vand.u32 $0x3FF, v32;
	v3 =	vmov s23  }
0x340: {  	v33 =	vshrl.u32 v17, $0x15;
	v31 =	vand.u32 $0x3FF, v31;
	vm15 =	veq.s32 v32, v3  }
0x341: {  	v61 =	vand.u32 $0x3FF, v33;
	vm1 =	vmand vm13, vm15;
	vm13 =	veq.s32 v31, v3  }
0x342: {  	v31 =	vand.u32 $0x3FF, v34;
	vm13 =	vmand vm12, vm13;
	vm12 =	veq.s32 v61, v3  }
0x343: {  	v28 =	vand.u32 $0x3FF, v28;
	vm12 =	vmand vm7, vm12;
	vm7 =	veq.s32 v31, v3  }
0x344: {  	v23 =	vand.u32 $0x3FF, v23;
	vm15 =	vmand vm11, vm7;
	vm7 =	veq.s32 v28, v3  }
0x345: {  	v28 =	vand.u32 $0x3FF, v30;
	vm9 =	vmand vm9, vm7;
	vm7 =	veq.s32 v29, v3  }
0x346: {  	v5 =	vshrl.u32 v8, $0x15;
	vm5 =	vmand vm0, vm7;
	vm0 =	veq.s32 v28, v3  }
0x347: {  	v19 =	vshrl.u32 v4, $0x15;
	vm10 =	vmand vm4, vm0;
	vm0 =	veq.s32 v25, v3  }
0x348: {  	v22 =	vshrl.u32 v13, $0x15;
	vm11 =	vmand vm8, vm0;
	vm0 =	veq.s32 v26, v3;
	v26 =	vld [tilespmem:$0x1FE90]  }
0x349: {  	v19 =	vand.u32 $0x3FF, v19;
	v22 =	vand.u32 $0x3FF, v22;
	v25 =	vand.u32 $0x3FF, v27  }
0x34a: {  	vm8 =	vmmov vm15;
	vm15 =	vmand vm6, vm0;
	vm0 =	veq.s32 v25, v3  }
0x34b: {  	v30 =	vimm.s32 $0x0;
	vm0 =	vmand vm3, vm0;
	vm3 =	veq.s32 v22, v3  }
0x34c: {  	vm7 =	vmmov vm12;
	vm12 =	vmand vm2, vm3;
	vm2 =	veq.s32 v23, v3  }
0x34d: {  	v23 =	vimm.s32 $0x0;
	vm3 =	vmand vm14, vm2;
	vm2 =	vnez.u8 v26;
	v26 =	vld [tilespmem:$0x1FEA0]  }
0x34e: {  	v5 =	vand.u32 $0x3FF, v5;
	v30 =	vsel vm9, $0xFFFFFFFF, v30;
	v23 =	vsel vm1, $0xFFFFFFFF, v23  }
0x34f: {  	vm6 =	vmmov vm13;
	v22 =	vand.u32 $0x3FF, v24;
	[tilespmem:$0x1FE80] =	vst v23;
	v23 =	vsel vm1, $0x1, v0  }
0x350: {  	vm1 =	veq.s32 v22, v3;
	v22 =	vadd.s32 v23, v21;
	v23 =	vsel vm13, $0x1, v0  }
0x351: {  	[tilespmem:$0x1FEC0] =	vst v30;
	vm4 =	vmand vm2, vm1;
	vm1 =	veq.s32 v5, v3;
	v5 =	vsel vm8, $0x1, v0  }
0x352: {  	v24 =	vld [tilespmem:s31+$0x70];
	v21 =	vshll.u32 v21, $0x4;
	v25 =	vadd.s32 v23, v22;
	vm2 =	vnez.u8 v26  }
0x353: {  	v23 =	vsel vm7, $0x1, v0;
	vm13 =	vmand vm2, vm1;
	vm1 =	veq.s32 v19, v3;
	v19 =	vld [tilespmem:$0x1FEB0]  }
0x354: {  	v21 =	vor.u32 v1, v21;
	v22 =	vshll.u32 v22, $0x4;
	v37 =	vadd.s32 v23, v25  }
0x355: {  	v23 =	vadd.s32 v5, v37;
	v5 =	vsel vm9, $0x1, v0;
	vm9 =	vmmov vm5  }
0x356: {  	v27 =	vadd.s32 v5, v23;
	v5 =	vsel vm5, $0x1, v0;
	vm5 =	vmmov vm15  }
0x357: {  	v23 =	vshll.u32 v23, $0x4;
	v30 =	vadd.s32 v5, v27;
	v5 =	vsel vm10, $0x1, v0  }
0x358: {  	v27 =	vshll.u32 v27, $0x4;
	vm2 =	vnez.u8 v19;
	v19 =	vmax.f32 v24, $0.0e+00  }
0x359: {  	v29 =	vadd.s32 v5, v30;
	v5 =	vsel vm11, $0x1, v0;
	v26 =	vshrl.u32 v19, $0x15  }
0x35a: {  	vm14 =	vmand vm2, vm1;
	vm1 =	vgt.f32 v24, $0.0e+00;
	v26 =	vand.u32 $0x3FF, v26  }
0x35b: {  	v24 =	vadd.s32 v5, v29;
	v5 =	vsel vm15, $0x1, v0;
	vm2 =	veq.s32 v26, v3;
	v26 =	vld [tilespmem:$0x1FEC0]  }
0x35c: {  	v30 =	vshll.u32 v30, $0x4;
	v62 =	vadd.s32 v5, v24;
	v5 =	vsel vm0, $0x1, v0  }
0x35d: {  	s31 =	sld [smem:$0x7FA];
	v63 =	vsel vm14, $0x1, v0;
	v31 =	vadd.s32 v5, v62;
	v5 =	vsel vm12, $0x1, v0  }
0x35e: {  	v32 =	vshll.u32 v62, $0x4;
	v35 =	vadd.s32 v5, v31;
	v5 =	vsel vm3, $0x1, v0  }
0x35f: {  	vm15 =	vmand vm1, vm2;
	v36 =	vadd.s32 v5, v35;
	v5 =	vsel vm4, $0x1, v0  }
0x360: {  	p2 =	seq.s32 s31, $0x1;
	v5 =	vadd.s32 v5, v36;
	vm1 =	vnez.u8 v26;
	v26 =	vsel vm13, $0x1, v0  }
0x361: {  	s24 =	smov.u32 @p2 s25;
	vm2 =	vmmov vm9;
	v38 =	vsel vm15, $0x1, v0;
	v28 =	vadd.s32 v26, v5  }
0x362: {  	s24 =	smov.u32 @p4 s26;
	v26 =	vshll.u32 v28, $0x4;
	v33 =	vadd.s32 v63, v28;
	v28 =	vshll.u32 v5, $0x4  }
0x363: {  	s24 =	smov.u32 @p5 s28;
	v34 =	vshll.u32 v33, $0x4;
	v5 =	vadd.s32 v38, v33;
	v33 =	vshll.u32 v31, $0x4  }
0x364: {  	p1 =	por p1, p3;
	s24 =	smov.u32 @p0 s29;
	v31 =	vshll.u32 v35, $0x4;
	v35 =	vshll.u32 v36, $0x4;
	v36 =	vshll.u32 v29, $0x4  }
0x365: {  	s25 =	simm.s32 $0x0;
	s26 =	simm.s32 $0x8180;
	s24 =	smov.u32 @p6 s30;
	v29 =	vshll.u32 v24, $0x4;
	v24 =	vshll.u32 v25, $0x4;
	v25 =	vshll.u32 v37, $0x4  }
.LBB2_28:
0x366: {  	v33 =	vor.u32 v1, v33  }
0x367: {  	v37 =	vshll.u32 v5, $0x4;
	v38 =	vld [tilespmem:s26+$0x70];
	v28 =	vor.u32 v1, v28  }
0x368: {  	v26 =	vor.u32 v1, v26;
	v34 =	vor.u32 v1, v34;
	v39 =	vld [tilespmem:s26+$0x60];
	v31 =	vor.u32 v1, v31  }
0x369: {  	v35 =	vor.u32 v1, v35;
	v29 =	vor.u32 v1, v29;
	v32 =	vor.u32 v1, v32;
	v45 =	vld [tilespmem:$0x1FE80]  }
0x36a: {  	v40 =	vld [tilespmem:s26+$0x50];
	v27 =	vor.u32 v1, v27;
	v30 =	vor.u32 v1, v30;
	v13 =	vand.u32 $0x1FFFFF, v13  }
0x36b: {  	v36 =	vor.u32 v1, v36;
	v24 =	vor.u32 v1, v24;
	v43 =	vld [tilespmem:s26+$0x20];
	v8 =	vand.u32 $0x1FFFFF, v8;
	[tilespmem:v33+s17+$0x0] =	vst.idx.msk vm12, v13  }
0x36c: {  	v41 =	vld [tilespmem:s26+$0x40];
	v25 =	vor.u32 v1, v25;
	v23 =	vor.u32 v1, v23;
	v4 =	vand.u32 $0x1FFFFF, v4;
	[tilespmem:v28+s17+$0x0] =	vst.idx.msk vm13, v8  }
0x36d: {  	v20 =	vand.u32 $0x1FFFFF, v20;
	v44 =	vand.u32 $0x1FFFFF, v16;
	v16 =	vld [tilespmem:s26+$0x10];
	v6 =	vand.u32 $0x1FFFFF, v6;
	[tilespmem:v26+s17+$0x0] =	vst.idx.msk vm14, v4  }
0x36e: {  	v42 =	vld [tilespmem:s26+$0x30];
	v22 =	vor.u32 v1, v22;
	v7 =	vand.u32 $0x1FFFFF, v7;
	vm9 =	vnez.u8 v45;
	[tilespmem:v35+s17+$0x0] =	vst.idx.msk vm4, v6  }
0x36f: {  	v48 =	vand.u32 $0x1FFFFF, v17;
	v17 =	vand.u32 $0x1FFFFF, v14;
	v9 =	vand.u32 $0x1FFFFF, v9;
	v51 =	vld [tilespmem:s26+$0xFFFFFF90];
	[tilespmem:v31+s17+$0x0] =	vst.idx.msk vm3, v7  }
0x370: {  	v14 =	vand.u32 $0x1FFFFF, v15;
	v15 =	vld [tilespmem:s26+$0x0];
	v11 =	vand.u32 $0x1FFFFF, v11;
	v10 =	vand.u32 $0x1FFFFF, v10;
	[tilespmem:v32+s17+$0x0] =	vst.idx.msk vm0, v9  }
0x371: {  	v18 =	vand.u32 $0x1FFFFF, v18;
	v8 =	vand.u32 $0x1FFFFF, v19;
	v13 =	vimm.s32 $0x0;
	v26 =	vld [tilespmem:s26+$0xFFFFFFA0];
	[tilespmem:v29+s17+$0x0] =	vst.idx.msk vm5, v10  }
0x372: {  	v50 =	vld [tilespmem:s26+$0xFFFFFFB0];
	v19 =	vmax.f32 v38, $0.0e+00;
	v4 =	vimm.s32 $0x0;
	vm4 =	vgt.f32 v16, $0.0e+00;
	[tilespmem:v25+s17+$0x0] =	vst.idx.msk vm8, v17  }
0x373: {  	v7 =	vimm.s32 $0x0;
	v9 =	vimm.s32 $0x0;
	v10 =	vimm.s32 $0x0;
	[tilespmem:v34+s17+$0x0] =	vst.idx.msk vm15, v8  }
0x374: {  	vm12 =	vgt.f32 v51, $0.0e+00;
	v25 =	vshrl.u32 v19, $0x15;
	[tilespmem:v21+s17+$0x0] =	vst.idx.msk vm9, v20;
	v20 =	vld [tilespmem:s26+$0xFFFFFFF0];
	vm9 =	vgt.f32 v39, $0.0e+00  }
0x375: {  	v8 =	vimm.s32 $0x0;
	v25 =	vand.u32 $0x3FF, v25;
	[tilespmem:v36+s17+$0x0] =	vst.idx.msk vm11, v18;
	v18 =	vld [tilespmem:s26+$0xFFFFFFE0];
	v13 =	vsel vm9, $0xFFFFFFFF, v13  }
0x376: {  	vm13 =	vgt.f32 v26, $0.0e+00;
	vm9 =	vgt.f32 v38, $0.0e+00;
	[tilespmem:$0x1FE40] =	vst v13;
	v13 =	vimm.s32 $0x0  }
0x377: {  	v28 =	vld [tilespmem:s26+$0xFFFFFFC0];
	v17 =	vmax.f32 v26, $0.0e+00;
	v13 =	vsel vm9, $0xFFFFFFFF, v13;
	vm9 =	vgt.f32 v41, $0.0e+00  }
0x378: {  	v21 =	vor.u32 v1, v37;
	v55 =	vshrl.u32 v17, $0x15;
	v31 =	vld [tilespmem:s26+$0xFFFFFF80];
	v8 =	vsel vm9, $0xFFFFFFFF, v8  }
0x379: {  	v35 =	vand.u32 $0x3FF, v55;
	vm9 =	vgt.f32 v40, $0.0e+00;
	[tilespmem:$0x1FE20] =	vst v8;
	v8 =	vimm.s32 $0x0  }
0x37a: {  	[tilespmem:v30+s17+$0x0] =	vst.idx.msk vm10, v11;
	vm3 =	vgt.f32 v20, $0.0e+00;
	vm0 =	vgt.f32 v18, $0.0e+00;
	v11 =	vmax.f32 v18, $0.0e+00  }
0x37b: {  	v49 =	vld [tilespmem:s26+$0xFFFFFFD0];
	[tilespmem:v23+s17+$0x0] =	vst.idx.msk vm1, v14;
	v18 =	vmax.f32 v20, $0.0e+00;
	v8 =	vsel vm9, $0xFFFFFFFF, v8;
	vm9 =	vgt.f32 v43, $0.0e+00  }
0x37c: {  	v7 =	vsel vm3, $0xFFFFFFFF, v7;
	vm3 =	vgt.f32 v15, $0.0e+00;
	v9 =	vsel vm0, $0xFFFFFFFF, v9;
	[tilespmem:$0x1FE30] =	vst v8  }
0x37d: {  	vm0 =	vgt.f32 v28, $0.0e+00;
	vm11 =	vgt.f32 v31, $0.0e+00;
	v20 =	vmax.f32 v31, $0.0e+00;
	[tilespmem:$0x1FDD0] =	vst v7  }
0x37e: {  	v4 =	vsel vm9, $0xFFFFFFFF, v4;
	vm9 =	vgt.f32 v42, $0.0e+00;
	v8 =	vmax.f32 v40, $0.0e+00;
	[tilespmem:$0x1FDC0] =	vst v9  }
0x37f: {  	v7 =	vimm.s32 $0x0;
	v9 =	vmax.f32 v16, $0.0e+00;
	v10 =	vsel vm0, $0xFFFFFFFF, v10;
	[tilespmem:$0x1FE00] =	vst v4  }
0x380: {  	vm0 =	vgt.f32 v49, $0.0e+00;
	v4 =	vimm.s32 $0x0;
	v7 =	vsel vm3, $0xFFFFFFFF, v7;
	[tilespmem:$0x1FDA0] =	vst v10  }
0x381: {  	v10 =	vimm.s32 $0x0;
	v23 =	vshrl.u32 v8, $0x15;
	v4 =	vsel vm9, $0xFFFFFFFF, v4;
	[tilespmem:$0x1FDE0] =	vst v7  }
0x382: {  	v7 =	vmax.f32 v42, $0.0e+00;
	v10 =	vsel vm0, $0xFFFFFFFF, v10;
	[tilespmem:$0x1FE10] =	vst v4;
	v4 =	vmax.f32 v39, $0.0e+00  }
0x383: {  	[tilespmem:v24+s17+$0x0] =	vst.idx.msk vm7, v48;
	vm0 =	veq.s32 v25, v3;
	v25 =	vimm.s32 $0x0;
	v24 =	vshrl.u32 v4, $0x15  }
0x384: {  	v23 =	vand.u32 $0x3FF, v23;
	v25 =	vsel vm0, $0xFFFFFFFF, v25;
	v24 =	vand.u32 $0x3FF, v24  }
0x385: {  	vm15 =	veq.s32 v23, v3;
	v23 =	vimm.s32 $0x0;
	vm0 =	veq.s32 v24, v3  }
0x386: {  	v16 =	vmax.f32 v51, $0.0e+00;
	[tilespmem:$0x1FDB0] =	vst v10;
	v26 =	vshrl.u32 v7, $0x15;
	v23 =	vsel vm0, $0xFFFFFFFF, v23  }
0x387: {  	v57 =	vshrl.u32 v20, $0x15;
	v54 =	vshrl.u32 v16, $0x15;
	v26 =	vand.u32 $0x3FF, v26;
	[tilespmem:$0x1FE50] =	vst v23;
	v23 =	vld [tilespmem:$0x1FDA0]  }
0x388: {  	v37 =	vand.u32 $0x3FF, v57;
	v34 =	vand.u32 $0x3FF, v54;
	vm9 =	veq.s32 v26, v3;
	v26 =	vld [tilespmem:$0x1FDB0]  }
0x389: {  	v10 =	vmax.f32 v15, $0.0e+00;
	v15 =	vmax.f32 v28, $0.0e+00;
	vm0 =	veq.s32 v37, v3  }
0x38a: {  	v31 =	vshrl.u32 v15, $0x15;
	vm8 =	vmand vm11, vm0;
	vm0 =	veq.s32 v34, v3  }
0x38b: {  	v31 =	vand.u32 $0x3FF, v31;
	vm12 =	vmand vm12, vm0;
	vm0 =	veq.s32 v35, v3  }
0x38c: {  	vm1 =	veq.s32 v31, v3;
	vm13 =	vmand vm13, vm0;
	vm0 =	vnez.u8 v23  }
0x38d: {  	v12 =	vand.u32 $0x1FFFFF, v12;
	vm1 =	vmand vm0, vm1;
	vm0 =	vnez.u8 v26;
	v26 =	vld [tilespmem:$0x1FDC0]  }
0x38e: {  	[tilespmem:v27+s17+$0x0] =	vst.idx.msk vm2, v12;
	v12 =	vmax.f32 v49, $0.0e+00  }
0x38f: {  	v52 =	vshrl.u32 v12, $0x15  }
0x390: {  	v32 =	vand.u32 $0x3FF, v52  }
0x391: {  	v14 =	vmax.f32 v50, $0.0e+00;
	vm2 =	veq.s32 v32, v3;
	[tilespmem:$0x1FE60] =	vst v13;
	v13 =	vmax.f32 v43, $0.0e+00  }
0x392: {  	[tilespmem:v22+s17+$0x0] =	vst.idx.msk vm6, v44;
	v22 =	vshrl.u32 v13, $0x15;
	vm2 =	vmand vm0, vm2;
	vm0 =	vnez.u8 v26;
	v26 =	vld [tilespmem:$0x1FDD0]  }
0x393: {  	v56 =	vshrl.u32 v14, $0x15;
	vm10 =	vgt.f32 v50, $0.0e+00;
	v22 =	vand.u32 $0x3FF, v22  }
0x394: {  	v53 =	vshrl.u32 v11, $0x15;
	vm7 =	veq.s32 v22, v3;
	v22 =	vimm.s32 $0x0  }
0x395: {  	v36 =	vand.u32 $0x3FF, v56;
	v33 =	vand.u32 $0x3FF, v53;
	v22 =	vsel vm8, $0xFFFFFFFF, v22  }
0x396: {  	vm3 =	veq.s32 v33, v3;
	vm11 =	veq.s32 v36, v3;
	[tilespmem:$0x1FE80] =	vst v22;
	v22 =	vsel vm8, $0x1, v0  }
0x397: {  	vm8 =	vmand vm10, vm11;
	vm10 =	vmand vm0, vm3;
	vm0 =	vnez.u8 v26;
	v26 =	vld [tilespmem:$0x1FDE0];
	_ =	sdelay $0x1  }
0x398: {  	v6 =	vimm.s32 $0x0;
	v28 =	vshrl.u32 v18, $0x15  }
0x399: {  	v6 =	vsel vm4, $0xFFFFFFFF, v6;
	v28 =	vand.u32 $0x3FF, v28  }
0x39a: {  	[tilespmem:$0x1FDF0] =	vst v6;
	vm4 =	veq.s32 v28, v3  }
0x39b: {  	vm11 =	vmand vm0, vm4;
	vm0 =	vnez.u8 v26;
	v26 =	vld [tilespmem:$0x1FDF0];
	_ =	sdelay $0x1  }
0x39c: {  	v29 =	vshrl.u32 v10, $0x15  }
0x39d: {  	v29 =	vand.u32 $0x3FF, v29  }
0x39e: {  	vm5 =	veq.s32 v29, v3  }
0x39f: {  	vm5 =	vmand vm0, vm5;
	vm0 =	vnez.u8 v26;
	v26 =	vld [tilespmem:$0x1FE00];
	_ =	sdelay $0x4  }
0x3a0: {  	vm3 =	vnez.u8 v26;
	v26 =	vld [tilespmem:$0x1FE10]  }
0x3a1: {  	v30 =	vshrl.u32 v9, $0x15  }
0x3a2: {  	v30 =	vand.u32 $0x3FF, v30  }
0x3a3: {  	vm6 =	veq.s32 v30, v3  }
0x3a4: {  	v22 =	vadd.s32 v22, v5;
	v5 =	vsel vm12, $0x1, v0;
	vm0 =	vmand vm0, vm6  }
0x3a5: {  	vm6 =	vmmov vm12;
	vm12 =	vmand vm3, vm7;
	vm3 =	vnez.u8 v26;
	v26 =	vld [tilespmem:$0x1FE20]  }
0x3a6: {  	v6 =	vmax.f32 v41, $0.0e+00  }
0x3a7: {  	v27 =	vshrl.u32 v6, $0x15;
	v24 =	vadd.s32 v5, v22;
	v5 =	vsel vm13, $0x1, v0  }
0x3a8: {  	v27 =	vand.u32 $0x3FF, v27;
	[tilespmem:$0x1FE70] =	vst v25;
	v25 =	vadd.s32 v5, v24;
	v5 =	vsel vm8, $0x1, v0  }
0x3a9: {  	vm14 =	veq.s32 v27, v3;
	v23 =	vadd.s32 v5, v25;
	v5 =	vsel vm1, $0x1, v0  }
0x3aa: {  	v27 =	vadd.s32 v5, v23;
	v5 =	vsel vm2, $0x1, v0;
	vm4 =	vnez.u8 v26;
	v26 =	vld [tilespmem:$0x1FE30]  }
0x3ab: {  	v28 =	vld [tilespmem:$0x1FE40];
	v30 =	vadd.s32 v5, v27;
	v5 =	vsel vm10, $0x1, v0  }
0x3ac: {  	v29 =	vadd.s32 v5, v30;
	v5 =	vsel vm11, $0x1, v0  }
0x3ad: {  	v58 =	vadd.s32 v5, v29;
	v5 =	vsel vm5, $0x1, v0  }
0x3ae: {  	v59 =	vadd.s32 v5, v58  }
0x3af: {  	v5 =	vsel vm0, $0x1, v0;
	vm3 =	vmand vm3, vm9;
	vm9 =	vnez.u8 v26  }
0x3b0: {  	vm7 =	vmmov vm13;
	vm13 =	vmand vm9, vm15;
	vm9 =	vnez.u8 v28;
	v28 =	vld [tilespmem:$0x1FE50]  }
0x3b1: {  	v31 =	vadd.s32 v5, v59;
	v5 =	vsel vm12, $0x1, v0  }
0x3b2: {  	v60 =	vadd.s32 v5, v31;
	v5 =	vsel vm3, $0x1, v0;
	vm4 =	vmand vm4, vm14  }
0x3b3: {  	v61 =	vadd.s32 v5, v60;
	v5 =	vsel vm4, $0x1, v0  }
0x3b4: {  	v5 =	vadd.s32 v5, v61;
	v26 =	vsel vm13, $0x1, v0  }
0x3b5: {  	vm14 =	vnez.u8 v28;
	v28 =	vadd.s32 v26, v5;
	v26 =	vld [tilespmem:$0x1FE60];
	_ =	sdelay $0x4  }
0x3b6: {  	vm14 =	vmand vm9, vm14;
	vm9 =	vnez.u8 v26;
	v26 =	vld [tilespmem:$0x1FE70];
	_ =	sdelay $0x1  }
0x3b7: {  	s25 =	sadd.s32 $0x10, s25;
	v22 =	vshll.u32 v22, $0x4;
	v24 =	vshll.u32 v24, $0x4;
	v25 =	vshll.u32 v25, $0x4  }
0x3b8: {  	p0 =	slt.u32 s25, $0x7F0;
	v23 =	vshll.u32 v23, $0x4;
	v27 =	vshll.u32 v27, $0x4;
	v30 =	vshll.u32 v30, $0x4  }
.Ltmp19:
0x3b9: {  	v36 =	vshll.u32 v29, $0x4;
	v29 =	vshll.u32 v58, $0x4;
	v62 =	vsel vm14, $0x1, v0;
	(pc) =	sbr.rel @p0 .LBB2_28-.Ltmp19, $4  }
0x3ba: {  	v32 =	vshll.u32 v59, $0x4;
	v33 =	vadd.s32 v62, v28;
	vm15 =	vnez.u8 v26  }
0x3bb: {  	v35 =	vshll.u32 v61, $0x4;
	v34 =	vshll.u32 v33, $0x4;
	vm15 =	vmand vm9, vm15  }
0x3bc: {  	v26 =	vshll.u32 v28, $0x4;
	v28 =	vshll.u32 v5, $0x4;
	v63 =	vsel vm15, $0x1, v0  }
0x3bd: {  	s26 =	sadd.s32 $0x100, s26;
	v5 =	vadd.s32 v63, v33;
	v33 =	vshll.u32 v31, $0x4;
	v31 =	vshll.u32 v60, $0x4  }
0x3be: {  	v3 =	vxor.u32 $0x80000000, v5  }
0x3bf: {  	(xrf0) =	vmax.scan.msk.u32 $0xffff, v3;
	_ =	sdelay $0x5  }
0x3c0: {  	v3, _, _ =	vpop (xrf0)  }
0x3c1: {  	(v2sf) =	vpush v3, $0xF;
	_ =	sdelay $0x4  }
0x3c2: {  	v26 =	vor.u32 v1, v26  }
0x3c3: {  	v56 =	vor.u32 v1, v35  }
0x3c4: {  	v57 =	vor.u32 v1, v31  }
0x3c5: {  	v58 =	vor.u32 v1, v32  }
0x3c6: {  	v55 =	vld [tilespmem:$0x1FE80];
	v59 =	vor.u32 v1, v29;
	v4 =	vand.u32 $0x1FFFFF, v4  }
0x3c7: {  	v6 =	vand.u32 $0x1FFFFF, v6;
	[tilespmem:v26+s17+$0x0] =	vst.idx.msk vm14, v4;
	v3 =	vor.u32 v1, v36  }
0x3c8: {  	v33 =	vor.u32 v1, v33;
	v7 =	vand.u32 $0x1FFFFF, v7;
	[tilespmem:v56+s17+$0x0] =	vst.idx.msk vm4, v6  }
0x3c9: {  	v28 =	vor.u32 v1, v28;
	v9 =	vand.u32 $0x1FFFFF, v9;
	[tilespmem:v57+s17+$0x0] =	vst.idx.msk vm3, v7  }
0x3ca: {  	v34 =	vor.u32 v1, v34;
	v10 =	vand.u32 $0x1FFFFF, v10;
	[tilespmem:v58+s17+$0x0] =	vst.idx.msk vm0, v9  }
0x3cb: {  	v18 =	vand.u32 $0x1FFFFF, v18;
	vm9 =	vnez.u8 v55;
	v4 =	vor.u32 v1, v27;
	[tilespmem:v59+s17+$0x0] =	vst.idx.msk vm5, v10  }
0x3cc: {  	[tilespmem:v3+s17+$0x0] =	vst.idx.msk vm11, v18;
	v3 =	vand.u32 $0x1FFFFF, v13;
	s0 =	spop (v2sf)  }
0x3cd: {  	v7 =	vor.u32 v1, v25;
	[tilespmem:v33+s17+$0x0] =	vst.idx.msk vm12, v3;
	v3 =	vand.u32 $0x1FFFFF, v8;
	s1 =	sxor.u32 $0x80000000, s0  }
0x3ce: {  	v62 =	vor.u32 v1, v22;
	[tilespmem:v28+s17+$0x0] =	vst.idx.msk vm13, v3;
	v3 =	vand.u32 $0x1FFFFF, v19;
	s3 =	sshra.s32 s1, $0x1F  }
0x3cf: {  	v63 =	vand.u32 $0x1FFFFF, v12;
	[tilespmem:v34+s17+$0x0] =	vst.idx.msk vm15, v3;
	v3 =	vor.u32 v1, v30;
	s3 =	sshrl.u32 s3, $0x1E  }
0x3d0: {  	v20 =	vand.u32 $0x1FFFFF, v20;
	v6 =	vor.u32 v1, v23;
	[tilespmem:v4+s17+$0x0] =	vst.idx.msk vm2, v63;
	s3 =	sadd.s32 s3, s1  }
0x3d1: {  	v60 =	vor.u32 v1, v24;
	v4 =	vand.u32 $0x1FFFFF, v14;
	[tilespmem:v21+s17+$0x0] =	vst.idx.msk vm9, v20;
	s25 =	sand.u32 $0xFFFFFFFC, s3  }
.Ltmp20:
0x3d2: {  	[tilespmem:v7+s17+$0x0] =	vst.idx.msk vm8, v4;
	v4 =	vand.u32 $0x1FFFFF, v16;
	s26 =	ssub.s32 s1, s25;
	(pc) =	sbr.rel .LBB2_30-.Ltmp20, $4  }
0x3d3: {  	v61 =	vand.u32 $0x1FFFFF, v11;
	[tilespmem:v62+s17+$0x0] =	vst.idx.msk vm6, v4;
	s0 =	sshll.u32 s0, $0x6;
	s31 =	sshll.u32 s26, $0x6  }
0x3d4: {  	s24 =	ssub.s32 $0x800, s24;
	[tilespmem:v3+s17+$0x0] =	vst.idx.msk vm10, v61;
	v3 =	vand.u32 $0x1FFFFF, v15;
	s0 =	ssub.s32 s0, s31  }
0x3d5: {  	s30 =	simm.s32 $0x0;
	[tilespmem:v6+s17+$0x0] =	vst.idx.msk vm1, v3;
	v3 =	vand.u32 $0x1FFFFF, v17;
	p0 =	slt.s32 s25, $0x1;
	s0 =	sshra.s32 s0, $0x2  }
0x3d6: {  	[tilespmem:v60+s17+$0x0] =	vst.idx.msk vm7, v3;
	p2 =	sge.s32 s25, s1;
	s28 =	sadd.s32 $0x14000, s0;
	s0 =	simm.s32 $0x0  }
.LBB2_34:
0x3d7: {  	(xrf0) =	vadd.scan.msk.s32 $0xffff, v4;
	_ =	sdelay $0x5  }
0x3d8: {  	v3, _, _ =	vpop (xrf0)  }
0x3d9: {  	(v2sf) =	vpush v3, $0xF;
	_ =	sdelay $0xe  }
0x3da: {  	s1 =	spop (v2sf)  }
0x3db: {  	s0 =	sadd.s32 $0x1, s0;
	p3 =	slt.s32 s1, s24  }
0x3dc: {  	s29 =	smov.u32 @p3 s30;
	p3 =	sne.s32 s0, $0x15  }
.Ltmp21:
0x3dd: {  	_ = 	snop;
	(pc) =	sbr.rel @!p3 .LBB2_35-.Ltmp21, $2  }
0x3de: {  	_ =	sdelay $0x2  }
0x3df: {  	s30 =	smov.u32 s29  }
.LBB2_30:
.Ltmp22:
0x3e0: {  	(pc) =	sbr.rel @p0 .LBB2_31-.Ltmp22, $4  }
0x3e1: {  	_ = 	snop  }
0x3e2: {  	s1 =	sshrl.u32 s18, s0  }
0x3e3: {  	s29 =	sor.u32 s1, s30  }
0x3e4: {  	v3 =	vmov s29  }
0x3e5: {  	s3 =	simm.s32 $0x14020  }
0x3e6: {  	v7 =	vld [tilespmem:s3+$0xFFFFFFE0];
	_ =	sdelay $0x2  }
0x3e7: {  	v4 =	vld [tilespmem:s3+$0x10]  }
0x3e8: {  	p3 =	sgt.s32 s25, $0x4;
	v8 =	vld [tilespmem:s3+$0xFFFFFFF0]  }
.Ltmp23:
0x3e9: {  	vm4 =	vge.s32 v7, v3;
	v7 =	vld [tilespmem:s3+$0x0];
	(pc) =	sbr.rel @!p3 .LBB2_80-.Ltmp23, $4  }
0x3ea: {  	v6 =	vimm.s32 $0x0;
	v9 =	vadd.s32 $0xFFFFFFFE, v5  }
0x3eb: {  	v10 =	vadd.s32 $0xFFFFFFFD, v5;
	vm2 =	vgt.s32 v5, $0x0;
	v11 =	vadd.s32 $0xFFFFFFFF, v5  }
0x3ec: {  	vm0 =	vgt.s32 v10, $0x0;
	vm3 =	vgt.s32 v11, $0x0;
	vm1 =	vgt.s32 v9, $0x0  }
0x3ed: {  	s1 =	simm.s32 $0x4;
	vm5 =	vge.s32 v8, v3;
	s3 =	simm.s32 $0x14060;
	vm4 =	vmand vm2, vm4;
	vm2 =	vge.s32 v4, v3;
	v4 =	vmovc v5  }
.LBB2_79:
0x3ee: {  	v8 =	vld [tilespmem:s3+$0x10];
	v9 =	vsel vm4, $0x1, v0;
	vm3 =	vmand vm3, vm5;
	vm4 =	vge.s32 v7, v3  }
0x3ef: {  	s1 =	sadd.s32 $0x4, s1;
	v10 =	vld [tilespmem:s3+$0xFFFFFFE0];
	v6 =	vadd.s32 v9, v6;
	v7 =	vsel vm3, $0x1, v0;
	vm1 =	vmand vm1, vm4  }
0x3f0: {  	vm0 =	vmand vm0, vm2;
	p3 =	slt.s32 s1, s25;
	v9 =	vld [tilespmem:s3+$0xFFFFFFF0];
	v6 =	vadd.s32 v7, v6;
	v11 =	vsel vm1, $0x1, v0  }
.Ltmp24:
0x3f1: {  	v4 =	vadd.s32 $0xFFFFFFFC, v4;
	v7 =	vld [tilespmem:s3+$0x0];
	v6 =	vadd.s32 v11, v6;
	v11 =	vsel vm0, $0x1, v0;
	(pc) =	sbr.rel @p3 .LBB2_79-.Ltmp24, $4  }
0x3f2: {  	v12 =	vadd.s32 $0xFFFFFFFE, v4;
	v13 =	vadd.s32 $0xFFFFFFFD, v4;
	v6 =	vadd.s32 v11, v6  }
0x3f3: {  	vm2 =	vgt.s32 v4, $0x0;
	vm0 =	vgt.s32 v13, $0x0;
	v11 =	vadd.s32 $0xFFFFFFFF, v4  }
0x3f4: {  	vm1 =	vgt.s32 v12, $0x0;
	vm3 =	vgt.s32 v11, $0x0;
	vm4 =	vge.s32 v10, v3  }
0x3f5: {  	s3 =	sadd.s32 $0x40, s3;
	vm4 =	vmand vm2, vm4;
	vm5 =	vge.s32 v9, v3;
	vm2 =	vge.s32 v8, v3  }
.LBB2_80:
.Ltmp25:
0x3f6: {  	v8 =	vsel vm4, $0x1, v0;
	vm3 =	vmand vm3, vm5;
	vm15 =	vge.s32 v7, v3;
	(pc) =	sbr.rel .LBB2_32-.Ltmp25, $4  }
0x3f7: {  	v6 =	vadd.s32 v8, v6;
	v7 =	vsel vm3, $0x1, v0;
	vm1 =	vmand vm1, vm15  }
0x3f8: {  	vm0 =	vmand vm0, vm2;
	v6 =	vadd.s32 v7, v6;
	v7 =	vsel vm1, $0x1, v0  }
0x3f9: {  	v8 =	vsel vm0, $0x1, v0;
	v7 =	vadd.s32 v7, v6  }
0x3fa: {  	v6 =	vadd.s32 $0xFFFFFFFC, v4;
	v4 =	vadd.s32 v8, v7  }
.LBB2_31:
0x3fb: {  	v4 =	vimm.s32 $0x0;
	v6 =	vmov v5  }
.LBB2_32:
.Ltmp26:
0x3fc: {  	(pc) =	sbr.rel @p2 .LBB2_34-.Ltmp26, $2  }
0x3fd: {  	_ =	sdelay $0x2  }
0x3fe: {  	s1 =	smov.u32 s28;
	s3 =	smov.u32 s26  }
.LBB2_33:
0x3ff: {  	v7 =	vld [tilespmem:s1+$0x0];
	_ =	sdelay $0x2  }
0x400: {  	p3 =	sne.s32 s3, $0x1  }
.Ltmp27:
0x401: {  	_ = 	snop;
	(pc) =	sbr.rel @p3 .LBB2_33-.Ltmp27, $4  }
0x402: {  	vm1 =	vgt.s32 v6, $0x0;
	vm0 =	vge.s32 v7, v3  }
0x403: {  	vm0 =	vmand vm1, vm0  }
0x404: {  	v7 =	vsel vm0, $0x1, v0  }
0x405: {  	v6 =	vadd.s32 $0xFFFFFFFF, v6;
	s1 =	sadd.s32 $0x10, s1;
	s3 =	sadd.s32 $0xFFFFFFFF, s3;
	v4 =	vadd.s32 v7, v4  }
.Ltmp28:
0x406: {  	_ = 	snop;
	(pc) =	sbr.rel .LBB2_34-.Ltmp28, $1  }
0x407: {  	_ =	sdelay $0x3  }
.LBB2_35:
0x408: {  	s24 =	simm.s32 $0x8080  }
0x409: {  	s1 =	sld [smem:$0x7FB];
	v4 =	vld [tilespmem:s24+$0x70]  }
0x40a: {  	s0 =	sshll.u32 s23, $0x15;
	v5 =	vld [tilespmem:s24+$0xFFFFFF90]  }
0x40b: {  	s0 =	sor.u32 s0, s29;
	v6 =	vld [tilespmem:s24+$0xFFFFFFA0]  }
0x40c: {  	v7 =	vld [tilespmem:s24+$0xFFFFFFB0];
	s0 =	simm.s32 @!p1 $0x0;
	p0 =	seq.s32 s1, $0x1  }
0x40d: {  	v8 =	vld [tilespmem:s24+$0xFFFFFFC0];
	s0 =	simm.s32 @!p0 $0x0  }
0x40e: {  	v9 =	vld [tilespmem:s24+$0xFFFFFFD0];
	v3 =	vmov s0;
	v4 =	vmax.f32 v4, $0.0e+00  }
0x40f: {  	v10 =	vld [tilespmem:s24+$0xFFFFFFE0];
	v5 =	vmax.f32 v5, $0.0e+00;
	vm0 =	vgt.s32 v3, v4  }
0x410: {  	v11 =	vld [tilespmem:s24+$0xFFFFFFF0];
	v6 =	vmax.f32 v6, $0.0e+00;
	vm1 =	vgt.s32 v3, v5;
	v4 =	vsel vm0, $0x0, v4  }
0x411: {  	v12 =	vld [tilespmem:s24+$0x0];
	v7 =	vmax.f32 v7, $0.0e+00;
	v5 =	vsel vm1, $0x0, v5;
	vm0 =	vgt.s32 v3, v6;
	[tilespmem:s24+$0x70] =	vst v4  }
0x412: {  	[tilespmem:s24+$0xFFFFFF90] =	vst v5;
	v4 =	vsel vm0, $0x0, v6;
	vm0 =	vgt.s32 v3, v7;
	v5 =	vmax.f32 v8, $0.0e+00;
	v8 =	vld [tilespmem:s24+$0x10]  }
0x413: {  	v13 =	vld [tilespmem:s24+$0x20];
	v6 =	vmax.f32 v9, $0.0e+00;
	[tilespmem:s24+$0xFFFFFFA0] =	vst v4;
	v4 =	vsel vm0, $0x0, v7;
	vm0 =	vgt.s32 v3, v5  }
0x414: {  	v7 =	vmax.f32 v10, $0.0e+00;
	[tilespmem:s24+$0xFFFFFFB0] =	vst v4;
	v5 =	vsel vm0, $0x0, v5;
	vm0 =	vgt.s32 v3, v6;
	v4 =	vld [tilespmem:s24+$0x30]  }
0x415: {  	v9 =	vmax.f32 v11, $0.0e+00;
	[tilespmem:s24+$0xFFFFFFC0] =	vst v5;
	v6 =	vsel vm0, $0x0, v6;
	vm0 =	vgt.s32 v3, v7;
	v5 =	vld [tilespmem:s24+$0x40]  }
0x416: {  	v10 =	vmax.f32 v12, $0.0e+00;
	[tilespmem:s24+$0xFFFFFFD0] =	vst v6;
	v7 =	vsel vm0, $0x0, v7;
	vm0 =	vgt.s32 v3, v9;
	v6 =	vld [tilespmem:s24+$0x50]  }
0x417: {  	[tilespmem:s24+$0xFFFFFFE0] =	vst v7;
	v11 =	vsel vm0, $0x0, v9;
	vm0 =	vgt.s32 v3, v10;
	v9 =	vmax.f32 v8, $0.0e+00;
	v7 =	vld [tilespmem:s24+$0x60]  }
0x418: {  	s23 =	simm.s32 $0x8180;
	s0 =	simm.s32 $0x0;
	v8 =	vld [tilespmem:s24+$0xFFFFFF80];
	[tilespmem:s24+$0xFFFFFFF0] =	vst v11;
	v11 =	vsel vm0, $0x0, v10;
	vm0 =	vgt.s32 v3, v9;
	v10 =	vmax.f32 v13, $0.0e+00  }
.LBB2_36:
0x419: {  	v12 =	vld [tilespmem:s23+$0x70];
	s0 =	sadd.s32 $0x10, s0;
	[tilespmem:s24+$0x0] =	vst v11;
	v9 =	vsel vm0, $0x0, v9;
	vm0 =	vgt.s32 v3, v10;
	v4 =	vmax.f32 v4, $0.0e+00  }
0x41a: {  	v11 =	vld [tilespmem:s23+$0xFFFFFF90];
	p0 =	slt.u32 s0, $0x7F0;
	[tilespmem:s24+$0x10] =	vst v9;
	v9 =	vsel vm0, $0x0, v10;
	vm0 =	vgt.s32 v3, v4;
	v5 =	vmax.f32 v5, $0.0e+00  }
0x41b: {  	v10 =	vld [tilespmem:s23+$0xFFFFFFA0];
	[tilespmem:s24+$0x20] =	vst v9;
	v4 =	vsel vm0, $0x0, v4;
	vm0 =	vgt.s32 v3, v5;
	v6 =	vmax.f32 v6, $0.0e+00  }
0x41c: {  	v9 =	vld [tilespmem:s23+$0xFFFFFFB0];
	[tilespmem:s24+$0x30] =	vst v4;
	v4 =	vsel vm0, $0x0, v5;
	vm0 =	vgt.s32 v3, v6;
	v5 =	vmax.f32 v7, $0.0e+00  }
0x41d: {  	v7 =	vld [tilespmem:s23+$0xFFFFFFC0];
	v8 =	vmax.f32 v8, $0.0e+00;
	[tilespmem:s24+$0x40] =	vst v4;
	v4 =	vsel vm0, $0x0, v6;
	vm0 =	vgt.s32 v3, v5  }
0x41e: {  	v6 =	vld [tilespmem:s23+$0xFFFFFFD0];
	v12 =	vmax.f32 v12, $0.0e+00;
	vm1 =	vgt.s32 v3, v8;
	[tilespmem:s24+$0x50] =	vst v4;
	v4 =	vsel vm0, $0x0, v5  }
0x41f: {  	v5 =	vmax.f32 v11, $0.0e+00;
	v11 =	vld [tilespmem:s23+$0xFFFFFFE0];
	vm0 =	vgt.s32 v3, v12;
	v8 =	vsel vm1, $0x0, v8;
	[tilespmem:s24+$0x60] =	vst v4  }
0x420: {  	vm1 =	vgt.s32 v3, v5;
	v4 =	vmax.f32 v10, $0.0e+00;
	v10 =	vld [tilespmem:s23+$0xFFFFFFF0];
	v12 =	vsel vm0, $0x0, v12;
	[tilespmem:s24+$0xFFFFFF80] =	vst v8;
	s24 =	smov.u32 s23  }
0x421: {  	v5 =	vsel vm1, $0x0, v5;
	vm0 =	vgt.s32 v3, v4;
	v8 =	vmax.f32 v9, $0.0e+00;
	v9 =	vld [tilespmem:s23+$0x0];
	[tilespmem:s23+$0x70] =	vst v12  }
0x422: {  	[tilespmem:s23+$0xFFFFFF90] =	vst v5;
	v4 =	vsel vm0, $0x0, v4;
	vm0 =	vgt.s32 v3, v8;
	v5 =	vmax.f32 v7, $0.0e+00;
	v7 =	vld [tilespmem:s23+$0x10]  }
0x423: {  	[tilespmem:s23+$0xFFFFFFA0] =	vst v4;
	v4 =	vsel vm0, $0x0, v8;
	vm0 =	vgt.s32 v3, v5;
	v6 =	vmax.f32 v6, $0.0e+00;
	v12 =	vld [tilespmem:s23+$0x20]  }
.Ltmp29:
0x424: {  	[tilespmem:s23+$0xFFFFFFB0] =	vst v4;
	v5 =	vsel vm0, $0x0, v5;
	vm0 =	vgt.s32 v3, v6;
	v8 =	vmax.f32 v11, $0.0e+00;
	v4 =	vld [tilespmem:s23+$0x30];
	(pc) =	sbr.rel @p0 .LBB2_36-.Ltmp29, $4  }
0x425: {  	[tilespmem:s23+$0xFFFFFFC0] =	vst v5;
	v6 =	vsel vm0, $0x0, v6;
	vm0 =	vgt.s32 v3, v8;
	v10 =	vmax.f32 v10, $0.0e+00;
	v5 =	vld [tilespmem:s23+$0x40]  }
0x426: {  	[tilespmem:s23+$0xFFFFFFD0] =	vst v6;
	v8 =	vsel vm0, $0x0, v8;
	vm0 =	vgt.s32 v3, v10;
	v11 =	vmax.f32 v9, $0.0e+00;
	v6 =	vld [tilespmem:s23+$0x50]  }
0x427: {  	[tilespmem:s23+$0xFFFFFFE0] =	vst v8;
	v10 =	vsel vm0, $0x0, v10;
	vm0 =	vgt.s32 v3, v11;
	v9 =	vmax.f32 v7, $0.0e+00;
	v7 =	vld [tilespmem:s23+$0x60]  }
0x428: {  	s23 =	sadd.s32 $0x100, s23;
	v8 =	vld [tilespmem:s24+$0xFFFFFF80];
	[tilespmem:s24+$0xFFFFFFF0] =	vst v10;
	v11 =	vsel vm0, $0x0, v11;
	vm0 =	vgt.s32 v3, v9;
	v10 =	vmax.f32 v12, $0.0e+00  }
0x429: {  	[tilespmem:s24+$0x0] =	vst v11;
	v9 =	vsel vm0, $0x0, v9;
	vm11 =	vgt.s32 v3, v10;
	v4 =	vmax.f32 v4, $0.0e+00  }
0x42a: {  	[tilespmem:s24+$0x10] =	vst v9;
	v58 =	vsel vm11, $0x0, v10;
	vm12 =	vgt.s32 v3, v4;
	v5 =	vmax.f32 v5, $0.0e+00  }
0x42b: {  	[tilespmem:s24+$0x20] =	vst v58;
	v4 =	vsel vm12, $0x0, v4;
	vm13 =	vgt.s32 v3, v5;
	v6 =	vmax.f32 v6, $0.0e+00  }
0x42c: {  	[tilespmem:s24+$0x30] =	vst v4;
	v59 =	vsel vm13, $0x0, v5;
	vm14 =	vgt.s32 v3, v6;
	v60 =	vmax.f32 v7, $0.0e+00  }
0x42d: {  	v61 =	vmax.f32 v8, $0.0e+00;
	[tilespmem:s24+$0x40] =	vst v59;
	v62 =	vsel vm14, $0x0, v6;
	vm15 =	vgt.s32 v3, v60  }
0x42e: {  	vm1 =	vgt.s32 v3, v61;
	[tilespmem:s24+$0x50] =	vst v62;
	v3 =	vsel vm15, $0x0, v60  }
0x42f: {  	v63 =	vsel vm1, $0x0, v61;
	[tilespmem:s24+$0x60] =	vst v3  }
0x430: {  	[tilespmem:s24+$0xFFFFFF80] =	vst v63  }
0x431: {  	[hbm4b:s7+s12] =	stream.strided.scatter [tilespmem:s15], [sflag:$0x4], $0x8000, s13, s12, $0x38;
	[tilespmem:$0x1C000] =	vst v63  }
0x432: {  	_ =	swait.ge [sflag:s14], $0x8000  }
0x433: {  	[sflag:s14] =	ssyncset.done $0x0  }
0x434: {  	[sflag:s14] =	ssyncadd.s32 $0xFFFF8000  }
0x435: {  	_ =	swait.ge [sflag:s21], $0x8000  }
0x436: {  	[sflag:s21] =	ssyncset.done $0x0  }
0x437: {  	s0 =	simm.s32 $0x10080;
	[sflag:s21] =	ssyncadd.s32 $0xFFFF8000  }
0x438: {  	[tilespmem:s15], [sflag:$0x2] =	stream.strided.gather [hbm4b:s8+s12], $0x8000, s13, s12, $0x38;
	[tilespmem:$0x1C000] =	vst v63  }
0x439: {  	[tilespmem:s0+$0xFFFFFF80] =	vst v0  }
0x43a: {  	[tilespmem:s0+$0x70] =	vst v0  }
0x43b: {  	[tilespmem:s0+$0x60] =	vst v0  }
0x43c: {  	[tilespmem:s0+$0x50] =	vst v0  }
0x43d: {  	[tilespmem:s0+$0x40] =	vst v0  }
0x43e: {  	[tilespmem:s0+$0x30] =	vst v0  }
0x43f: {  	[tilespmem:s0+$0x20] =	vst v0  }
0x440: {  	[tilespmem:s0+$0x10] =	vst v0  }
0x441: {  	[tilespmem:s0+$0x0] =	vst v0  }
0x442: {  	[tilespmem:s0+$0xFFFFFFF0] =	vst v0  }
0x443: {  	[tilespmem:s0+$0xFFFFFFE0] =	vst v0  }
0x444: {  	[tilespmem:s0+$0xFFFFFFD0] =	vst v0  }
0x445: {  	[tilespmem:s0+$0xFFFFFFC0] =	vst v0  }
0x446: {  	[tilespmem:s0+$0xFFFFFFB0] =	vst v0  }
0x447: {  	s1 =	simm.s32 $0x0;
	[tilespmem:s0+$0xFFFFFFA0] =	vst v0  }
.LBB2_38:
0x448: {  	s1 =	sadd.s32 $0x10, s1;
	[tilespmem:s0+$0xFFFFFF90] =	vst v0;
	s0 =	sadd.s32 $0x100, s0  }
0x449: {  	[tilespmem:s0+$0xFFFFFF80] =	vst v0;
	p0 =	slt.u32 s1, $0x3F0  }
0x44a: {  	[tilespmem:s0+$0x70] =	vst v0  }
0x44b: {  	[tilespmem:s0+$0x60] =	vst v0  }
0x44c: {  	[tilespmem:s0+$0x50] =	vst v0  }
0x44d: {  	[tilespmem:s0+$0x40] =	vst v0  }
0x44e: {  	[tilespmem:s0+$0x30] =	vst v0  }
0x44f: {  	[tilespmem:s0+$0x20] =	vst v0  }
0x450: {  	[tilespmem:s0+$0x10] =	vst v0  }
0x451: {  	[tilespmem:s0+$0x0] =	vst v0  }
0x452: {  	[tilespmem:s0+$0xFFFFFFF0] =	vst v0  }
.Ltmp30:
0x453: {  	[tilespmem:s0+$0xFFFFFFE0] =	vst v0;
	(pc) =	sbr.rel @p0 .LBB2_38-.Ltmp30, $4  }
0x454: {  	[tilespmem:s0+$0xFFFFFFD0] =	vst v0  }
0x455: {  	[tilespmem:s0+$0xFFFFFFC0] =	vst v0  }
0x456: {  	[tilespmem:s0+$0xFFFFFFB0] =	vst v0  }
0x457: {  	[tilespmem:s0+$0xFFFFFFA0] =	vst v0  }
0x458: {  	[tilespmem:s0+$0xFFFFFF90] =	vst v0;
	s31 =	simm.s32 $0x80  }
0x459: {  	v9 =	vld [tilespmem:s31+$0x40]  }
0x45a: {  	v7 =	vld [tilespmem:s31+$0xFFFFFF80]  }
0x45b: {  	v10 =	vld [tilespmem:s31+$0x0]  }
0x45c: {  	v11 =	vld [tilespmem:s31+$0x10]  }
0x45d: {  	v5 =	vld [tilespmem:s31+$0xFFFFFFC0]  }
0x45e: {  	v6 =	vld [tilespmem:s31+$0xFFFFFFE0]  }
0x45f: {  	v14 =	vld [tilespmem:s31+$0x30]  }
0x460: {  	v19 =	vld [tilespmem:s31+$0x20]  }
0x461: {  	v17 =	vld [tilespmem:s31+$0xFFFFFF90]  }
0x462: {  	v4 =	vmax.f32 v9, $0.0e+00;
	vm1 =	vgt.f32 v10, $0.0e+00;
	vm5 =	vgt.f32 v9, $0.0e+00  }
0x463: {  	v21 =	vmax.f32 v7, $0.0e+00;
	v15 =	vmax.f32 v11, $0.0e+00;
	v10 =	vmax.f32 v10, $0.0e+00  }
0x464: {  	v8 =	vld [tilespmem:s31+$0xFFFFFFF0];
	v20 =	vmax.f32 v6, $0.0e+00;
	vm6 =	vgt.f32 v11, $0.0e+00;
	v11 =	vmax.f32 v5, $0.0e+00  }
0x465: {  	v3 =	vld [tilespmem:s31+$0xFFFFFFD0];
	vm3 =	vgt.f32 v14, $0.0e+00;
	v14 =	vmax.f32 v14, $0.0e+00;
	vm4 =	vgt.f32 v19, $0.0e+00  }
0x466: {  	v9 =	vld [tilespmem:s31+$0xFFFFFFA0];
	vm0 =	vgt.f32 v17, $0.0e+00;
	v63 =	vmax.f32 v19, $0.0e+00;
	v4 =	vshrl.u32 v4, $0x11  }
0x467: {  	v11 =	vshrl.u32 v11, $0x11;
	v14 =	vshrl.u32 v14, $0x11;
	v12 =	vand.u32 $0x3FF0, v4;
	v4 =	vld [tilespmem:s31+$0xFFFFFFB0]  }
0x468: {  	v18 =	vshrl.u32 v10, $0x11;
	v20 =	vshrl.u32 v20, $0x11;
	v11 =	vand.u32 $0x3FF0, v11  }
0x469: {  	v14 =	vand.u32 $0x3FF0, v14;
	v23 =	vor.u32 v1, v12;
	v12 =	vmax.f32 v8, $0.0e+00  }
0x46a: {  	v13 =	vshrl.u32 v12, $0x11;
	v12 =	vshrl.u32 v15, $0x11;
	v15 =	vmax.f32 v3, $0.0e+00  }
0x46b: {  	v16 =	vmax.f32 v9, $0.0e+00;
	vm2 =	vgt.f32 v9, $0.0e+00;
	v9 =	vand.u32 $0x3FF0, v12  }
0x46c: {  	v24 =	vshrl.u32 v15, $0x11;
	v22 =	vor.u32 v1, v9;
	v15 =	vmax.f32 v4, $0.0e+00  }
0x46d: {  	v12 =	vmax.f32 v17, $0.0e+00;
	v9 =	vshrl.u32 v16, $0x11;
	v16 =	vshrl.u32 v15, $0x11;
	v15 =	vld [tilespmem:s31+$0x60]  }
0x46e: {  	v19 =	vor.u32 v1, v14;
	v17 =	vld [tilespmem:s31+$0x70];
	v25 =	vshrl.u32 v12, $0x11;
	v12 =	vor.u32 v1, v11  }
0x46f: {  	v14 =	vand.u32 $0x3FF0, v24;
	v9 =	vand.u32 $0x3FF0, v9;
	v10 =	vand.u32 $0x3FF0, v25;
	[tilespmem:v23+s16+$0x0] =	vst.idx.add.s32.msk vm5, v2  }
0x470: {  	v9 =	vor.u32 v1, v9;
	v10 =	vor.u32 v1, v10;
	v11 =	vand.u32 $0x3FF0, v16;
	v16 =	vld [tilespmem:s31+$0x50]  }
0x471: {  	s24 =	simm.s32 $0x0;
	s25 =	simm.s32 $0x180;
	v11 =	vor.u32 v1, v11;
	[tilespmem:v22+s16+$0x0] =	vst.idx.add.s32.msk vm6, v2;
	v22 =	vshrl.u32 v21, $0x11;
	v21 =	vshrl.u32 v63, $0x11  }
.LBB2_40:
0x472: {  	v23 =	vld [tilespmem:s25+$0xFFFFFFB0];
	s24 =	sadd.s32 $0x10, s24;
	v22 =	vand.u32 $0x3FF0, v22;
	v20 =	vand.u32 $0x3FF0, v20;
	v24 =	vmax.f32 v15, $0.0e+00  }
0x473: {  	vm6 =	vgt.f32 v7, $0.0e+00;
	v7 =	vand.u32 $0x3FF0, v21;
	v25 =	vld [tilespmem:s25+$0x40];
	p0 =	slt.u32 s24, $0x7F0;
	v21 =	vshrl.u32 v24, $0x11  }
0x474: {  	vm5 =	vgt.f32 v15, $0.0e+00;
	v26 =	vor.u32 v1, v7;
	v24 =	vld [tilespmem:s25+$0xFFFFFFD0];
	v7 =	vand.u32 $0x3FF0, v21  }
0x475: {  	v18 =	vand.u32 $0x3FF0, v18;
	v15 =	vor.u32 v1, v22;
	[tilespmem:v19+s16+$0x0] =	vst.idx.add.s32.msk vm3, v2;
	v19 =	vor.u32 v1, v7  }
0x476: {  	v18 =	vor.u32 v1, v18;
	v21 =	vmax.f32 v16, $0.0e+00;
	v22 =	vmax.f32 v17, $0.0e+00;
	v7 =	vld [tilespmem:s25+$0xFFFFFF80]  }
0x477: {  	vm3 =	vgt.f32 v16, $0.0e+00;
	v16 =	vshrl.u32 v21, $0x11;
	v21 =	vshrl.u32 v22, $0x11;
	v27 =	vld [tilespmem:s25+$0xFFFFFFA0]  }
0x478: {  	vm7 =	vmmov vm2;
	v16 =	vand.u32 $0x3FF0, v16;
	v21 =	vand.u32 $0x3FF0, v21;
	v22 =	vld [tilespmem:s25+$0xFFFFFF90]  }
0x479: {  	v16 =	vor.u32 v1, v16;
	[tilespmem:v26+s16+$0x0] =	vst.idx.add.s32.msk vm4, v2  }
0x47a: {  	v14 =	vor.u32 v1, v14;
	v28 =	vmax.f32 v25, $0.0e+00;
	v26 =	vld [tilespmem:s25+$0xFFFFFFC0]  }
0x47b: {  	v28 =	vshrl.u32 v28, $0x11;
	[tilespmem:v18+s16+$0x0] =	vst.idx.add.s32.msk vm1, v2;
	vm1 =	vgt.f32 v17, $0.0e+00  }
0x47c: {  	v13 =	vand.u32 $0x3FF0, v13;
	v21 =	vor.u32 v1, v21;
	v18 =	vand.u32 $0x3FF0, v28;
	v17 =	vld [tilespmem:s25+$0xFFFFFFE0]  }
0x47d: {  	v13 =	vor.u32 v1, v13;
	v28 =	vld [tilespmem:s25+$0xFFFFFFF0]  }
0x47e: {  	vm11 =	vgt.f32 v8, $0.0e+00;
	v29 =	vld [tilespmem:s25+$0x0]  }
0x47f: {  	v30 =	vld [tilespmem:s25+$0x10]  }
0x480: {  	vm10 =	vgt.f32 v6, $0.0e+00;
	v31 =	vld [tilespmem:s25+$0x30]  }
0x481: {  	vm2 =	vgt.f32 v5, $0.0e+00;
	v20 =	vor.u32 v1, v20;
	v5 =	vmovc v26;
	[tilespmem:v21+s16+$0x0] =	vst.idx.add.s32.msk vm1, v2;
	v6 =	vmov v17  }
0x482: {  	vm9 =	vgt.f32 v4, $0.0e+00;
	v4 =	vmovc v23;
	vm4 =	vgt.f32 v3, $0.0e+00;
	v3 =	vmovc v24;
	v17 =	vld [tilespmem:s25+$0x20];
	v8 =	vmov v28  }
0x483: {  	vm8 =	vgt.f32 v25, $0.0e+00;
	v23 =	vor.u32 v1, v18;
	vm1 =	vgt.f32 v29, $0.0e+00;
	[tilespmem:v16+s16+$0x0] =	vst.idx.add.s32.msk vm3, v2  }
0x484: {  	v21 =	vmax.f32 v7, $0.0e+00;
	v16 =	vmax.f32 v8, $0.0e+00;
	v18 =	vmax.f32 v30, $0.0e+00;
	[tilespmem:v13+s16+$0x0] =	vst.idx.add.s32.msk vm11, v2  }
0x485: {  	v13 =	vshrl.u32 v16, $0x11;
	v16 =	vmax.f32 v29, $0.0e+00;
	v18 =	vshrl.u32 v18, $0x11;
	[tilespmem:v15+s16+$0x0] =	vst.idx.add.s32.msk vm6, v2  }
0x486: {  	v24 =	vmax.f32 v6, $0.0e+00;
	v15 =	vmax.f32 v3, $0.0e+00;
	vm6 =	vgt.f32 v30, $0.0e+00;
	[tilespmem:v20+s16+$0x0] =	vst.idx.add.s32.msk vm10, v2  }
0x487: {  	vm3 =	vgt.f32 v31, $0.0e+00;
	v20 =	vmax.f32 v5, $0.0e+00;
	v25 =	vshrl.u32 v15, $0x11;
	[tilespmem:v12+s16+$0x0] =	vst.idx.add.s32.msk vm2, v2  }
0x488: {  	v12 =	vmax.f32 v4, $0.0e+00;
	v15 =	vshrl.u32 v20, $0x11;
	v20 =	vmax.f32 v31, $0.0e+00;
	[tilespmem:v19+s16+$0x0] =	vst.idx.add.s32.msk vm5, v2  }
0x489: {  	v18 =	vand.u32 $0x3FF0, v18;
	vm2 =	vgt.f32 v27, $0.0e+00;
	v19 =	vmax.f32 v27, $0.0e+00;
	[tilespmem:v14+s16+$0x0] =	vst.idx.add.s32.msk vm4, v2  }
0x48a: {  	v26 =	vor.u32 v1, v18;
	v15 =	vand.u32 $0x3FF0, v15;
	v14 =	vmax.f32 v22, $0.0e+00;
	[tilespmem:v9+s16+$0x0] =	vst.idx.add.s32.msk vm7, v2  }
0x48b: {  	vm4 =	vgt.f32 v17, $0.0e+00;
	v9 =	vshrl.u32 v19, $0x11;
	v19 =	vshrl.u32 v12, $0x11;
	[tilespmem:v11+s16+$0x0] =	vst.idx.add.s32.msk vm9, v2  }
0x48c: {  	v11 =	vshrl.u32 v14, $0x11;
	v9 =	vand.u32 $0x3FF0, v9;
	v14 =	vshrl.u32 v20, $0x11;
	[tilespmem:v10+s16+$0x0] =	vst.idx.add.s32.msk vm0, v2  }
.Ltmp31:
0x48d: {  	v18 =	vshrl.u32 v16, $0x11;
	v12 =	vor.u32 v1, v15;
	v9 =	vor.u32 v1, v9;
	v15 =	vld [tilespmem:s25+$0x60];
	(pc) =	sbr.rel @p0 .LBB2_40-.Ltmp31, $4  }
0x48e: {  	v10 =	vand.u32 $0x3FF0, v11;
	v11 =	vand.u32 $0x3FF0, v19;
	v14 =	vand.u32 $0x3FF0, v14;
	v16 =	vld [tilespmem:s25+$0x50]  }
0x48f: {  	vm0 =	vgt.f32 v22, $0.0e+00;
	v11 =	vor.u32 v1, v11;
	[tilespmem:v26+s16+$0x0] =	vst.idx.add.s32.msk vm6, v2;
	v26 =	vmax.f32 v17, $0.0e+00  }
0x490: {  	v20 =	vshrl.u32 v24, $0x11;
	v10 =	vor.u32 v1, v10;
	v19 =	vor.u32 v1, v14;
	v17 =	vld [tilespmem:s25+$0x70]  }
0x491: {  	s23 =	simm.s32 $0x3F;
	s0 =	simm.s32 $0x13FF0;
	v22 =	vshrl.u32 v21, $0x11;
	v14 =	vand.u32 $0x3FF0, v25;
	v21 =	vshrl.u32 v26, $0x11;
	s25 =	sadd.s32 $0x100, s25;
	[tilespmem:v23+s16+$0x0] =	vst.idx.add.s32.msk vm8, v2  }
0x492: {  	_ =	sdelay $0x1  }
0x493: {  	v21 =	vand.u32 $0x3FF0, v21  }
0x494: {  	v18 =	vand.u32 $0x3FF0, v18;
	v21 =	vor.u32 v1, v21  }
0x495: {  	v13 =	vand.u32 $0x3FF0, v13;
	vm7 =	vgt.f32 v8, $0.0e+00;
	v18 =	vor.u32 v1, v18  }
0x496: {  	v22 =	vand.u32 $0x3FF0, v22;
	[tilespmem:v19+s16+$0x0] =	vst.idx.add.s32.msk vm3, v2;
	vm3 =	vgt.f32 v7, $0.0e+00;
	v7 =	vor.u32 v1, v13  }
0x497: {  	v8 =	vand.u32 $0x3FF0, v20;
	vm12 =	vgt.f32 v6, $0.0e+00;
	v61 =	vor.u32 v1, v22  }
0x498: {  	v60 =	vmax.f32 v15, $0.0e+00;
	vm13 =	vgt.f32 v5, $0.0e+00;
	[tilespmem:v10+s16+$0x0] =	vst.idx.add.s32.msk vm0, v2;
	v5 =	vor.u32 v1, v8  }
0x499: {  	vm8 =	vgt.f32 v15, $0.0e+00;
	vm14 =	vgt.f32 v3, $0.0e+00;
	vm2 =	vmmov vm2;
	[tilespmem:v21+s16+$0x0] =	vst.idx.add.s32.msk vm4, v2  }
0x49a: {  	v3 =	vor.u32 v1, v14;
	vm15 =	vgt.f32 v4, $0.0e+00;
	v6 =	vshrl.u32 v60, $0x11;
	[tilespmem:v18+s16+$0x0] =	vst.idx.add.s32.msk vm1, v2  }
0x49b: {  	v57 =	vmax.f32 v16, $0.0e+00;
	vm6 =	vgt.f32 v16, $0.0e+00;
	v6 =	vand.u32 $0x3FF0, v6;
	[tilespmem:v7+s16+$0x0] =	vst.idx.add.s32.msk vm7, v2  }
0x49c: {  	v23 =	vmax.f32 v17, $0.0e+00;
	vm5 =	vgt.f32 v17, $0.0e+00;
	v17 =	vshrl.u32 v57, $0x11;
	[tilespmem:v61+s16+$0x0] =	vst.idx.add.s32.msk vm3, v2  }
0x49d: {  	v6 =	vor.u32 v1, v6;
	v23 =	vshrl.u32 v23, $0x11;
	v58 =	vand.u32 $0x3FF0, v17;
	[tilespmem:v5+s16+$0x0] =	vst.idx.add.s32.msk vm12, v2  }
0x49e: {  	v23 =	vand.u32 $0x3FF0, v23;
	v16 =	vor.u32 v1, v58;
	[tilespmem:v12+s16+$0x0] =	vst.idx.add.s32.msk vm13, v2  }
0x49f: {  	v59 =	vor.u32 v1, v23;
	[tilespmem:v3+s16+$0x0] =	vst.idx.add.s32.msk vm14, v2  }
0x4a0: {  	[tilespmem:v9+s16+$0x0] =	vst.idx.add.s32.msk vm2, v2  }
0x4a1: {  	[tilespmem:v11+s16+$0x0] =	vst.idx.add.s32.msk vm15, v2  }
0x4a2: {  	[tilespmem:v6+s16+$0x0] =	vst.idx.add.s32.msk vm8, v2  }
0x4a3: {  	[tilespmem:v16+s16+$0x0] =	vst.idx.add.s32.msk vm6, v2  }
0x4a4: {  	[tilespmem:v59+s16+$0x0] =	vst.idx.add.s32.msk vm5, v2  }
0x4a5: {  	v3 =	vld [tilespmem:s0+$0xFFFFFF10]  }
0x4a6: {  	v4 =	vld [tilespmem:s0+$0xFFFFFF20]  }
0x4a7: {  	v5 =	vld [tilespmem:s0+$0xFFFFFF30]  }
0x4a8: {  	v6 =	vld [tilespmem:s0+$0xFFFFFF40]  }
0x4a9: {  	v7 =	vld [tilespmem:s0+$0xFFFFFF50]  }
0x4aa: {  	s3 =	simm.s32 $0x13EF0;
	v8 =	vld [tilespmem:s0+$0xFFFFFF60]  }
0x4ab: {  	v9 =	vld [tilespmem:s3+$0xFFFFFF10]  }
0x4ac: {  	v10 =	vld [tilespmem:s3+$0xFFFFFF80]  }
0x4ad: {  	v3 =	vadd.s32 v3, v4;
	v4 =	vld [tilespmem:s0+$0xFFFFFF70]  }
0x4ae: {  	v3 =	vadd.s32 v5, v3;
	v5 =	vld [tilespmem:s0+$0xFFFFFF80]  }
0x4af: {  	v3 =	vadd.s32 v6, v3;
	v6 =	vld [tilespmem:s0+$0xFFFFFF90]  }
0x4b0: {  	v3 =	vadd.s32 v7, v3;
	v7 =	vld [tilespmem:s0+$0xFFFFFFA0]  }
0x4b1: {  	v3 =	vadd.s32 v8, v3;
	v8 =	vld [tilespmem:s0+$0xFFFFFFB0]  }
0x4b2: {  	v3 =	vadd.s32 v4, v3;
	v4 =	vld [tilespmem:s0+$0xFFFFFFC0]  }
0x4b3: {  	v3 =	vadd.s32 v5, v3;
	v5 =	vld [tilespmem:s0+$0xFFFFFFD0]  }
0x4b4: {  	v3 =	vadd.s32 v6, v3;
	v6 =	vld [tilespmem:s0+$0xFFFFFFE0]  }
0x4b5: {  	v3 =	vadd.s32 v7, v3;
	v7 =	vld [tilespmem:s0+$0xFFFFFFF0]  }
0x4b6: {  	v3 =	vadd.s32 v8, v3;
	v8 =	vld [tilespmem:s0+$0x0]  }
0x4b7: {  	v11 =	vld [tilespmem:s3+$0xFFFFFF90];
	v3 =	vadd.s32 v4, v3  }
0x4b8: {  	v4 =	vld [tilespmem:s3+$0xFFFFFF20];
	v3 =	vadd.s32 v5, v3  }
0x4b9: {  	v5 =	vld [tilespmem:s3+$0xFFFFFF30];
	v3 =	vadd.s32 v6, v3  }
0x4ba: {  	v6 =	vld [tilespmem:s3+$0xFFFFFF40];
	v3 =	vadd.s32 v7, v3  }
0x4bb: {  	v7 =	vld [tilespmem:s3+$0xFFFFFF50];
	v3 =	vadd.s32 v8, v3  }
0x4bc: {  	v8 =	vld [tilespmem:s3+$0xFFFFFF60];
	(xrf0) =	vadd.scan.msk.s32 $0xffff, v3  }
0x4bd: {  	v3 =	vld [tilespmem:s3+$0xFFFFFF70];
	v4 =	vadd.s32 v9, v4  }
0x4be: {  	v12 =	vld [tilespmem:s3+$0xFFFFFFA0];
	v4 =	vadd.s32 v5, v4  }
0x4bf: {  	v9 =	vld [tilespmem:s3+$0xFFFFFFB0];
	v4 =	vadd.s32 v6, v4  }
0x4c0: {  	v5 =	vld [tilespmem:s3+$0xFFFFFFC0];
	v4 =	vadd.s32 v7, v4  }
0x4c1: {  	v6 =	vld [tilespmem:s3+$0xFFFFFFD0];
	v4 =	vadd.s32 v8, v4  }
0x4c2: {  	v7 =	vld [tilespmem:s3+$0xFFFFFFE0];
	v3 =	vadd.s32 v3, v4;
	v62, _, _ =	vpop (xrf0)  }
0x4c3: {  	v8 =	vld [tilespmem:s3+$0xFFFFFFF0];
	v3 =	vadd.s32 v10, v3;
	(v2sf) =	vpush v62, $0xF  }
0x4c4: {  	s25 =	simm.s32 $0x13DF0;
	v4 =	vld [tilespmem:s3+$0x0];
	v3 =	vadd.s32 v11, v3  }
0x4c5: {  	v10 =	vld [tilespmem:s25+$0xFFFFFF10];
	v3 =	vadd.s32 v12, v3  }
0x4c6: {  	v11 =	vld [tilespmem:s25+$0xFFFFFF20];
	v3 =	vadd.s32 v9, v3  }
0x4c7: {  	v63 =	vld [tilespmem:s25+$0xFFFFFF30];
	v3 =	vadd.s32 v5, v3  }
0x4c8: {  	v9 =	vld [tilespmem:s25+$0xFFFFFF40];
	v3 =	vadd.s32 v6, v3  }
0x4c9: {  	v5 =	vld [tilespmem:s25+$0xFFFFFF50];
	v3 =	vadd.s32 v7, v3  }
0x4ca: {  	v6 =	vld [tilespmem:s25+$0xFFFFFF60];
	v3 =	vadd.s32 v8, v3  }
0x4cb: {  	v7 =	vadd.s32 v10, v11;
	v10 =	vld [tilespmem:s25+$0xFFFFFF70];
	v3 =	vadd.s32 v4, v3  }
0x4cc: {  	v7 =	vadd.s32 v63, v7;
	v8 =	vld [tilespmem:s25+$0xFFFFFF80];
	(xrf0) =	vadd.scan.msk.s32 $0xffff, v3  }
0x4cd: {  	v4 =	vadd.s32 v9, v7;
	v7 =	vld [tilespmem:s25+$0xFFFFFF90]  }
0x4ce: {  	v3 =	vadd.s32 v5, v4;
	v4 =	vld [tilespmem:s25+$0xFFFFFFA0]  }
0x4cf: {  	v3 =	vadd.s32 v6, v3;
	v6 =	vld [tilespmem:s25+$0xFFFFFFB0]  }
0x4d0: {  	v9 =	vld [tilespmem:s25+$0xFFFFFFC0];
	v3 =	vadd.s32 v10, v3  }
0x4d1: {  	s24 =	simm.s32 $0x0;
	p0 =	por $0x0, $0x0;
	s29 =	simm.s32 $0x3E;
	v5 =	vadd.s32 v8, v3;
	v3 =	vld [tilespmem:s25+$0xFFFFFFD0]  }
0x4d2: {  	s28 =	simm.s32 $0x3D;
	s26 =	simm.s32 $0x3C;
	v7 =	vadd.s32 v7, v5;
	v5 =	vld [tilespmem:s25+$0xFFFFFFE0];
	v8, _, _ =	vpop (xrf0);
	s1 =	spop (v2sf)  }
0x4d3: {  	s30 =	simm.s32 $0x13CF0;
	p1 =	por !p0, !p0;
	v7 =	vadd.s32 v4, v7;
	v4 =	vld [tilespmem:s25+$0xFFFFFFF0];
	(v2sf) =	vpush v8, $0xF;
	s31 =	sadd.s32 $0x0, s1  }
0x4d4: {  	s0 =	simm.s32 $0x0;
	v10 =	vadd.s32 v6, v7;
	v6 =	vld [tilespmem:s25+$0x0];
	s25 =	simm.s32 $0x0;
	p2 =	sgt.s32 s31, $0x7FF  }
0x4d5: {  	s1 =	simm.s32 $0x3B;
	p3 =	por !p2, !p1;
	p0 =	por p0, p2  }
0x4d6: {  	v7 =	vld [tilespmem:s30+$0xFFFFFF10];
	v8 =	vadd.s32 v9, v10;
	p1 =	por !p0, !p0;
	s31 =	smov.u32 @p0 s24;
	p3 =	por !p3, !p3  }
.LBB2_42:
0x4d7: {  	s3 =	smov.u32 s31  }
0x4d8: {  	p2 =	seq.s32 s1, $0x0;
	v3 =	vadd.s32 v3, v8;
	s24 =	smov.u32 @p3 s23;
	s25 =	smov.u32 @p3 s0;
	v9 =	vld [tilespmem:s30+$0xFFFFFF20]  }
0x4d9: {  	s0 =	smov.u32 s31;
	s23 =	smov.u32 s29;
	s29 =	smov.u32 s28;
	v3 =	vadd.s32 v5, v3;
	v8 =	vld [tilespmem:s30+$0xFFFFFF30]  }
0x4da: {  	s28 =	smov.u32 s26;
	s26 =	smov.u32 s1;
	v3 =	vadd.s32 v4, v3;
	v5 =	vld [tilespmem:s30+$0xFFFFFF40]  }
0x4db: {  	v3 =	vadd.s32 v6, v3;
	v4 =	vld [tilespmem:s30+$0xFFFFFF50]  }
0x4dc: {  	v6 =	vld [tilespmem:s30+$0xFFFFFF60];
	(xrf0) =	vadd.scan.msk.s32 $0xffff, v3  }
0x4dd: {  	v3 =	vadd.s32 v7, v9;
	v7 =	vld [tilespmem:s30+$0xFFFFFF70]  }
0x4de: {  	v3 =	vadd.s32 v8, v3;
	v8 =	vld [tilespmem:s30+$0xFFFFFF80]  }
0x4df: {  	v3 =	vadd.s32 v5, v3;
	v5 =	vld [tilespmem:s30+$0xFFFFFF90]  }
0x4e0: {  	v3 =	vadd.s32 v4, v3;
	v4 =	vld [tilespmem:s30+$0xFFFFFFA0]  }
0x4e1: {  	v3 =	vadd.s32 v6, v3;
	v6 =	vld [tilespmem:s30+$0xFFFFFFB0]  }
0x4e2: {  	v3 =	vadd.s32 v7, v3;
	v9 =	vld [tilespmem:s30+$0xFFFFFFC0];
	v7, _, _ =	vpop (xrf0);
	s31 =	spop (v2sf)  }
.Ltmp32:
0x4e3: {  	v8 =	vadd.s32 v8, v3;
	v3 =	vld [tilespmem:s30+$0xFFFFFFD0];
	(v2sf) =	vpush v7, $0xF;
	s31 =	sadd.s32 s3, s31;
	(pc) =	sbr.rel @!p2 .LBB2_42-.Ltmp32, $4  }
0x4e4: {  	v7 =	vadd.s32 v5, v8;
	v5 =	vld [tilespmem:s30+$0xFFFFFFE0];
	p3 =	sgt.s32 s31, $0x7FF  }
0x4e5: {  	v7 =	vadd.s32 v4, v7;
	v4 =	vld [tilespmem:s30+$0xFFFFFFF0];
	p4 =	por !p3, !p1;
	p0 =	por p0, p3  }
0x4e6: {  	v8 =	vadd.s32 v6, v7;
	v6 =	vld [tilespmem:s30+$0x0];
	s30 =	sadd.s32 $0xFFFFFF00, s30;
	p1 =	por !p0, !p0;
	s31 =	smov.u32 @p0 s3  }
0x4e7: {  	s1 =	sadd.s32 $0xFFFFFFFF, s1;
	p3 =	por !p4, !p4;
	v7 =	vld [tilespmem:s30+$0xFFFFFF10];
	v8 =	vadd.s32 v9, v8  }
0x4e8: {  	v9 =	vld [tilespmem:s30+$0xFFFFFF20]  }
0x4e9: {  	v10 =	vld [tilespmem:s30+$0xFFFFFF30]  }
0x4ea: {  	v11 =	vld [tilespmem:s30+$0xFFFFFF40]  }
0x4eb: {  	v12 =	vld [tilespmem:s30+$0xFFFFFF50]  }
0x4ec: {  	v13 =	vld [tilespmem:s30+$0xFFFFFF60]  }
0x4ed: {  	v56 =	vld [tilespmem:s30+$0xFFFFFF70];
	v7 =	vadd.s32 v7, v9  }
0x4ee: {  	v57 =	vld [tilespmem:s30+$0xFFFFFF80];
	v7 =	vadd.s32 v10, v7  }
0x4ef: {  	v58 =	vld [tilespmem:s30+$0xFFFFFF90];
	v7 =	vadd.s32 v11, v7  }
0x4f0: {  	v59 =	vld [tilespmem:s30+$0xFFFFFFA0];
	v7 =	vadd.s32 v12, v7  }
0x4f1: {  	v60 =	vld [tilespmem:s30+$0xFFFFFFB0];
	v7 =	vadd.s32 v13, v7  }
0x4f2: {  	v61 =	vld [tilespmem:s30+$0xFFFFFFC0];
	v7 =	vadd.s32 v56, v7  }
0x4f3: {  	v62 =	vld [tilespmem:s30+$0xFFFFFFD0];
	v7 =	vadd.s32 v57, v7  }
0x4f4: {  	v3 =	vadd.s32 v3, v8;
	v63 =	vld [tilespmem:s30+$0xFFFFFFE0];
	v7 =	vadd.s32 v58, v7  }
0x4f5: {  	v3 =	vadd.s32 v5, v3;
	v5 =	vadd.s32 v59, v7;
	v7 =	vld [tilespmem:s30+$0xFFFFFFF0]  }
0x4f6: {  	v3 =	vadd.s32 v4, v3;
	v4 =	vadd.s32 v60, v5;
	v5 =	vld [tilespmem:s30+$0x0]  }
0x4f7: {  	v3 =	vadd.s32 v6, v3;
	v4 =	vadd.s32 v61, v4  }
0x4f8: {  	(xrf0) =	vadd.scan.msk.s32 $0xffff, v3;
	v3 =	vadd.s32 v62, v4  }
0x4f9: {  	v3 =	vadd.s32 v63, v3  }
0x4fa: {  	v3 =	vadd.s32 v7, v3  }
0x4fb: {  	v3 =	vadd.s32 v5, v3  }
0x4fc: {  	(xrf0) =	vadd.scan.msk.s32 $0xffff, v3;
	_ =	sdelay $0x1  }
0x4fd: {  	v3, _, _ =	vpop (xrf0)  }
0x4fe: {  	(v2sf) =	vpush v3, $0xF;
	_ =	sdelay $0x2  }
0x4ff: {  	v3, _, _ =	vpop (xrf0)  }
0x500: {  	(v2sf) =	vpush v3, $0xF;
	_ =	sdelay $0x6  }
0x501: {  	s1 =	spop (v2sf)  }
0x502: {  	s1 =	sadd.s32 s31, s1  }
0x503: {  	p2 =	sgt.s32 s1, $0x7FF  }
0x504: {  	p4 =	por p0, p2  }
0x505: {  	s1 =	smov.u32 @p4 s31;
	s3 =	spop (v2sf)  }
0x506: {  	s24 =	smov.u32 @p3 s23;
	s3 =	sadd.s32 s1, s3  }
0x507: {  	s25 =	smov.u32 @p3 s0;
	p1 =	por !p2, !p1;
	p5 =	sgt.s32 s3, $0x7FF  }
0x508: {  	p1 =	por !p1, !p1;
	p3 =	por !p4, !p4;
	p0 =	por p4, p5  }
0x509: {  	s24 =	smov.u32 @p1 s29;
	s3 =	smov.u32 @p0 s1;
	s23 =	spop (v2sf)  }
0x50a: {  	s25 =	smov.u32 @p1 s31;
	p2 =	por !p5, !p3;
	s0 =	sadd.s32 s3, s23  }
0x50b: {  	p4 =	por !p0, !p0;
	p1 =	por !p2, !p2;
	p5 =	sgt.s32 s0, $0x7FF  }
0x50c: {  	s24 =	smov.u32 @p1 s28;
	p6 =	por !p5, !p4  }
0x50d: {  	s25 =	smov.u32 @p1 s1;
	p0 =	por p0, p5;
	p1 =	por !p6, !p6  }
0x50e: {  	s0 =	simm.s32 @!p0 $0x0;
	s24 =	smov.u32 @p1 s26  }
0x50f: {  	s0 =	simm.s32 @p0 $0x1;
	s30 =	sshll.u32 s24, $0xA  }
0x510: {  	[smem:$0x7F9] =	sst s0;
	s0 =	sshra.s32 s30, $0x2  }
0x511: {  	s31 =	sadd.s32 $0x10000, s0  }
0x512: {  	v3 =	vmov s31;
	_ =	sdelay $0x3  }
0x513: {  	s25 =	smov.u32 @p1 s3;
	s3 =	simm.s32 $0xF0  }
0x514: {  	v4 =	vld.idx.msk [tilespmem:v3+s3+$0x0 ss:$0x1], $0xffff;
	_ =	sdelay $0x4  }
0x515: {  	(xrf0) =	vadd.scan.msk.s32 $0xffff, v4;
	_ =	sdelay $0x5  }
0x516: {  	s23 =	simm.s32 $0xE0;
	v4, _, _ =	vpop (xrf0)  }
0x517: {  	(v2sf) =	vpush v4, $0xF;
	v4 =	vld.idx.msk [tilespmem:v3+s23+$0x0 ss:$0x1], $0xffff;
	_ =	sdelay $0x2  }
0x518: {  	s26 =	simm.s32 $0xD0  }
0x519: {  	s28 =	simm.s32 $0xC0;
	v5 =	vld.idx.msk [tilespmem:v3+s26+$0x0 ss:$0x1], $0xffff  }
0x51a: {  	v6 =	vld.idx.msk [tilespmem:v3+s28+$0x0 ss:$0x1], $0xffff;
	(xrf0) =	vadd.scan.msk.s32 $0xffff, v4;
	_ =	sdelay $0x3  }
0x51b: {  	(xrf0) =	vadd.scan.msk.s32 $0xffff, v5  }
0x51c: {  	(xrf0) =	vadd.scan.msk.s32 $0xffff, v6  }
0x51d: {  	v4, _, _ =	vpop (xrf0)  }
0x51e: {  	(v2sf) =	vpush v4, $0xF;
	_ =	sdelay $0x2  }
0x51f: {  	v4, _, _ =	vpop (xrf0)  }
0x520: {  	(v2sf) =	vpush v4, $0xF;
	v6, _, _ =	vpop (xrf0)  }
0x521: {  	s29 =	simm.s32 $0xB0;
	s30 =	spop (v2sf);
	(v2sf) =	vpush v6, $0xF  }
0x522: {  	v5 =	vld.idx.msk [tilespmem:v3+s29+$0x0 ss:$0x1], $0xffff  }
0x523: {  	p3 =	por $0x0, $0x0  }
0x524: {  	p4 =	por !p3, !p3  }
0x525: {  	s0 =	sshllo.u32 s24, $0x4;
	s24 =	simm.s32 $0x0;
	s1 =	sadd.s32 s25, s30  }
0x526: {  	s31 =	simm.s32 $0xA0;
	s3 =	simm.s32 $0x240;
	p5 =	sgt.s32 s1, $0x7FF  }
0x527: {  	s23 =	simm.s32 $0x0;
	(xrf0) =	vadd.scan.msk.s32 $0xffff, v5;
	p6 =	por !p5, !p4;
	p1 =	por p3, p5  }
0x528: {  	v4 =	vld.idx.msk [tilespmem:v3+s31+$0x0 ss:$0x1], $0xffff;
	p2 =	por !p6, !p6;
	s1 =	smov.u32 @p1 s25;
	p0 =	por !p1, !p1  }
0x529: {  	s23 =	smov.u32 @p2 s0;
	s24 =	smov.u32 @p2 s25;
	s25 =	smov.u32 s1  }
.LBB2_44:
0x52a: {  	s26 =	smov.u32 s1;
	p2 =	sne.s32 s3, $0x0  }
0x52b: {  	s28 =	smov.u32 s3;
	s3 =	sadd.s32 $0xFFFFFFC0, s3;
	s1 =	spop (v2sf)  }
.Ltmp33:
0x52c: {  	s28 =	sshra.s32 s28, $0x2;
	s1 =	sadd.s32 s26, s1;
	(pc) =	sbr.rel @p2 .LBB2_44-.Ltmp33, $4  }
0x52d: {  	(xrf0) =	vadd.scan.msk.s32 $0xffff, v4;
	v4 =	vld.idx.msk [tilespmem:v3+s28+$0x0 ss:$0x1], $0xffff;
	v5, _, _ =	vpop (xrf0);
	p3 =	sgt.s32 s1, $0x7FF  }
0x52e: {  	s0 =	sadd.s32 $0xFFFFFFFF, s0;
	(v2sf) =	vpush v5, $0xF;
	p4 =	por !p3, !p0;
	p1 =	por p1, p3  }
0x52f: {  	p0 =	por !p1, !p1;
	p3 =	por !p4, !p4;
	s1 =	smov.u32 @p1 s26  }
0x530: {  	s23 =	smov.u32 @p3 s0;
	s24 =	smov.u32 @p3 s25;
	s25 =	smov.u32 s1  }
0x531: {  	s3 =	spop (v2sf)  }
0x532: {  	s26 =	sadd.s32 s1, s3  }
0x533: {  	p6 =	sgt.s32 s26, $0x7FF  }
0x534: {  	p0 =	por !p6, !p0  }
0x535: {  	p2 =	por p1, p6;
	p0 =	por !p0, !p0  }
0x536: {  	s26 =	smov.u32 @p2 s1;
	s1 =	simm.s32 @!p0 $0x0  }
0x537: {  	s31 =	simm.s32 $0x80;
	(xrf0) =	vadd.scan.msk.s32 $0xffff, v4;
	s1 =	simm.s32 @p0 $0x1  }
0x538: {  	v4 =	vld [tilespmem:s31+$0x60];
	[smem:$0x7F8] =	sst s1  }
0x539: {  	v3, _, _ =	vpop (xrf0);
	v5 =	vld [tilespmem:s31+$0x50]  }
0x53a: {  	(v2sf) =	vpush v3, $0xF;
	v6 =	vld [tilespmem:s31+$0x40]  }
0x53b: {  	v7 =	vld [tilespmem:s31+$0x30]  }
0x53c: {  	v10 =	vld [tilespmem:s31+$0x20]  }
0x53d: {  	v3, _, _ =	vpop (xrf0);
	v9 =	vld [tilespmem:s31+$0x10]  }
0x53e: {  	(v2sf) =	vpush v3, $0xF;
	v11 =	vld [tilespmem:s31+$0x0]  }
0x53f: {  	v13 =	vld [tilespmem:s31+$0xFFFFFFF0]  }
0x540: {  	v8 =	vimm.s32 $0x0;
	vm0 =	vgt.f32 v4, $0.0e+00;
	v14 =	vld [tilespmem:s31+$0xFFFFFFE0]  }
0x541: {  	s28 =	spop (v2sf);
	v8 =	vsel vm0, $0xFFFFFFFF, v8;
	v15 =	vld [tilespmem:s31+$0xFFFFFFD0]  }
0x542: {  	v21 =	vimm.s32 $0x0;
	s28 =	sadd.s32 s26, s28;
	v4 =	vmax.f32 v4, $0.0e+00;
	v16 =	vld [tilespmem:s31+$0xFFFFFFC0];
	[tilespmem:$0x1FD80] =	vst v8;
	v8 =	vimm.s32 $0x0  }
0x543: {  	p1 =	sgt.s32 s28, $0x7FF;
	vm14 =	vgt.f32 v6, $0.0e+00;
	vm0 =	vgt.f32 v5, $0.0e+00;
	vm2 =	vgt.f32 v10, $0.0e+00  }
0x544: {  	p4 =	por p2, p1;
	v17 =	vld [tilespmem:s31+$0xFFFFFFB0];
	vm10 =	vgt.f32 v7, $0.0e+00;
	vm3 =	vgt.f32 v9, $0.0e+00;
	v6 =	vmax.f32 v6, $0.0e+00  }
0x545: {  	s28 =	smov.u32 @p4 s26;
	s29 =	spop (v2sf);
	vm8 =	vgt.f32 v13, $0.0e+00;
	vm6 =	vgt.f32 v11, $0.0e+00;
	v7 =	vmax.f32 v7, $0.0e+00  }
0x546: {  	s29 =	sadd.s32 s28, s29;
	vm4 =	vgt.f32 v14, $0.0e+00;
	v9 =	vmax.f32 v9, $0.0e+00;
	v12 =	vmax.f32 v10, $0.0e+00  }
0x547: {  	s0 =	sadd.s32 $0xFFFFFFFF, s0;
	vm9 =	vgt.f32 v16, $0.0e+00;
	v10 =	vmax.f32 v11, $0.0e+00;
	p3 =	sgt.s32 s29, $0x7FF;
	v8 =	vsel vm0, $0xFFFFFFFF, v8  }
0x548: {  	p6 =	por !p2, !p2;
	s23 =	smov.u32 @p0 s0;
	v11 =	vmax.f32 v14, $0.0e+00;
	v18 =	vmax.f32 v13, $0.0e+00;
	v13 =	vmax.f32 v15, $0.0e+00;
	p5 =	por p4, p3;
	[tilespmem:$0x1FD70] =	vst v8  }
0x549: {  	s0 =	sadd.s32 $0xFFFFFFFF, s0;
	vm0 =	vgt.f32 v15, $0.0e+00;
	vm11 =	vgt.f32 v17, $0.0e+00;
	v14 =	vmax.f32 v17, $0.0e+00;
	s29 =	smov.u32 @p5 s28;
	v19 =	vld [tilespmem:s31+$0xFFFFFFA0];
	s30 =	spop (v2sf)  }
0x54a: {  	p6 =	por !p1, !p6;
	p0 =	por !p4, !p4;
	v15 =	vmax.f32 v16, $0.0e+00;
	v23 =	vshrl.u32 v7, $0x15;
	v24 =	vshrl.u32 v6, $0x15;
	v22 =	vld [tilespmem:s31+$0xFFFFFF90];
	s30 =	sadd.s32 s29, s30  }
0x54b: {  	v25 =	vshrl.u32 v18, $0x15;
	v26 =	vshrl.u32 v10, $0x15;
	p4 =	por !p6, !p6;
	p0 =	por !p3, !p0;
	v8 =	vmax.f32 v5, $0.0e+00;
	v5 =	vld [tilespmem:s31+$0xFFFFFF80];
	p2 =	sgt.s32 s30, $0x7FF  }
0x54c: {  	v27 =	vshrl.u32 v9, $0x15;
	v29 =	vshrl.u32 v13, $0x15;
	v30 =	vshrl.u32 v11, $0x15;
	s23 =	smov.u32 @p4 s0;
	s0 =	sadd.s32 $0xFFFFFFFF, s0;
	p1 =	por p5, p2  }
0x54d: {  	v28 =	vshrl.u32 v15, $0x15;
	v34 =	vshrl.u32 v14, $0x15;
	v29 =	vand.u32 $0x3FF, v29;
	p6 =	por !p5, !p5;
	s30 =	smov.u32 @p1 s29;
	s3 =	spop (v2sf)  }
0x54e: {  	v25 =	vand.u32 $0x3FF, v25;
	v26 =	vand.u32 $0x3FF, v26;
	v23 =	vand.u32 $0x3FF, v23;
	p5 =	por !p0, !p0;
	p2 =	por !p2, !p6;
	s1 =	sadd.s32 s30, s3  }
0x54f: {  	v28 =	vand.u32 $0x3FF, v28;
	vm12 =	vgt.f32 v22, $0.0e+00;
	vm7 =	vgt.f32 v19, $0.0e+00;
	s23 =	smov.u32 @p5 s0;
	p6 =	por !p1, !p1;
	p3 =	sgt.s32 s1, $0x7FF  }
0x550: {  	vm13 =	vgt.f32 v5, $0.0e+00;
	v20 =	vmax.f32 v5, $0.0e+00;
	v16 =	vmax.f32 v22, $0.0e+00;
	s0 =	sadd.s32 $0xFFFFFFFF, s0;
	p0 =	por !p2, !p2;
	p2 =	por !p3, !p6  }
0x551: {  	v17 =	vmax.f32 v19, $0.0e+00;
	v5 =	vshrl.u32 v8, $0x15;
	v19 =	vshrl.u32 v4, $0x15;
	s23 =	smov.u32 @p0 s0;
	s0 =	sadd.s32 $0xFFFFFFFF, s0;
	p6 =	por !p2, !p2  }
0x552: {  	v22 =	vshrl.u32 v12, $0x15;
	v31 =	vshrl.u32 v16, $0x15;
	v32 =	vshrl.u32 v20, $0x15;
	s23 =	smov.u32 @p6 s0  }
0x553: {  	v33 =	vshrl.u32 v17, $0x15;
	v32 =	vand.u32 $0x3FF, v32;
	v3 =	vmov s23  }
0x554: {  	v19 =	vand.u32 $0x3FF, v19;
	v31 =	vand.u32 $0x3FF, v31;
	vm15 =	veq.s32 v32, v3  }
0x555: {  	v61 =	vand.u32 $0x3FF, v33;
	vm1 =	vmand vm13, vm15;
	vm13 =	veq.s32 v31, v3  }
0x556: {  	v31 =	vand.u32 $0x3FF, v34;
	vm13 =	vmand vm12, vm13;
	vm12 =	veq.s32 v61, v3  }
0x557: {  	v22 =	vand.u32 $0x3FF, v22;
	vm12 =	vmand vm7, vm12;
	vm7 =	veq.s32 v31, v3  }
0x558: {  	v5 =	vand.u32 $0x3FF, v5;
	vm11 =	vmand vm11, vm7;
	vm7 =	veq.s32 v28, v3  }
0x559: {  	v28 =	vand.u32 $0x3FF, v30;
	vm9 =	vmand vm9, vm7;
	vm7 =	veq.s32 v29, v3  }
0x55a: {  	v30 =	vimm.s32 $0x0;
	vm5 =	vmand vm0, vm7;
	vm0 =	veq.s32 v28, v3  }
0x55b: {  	vm7 =	vmmov vm11;
	vm15 =	vmand vm4, vm0;
	vm0 =	veq.s32 v25, v3  }
0x55c: {  	v25 =	vand.u32 $0x3FF, v27;
	vm11 =	vmand vm8, vm0;
	vm0 =	veq.s32 v26, v3  }
0x55d: {  	vm8 =	vmmov vm15;
	v26 =	vld [tilespmem:$0x1FD70];
	vm15 =	vmand vm6, vm0;
	vm0 =	veq.s32 v25, v3  }
0x55e: {  	vm6 =	vmmov vm12;
	vm0 =	vmand vm3, vm0;
	vm3 =	veq.s32 v22, v3  }
0x55f: {  	vm12 =	vmand vm2, vm3;
	vm2 =	veq.s32 v23, v3;
	v23 =	vimm.s32 $0x0  }
0x560: {  	v30 =	vsel vm9, $0xFFFFFFFF, v30;
	vm4 =	vmmov vm13;
	v23 =	vsel vm1, $0xFFFFFFFF, v23  }
0x561: {  	v22 =	vand.u32 $0x3FF, v24;
	vm3 =	vmand vm10, vm2;
	[tilespmem:$0x1FD60] =	vst v23;
	v23 =	vsel vm1, $0x1, v0  }
0x562: {  	vm1 =	veq.s32 v22, v3;
	vm2 =	vnez.u8 v26;
	v22 =	vadd.s32 v23, v21  }
0x563: {  	[tilespmem:$0x1FD90] =	vst v30;
	v23 =	vsel vm13, $0x1, v0;
	vm10 =	vmand vm14, vm1;
	vm1 =	veq.s32 v5, v3  }
0x564: {  	v24 =	vld [tilespmem:s31+$0x70];
	v5 =	vsel vm7, $0x1, v0;
	v21 =	vshll.u32 v21, $0x4;
	v25 =	vadd.s32 v23, v22  }
0x565: {  	v23 =	vsel vm6, $0x1, v0;
	vm13 =	vmand vm2, vm1;
	vm1 =	veq.s32 v19, v3;
	v19 =	vld [tilespmem:$0x1FD80]  }
0x566: {  	v21 =	vor.u32 v1, v21;
	v22 =	vshll.u32 v22, $0x4;
	v37 =	vadd.s32 v23, v25  }
0x567: {  	v23 =	vadd.s32 v5, v37;
	v5 =	vsel vm9, $0x1, v0;
	vm9 =	vmmov vm5  }
0x568: {  	v27 =	vadd.s32 v5, v23;
	v5 =	vsel vm5, $0x1, v0;
	vm5 =	vmmov vm15  }
0x569: {  	v23 =	vshll.u32 v23, $0x4;
	v30 =	vadd.s32 v5, v27;
	v5 =	vsel vm8, $0x1, v0  }
0x56a: {  	v27 =	vshll.u32 v27, $0x4;
	vm2 =	vnez.u8 v19;
	v19 =	vmax.f32 v24, $0.0e+00  }
0x56b: {  	v29 =	vadd.s32 v5, v30;
	v5 =	vsel vm11, $0x1, v0;
	v26 =	vshrl.u32 v19, $0x15  }
0x56c: {  	vm14 =	vmand vm2, vm1;
	vm1 =	vgt.f32 v24, $0.0e+00;
	v26 =	vand.u32 $0x3FF, v26  }
0x56d: {  	v24 =	vadd.s32 v5, v29;
	v5 =	vsel vm15, $0x1, v0;
	vm2 =	veq.s32 v26, v3;
	v26 =	vld [tilespmem:$0x1FD90]  }
0x56e: {  	v30 =	vshll.u32 v30, $0x4;
	v62 =	vadd.s32 v5, v24;
	v5 =	vsel vm0, $0x1, v0  }
0x56f: {  	s31 =	sld [smem:$0x7F8];
	v63 =	vsel vm14, $0x1, v0;
	v31 =	vadd.s32 v5, v62;
	v5 =	vsel vm12, $0x1, v0  }
0x570: {  	v32 =	vshll.u32 v62, $0x4;
	v35 =	vadd.s32 v5, v31;
	v5 =	vsel vm3, $0x1, v0  }
0x571: {  	vm15 =	vmand vm1, vm2;
	v36 =	vadd.s32 v5, v35;
	v5 =	vsel vm10, $0x1, v0  }
0x572: {  	p2 =	seq.s32 s31, $0x1;
	v5 =	vadd.s32 v5, v36;
	vm1 =	vnez.u8 v26;
	v26 =	vsel vm13, $0x1, v0  }
0x573: {  	s24 =	smov.u32 @p2 s25;
	vm2 =	vmmov vm9;
	v38 =	vsel vm15, $0x1, v0;
	v28 =	vadd.s32 v26, v5  }
0x574: {  	s24 =	smov.u32 @p4 s26;
	v26 =	vshll.u32 v28, $0x4;
	v33 =	vadd.s32 v63, v28;
	v28 =	vshll.u32 v5, $0x4  }
0x575: {  	s24 =	smov.u32 @p5 s28;
	v34 =	vshll.u32 v33, $0x4;
	v5 =	vadd.s32 v38, v33;
	v33 =	vshll.u32 v31, $0x4  }
0x576: {  	p1 =	por p1, p3;
	s24 =	smov.u32 @p0 s29;
	v31 =	vshll.u32 v35, $0x4;
	v35 =	vshll.u32 v36, $0x4;
	v36 =	vshll.u32 v29, $0x4  }
0x577: {  	s25 =	simm.s32 $0x0;
	s26 =	simm.s32 $0x180;
	s24 =	smov.u32 @p6 s30;
	v29 =	vshll.u32 v24, $0x4;
	v24 =	vshll.u32 v25, $0x4;
	v25 =	vshll.u32 v37, $0x4  }
.LBB2_46:
0x578: {  	v33 =	vor.u32 v1, v33  }
0x579: {  	v37 =	vshll.u32 v5, $0x4;
	v28 =	vor.u32 v1, v28  }
0x57a: {  	v38 =	vld [tilespmem:s26+$0x70];
	v26 =	vor.u32 v1, v26;
	v34 =	vor.u32 v1, v34;
	v31 =	vor.u32 v1, v31  }
0x57b: {  	v35 =	vor.u32 v1, v35;
	v29 =	vor.u32 v1, v29;
	v32 =	vor.u32 v1, v32;
	v45 =	vld [tilespmem:$0x1FD60]  }
0x57c: {  	v39 =	vld [tilespmem:s26+$0x60];
	v27 =	vor.u32 v1, v27;
	v30 =	vor.u32 v1, v30;
	v12 =	vand.u32 $0x1FFFFF, v12  }
0x57d: {  	v36 =	vor.u32 v1, v36;
	v25 =	vor.u32 v1, v25;
	v43 =	vld [tilespmem:s26+$0x20];
	v8 =	vand.u32 $0x1FFFFF, v8;
	[tilespmem:v33+s17+$0x0] =	vst.idx.msk vm12, v12  }
0x57e: {  	v40 =	vld [tilespmem:s26+$0x50];
	v23 =	vor.u32 v1, v23;
	v20 =	vand.u32 $0x1FFFFF, v20;
	v4 =	vand.u32 $0x1FFFFF, v4;
	[tilespmem:v28+s17+$0x0] =	vst.idx.msk vm13, v8  }
0x57f: {  	v41 =	vld [tilespmem:s26+$0x40];
	v44 =	vand.u32 $0x1FFFFF, v16;
	v22 =	vor.u32 v1, v22;
	v6 =	vand.u32 $0x1FFFFF, v6;
	[tilespmem:v26+s17+$0x0] =	vst.idx.msk vm14, v4  }
0x580: {  	v42 =	vld [tilespmem:s26+$0x30];
	v48 =	vand.u32 $0x1FFFFF, v17;
	v7 =	vand.u32 $0x1FFFFF, v7;
	vm9 =	vnez.u8 v45;
	[tilespmem:v35+s17+$0x0] =	vst.idx.msk vm10, v6  }
0x581: {  	v16 =	vld [tilespmem:s26+$0x10];
	v17 =	vand.u32 $0x1FFFFF, v14;
	v14 =	vand.u32 $0x1FFFFF, v15;
	v9 =	vand.u32 $0x1FFFFF, v9;
	[tilespmem:v31+s17+$0x0] =	vst.idx.msk vm3, v7  }
0x582: {  	v11 =	vand.u32 $0x1FFFFF, v11;
	v18 =	vand.u32 $0x1FFFFF, v18;
	v10 =	vand.u32 $0x1FFFFF, v10;
	v26 =	vld [tilespmem:s26+$0xFFFFFFA0];
	[tilespmem:v32+s17+$0x0] =	vst.idx.msk vm0, v9  }
0x583: {  	v15 =	vld [tilespmem:s26+$0x0];
	v8 =	vand.u32 $0x1FFFFF, v19;
	v12 =	vimm.s32 $0x0;
	v19 =	vmax.f32 v38, $0.0e+00;
	[tilespmem:v29+s17+$0x0] =	vst.idx.msk vm5, v10  }
0x584: {  	v50 =	vld [tilespmem:s26+$0xFFFFFFB0];
	v4 =	vimm.s32 $0x0;
	v6 =	vimm.s32 $0x0;
	v7 =	vimm.s32 $0x0;
	[tilespmem:v25+s17+$0x0] =	vst.idx.msk vm7, v17  }
0x585: {  	v51 =	vld [tilespmem:s26+$0xFFFFFF90];
	v9 =	vimm.s32 $0x0;
	v10 =	vimm.s32 $0x0;
	[tilespmem:v34+s17+$0x0] =	vst.idx.msk vm15, v8;
	v25 =	vshrl.u32 v19, $0x15  }
0x586: {  	v8 =	vimm.s32 $0x0;
	v25 =	vand.u32 $0x3FF, v25;
	[tilespmem:v21+s17+$0x0] =	vst.idx.msk vm9, v20;
	v20 =	vld [tilespmem:s26+$0xFFFFFFF0];
	vm9 =	vgt.f32 v39, $0.0e+00  }
0x587: {  	vm12 =	vgt.f32 v26, $0.0e+00;
	v17 =	vmax.f32 v26, $0.0e+00;
	[tilespmem:v36+s17+$0x0] =	vst.idx.msk vm11, v18;
	v18 =	vld [tilespmem:s26+$0xFFFFFFE0];
	v12 =	vsel vm9, $0xFFFFFFFF, v12  }
0x588: {  	v28 =	vld [tilespmem:s26+$0xFFFFFFC0];
	v21 =	vor.u32 v1, v37;
	vm9 =	vgt.f32 v38, $0.0e+00;
	[tilespmem:$0x1FD30] =	vst v12;
	v12 =	vimm.s32 $0x0  }
0x589: {  	[tilespmem:v30+s17+$0x0] =	vst.idx.msk vm8, v11;
	v11 =	vimm.s32 $0x0;
	v31 =	vld [tilespmem:s26+$0xFFFFFF80];
	v12 =	vsel vm9, $0xFFFFFFFF, v12;
	vm9 =	vgt.f32 v41, $0.0e+00  }
0x58a: {  	vm11 =	vgt.f32 v51, $0.0e+00;
	[tilespmem:$0x1FD40] =	vst v12;
	v8 =	vsel vm9, $0xFFFFFFFF, v8;
	vm9 =	vgt.f32 v40, $0.0e+00  }
0x58b: {  	v12 =	vmax.f32 v43, $0.0e+00;
	[tilespmem:$0x1FD10] =	vst v8;
	v8 =	vimm.s32 $0x0;
	vm3 =	vgt.f32 v20, $0.0e+00  }
0x58c: {  	v49 =	vld [tilespmem:s26+$0xFFFFFFD0];
	[tilespmem:v22+s17+$0x0] =	vst.idx.msk vm4, v44;
	vm0 =	vgt.f32 v18, $0.0e+00;
	v22 =	vshrl.u32 v12, $0x15;
	v8 =	vsel vm9, $0xFFFFFFFF, v8  }
0x58d: {  	vm9 =	vgt.f32 v43, $0.0e+00;
	v7 =	vsel vm3, $0xFFFFFFFF, v7;
	vm3 =	vgt.f32 v15, $0.0e+00  }
0x58e: {  	v9 =	vsel vm0, $0xFFFFFFFF, v9;
	vm0 =	vgt.f32 v28, $0.0e+00;
	vm10 =	vgt.f32 v31, $0.0e+00;
	[tilespmem:$0x1FD20] =	vst v8  }
0x58f: {  	v22 =	vand.u32 $0x3FF, v22;
	v4 =	vsel vm9, $0xFFFFFFFF, v4;
	vm9 =	vgt.f32 v42, $0.0e+00;
	[tilespmem:$0x1FCC0] =	vst v7  }
0x590: {  	v8 =	vmax.f32 v40, $0.0e+00;
	v7 =	vimm.s32 $0x0;
	[tilespmem:$0x1FCB0] =	vst v9;
	v9 =	vmax.f32 v16, $0.0e+00  }
0x591: {  	[tilespmem:v23+s17+$0x0] =	vst.idx.msk vm1, v14;
	v10 =	vsel vm0, $0xFFFFFFFF, v10;
	vm0 =	vgt.f32 v49, $0.0e+00;
	vm8 =	veq.s32 v22, v3  }
0x592: {  	v22 =	vimm.s32 $0x0;
	[tilespmem:$0x1FCF0] =	vst v4;
	v4 =	vimm.s32 $0x0;
	v7 =	vsel vm3, $0xFFFFFFFF, v7  }
0x593: {  	[tilespmem:$0x1FC90] =	vst v10;
	v10 =	vimm.s32 $0x0;
	v23 =	vshrl.u32 v8, $0x15;
	v4 =	vsel vm9, $0xFFFFFFFF, v4  }
0x594: {  	vm9 =	vgt.f32 v16, $0.0e+00;
	v10 =	vsel vm0, $0xFFFFFFFF, v10;
	vm0 =	vgt.f32 v50, $0.0e+00  }
0x595: {  	[tilespmem:$0x1FCD0] =	vst v7;
	v7 =	vmax.f32 v42, $0.0e+00;
	v23 =	vand.u32 $0x3FF, v23;
	v11 =	vsel vm0, $0xFFFFFFFF, v11  }
0x596: {  	[tilespmem:$0x1FC80] =	vst v11;
	v11 =	vmax.f32 v18, $0.0e+00;
	v18 =	vmax.f32 v20, $0.0e+00;
	v20 =	vmax.f32 v31, $0.0e+00  }
0x597: {  	v16 =	vmax.f32 v51, $0.0e+00;
	vm14 =	veq.s32 v23, v3;
	v57 =	vshrl.u32 v20, $0x15;
	v23 =	vld [tilespmem:$0x1FC80]  }
0x598: {  	vm0 =	veq.s32 v25, v3;
	v25 =	vimm.s32 $0x0;
	v37 =	vand.u32 $0x3FF, v57  }
0x599: {  	v54 =	vshrl.u32 v16, $0x15;
	v25 =	vsel vm0, $0xFFFFFFFF, v25;
	vm0 =	veq.s32 v37, v3  }
0x59a: {  	v26 =	vshrl.u32 v7, $0x15;
	v34 =	vand.u32 $0x3FF, v54;
	vm4 =	vmand vm10, vm0  }
0x59b: {  	[tilespmem:$0x1FCA0] =	vst v10;
	v26 =	vand.u32 $0x3FF, v26;
	vm0 =	veq.s32 v34, v3;
	v22 =	vsel vm4, $0xFFFFFFFF, v22  }
0x59c: {  	[tilespmem:$0x1FD60] =	vst v22;
	v22 =	vsel vm4, $0x1, v0;
	vm4 =	vmand vm11, vm0;
	vm11 =	vnez.u8 v23;
	v23 =	vld [tilespmem:$0x1FC90]  }
0x59d: {  	v14 =	vmax.f32 v50, $0.0e+00;
	v6 =	vsel vm9, $0xFFFFFFFF, v6;
	vm9 =	veq.s32 v26, v3;
	v26 =	vld [tilespmem:$0x1FCA0]  }
0x59e: {  	v56 =	vshrl.u32 v14, $0x15;
	v10 =	vmax.f32 v15, $0.0e+00;
	v15 =	vmax.f32 v28, $0.0e+00  }
0x59f: {  	v36 =	vand.u32 $0x3FF, v56;
	v31 =	vshrl.u32 v15, $0x15  }
0x5a0: {  	v31 =	vand.u32 $0x3FF, v31;
	vm10 =	veq.s32 v36, v3  }
0x5a1: {  	vm1 =	veq.s32 v31, v3;
	vm10 =	vmand vm11, vm10;
	vm11 =	vnez.u8 v23  }
0x5a2: {  	v13 =	vand.u32 $0x1FFFFF, v13;
	vm1 =	vmand vm11, vm1;
	vm11 =	vnez.u8 v26;
	v26 =	vld [tilespmem:$0x1FCB0]  }
0x5a3: {  	[tilespmem:v27+s17+$0x0] =	vst.idx.msk vm2, v13;
	v13 =	vmax.f32 v49, $0.0e+00  }
0x5a4: {  	v52 =	vshrl.u32 v13, $0x15  }
0x5a5: {  	v32 =	vand.u32 $0x3FF, v52  }
0x5a6: {  	vm2 =	veq.s32 v32, v3  }
0x5a7: {  	vm2 =	vmand vm11, vm2;
	vm11 =	vnez.u8 v26;
	v26 =	vld [tilespmem:$0x1FCC0];
	_ =	sdelay $0x1  }
0x5a8: {  	v53 =	vshrl.u32 v11, $0x15  }
0x5a9: {  	v33 =	vand.u32 $0x3FF, v53  }
0x5aa: {  	vm3 =	veq.s32 v33, v3  }
0x5ab: {  	v24 =	vor.u32 v1, v24;
	vm3 =	vmand vm11, vm3;
	vm11 =	vnez.u8 v26;
	v26 =	vld [tilespmem:$0x1FCD0];
	_ =	sdelay $0x1  }
0x5ac: {  	v28 =	vshrl.u32 v18, $0x15  }
0x5ad: {  	[tilespmem:$0x1FD00] =	vst v4;
	v28 =	vand.u32 $0x3FF, v28  }
0x5ae: {  	v55 =	vshrl.u32 v17, $0x15;
	v4 =	vmax.f32 v39, $0.0e+00;
	[tilespmem:$0x1FCE0] =	vst v6;
	vm5 =	veq.s32 v28, v3  }
0x5af: {  	[tilespmem:v24+s17+$0x0] =	vst.idx.msk vm6, v48;
	v24 =	vshrl.u32 v4, $0x15;
	vm11 =	vmand vm11, vm5;
	vm5 =	vnez.u8 v26;
	v26 =	vld [tilespmem:$0x1FCE0]  }
0x5b0: {  	v35 =	vand.u32 $0x3FF, v55;
	v29 =	vshrl.u32 v10, $0x15;
	v24 =	vand.u32 $0x3FF, v24  }
0x5b1: {  	v29 =	vand.u32 $0x3FF, v29;
	vm15 =	veq.s32 v24, v3;
	vm0 =	veq.s32 v35, v3  }
0x5b2: {  	v22 =	vadd.s32 v22, v5;
	v5 =	vsel vm4, $0x1, v0;
	vm0 =	vmand vm12, vm0  }
0x5b3: {  	vm6 =	veq.s32 v29, v3;
	v24 =	vadd.s32 v5, v22;
	v5 =	vsel vm0, $0x1, v0  }
0x5b4: {  	vm5 =	vmand vm5, vm6;
	vm6 =	vmmov vm0;
	vm0 =	vnez.u8 v26;
	v26 =	vld [tilespmem:$0x1FCF0]  }
0x5b5: {  	v30 =	vshrl.u32 v9, $0x15  }
0x5b6: {  	v30 =	vand.u32 $0x3FF, v30  }
0x5b7: {  	vm7 =	veq.s32 v30, v3  }
0x5b8: {  	v6 =	vmax.f32 v41, $0.0e+00;
	[tilespmem:$0x1FD50] =	vst v25;
	v25 =	vadd.s32 v5, v24;
	v5 =	vsel vm10, $0x1, v0  }
0x5b9: {  	vm0 =	vmand vm0, vm7;
	vm7 =	vmmov vm10;
	vm10 =	vnez.u8 v26;
	v26 =	vld [tilespmem:$0x1FD00]  }
0x5ba: {  	v27 =	vshrl.u32 v6, $0x15  }
0x5bb: {  	v27 =	vand.u32 $0x3FF, v27;
	v23 =	vadd.s32 v5, v25;
	v5 =	vsel vm1, $0x1, v0  }
0x5bc: {  	vm13 =	veq.s32 v27, v3;
	v27 =	vadd.s32 v5, v23;
	v5 =	vsel vm2, $0x1, v0  }
0x5bd: {  	v30 =	vadd.s32 v5, v27;
	v5 =	vsel vm3, $0x1, v0  }
0x5be: {  	vm12 =	vmand vm10, vm8;
	vm8 =	vmmov vm3;
	vm3 =	vnez.u8 v26;
	v26 =	vld [tilespmem:$0x1FD10];
	_ =	sdelay $0x3  }
0x5bf: {  	v29 =	vadd.s32 v5, v30  }
0x5c0: {  	v5 =	vsel vm11, $0x1, v0;
	vm3 =	vmand vm3, vm9;
	vm9 =	vnez.u8 v26;
	v26 =	vld [tilespmem:$0x1FD20]  }
0x5c1: {  	v58 =	vadd.s32 v5, v29;
	v5 =	vsel vm5, $0x1, v0  }
0x5c2: {  	v59 =	vadd.s32 v5, v58;
	v5 =	vsel vm0, $0x1, v0  }
0x5c3: {  	v28 =	vld [tilespmem:$0x1FD30];
	v31 =	vadd.s32 v5, v59;
	v5 =	vsel vm12, $0x1, v0  }
0x5c4: {  	v60 =	vadd.s32 v5, v31  }
0x5c5: {  	v5 =	vsel vm3, $0x1, v0;
	vm10 =	vmand vm9, vm13;
	vm9 =	vnez.u8 v26  }
0x5c6: {  	v61 =	vadd.s32 v5, v60;
	v5 =	vsel vm10, $0x1, v0;
	vm13 =	vmand vm9, vm14  }
0x5c7: {  	v5 =	vadd.s32 v5, v61;
	v26 =	vsel vm13, $0x1, v0  }
0x5c8: {  	vm9 =	vnez.u8 v28;
	v28 =	vadd.s32 v26, v5;
	v26 =	vld [tilespmem:$0x1FD40];
	_ =	sdelay $0x4  }
0x5c9: {  	vm14 =	vmand vm9, vm15;
	vm9 =	vnez.u8 v26;
	v26 =	vld [tilespmem:$0x1FD50];
	_ =	sdelay $0x1  }
0x5ca: {  	s25 =	sadd.s32 $0x10, s25;
	v22 =	vshll.u32 v22, $0x4;
	v24 =	vshll.u32 v24, $0x4;
	v25 =	vshll.u32 v25, $0x4  }
0x5cb: {  	p0 =	slt.u32 s25, $0x7F0;
	v23 =	vshll.u32 v23, $0x4;
	v27 =	vshll.u32 v27, $0x4;
	v30 =	vshll.u32 v30, $0x4  }
.Ltmp34:
0x5cc: {  	v36 =	vshll.u32 v29, $0x4;
	v29 =	vshll.u32 v58, $0x4;
	v62 =	vsel vm14, $0x1, v0;
	(pc) =	sbr.rel @p0 .LBB2_46-.Ltmp34, $4  }
0x5cd: {  	v32 =	vshll.u32 v59, $0x4;
	v33 =	vadd.s32 v62, v28;
	vm15 =	vnez.u8 v26  }
0x5ce: {  	v35 =	vshll.u32 v61, $0x4;
	v34 =	vshll.u32 v33, $0x4;
	vm15 =	vmand vm9, vm15  }
0x5cf: {  	v26 =	vshll.u32 v28, $0x4;
	v28 =	vshll.u32 v5, $0x4;
	v63 =	vsel vm15, $0x1, v0  }
0x5d0: {  	s26 =	sadd.s32 $0x100, s26;
	v5 =	vadd.s32 v63, v33;
	v33 =	vshll.u32 v31, $0x4;
	v31 =	vshll.u32 v60, $0x4  }
0x5d1: {  	v3 =	vxor.u32 $0x80000000, v5  }
0x5d2: {  	(xrf0) =	vmax.scan.msk.u32 $0xffff, v3;
	_ =	sdelay $0x5  }
0x5d3: {  	v3, _, _ =	vpop (xrf0)  }
0x5d4: {  	(v2sf) =	vpush v3, $0xF;
	_ =	sdelay $0x4  }
0x5d5: {  	v26 =	vor.u32 v1, v26  }
0x5d6: {  	v56 =	vor.u32 v1, v35  }
0x5d7: {  	v57 =	vor.u32 v1, v31  }
0x5d8: {  	v58 =	vor.u32 v1, v32  }
0x5d9: {  	v55 =	vld [tilespmem:$0x1FD60];
	v59 =	vor.u32 v1, v29;
	v4 =	vand.u32 $0x1FFFFF, v4  }
0x5da: {  	v6 =	vand.u32 $0x1FFFFF, v6;
	[tilespmem:v26+s17+$0x0] =	vst.idx.msk vm14, v4;
	v3 =	vor.u32 v1, v36  }
0x5db: {  	v33 =	vor.u32 v1, v33;
	v7 =	vand.u32 $0x1FFFFF, v7;
	[tilespmem:v56+s17+$0x0] =	vst.idx.msk vm10, v6  }
0x5dc: {  	v28 =	vor.u32 v1, v28;
	v9 =	vand.u32 $0x1FFFFF, v9;
	[tilespmem:v57+s17+$0x0] =	vst.idx.msk vm3, v7  }
0x5dd: {  	v34 =	vor.u32 v1, v34;
	v10 =	vand.u32 $0x1FFFFF, v10;
	[tilespmem:v58+s17+$0x0] =	vst.idx.msk vm0, v9  }
0x5de: {  	v18 =	vand.u32 $0x1FFFFF, v18;
	vm9 =	vnez.u8 v55;
	v4 =	vor.u32 v1, v27;
	[tilespmem:v59+s17+$0x0] =	vst.idx.msk vm5, v10  }
0x5df: {  	[tilespmem:v3+s17+$0x0] =	vst.idx.msk vm11, v18;
	v3 =	vand.u32 $0x1FFFFF, v12;
	s0 =	spop (v2sf)  }
0x5e0: {  	v7 =	vor.u32 v1, v25;
	[tilespmem:v33+s17+$0x0] =	vst.idx.msk vm12, v3;
	v3 =	vand.u32 $0x1FFFFF, v8;
	s25 =	sxor.u32 $0x80000000, s0  }
0x5e1: {  	v62 =	vor.u32 v1, v22;
	[tilespmem:v28+s17+$0x0] =	vst.idx.msk vm13, v3;
	v3 =	vand.u32 $0x1FFFFF, v19;
	s1 =	sshra.s32 s25, $0x1F  }
0x5e2: {  	v63 =	vand.u32 $0x1FFFFF, v13;
	[tilespmem:v34+s17+$0x0] =	vst.idx.msk vm15, v3;
	v3 =	vor.u32 v1, v30;
	s1 =	sshrl.u32 s1, $0x1E  }
0x5e3: {  	v20 =	vand.u32 $0x1FFFFF, v20;
	v6 =	vor.u32 v1, v23;
	[tilespmem:v4+s17+$0x0] =	vst.idx.msk vm2, v63;
	s1 =	sadd.s32 s1, s25  }
0x5e4: {  	v60 =	vor.u32 v1, v24;
	v4 =	vand.u32 $0x1FFFFF, v14;
	[tilespmem:v21+s17+$0x0] =	vst.idx.msk vm9, v20;
	s26 =	sand.u32 $0xFFFFFFFC, s1  }
.Ltmp35:
0x5e5: {  	[tilespmem:v7+s17+$0x0] =	vst.idx.msk vm7, v4;
	v4 =	vand.u32 $0x1FFFFF, v16;
	s28 =	ssub.s32 s25, s26;
	(pc) =	sbr.rel .LBB2_48-.Ltmp35, $4  }
0x5e6: {  	v61 =	vand.u32 $0x1FFFFF, v11;
	[tilespmem:v62+s17+$0x0] =	vst.idx.msk vm4, v4;
	s0 =	sshll.u32 s0, $0x6;
	s30 =	sshll.u32 s28, $0x6  }
0x5e7: {  	[tilespmem:v3+s17+$0x0] =	vst.idx.msk vm8, v61;
	v3 =	vand.u32 $0x1FFFFF, v15;
	s0 =	ssub.s32 s0, s30  }
0x5e8: {  	s24 =	ssub.s32 $0x800, s24;
	[tilespmem:v6+s17+$0x0] =	vst.idx.msk vm1, v3;
	v3 =	vand.u32 $0x1FFFFF, v17;
	s0 =	sshra.s32 s0, $0x2  }
0x5e9: {  	s31 =	simm.s32 $0x0;
	[tilespmem:v60+s17+$0x0] =	vst.idx.msk vm6, v3;
	s29 =	sadd.s32 $0x14000, s0;
	s0 =	simm.s32 $0x0  }
.LBB2_52:
0x5ea: {  	(xrf0) =	vadd.scan.msk.s32 $0xffff, v4;
	_ =	sdelay $0x5  }
0x5eb: {  	v3, _, _ =	vpop (xrf0)  }
0x5ec: {  	(v2sf) =	vpush v3, $0xF;
	_ =	sdelay $0xe  }
0x5ed: {  	s1 =	spop (v2sf)  }
0x5ee: {  	s31 =	sadd.s32 $0x1, s31;
	p0 =	slt.s32 s1, s24  }
0x5ef: {  	s30 =	smov.u32 @p0 s0;
	p0 =	sne.s32 s31, $0x15  }
.Ltmp36:
0x5f0: {  	_ = 	snop;
	(pc) =	sbr.rel @!p0 .LBB2_53-.Ltmp36, $2  }
0x5f1: {  	_ =	sdelay $0x2  }
0x5f2: {  	s0 =	smov.u32 s30  }
.LBB2_48:
0x5f3: {  	p0 =	slt.s32 s26, $0x1  }
.Ltmp37:
0x5f4: {  	_ = 	snop;
	(pc) =	sbr.rel @p0 .LBB2_49-.Ltmp37, $4  }
0x5f5: {  	_ = 	snop  }
0x5f6: {  	s1 =	sshrl.u32 s18, s31  }
0x5f7: {  	s30 =	sor.u32 s1, s0  }
0x5f8: {  	v3 =	vmov s30  }
0x5f9: {  	s3 =	simm.s32 $0x14020  }
0x5fa: {  	v7 =	vld [tilespmem:s3+$0xFFFFFFE0];
	_ =	sdelay $0x2  }
0x5fb: {  	v4 =	vld [tilespmem:s3+$0x10]  }
0x5fc: {  	p0 =	sgt.s32 s26, $0x4;
	v8 =	vld [tilespmem:s3+$0xFFFFFFF0]  }
.Ltmp38:
0x5fd: {  	vm4 =	vge.s32 v7, v3;
	v7 =	vld [tilespmem:s3+$0x0];
	(pc) =	sbr.rel @!p0 .LBB2_83-.Ltmp38, $4  }
0x5fe: {  	v6 =	vimm.s32 $0x0;
	v9 =	vadd.s32 $0xFFFFFFFE, v5  }
0x5ff: {  	v10 =	vadd.s32 $0xFFFFFFFD, v5;
	vm2 =	vgt.s32 v5, $0x0;
	v11 =	vadd.s32 $0xFFFFFFFF, v5  }
0x600: {  	vm0 =	vgt.s32 v10, $0x0;
	vm3 =	vgt.s32 v11, $0x0;
	vm1 =	vgt.s32 v9, $0x0  }
0x601: {  	s1 =	simm.s32 $0x4;
	vm5 =	vge.s32 v8, v3;
	s3 =	simm.s32 $0x14060;
	vm4 =	vmand vm2, vm4;
	vm2 =	vge.s32 v4, v3;
	v4 =	vmovc v5  }
.LBB2_82:
0x602: {  	v8 =	vld [tilespmem:s3+$0x10];
	v9 =	vsel vm4, $0x1, v0;
	vm3 =	vmand vm3, vm5;
	vm4 =	vge.s32 v7, v3  }
0x603: {  	s1 =	sadd.s32 $0x4, s1;
	v10 =	vld [tilespmem:s3+$0xFFFFFFE0];
	v6 =	vadd.s32 v9, v6;
	v7 =	vsel vm3, $0x1, v0;
	vm1 =	vmand vm1, vm4  }
0x604: {  	vm0 =	vmand vm0, vm2;
	p0 =	slt.s32 s1, s26;
	v9 =	vld [tilespmem:s3+$0xFFFFFFF0];
	v6 =	vadd.s32 v7, v6;
	v11 =	vsel vm1, $0x1, v0  }
.Ltmp39:
0x605: {  	v4 =	vadd.s32 $0xFFFFFFFC, v4;
	v7 =	vld [tilespmem:s3+$0x0];
	v6 =	vadd.s32 v11, v6;
	v11 =	vsel vm0, $0x1, v0;
	(pc) =	sbr.rel @p0 .LBB2_82-.Ltmp39, $4  }
0x606: {  	v12 =	vadd.s32 $0xFFFFFFFE, v4;
	v13 =	vadd.s32 $0xFFFFFFFD, v4;
	v6 =	vadd.s32 v11, v6  }
0x607: {  	vm2 =	vgt.s32 v4, $0x0;
	vm0 =	vgt.s32 v13, $0x0;
	v11 =	vadd.s32 $0xFFFFFFFF, v4  }
0x608: {  	vm1 =	vgt.s32 v12, $0x0;
	vm3 =	vgt.s32 v11, $0x0;
	vm4 =	vge.s32 v10, v3  }
0x609: {  	s3 =	sadd.s32 $0x40, s3;
	vm4 =	vmand vm2, vm4;
	vm5 =	vge.s32 v9, v3;
	vm2 =	vge.s32 v8, v3  }
.LBB2_83:
.Ltmp40:
0x60a: {  	v8 =	vsel vm4, $0x1, v0;
	vm3 =	vmand vm3, vm5;
	vm15 =	vge.s32 v7, v3;
	(pc) =	sbr.rel .LBB2_50-.Ltmp40, $4  }
0x60b: {  	v6 =	vadd.s32 v8, v6;
	v7 =	vsel vm3, $0x1, v0;
	vm1 =	vmand vm1, vm15  }
0x60c: {  	vm0 =	vmand vm0, vm2;
	v6 =	vadd.s32 v7, v6;
	v7 =	vsel vm1, $0x1, v0  }
0x60d: {  	v8 =	vsel vm0, $0x1, v0;
	v7 =	vadd.s32 v7, v6  }
0x60e: {  	v6 =	vadd.s32 $0xFFFFFFFC, v4;
	v4 =	vadd.s32 v8, v7  }
.LBB2_49:
0x60f: {  	v4 =	vimm.s32 $0x0;
	v6 =	vmov v5  }
.LBB2_50:
0x610: {  	p0 =	sge.s32 s26, s25  }
.Ltmp41:
0x611: {  	_ = 	snop;
	(pc) =	sbr.rel @p0 .LBB2_52-.Ltmp41, $2  }
0x612: {  	_ =	sdelay $0x2  }
0x613: {  	s1 =	smov.u32 s29;
	s3 =	smov.u32 s28  }
.LBB2_51:
0x614: {  	v7 =	vld [tilespmem:s1+$0x0];
	_ =	sdelay $0x2  }
0x615: {  	p0 =	sne.s32 s3, $0x1  }
.Ltmp42:
0x616: {  	_ = 	snop;
	(pc) =	sbr.rel @p0 .LBB2_51-.Ltmp42, $4  }
0x617: {  	vm1 =	vgt.s32 v6, $0x0;
	vm0 =	vge.s32 v7, v3  }
0x618: {  	vm0 =	vmand vm1, vm0  }
0x619: {  	v7 =	vsel vm0, $0x1, v0  }
0x61a: {  	v6 =	vadd.s32 $0xFFFFFFFF, v6;
	s1 =	sadd.s32 $0x10, s1;
	s3 =	sadd.s32 $0xFFFFFFFF, s3;
	v4 =	vadd.s32 v7, v4  }
.Ltmp43:
0x61b: {  	_ = 	snop;
	(pc) =	sbr.rel .LBB2_52-.Ltmp43, $1  }
0x61c: {  	_ =	sdelay $0x3  }
.LBB2_53:
0x61d: {  	s24 =	simm.s32 $0x80  }
0x61e: {  	s1 =	sld [smem:$0x7F9];
	v4 =	vld [tilespmem:s24+$0x70]  }
0x61f: {  	s0 =	sshll.u32 s23, $0x15;
	v5 =	vld [tilespmem:s24+$0xFFFFFF90]  }
0x620: {  	s0 =	sor.u32 s0, s30;
	v6 =	vld [tilespmem:s24+$0xFFFFFFA0]  }
0x621: {  	v7 =	vld [tilespmem:s24+$0xFFFFFFB0];
	s0 =	simm.s32 @!p1 $0x0;
	p0 =	seq.s32 s1, $0x1  }
0x622: {  	v8 =	vld [tilespmem:s24+$0xFFFFFFC0];
	s0 =	simm.s32 @!p0 $0x0  }
0x623: {  	v9 =	vld [tilespmem:s24+$0xFFFFFFD0];
	v3 =	vmov s0;
	v4 =	vmax.f32 v4, $0.0e+00  }
0x624: {  	v10 =	vld [tilespmem:s24+$0xFFFFFFE0];
	v5 =	vmax.f32 v5, $0.0e+00;
	vm0 =	vgt.s32 v3, v4  }
0x625: {  	v11 =	vld [tilespmem:s24+$0xFFFFFFF0];
	v6 =	vmax.f32 v6, $0.0e+00;
	vm1 =	vgt.s32 v3, v5;
	v4 =	vsel vm0, $0x0, v4  }
0x626: {  	v12 =	vld [tilespmem:s24+$0x0];
	v7 =	vmax.f32 v7, $0.0e+00;
	v5 =	vsel vm1, $0x0, v5;
	vm0 =	vgt.s32 v3, v6;
	[tilespmem:s24+$0x70] =	vst v4  }
0x627: {  	[tilespmem:s24+$0xFFFFFF90] =	vst v5;
	v4 =	vsel vm0, $0x0, v6;
	vm0 =	vgt.s32 v3, v7;
	v5 =	vmax.f32 v8, $0.0e+00;
	v8 =	vld [tilespmem:s24+$0x10]  }
0x628: {  	v13 =	vld [tilespmem:s24+$0x20];
	v6 =	vmax.f32 v9, $0.0e+00;
	[tilespmem:s24+$0xFFFFFFA0] =	vst v4;
	v4 =	vsel vm0, $0x0, v7;
	vm0 =	vgt.s32 v3, v5  }
0x629: {  	v7 =	vmax.f32 v10, $0.0e+00;
	[tilespmem:s24+$0xFFFFFFB0] =	vst v4;
	v5 =	vsel vm0, $0x0, v5;
	vm0 =	vgt.s32 v3, v6;
	v4 =	vld [tilespmem:s24+$0x30]  }
0x62a: {  	v9 =	vmax.f32 v11, $0.0e+00;
	[tilespmem:s24+$0xFFFFFFC0] =	vst v5;
	v6 =	vsel vm0, $0x0, v6;
	vm0 =	vgt.s32 v3, v7;
	v5 =	vld [tilespmem:s24+$0x40]  }
0x62b: {  	v10 =	vmax.f32 v12, $0.0e+00;
	[tilespmem:s24+$0xFFFFFFD0] =	vst v6;
	v7 =	vsel vm0, $0x0, v7;
	vm0 =	vgt.s32 v3, v9;
	v6 =	vld [tilespmem:s24+$0x50]  }
0x62c: {  	[tilespmem:s24+$0xFFFFFFE0] =	vst v7;
	v11 =	vsel vm0, $0x0, v9;
	vm0 =	vgt.s32 v3, v10;
	v9 =	vmax.f32 v8, $0.0e+00;
	v7 =	vld [tilespmem:s24+$0x60]  }
0x62d: {  	s23 =	simm.s32 $0x180;
	s0 =	simm.s32 $0x0;
	v8 =	vld [tilespmem:s24+$0xFFFFFF80];
	[tilespmem:s24+$0xFFFFFFF0] =	vst v11;
	v11 =	vsel vm0, $0x0, v10;
	vm0 =	vgt.s32 v3, v9;
	v10 =	vmax.f32 v13, $0.0e+00  }
.LBB2_54:
0x62e: {  	v12 =	vld [tilespmem:s23+$0x70];
	s0 =	sadd.s32 $0x10, s0;
	[tilespmem:s24+$0x0] =	vst v11;
	v9 =	vsel vm0, $0x0, v9;
	vm0 =	vgt.s32 v3, v10;
	v4 =	vmax.f32 v4, $0.0e+00  }
0x62f: {  	v11 =	vld [tilespmem:s23+$0xFFFFFF90];
	p0 =	slt.u32 s0, $0x7F0;
	[tilespmem:s24+$0x10] =	vst v9;
	v9 =	vsel vm0, $0x0, v10;
	vm0 =	vgt.s32 v3, v4;
	v5 =	vmax.f32 v5, $0.0e+00  }
0x630: {  	v10 =	vld [tilespmem:s23+$0xFFFFFFA0];
	[tilespmem:s24+$0x20] =	vst v9;
	v4 =	vsel vm0, $0x0, v4;
	vm0 =	vgt.s32 v3, v5;
	v6 =	vmax.f32 v6, $0.0e+00  }
0x631: {  	v9 =	vld [tilespmem:s23+$0xFFFFFFB0];
	[tilespmem:s24+$0x30] =	vst v4;
	v4 =	vsel vm0, $0x0, v5;
	vm0 =	vgt.s32 v3, v6;
	v5 =	vmax.f32 v7, $0.0e+00  }
0x632: {  	v7 =	vld [tilespmem:s23+$0xFFFFFFC0];
	v8 =	vmax.f32 v8, $0.0e+00;
	[tilespmem:s24+$0x40] =	vst v4;
	v4 =	vsel vm0, $0x0, v6;
	vm0 =	vgt.s32 v3, v5  }
0x633: {  	v6 =	vld [tilespmem:s23+$0xFFFFFFD0];
	v12 =	vmax.f32 v12, $0.0e+00;
	vm1 =	vgt.s32 v3, v8;
	[tilespmem:s24+$0x50] =	vst v4;
	v4 =	vsel vm0, $0x0, v5  }
0x634: {  	v5 =	vmax.f32 v11, $0.0e+00;
	v11 =	vld [tilespmem:s23+$0xFFFFFFE0];
	vm0 =	vgt.s32 v3, v12;
	v8 =	vsel vm1, $0x0, v8;
	[tilespmem:s24+$0x60] =	vst v4  }
0x635: {  	vm1 =	vgt.s32 v3, v5;
	v4 =	vmax.f32 v10, $0.0e+00;
	v10 =	vld [tilespmem:s23+$0xFFFFFFF0];
	v12 =	vsel vm0, $0x0, v12;
	[tilespmem:s24+$0xFFFFFF80] =	vst v8;
	s24 =	smov.u32 s23  }
0x636: {  	v5 =	vsel vm1, $0x0, v5;
	vm0 =	vgt.s32 v3, v4;
	v8 =	vmax.f32 v9, $0.0e+00;
	v9 =	vld [tilespmem:s23+$0x0];
	[tilespmem:s23+$0x70] =	vst v12  }
0x637: {  	[tilespmem:s23+$0xFFFFFF90] =	vst v5;
	v4 =	vsel vm0, $0x0, v4;
	vm0 =	vgt.s32 v3, v8;
	v5 =	vmax.f32 v7, $0.0e+00;
	v7 =	vld [tilespmem:s23+$0x10]  }
0x638: {  	[tilespmem:s23+$0xFFFFFFA0] =	vst v4;
	v4 =	vsel vm0, $0x0, v8;
	vm0 =	vgt.s32 v3, v5;
	v6 =	vmax.f32 v6, $0.0e+00;
	v12 =	vld [tilespmem:s23+$0x20]  }
.Ltmp44:
0x639: {  	[tilespmem:s23+$0xFFFFFFB0] =	vst v4;
	v5 =	vsel vm0, $0x0, v5;
	vm0 =	vgt.s32 v3, v6;
	v8 =	vmax.f32 v11, $0.0e+00;
	v4 =	vld [tilespmem:s23+$0x30];
	(pc) =	sbr.rel @p0 .LBB2_54-.Ltmp44, $4  }
0x63a: {  	[tilespmem:s23+$0xFFFFFFC0] =	vst v5;
	v6 =	vsel vm0, $0x0, v6;
	vm0 =	vgt.s32 v3, v8;
	v10 =	vmax.f32 v10, $0.0e+00;
	v5 =	vld [tilespmem:s23+$0x40]  }
0x63b: {  	[tilespmem:s23+$0xFFFFFFD0] =	vst v6;
	v8 =	vsel vm0, $0x0, v8;
	vm0 =	vgt.s32 v3, v10;
	v11 =	vmax.f32 v9, $0.0e+00;
	v6 =	vld [tilespmem:s23+$0x50]  }
0x63c: {  	[tilespmem:s23+$0xFFFFFFE0] =	vst v8;
	v10 =	vsel vm0, $0x0, v10;
	vm0 =	vgt.s32 v3, v11;
	v9 =	vmax.f32 v7, $0.0e+00;
	v7 =	vld [tilespmem:s23+$0x60]  }
0x63d: {  	s23 =	sadd.s32 $0x100, s23;
	v8 =	vld [tilespmem:s24+$0xFFFFFF80];
	[tilespmem:s24+$0xFFFFFFF0] =	vst v10;
	v11 =	vsel vm0, $0x0, v11;
	vm0 =	vgt.s32 v3, v9;
	v10 =	vmax.f32 v12, $0.0e+00  }
0x63e: {  	[tilespmem:s24+$0x0] =	vst v11;
	v9 =	vsel vm0, $0x0, v9;
	vm11 =	vgt.s32 v3, v10;
	v4 =	vmax.f32 v4, $0.0e+00  }
0x63f: {  	[tilespmem:s24+$0x10] =	vst v9;
	v58 =	vsel vm11, $0x0, v10;
	vm12 =	vgt.s32 v3, v4;
	v5 =	vmax.f32 v5, $0.0e+00  }
0x640: {  	[tilespmem:s24+$0x20] =	vst v58;
	v4 =	vsel vm12, $0x0, v4;
	vm13 =	vgt.s32 v3, v5;
	v6 =	vmax.f32 v6, $0.0e+00  }
0x641: {  	[tilespmem:s24+$0x30] =	vst v4;
	v59 =	vsel vm13, $0x0, v5;
	vm14 =	vgt.s32 v3, v6;
	v60 =	vmax.f32 v7, $0.0e+00  }
0x642: {  	v61 =	vmax.f32 v8, $0.0e+00;
	[tilespmem:s24+$0x40] =	vst v59;
	v62 =	vsel vm14, $0x0, v6;
	vm15 =	vgt.s32 v3, v60  }
0x643: {  	vm1 =	vgt.s32 v3, v61;
	[tilespmem:s24+$0x50] =	vst v62;
	v3 =	vsel vm15, $0x0, v60  }
0x644: {  	v63 =	vsel vm1, $0x0, v61;
	[tilespmem:s24+$0x60] =	vst v3  }
0x645: {  	[tilespmem:s24+$0xFFFFFF80] =	vst v63  }
0x646: {  	[hbm4b:s9+s12] =	stream.strided.scatter [tilespmem:s2], [sflag:$0x3], $0x8000, s13, s12, $0x38;
	[tilespmem:$0x1C000] =	vst v63  }
0x647: {  	_ =	swait.ge [sflag:s19], $0x8000  }
0x648: {  	[sflag:s19] =	ssyncset.done $0x0  }
0x649: {  	s0 =	simm.s32 $0x10080;
	[sflag:s19] =	ssyncadd.s32 $0xFFFF8000  }
0x64a: {  	[tilespmem:s0+$0xFFFFFF80] =	vst v0  }
0x64b: {  	[tilespmem:s0+$0x70] =	vst v0  }
0x64c: {  	[tilespmem:s0+$0x60] =	vst v0  }
0x64d: {  	[tilespmem:s0+$0x50] =	vst v0  }
0x64e: {  	[tilespmem:s0+$0x40] =	vst v0  }
0x64f: {  	[tilespmem:s0+$0x30] =	vst v0  }
0x650: {  	[tilespmem:s0+$0x20] =	vst v0  }
0x651: {  	[tilespmem:s0+$0x10] =	vst v0  }
0x652: {  	[tilespmem:s0+$0x0] =	vst v0  }
0x653: {  	[tilespmem:s0+$0xFFFFFFF0] =	vst v0  }
0x654: {  	[tilespmem:s0+$0xFFFFFFE0] =	vst v0  }
0x655: {  	[tilespmem:s0+$0xFFFFFFD0] =	vst v0  }
0x656: {  	[tilespmem:s0+$0xFFFFFFC0] =	vst v0  }
0x657: {  	[tilespmem:s0+$0xFFFFFFB0] =	vst v0  }
0x658: {  	s1 =	simm.s32 $0x0;
	[tilespmem:s0+$0xFFFFFFA0] =	vst v0  }
.LBB2_56:
0x659: {  	s1 =	sadd.s32 $0x10, s1;
	[tilespmem:s0+$0xFFFFFF90] =	vst v0;
	s0 =	sadd.s32 $0x100, s0  }
0x65a: {  	[tilespmem:s0+$0xFFFFFF80] =	vst v0;
	p0 =	slt.u32 s1, $0x3F0  }
0x65b: {  	[tilespmem:s0+$0x70] =	vst v0  }
0x65c: {  	[tilespmem:s0+$0x60] =	vst v0  }
0x65d: {  	[tilespmem:s0+$0x50] =	vst v0  }
0x65e: {  	[tilespmem:s0+$0x40] =	vst v0  }
0x65f: {  	[tilespmem:s0+$0x30] =	vst v0  }
0x660: {  	[tilespmem:s0+$0x20] =	vst v0  }
0x661: {  	[tilespmem:s0+$0x10] =	vst v0  }
0x662: {  	[tilespmem:s0+$0x0] =	vst v0  }
0x663: {  	[tilespmem:s0+$0xFFFFFFF0] =	vst v0  }
.Ltmp45:
0x664: {  	[tilespmem:s0+$0xFFFFFFE0] =	vst v0;
	(pc) =	sbr.rel @p0 .LBB2_56-.Ltmp45, $4  }
0x665: {  	[tilespmem:s0+$0xFFFFFFD0] =	vst v0  }
0x666: {  	[tilespmem:s0+$0xFFFFFFC0] =	vst v0  }
0x667: {  	[tilespmem:s0+$0xFFFFFFB0] =	vst v0  }
0x668: {  	[tilespmem:s0+$0xFFFFFFA0] =	vst v0  }
0x669: {  	[tilespmem:s0+$0xFFFFFF90] =	vst v0;
	s31 =	simm.s32 $0x8080  }
0x66a: {  	v9 =	vld [tilespmem:s31+$0x40]  }
0x66b: {  	v7 =	vld [tilespmem:s31+$0xFFFFFF80]  }
0x66c: {  	v10 =	vld [tilespmem:s31+$0x0]  }
0x66d: {  	v11 =	vld [tilespmem:s31+$0x10]  }
0x66e: {  	v5 =	vld [tilespmem:s31+$0xFFFFFFC0]  }
0x66f: {  	v6 =	vld [tilespmem:s31+$0xFFFFFFE0]  }
0x670: {  	v14 =	vld [tilespmem:s31+$0x30]  }
0x671: {  	v19 =	vld [tilespmem:s31+$0x20]  }
0x672: {  	v17 =	vld [tilespmem:s31+$0xFFFFFF90]  }
0x673: {  	v4 =	vmax.f32 v9, $0.0e+00;
	vm1 =	vgt.f32 v10, $0.0e+00;
	vm5 =	vgt.f32 v9, $0.0e+00  }
0x674: {  	v21 =	vmax.f32 v7, $0.0e+00;
	v15 =	vmax.f32 v11, $0.0e+00;
	v10 =	vmax.f32 v10, $0.0e+00  }
0x675: {  	v8 =	vld [tilespmem:s31+$0xFFFFFFF0];
	v20 =	vmax.f32 v6, $0.0e+00;
	vm6 =	vgt.f32 v11, $0.0e+00;
	v11 =	vmax.f32 v5, $0.0e+00  }
0x676: {  	v3 =	vld [tilespmem:s31+$0xFFFFFFD0];
	vm3 =	vgt.f32 v14, $0.0e+00;
	v14 =	vmax.f32 v14, $0.0e+00;
	vm4 =	vgt.f32 v19, $0.0e+00  }
0x677: {  	v9 =	vld [tilespmem:s31+$0xFFFFFFA0];
	vm0 =	vgt.f32 v17, $0.0e+00;
	v63 =	vmax.f32 v19, $0.0e+00;
	v4 =	vshrl.u32 v4, $0x11  }
0x678: {  	v11 =	vshrl.u32 v11, $0x11;
	v14 =	vshrl.u32 v14, $0x11;
	v12 =	vand.u32 $0x3FF0, v4;
	v4 =	vld [tilespmem:s31+$0xFFFFFFB0]  }
0x679: {  	v18 =	vshrl.u32 v10, $0x11;
	v20 =	vshrl.u32 v20, $0x11;
	v11 =	vand.u32 $0x3FF0, v11  }
0x67a: {  	v14 =	vand.u32 $0x3FF0, v14;
	v23 =	vor.u32 v1, v12;
	v12 =	vmax.f32 v8, $0.0e+00  }
0x67b: {  	v13 =	vshrl.u32 v12, $0x11;
	v12 =	vshrl.u32 v15, $0x11;
	v15 =	vmax.f32 v3, $0.0e+00  }
0x67c: {  	v16 =	vmax.f32 v9, $0.0e+00;
	vm2 =	vgt.f32 v9, $0.0e+00;
	v9 =	vand.u32 $0x3FF0, v12  }
0x67d: {  	v24 =	vshrl.u32 v15, $0x11;
	v22 =	vor.u32 v1, v9;
	v15 =	vmax.f32 v4, $0.0e+00  }
0x67e: {  	v12 =	vmax.f32 v17, $0.0e+00;
	v9 =	vshrl.u32 v16, $0x11;
	v16 =	vshrl.u32 v15, $0x11;
	v15 =	vld [tilespmem:s31+$0x60]  }
0x67f: {  	v19 =	vor.u32 v1, v14;
	v17 =	vld [tilespmem:s31+$0x70];
	v25 =	vshrl.u32 v12, $0x11;
	v12 =	vor.u32 v1, v11  }
0x680: {  	v14 =	vand.u32 $0x3FF0, v24;
	v9 =	vand.u32 $0x3FF0, v9;
	v10 =	vand.u32 $0x3FF0, v25;
	[tilespmem:v23+s16+$0x0] =	vst.idx.add.s32.msk vm5, v2  }
0x681: {  	v9 =	vor.u32 v1, v9;
	v10 =	vor.u32 v1, v10;
	v11 =	vand.u32 $0x3FF0, v16;
	v16 =	vld [tilespmem:s31+$0x50]  }
0x682: {  	s24 =	simm.s32 $0x0;
	s25 =	simm.s32 $0x8180;
	v11 =	vor.u32 v1, v11;
	[tilespmem:v22+s16+$0x0] =	vst.idx.add.s32.msk vm6, v2;
	v22 =	vshrl.u32 v21, $0x11;
	v21 =	vshrl.u32 v63, $0x11  }
.LBB2_58:
0x683: {  	v23 =	vld [tilespmem:s25+$0xFFFFFFB0];
	s24 =	sadd.s32 $0x10, s24;
	v22 =	vand.u32 $0x3FF0, v22;
	v20 =	vand.u32 $0x3FF0, v20;
	v24 =	vmax.f32 v15, $0.0e+00  }
0x684: {  	vm6 =	vgt.f32 v7, $0.0e+00;
	v7 =	vand.u32 $0x3FF0, v21;
	v25 =	vld [tilespmem:s25+$0x40];
	p0 =	slt.u32 s24, $0x7F0;
	v21 =	vshrl.u32 v24, $0x11  }
0x685: {  	vm5 =	vgt.f32 v15, $0.0e+00;
	v26 =	vor.u32 v1, v7;
	v24 =	vld [tilespmem:s25+$0xFFFFFFD0];
	v7 =	vand.u32 $0x3FF0, v21  }
0x686: {  	v18 =	vand.u32 $0x3FF0, v18;
	v15 =	vor.u32 v1, v22;
	[tilespmem:v19+s16+$0x0] =	vst.idx.add.s32.msk vm3, v2;
	v19 =	vor.u32 v1, v7  }
0x687: {  	v18 =	vor.u32 v1, v18;
	v21 =	vmax.f32 v16, $0.0e+00;
	v22 =	vmax.f32 v17, $0.0e+00;
	v7 =	vld [tilespmem:s25+$0xFFFFFF80]  }
0x688: {  	vm3 =	vgt.f32 v16, $0.0e+00;
	v16 =	vshrl.u32 v21, $0x11;
	v21 =	vshrl.u32 v22, $0x11;
	v27 =	vld [tilespmem:s25+$0xFFFFFFA0]  }
0x689: {  	vm7 =	vmmov vm2;
	v16 =	vand.u32 $0x3FF0, v16;
	v21 =	vand.u32 $0x3FF0, v21;
	v22 =	vld [tilespmem:s25+$0xFFFFFF90]  }
0x68a: {  	v16 =	vor.u32 v1, v16;
	[tilespmem:v26+s16+$0x0] =	vst.idx.add.s32.msk vm4, v2  }
0x68b: {  	v14 =	vor.u32 v1, v14;
	v28 =	vmax.f32 v25, $0.0e+00;
	v26 =	vld [tilespmem:s25+$0xFFFFFFC0]  }
0x68c: {  	v28 =	vshrl.u32 v28, $0x11;
	[tilespmem:v18+s16+$0x0] =	vst.idx.add.s32.msk vm1, v2;
	vm1 =	vgt.f32 v17, $0.0e+00  }
0x68d: {  	v13 =	vand.u32 $0x3FF0, v13;
	v21 =	vor.u32 v1, v21;
	v18 =	vand.u32 $0x3FF0, v28;
	v17 =	vld [tilespmem:s25+$0xFFFFFFE0]  }
0x68e: {  	v13 =	vor.u32 v1, v13;
	v28 =	vld [tilespmem:s25+$0xFFFFFFF0]  }
0x68f: {  	vm11 =	vgt.f32 v8, $0.0e+00;
	v29 =	vld [tilespmem:s25+$0x0]  }
0x690: {  	v30 =	vld [tilespmem:s25+$0x10]  }
0x691: {  	vm10 =	vgt.f32 v6, $0.0e+00;
	v31 =	vld [tilespmem:s25+$0x30]  }
0x692: {  	vm2 =	vgt.f32 v5, $0.0e+00;
	v20 =	vor.u32 v1, v20;
	v5 =	vmovc v26;
	[tilespmem:v21+s16+$0x0] =	vst.idx.add.s32.msk vm1, v2;
	v6 =	vmov v17  }
0x693: {  	vm9 =	vgt.f32 v4, $0.0e+00;
	v4 =	vmovc v23;
	vm4 =	vgt.f32 v3, $0.0e+00;
	v3 =	vmovc v24;
	v17 =	vld [tilespmem:s25+$0x20];
	v8 =	vmov v28  }
0x694: {  	vm8 =	vgt.f32 v25, $0.0e+00;
	v23 =	vor.u32 v1, v18;
	vm1 =	vgt.f32 v29, $0.0e+00;
	[tilespmem:v16+s16+$0x0] =	vst.idx.add.s32.msk vm3, v2  }
0x695: {  	v21 =	vmax.f32 v7, $0.0e+00;
	v16 =	vmax.f32 v8, $0.0e+00;
	v18 =	vmax.f32 v30, $0.0e+00;
	[tilespmem:v13+s16+$0x0] =	vst.idx.add.s32.msk vm11, v2  }
0x696: {  	v13 =	vshrl.u32 v16, $0x11;
	v16 =	vmax.f32 v29, $0.0e+00;
	v18 =	vshrl.u32 v18, $0x11;
	[tilespmem:v15+s16+$0x0] =	vst.idx.add.s32.msk vm6, v2  }
0x697: {  	v24 =	vmax.f32 v6, $0.0e+00;
	v15 =	vmax.f32 v3, $0.0e+00;
	vm6 =	vgt.f32 v30, $0.0e+00;
	[tilespmem:v20+s16+$0x0] =	vst.idx.add.s32.msk vm10, v2  }
0x698: {  	vm3 =	vgt.f32 v31, $0.0e+00;
	v20 =	vmax.f32 v5, $0.0e+00;
	v25 =	vshrl.u32 v15, $0x11;
	[tilespmem:v12+s16+$0x0] =	vst.idx.add.s32.msk vm2, v2  }
0x699: {  	v12 =	vmax.f32 v4, $0.0e+00;
	v15 =	vshrl.u32 v20, $0x11;
	v20 =	vmax.f32 v31, $0.0e+00;
	[tilespmem:v19+s16+$0x0] =	vst.idx.add.s32.msk vm5, v2  }
0x69a: {  	v18 =	vand.u32 $0x3FF0, v18;
	vm2 =	vgt.f32 v27, $0.0e+00;
	v19 =	vmax.f32 v27, $0.0e+00;
	[tilespmem:v14+s16+$0x0] =	vst.idx.add.s32.msk vm4, v2  }
0x69b: {  	v26 =	vor.u32 v1, v18;
	v15 =	vand.u32 $0x3FF0, v15;
	v14 =	vmax.f32 v22, $0.0e+00;
	[tilespmem:v9+s16+$0x0] =	vst.idx.add.s32.msk vm7, v2  }
0x69c: {  	vm4 =	vgt.f32 v17, $0.0e+00;
	v9 =	vshrl.u32 v19, $0x11;
	v19 =	vshrl.u32 v12, $0x11;
	[tilespmem:v11+s16+$0x0] =	vst.idx.add.s32.msk vm9, v2  }
0x69d: {  	v11 =	vshrl.u32 v14, $0x11;
	v9 =	vand.u32 $0x3FF0, v9;
	v14 =	vshrl.u32 v20, $0x11;
	[tilespmem:v10+s16+$0x0] =	vst.idx.add.s32.msk vm0, v2  }
.Ltmp46:
0x69e: {  	v18 =	vshrl.u32 v16, $0x11;
	v12 =	vor.u32 v1, v15;
	v9 =	vor.u32 v1, v9;
	v15 =	vld [tilespmem:s25+$0x60];
	(pc) =	sbr.rel @p0 .LBB2_58-.Ltmp46, $4  }
0x69f: {  	v10 =	vand.u32 $0x3FF0, v11;
	v11 =	vand.u32 $0x3FF0, v19;
	v14 =	vand.u32 $0x3FF0, v14;
	v16 =	vld [tilespmem:s25+$0x50]  }
0x6a0: {  	vm0 =	vgt.f32 v22, $0.0e+00;
	v11 =	vor.u32 v1, v11;
	[tilespmem:v26+s16+$0x0] =	vst.idx.add.s32.msk vm6, v2;
	v26 =	vmax.f32 v17, $0.0e+00  }
0x6a1: {  	v20 =	vshrl.u32 v24, $0x11;
	v10 =	vor.u32 v1, v10;
	v19 =	vor.u32 v1, v14;
	v17 =	vld [tilespmem:s25+$0x70]  }
0x6a2: {  	s23 =	simm.s32 $0x3F;
	s0 =	simm.s32 $0x13FF0;
	v22 =	vshrl.u32 v21, $0x11;
	v14 =	vand.u32 $0x3FF0, v25;
	v21 =	vshrl.u32 v26, $0x11;
	s25 =	sadd.s32 $0x100, s25;
	[tilespmem:v23+s16+$0x0] =	vst.idx.add.s32.msk vm8, v2  }
0x6a3: {  	_ =	sdelay $0x1  }
0x6a4: {  	v21 =	vand.u32 $0x3FF0, v21  }
0x6a5: {  	v18 =	vand.u32 $0x3FF0, v18;
	v21 =	vor.u32 v1, v21  }
0x6a6: {  	v13 =	vand.u32 $0x3FF0, v13;
	vm7 =	vgt.f32 v8, $0.0e+00;
	v18 =	vor.u32 v1, v18  }
0x6a7: {  	v22 =	vand.u32 $0x3FF0, v22;
	[tilespmem:v19+s16+$0x0] =	vst.idx.add.s32.msk vm3, v2;
	vm3 =	vgt.f32 v7, $0.0e+00;
	v7 =	vor.u32 v1, v13  }
0x6a8: {  	v8 =	vand.u32 $0x3FF0, v20;
	vm12 =	vgt.f32 v6, $0.0e+00;
	v61 =	vor.u32 v1, v22  }
0x6a9: {  	v60 =	vmax.f32 v15, $0.0e+00;
	vm13 =	vgt.f32 v5, $0.0e+00;
	[tilespmem:v10+s16+$0x0] =	vst.idx.add.s32.msk vm0, v2;
	v5 =	vor.u32 v1, v8  }
0x6aa: {  	vm8 =	vgt.f32 v15, $0.0e+00;
	vm14 =	vgt.f32 v3, $0.0e+00;
	vm2 =	vmmov vm2;
	[tilespmem:v21+s16+$0x0] =	vst.idx.add.s32.msk vm4, v2  }
0x6ab: {  	v3 =	vor.u32 v1, v14;
	vm15 =	vgt.f32 v4, $0.0e+00;
	v6 =	vshrl.u32 v60, $0x11;
	[tilespmem:v18+s16+$0x0] =	vst.idx.add.s32.msk vm1, v2  }
0x6ac: {  	v57 =	vmax.f32 v16, $0.0e+00;
	vm6 =	vgt.f32 v16, $0.0e+00;
	v6 =	vand.u32 $0x3FF0, v6;
	[tilespmem:v7+s16+$0x0] =	vst.idx.add.s32.msk vm7, v2  }
0x6ad: {  	v23 =	vmax.f32 v17, $0.0e+00;
	vm5 =	vgt.f32 v17, $0.0e+00;
	v17 =	vshrl.u32 v57, $0x11;
	[tilespmem:v61+s16+$0x0] =	vst.idx.add.s32.msk vm3, v2  }
0x6ae: {  	v6 =	vor.u32 v1, v6;
	v23 =	vshrl.u32 v23, $0x11;
	v58 =	vand.u32 $0x3FF0, v17;
	[tilespmem:v5+s16+$0x0] =	vst.idx.add.s32.msk vm12, v2  }
0x6af: {  	v23 =	vand.u32 $0x3FF0, v23;
	v16 =	vor.u32 v1, v58;
	[tilespmem:v12+s16+$0x0] =	vst.idx.add.s32.msk vm13, v2  }
0x6b0: {  	v59 =	vor.u32 v1, v23;
	[tilespmem:v3+s16+$0x0] =	vst.idx.add.s32.msk vm14, v2  }
0x6b1: {  	[tilespmem:v9+s16+$0x0] =	vst.idx.add.s32.msk vm2, v2  }
0x6b2: {  	[tilespmem:v11+s16+$0x0] =	vst.idx.add.s32.msk vm15, v2  }
0x6b3: {  	[tilespmem:v6+s16+$0x0] =	vst.idx.add.s32.msk vm8, v2  }
0x6b4: {  	[tilespmem:v16+s16+$0x0] =	vst.idx.add.s32.msk vm6, v2  }
0x6b5: {  	[tilespmem:v59+s16+$0x0] =	vst.idx.add.s32.msk vm5, v2  }
0x6b6: {  	v3 =	vld [tilespmem:s0+$0xFFFFFF10]  }
0x6b7: {  	v4 =	vld [tilespmem:s0+$0xFFFFFF20]  }
0x6b8: {  	v5 =	vld [tilespmem:s0+$0xFFFFFF30]  }
0x6b9: {  	v6 =	vld [tilespmem:s0+$0xFFFFFF40]  }
0x6ba: {  	v7 =	vld [tilespmem:s0+$0xFFFFFF50]  }
0x6bb: {  	s3 =	simm.s32 $0x13EF0;
	v8 =	vld [tilespmem:s0+$0xFFFFFF60]  }
0x6bc: {  	v9 =	vld [tilespmem:s3+$0xFFFFFF10]  }
0x6bd: {  	v10 =	vld [tilespmem:s3+$0xFFFFFF80]  }
0x6be: {  	v3 =	vadd.s32 v3, v4;
	v4 =	vld [tilespmem:s0+$0xFFFFFF70]  }
0x6bf: {  	v3 =	vadd.s32 v5, v3;
	v5 =	vld [tilespmem:s0+$0xFFFFFF80]  }
0x6c0: {  	v3 =	vadd.s32 v6, v3;
	v6 =	vld [tilespmem:s0+$0xFFFFFF90]  }
0x6c1: {  	v3 =	vadd.s32 v7, v3;
	v7 =	vld [tilespmem:s0+$0xFFFFFFA0]  }
0x6c2: {  	v3 =	vadd.s32 v8, v3;
	v8 =	vld [tilespmem:s0+$0xFFFFFFB0]  }
0x6c3: {  	v3 =	vadd.s32 v4, v3;
	v4 =	vld [tilespmem:s0+$0xFFFFFFC0]  }
0x6c4: {  	v3 =	vadd.s32 v5, v3;
	v5 =	vld [tilespmem:s0+$0xFFFFFFD0]  }
0x6c5: {  	v3 =	vadd.s32 v6, v3;
	v6 =	vld [tilespmem:s0+$0xFFFFFFE0]  }
0x6c6: {  	v3 =	vadd.s32 v7, v3;
	v7 =	vld [tilespmem:s0+$0xFFFFFFF0]  }
0x6c7: {  	v3 =	vadd.s32 v8, v3;
	v8 =	vld [tilespmem:s0+$0x0]  }
0x6c8: {  	v11 =	vld [tilespmem:s3+$0xFFFFFF90];
	v3 =	vadd.s32 v4, v3  }
0x6c9: {  	v4 =	vld [tilespmem:s3+$0xFFFFFF20];
	v3 =	vadd.s32 v5, v3  }
0x6ca: {  	v5 =	vld [tilespmem:s3+$0xFFFFFF30];
	v3 =	vadd.s32 v6, v3  }
0x6cb: {  	v6 =	vld [tilespmem:s3+$0xFFFFFF40];
	v3 =	vadd.s32 v7, v3  }
0x6cc: {  	v7 =	vld [tilespmem:s3+$0xFFFFFF50];
	v3 =	vadd.s32 v8, v3  }
0x6cd: {  	v8 =	vld [tilespmem:s3+$0xFFFFFF60];
	(xrf0) =	vadd.scan.msk.s32 $0xffff, v3  }
0x6ce: {  	v3 =	vld [tilespmem:s3+$0xFFFFFF70];
	v4 =	vadd.s32 v9, v4  }
0x6cf: {  	v12 =	vld [tilespmem:s3+$0xFFFFFFA0];
	v4 =	vadd.s32 v5, v4  }
0x6d0: {  	v9 =	vld [tilespmem:s3+$0xFFFFFFB0];
	v4 =	vadd.s32 v6, v4  }
0x6d1: {  	v5 =	vld [tilespmem:s3+$0xFFFFFFC0];
	v4 =	vadd.s32 v7, v4  }
0x6d2: {  	v6 =	vld [tilespmem:s3+$0xFFFFFFD0];
	v4 =	vadd.s32 v8, v4  }
0x6d3: {  	v7 =	vld [tilespmem:s3+$0xFFFFFFE0];
	v3 =	vadd.s32 v3, v4;
	v62, _, _ =	vpop (xrf0)  }
0x6d4: {  	v8 =	vld [tilespmem:s3+$0xFFFFFFF0];
	v3 =	vadd.s32 v10, v3;
	(v2sf) =	vpush v62, $0xF  }
0x6d5: {  	s25 =	simm.s32 $0x13DF0;
	v4 =	vld [tilespmem:s3+$0x0];
	v3 =	vadd.s32 v11, v3  }
0x6d6: {  	v10 =	vld [tilespmem:s25+$0xFFFFFF10];
	v3 =	vadd.s32 v12, v3  }
0x6d7: {  	v11 =	vld [tilespmem:s25+$0xFFFFFF20];
	v3 =	vadd.s32 v9, v3  }
0x6d8: {  	v63 =	vld [tilespmem:s25+$0xFFFFFF30];
	v3 =	vadd.s32 v5, v3  }
0x6d9: {  	v9 =	vld [tilespmem:s25+$0xFFFFFF40];
	v3 =	vadd.s32 v6, v3  }
0x6da: {  	v5 =	vld [tilespmem:s25+$0xFFFFFF50];
	v3 =	vadd.s32 v7, v3  }
0x6db: {  	v6 =	vld [tilespmem:s25+$0xFFFFFF60];
	v3 =	vadd.s32 v8, v3  }
0x6dc: {  	v7 =	vadd.s32 v10, v11;
	v10 =	vld [tilespmem:s25+$0xFFFFFF70];
	v3 =	vadd.s32 v4, v3  }
0x6dd: {  	v7 =	vadd.s32 v63, v7;
	v8 =	vld [tilespmem:s25+$0xFFFFFF80];
	(xrf0) =	vadd.scan.msk.s32 $0xffff, v3  }
0x6de: {  	v4 =	vadd.s32 v9, v7;
	v7 =	vld [tilespmem:s25+$0xFFFFFF90]  }
0x6df: {  	v3 =	vadd.s32 v5, v4;
	v4 =	vld [tilespmem:s25+$0xFFFFFFA0]  }
0x6e0: {  	v3 =	vadd.s32 v6, v3;
	v6 =	vld [tilespmem:s25+$0xFFFFFFB0]  }
0x6e1: {  	v9 =	vld [tilespmem:s25+$0xFFFFFFC0];
	v3 =	vadd.s32 v10, v3  }
0x6e2: {  	s24 =	simm.s32 $0x0;
	p0 =	por $0x0, $0x0;
	s29 =	simm.s32 $0x3E;
	v5 =	vadd.s32 v8, v3;
	v3 =	vld [tilespmem:s25+$0xFFFFFFD0]  }
0x6e3: {  	s28 =	simm.s32 $0x3D;
	s26 =	simm.s32 $0x3C;
	v7 =	vadd.s32 v7, v5;
	v5 =	vld [tilespmem:s25+$0xFFFFFFE0];
	v8, _, _ =	vpop (xrf0);
	s1 =	spop (v2sf)  }
0x6e4: {  	s30 =	simm.s32 $0x13CF0;
	p1 =	por !p0, !p0;
	v7 =	vadd.s32 v4, v7;
	v4 =	vld [tilespmem:s25+$0xFFFFFFF0];
	(v2sf) =	vpush v8, $0xF;
	s31 =	sadd.s32 $0x0, s1  }
0x6e5: {  	s0 =	simm.s32 $0x0;
	v10 =	vadd.s32 v6, v7;
	v6 =	vld [tilespmem:s25+$0x0];
	s25 =	simm.s32 $0x0;
	p2 =	sgt.s32 s31, $0x7FF  }
0x6e6: {  	s1 =	simm.s32 $0x3B;
	p3 =	por !p2, !p1;
	p0 =	por p0, p2  }
0x6e7: {  	v7 =	vld [tilespmem:s30+$0xFFFFFF10];
	v8 =	vadd.s32 v9, v10;
	p1 =	por !p0, !p0;
	s31 =	smov.u32 @p0 s24;
	p3 =	por !p3, !p3  }
.LBB2_60:
0x6e8: {  	s3 =	smov.u32 s31  }
0x6e9: {  	p2 =	seq.s32 s1, $0x0;
	v3 =	vadd.s32 v3, v8;
	s24 =	smov.u32 @p3 s23;
	s25 =	smov.u32 @p3 s0;
	v9 =	vld [tilespmem:s30+$0xFFFFFF20]  }
0x6ea: {  	s0 =	smov.u32 s31;
	s23 =	smov.u32 s29;
	s29 =	smov.u32 s28;
	v3 =	vadd.s32 v5, v3;
	v8 =	vld [tilespmem:s30+$0xFFFFFF30]  }
0x6eb: {  	s28 =	smov.u32 s26;
	s26 =	smov.u32 s1;
	v3 =	vadd.s32 v4, v3;
	v5 =	vld [tilespmem:s30+$0xFFFFFF40]  }
0x6ec: {  	v3 =	vadd.s32 v6, v3;
	v4 =	vld [tilespmem:s30+$0xFFFFFF50]  }
0x6ed: {  	v6 =	vld [tilespmem:s30+$0xFFFFFF60];
	(xrf0) =	vadd.scan.msk.s32 $0xffff, v3  }
0x6ee: {  	v3 =	vadd.s32 v7, v9;
	v7 =	vld [tilespmem:s30+$0xFFFFFF70]  }
0x6ef: {  	v3 =	vadd.s32 v8, v3;
	v8 =	vld [tilespmem:s30+$0xFFFFFF80]  }
0x6f0: {  	v3 =	vadd.s32 v5, v3;
	v5 =	vld [tilespmem:s30+$0xFFFFFF90]  }
0x6f1: {  	v3 =	vadd.s32 v4, v3;
	v4 =	vld [tilespmem:s30+$0xFFFFFFA0]  }
0x6f2: {  	v3 =	vadd.s32 v6, v3;
	v6 =	vld [tilespmem:s30+$0xFFFFFFB0]  }
0x6f3: {  	v3 =	vadd.s32 v7, v3;
	v9 =	vld [tilespmem:s30+$0xFFFFFFC0];
	v7, _, _ =	vpop (xrf0);
	s31 =	spop (v2sf)  }
.Ltmp47:
0x6f4: {  	v8 =	vadd.s32 v8, v3;
	v3 =	vld [tilespmem:s30+$0xFFFFFFD0];
	(v2sf) =	vpush v7, $0xF;
	s31 =	sadd.s32 s3, s31;
	(pc) =	sbr.rel @!p2 .LBB2_60-.Ltmp47, $4  }
0x6f5: {  	v7 =	vadd.s32 v5, v8;
	v5 =	vld [tilespmem:s30+$0xFFFFFFE0];
	p3 =	sgt.s32 s31, $0x7FF  }
0x6f6: {  	v7 =	vadd.s32 v4, v7;
	v4 =	vld [tilespmem:s30+$0xFFFFFFF0];
	p4 =	por !p3, !p1;
	p0 =	por p0, p3  }
0x6f7: {  	v8 =	vadd.s32 v6, v7;
	v6 =	vld [tilespmem:s30+$0x0];
	s30 =	sadd.s32 $0xFFFFFF00, s30;
	p1 =	por !p0, !p0;
	s31 =	smov.u32 @p0 s3  }
0x6f8: {  	s1 =	sadd.s32 $0xFFFFFFFF, s1;
	p3 =	por !p4, !p4;
	v7 =	vld [tilespmem:s30+$0xFFFFFF10];
	v8 =	vadd.s32 v9, v8  }
0x6f9: {  	v9 =	vld [tilespmem:s30+$0xFFFFFF20]  }
0x6fa: {  	v10 =	vld [tilespmem:s30+$0xFFFFFF30]  }
0x6fb: {  	v11 =	vld [tilespmem:s30+$0xFFFFFF40]  }
0x6fc: {  	v12 =	vld [tilespmem:s30+$0xFFFFFF50]  }
0x6fd: {  	v13 =	vld [tilespmem:s30+$0xFFFFFF60]  }
0x6fe: {  	v56 =	vld [tilespmem:s30+$0xFFFFFF70];
	v7 =	vadd.s32 v7, v9  }
0x6ff: {  	v57 =	vld [tilespmem:s30+$0xFFFFFF80];
	v7 =	vadd.s32 v10, v7  }
0x700: {  	v58 =	vld [tilespmem:s30+$0xFFFFFF90];
	v7 =	vadd.s32 v11, v7  }
0x701: {  	v59 =	vld [tilespmem:s30+$0xFFFFFFA0];
	v7 =	vadd.s32 v12, v7  }
0x702: {  	v60 =	vld [tilespmem:s30+$0xFFFFFFB0];
	v7 =	vadd.s32 v13, v7  }
0x703: {  	v61 =	vld [tilespmem:s30+$0xFFFFFFC0];
	v7 =	vadd.s32 v56, v7  }
0x704: {  	v62 =	vld [tilespmem:s30+$0xFFFFFFD0];
	v7 =	vadd.s32 v57, v7  }
0x705: {  	v3 =	vadd.s32 v3, v8;
	v63 =	vld [tilespmem:s30+$0xFFFFFFE0];
	v7 =	vadd.s32 v58, v7  }
0x706: {  	v3 =	vadd.s32 v5, v3;
	v5 =	vadd.s32 v59, v7;
	v7 =	vld [tilespmem:s30+$0xFFFFFFF0]  }
0x707: {  	v3 =	vadd.s32 v4, v3;
	v4 =	vadd.s32 v60, v5;
	v5 =	vld [tilespmem:s30+$0x0]  }
0x708: {  	v3 =	vadd.s32 v6, v3;
	v4 =	vadd.s32 v61, v4  }
0x709: {  	(xrf0) =	vadd.scan.msk.s32 $0xffff, v3;
	v3 =	vadd.s32 v62, v4  }
0x70a: {  	v3 =	vadd.s32 v63, v3  }
0x70b: {  	v3 =	vadd.s32 v7, v3  }
0x70c: {  	v3 =	vadd.s32 v5, v3  }
0x70d: {  	(xrf0) =	vadd.scan.msk.s32 $0xffff, v3;
	_ =	sdelay $0x1  }
0x70e: {  	v3, _, _ =	vpop (xrf0)  }
0x70f: {  	(v2sf) =	vpush v3, $0xF;
	_ =	sdelay $0x2  }
0x710: {  	v3, _, _ =	vpop (xrf0)  }
0x711: {  	(v2sf) =	vpush v3, $0xF;
	_ =	sdelay $0x6  }
0x712: {  	s1 =	spop (v2sf)  }
0x713: {  	s1 =	sadd.s32 s31, s1  }
0x714: {  	p2 =	sgt.s32 s1, $0x7FF  }
0x715: {  	p4 =	por p0, p2  }
0x716: {  	s1 =	smov.u32 @p4 s31;
	s3 =	spop (v2sf)  }
0x717: {  	s24 =	smov.u32 @p3 s23;
	s3 =	sadd.s32 s1, s3  }
0x718: {  	s25 =	smov.u32 @p3 s0;
	p1 =	por !p2, !p1;
	p5 =	sgt.s32 s3, $0x7FF  }
0x719: {  	p1 =	por !p1, !p1;
	p3 =	por !p4, !p4;
	p0 =	por p4, p5  }
0x71a: {  	s24 =	smov.u32 @p1 s29;
	s3 =	smov.u32 @p0 s1;
	s23 =	spop (v2sf)  }
0x71b: {  	s25 =	smov.u32 @p1 s31;
	p2 =	por !p5, !p3;
	s0 =	sadd.s32 s3, s23  }
0x71c: {  	p4 =	por !p0, !p0;
	p1 =	por !p2, !p2;
	p5 =	sgt.s32 s0, $0x7FF  }
0x71d: {  	s24 =	smov.u32 @p1 s28;
	p6 =	por !p5, !p4  }
0x71e: {  	s25 =	smov.u32 @p1 s1;
	p0 =	por p0, p5;
	p1 =	por !p6, !p6  }
0x71f: {  	s0 =	simm.s32 @!p0 $0x0;
	s24 =	smov.u32 @p1 s26  }
0x720: {  	s0 =	simm.s32 @p0 $0x1;
	s30 =	sshll.u32 s24, $0xA  }
0x721: {  	[smem:$0x7F7] =	sst s0;
	s0 =	sshra.s32 s30, $0x2  }
0x722: {  	s31 =	sadd.s32 $0x10000, s0  }
0x723: {  	v3 =	vmov s31;
	_ =	sdelay $0x3  }
0x724: {  	s25 =	smov.u32 @p1 s3;
	s3 =	simm.s32 $0xF0  }
0x725: {  	v4 =	vld.idx.msk [tilespmem:v3+s3+$0x0 ss:$0x1], $0xffff;
	_ =	sdelay $0x4  }
0x726: {  	(xrf0) =	vadd.scan.msk.s32 $0xffff, v4;
	_ =	sdelay $0x5  }
0x727: {  	s23 =	simm.s32 $0xE0;
	v4, _, _ =	vpop (xrf0)  }
0x728: {  	(v2sf) =	vpush v4, $0xF;
	v4 =	vld.idx.msk [tilespmem:v3+s23+$0x0 ss:$0x1], $0xffff;
	_ =	sdelay $0x2  }
0x729: {  	s26 =	simm.s32 $0xD0  }
0x72a: {  	s28 =	simm.s32 $0xC0;
	v5 =	vld.idx.msk [tilespmem:v3+s26+$0x0 ss:$0x1], $0xffff  }
0x72b: {  	v6 =	vld.idx.msk [tilespmem:v3+s28+$0x0 ss:$0x1], $0xffff;
	(xrf0) =	vadd.scan.msk.s32 $0xffff, v4;
	_ =	sdelay $0x3  }
0x72c: {  	(xrf0) =	vadd.scan.msk.s32 $0xffff, v5  }
0x72d: {  	(xrf0) =	vadd.scan.msk.s32 $0xffff, v6  }
0x72e: {  	v4, _, _ =	vpop (xrf0)  }
0x72f: {  	(v2sf) =	vpush v4, $0xF;
	_ =	sdelay $0x2  }
0x730: {  	v4, _, _ =	vpop (xrf0)  }
0x731: {  	(v2sf) =	vpush v4, $0xF;
	v6, _, _ =	vpop (xrf0)  }
0x732: {  	s29 =	simm.s32 $0xB0;
	s30 =	spop (v2sf);
	(v2sf) =	vpush v6, $0xF  }
0x733: {  	v5 =	vld.idx.msk [tilespmem:v3+s29+$0x0 ss:$0x1], $0xffff  }
0x734: {  	p3 =	por $0x0, $0x0  }
0x735: {  	p4 =	por !p3, !p3  }
0x736: {  	s0 =	sshllo.u32 s24, $0x4;
	s24 =	simm.s32 $0x0;
	s1 =	sadd.s32 s25, s30  }
0x737: {  	s31 =	simm.s32 $0xA0;
	s3 =	simm.s32 $0x240;
	p5 =	sgt.s32 s1, $0x7FF  }
0x738: {  	s23 =	simm.s32 $0x0;
	(xrf0) =	vadd.scan.msk.s32 $0xffff, v5;
	p6 =	por !p5, !p4;
	p1 =	por p3, p5  }
0x739: {  	v4 =	vld.idx.msk [tilespmem:v3+s31+$0x0 ss:$0x1], $0xffff;
	p2 =	por !p6, !p6;
	s1 =	smov.u32 @p1 s25;
	p0 =	por !p1, !p1  }
0x73a: {  	s23 =	smov.u32 @p2 s0;
	s24 =	smov.u32 @p2 s25;
	s25 =	smov.u32 s1  }
.LBB2_62:
0x73b: {  	s26 =	smov.u32 s1;
	p2 =	sne.s32 s3, $0x0  }
0x73c: {  	s28 =	smov.u32 s3;
	s3 =	sadd.s32 $0xFFFFFFC0, s3;
	s1 =	spop (v2sf)  }
.Ltmp48:
0x73d: {  	s28 =	sshra.s32 s28, $0x2;
	s1 =	sadd.s32 s26, s1;
	(pc) =	sbr.rel @p2 .LBB2_62-.Ltmp48, $4  }
0x73e: {  	(xrf0) =	vadd.scan.msk.s32 $0xffff, v4;
	v4 =	vld.idx.msk [tilespmem:v3+s28+$0x0 ss:$0x1], $0xffff;
	v5, _, _ =	vpop (xrf0);
	p3 =	sgt.s32 s1, $0x7FF  }
0x73f: {  	s0 =	sadd.s32 $0xFFFFFFFF, s0;
	(v2sf) =	vpush v5, $0xF;
	p4 =	por !p3, !p0;
	p1 =	por p1, p3  }
0x740: {  	p0 =	por !p1, !p1;
	p3 =	por !p4, !p4;
	s1 =	smov.u32 @p1 s26  }
0x741: {  	s23 =	smov.u32 @p3 s0;
	s24 =	smov.u32 @p3 s25;
	s25 =	smov.u32 s1  }
0x742: {  	s3 =	spop (v2sf)  }
0x743: {  	s26 =	sadd.s32 s1, s3  }
0x744: {  	p6 =	sgt.s32 s26, $0x7FF  }
0x745: {  	p0 =	por !p6, !p0  }
0x746: {  	p2 =	por p1, p6;
	p0 =	por !p0, !p0  }
0x747: {  	s26 =	smov.u32 @p2 s1;
	s1 =	simm.s32 @!p0 $0x0  }
0x748: {  	s31 =	simm.s32 $0x8080;
	(xrf0) =	vadd.scan.msk.s32 $0xffff, v4;
	s1 =	simm.s32 @p0 $0x1  }
0x749: {  	v4 =	vld [tilespmem:s31+$0x60];
	[smem:$0x7F6] =	sst s1  }
0x74a: {  	v3, _, _ =	vpop (xrf0);
	v5 =	vld [tilespmem:s31+$0x50]  }
0x74b: {  	(v2sf) =	vpush v3, $0xF;
	v6 =	vld [tilespmem:s31+$0x40]  }
0x74c: {  	v7 =	vld [tilespmem:s31+$0x30]  }
0x74d: {  	v10 =	vld [tilespmem:s31+$0x20]  }
0x74e: {  	v3, _, _ =	vpop (xrf0);
	v9 =	vld [tilespmem:s31+$0x10]  }
0x74f: {  	(v2sf) =	vpush v3, $0xF;
	v11 =	vld [tilespmem:s31+$0x0]  }
0x750: {  	v13 =	vld [tilespmem:s31+$0xFFFFFFF0]  }
0x751: {  	v8 =	vimm.s32 $0x0;
	vm0 =	vgt.f32 v4, $0.0e+00;
	v14 =	vld [tilespmem:s31+$0xFFFFFFE0]  }
0x752: {  	s28 =	spop (v2sf);
	v8 =	vsel vm0, $0xFFFFFFFF, v8;
	v15 =	vld [tilespmem:s31+$0xFFFFFFD0]  }
0x753: {  	v21 =	vimm.s32 $0x0;
	s28 =	sadd.s32 s26, s28;
	v4 =	vmax.f32 v4, $0.0e+00;
	v16 =	vld [tilespmem:s31+$0xFFFFFFC0];
	[tilespmem:$0x1FC60] =	vst v8;
	v8 =	vimm.s32 $0x0  }
0x754: {  	p1 =	sgt.s32 s28, $0x7FF;
	vm14 =	vgt.f32 v6, $0.0e+00;
	vm0 =	vgt.f32 v5, $0.0e+00;
	vm2 =	vgt.f32 v10, $0.0e+00  }
0x755: {  	p4 =	por p2, p1;
	v17 =	vld [tilespmem:s31+$0xFFFFFFB0];
	vm10 =	vgt.f32 v7, $0.0e+00;
	vm3 =	vgt.f32 v9, $0.0e+00;
	v6 =	vmax.f32 v6, $0.0e+00  }
0x756: {  	s28 =	smov.u32 @p4 s26;
	s29 =	spop (v2sf);
	vm8 =	vgt.f32 v13, $0.0e+00;
	vm6 =	vgt.f32 v11, $0.0e+00;
	v7 =	vmax.f32 v7, $0.0e+00  }
0x757: {  	s29 =	sadd.s32 s28, s29;
	vm4 =	vgt.f32 v14, $0.0e+00;
	v9 =	vmax.f32 v9, $0.0e+00;
	v12 =	vmax.f32 v10, $0.0e+00  }
0x758: {  	s0 =	sadd.s32 $0xFFFFFFFF, s0;
	vm9 =	vgt.f32 v16, $0.0e+00;
	v10 =	vmax.f32 v11, $0.0e+00;
	p3 =	sgt.s32 s29, $0x7FF;
	v8 =	vsel vm0, $0xFFFFFFFF, v8  }
0x759: {  	p6 =	por !p2, !p2;
	s23 =	smov.u32 @p0 s0;
	v11 =	vmax.f32 v14, $0.0e+00;
	v18 =	vmax.f32 v13, $0.0e+00;
	v13 =	vmax.f32 v15, $0.0e+00;
	p5 =	por p4, p3;
	[tilespmem:$0x1FC50] =	vst v8  }
0x75a: {  	s0 =	sadd.s32 $0xFFFFFFFF, s0;
	vm0 =	vgt.f32 v15, $0.0e+00;
	vm11 =	vgt.f32 v17, $0.0e+00;
	v14 =	vmax.f32 v17, $0.0e+00;
	s29 =	smov.u32 @p5 s28;
	v19 =	vld [tilespmem:s31+$0xFFFFFFA0];
	s30 =	spop (v2sf)  }
0x75b: {  	p6 =	por !p1, !p6;
	p0 =	por !p4, !p4;
	v15 =	vmax.f32 v16, $0.0e+00;
	v23 =	vshrl.u32 v7, $0x15;
	v24 =	vshrl.u32 v6, $0x15;
	v22 =	vld [tilespmem:s31+$0xFFFFFF90];
	s30 =	sadd.s32 s29, s30  }
0x75c: {  	v25 =	vshrl.u32 v18, $0x15;
	v26 =	vshrl.u32 v10, $0x15;
	p4 =	por !p6, !p6;
	p0 =	por !p3, !p0;
	v8 =	vmax.f32 v5, $0.0e+00;
	v5 =	vld [tilespmem:s31+$0xFFFFFF80];
	p2 =	sgt.s32 s30, $0x7FF  }
0x75d: {  	v27 =	vshrl.u32 v9, $0x15;
	v29 =	vshrl.u32 v13, $0x15;
	v30 =	vshrl.u32 v11, $0x15;
	s23 =	smov.u32 @p4 s0;
	s0 =	sadd.s32 $0xFFFFFFFF, s0;
	p1 =	por p5, p2  }
0x75e: {  	v28 =	vshrl.u32 v15, $0x15;
	v34 =	vshrl.u32 v14, $0x15;
	v29 =	vand.u32 $0x3FF, v29;
	p6 =	por !p5, !p5;
	s30 =	smov.u32 @p1 s29;
	s3 =	spop (v2sf)  }
0x75f: {  	v25 =	vand.u32 $0x3FF, v25;
	v26 =	vand.u32 $0x3FF, v26;
	v23 =	vand.u32 $0x3FF, v23;
	p5 =	por !p0, !p0;
	p2 =	por !p2, !p6;
	s1 =	sadd.s32 s30, s3  }
0x760: {  	v28 =	vand.u32 $0x3FF, v28;
	vm12 =	vgt.f32 v22, $0.0e+00;
	vm7 =	vgt.f32 v19, $0.0e+00;
	s23 =	smov.u32 @p5 s0;
	p6 =	por !p1, !p1;
	p3 =	sgt.s32 s1, $0x7FF  }
0x761: {  	vm13 =	vgt.f32 v5, $0.0e+00;
	v20 =	vmax.f32 v5, $0.0e+00;
	v16 =	vmax.f32 v22, $0.0e+00;
	s0 =	sadd.s32 $0xFFFFFFFF, s0;
	p0 =	por !p2, !p2;
	p2 =	por !p3, !p6  }
0x762: {  	v17 =	vmax.f32 v19, $0.0e+00;
	v5 =	vshrl.u32 v8, $0x15;
	v19 =	vshrl.u32 v4, $0x15;
	s23 =	smov.u32 @p0 s0;
	s0 =	sadd.s32 $0xFFFFFFFF, s0;
	p6 =	por !p2, !p2  }
0x763: {  	v22 =	vshrl.u32 v12, $0x15;
	v31 =	vshrl.u32 v16, $0x15;
	v32 =	vshrl.u32 v20, $0x15;
	s23 =	smov.u32 @p6 s0  }
0x764: {  	v33 =	vshrl.u32 v17, $0x15;
	v32 =	vand.u32 $0x3FF, v32;
	v3 =	vmov s23  }
0x765: {  	v19 =	vand.u32 $0x3FF, v19;
	v31 =	vand.u32 $0x3FF, v31;
	vm15 =	veq.s32 v32, v3  }
0x766: {  	v61 =	vand.u32 $0x3FF, v33;
	vm1 =	vmand vm13, vm15;
	vm13 =	veq.s32 v31, v3  }
0x767: {  	v31 =	vand.u32 $0x3FF, v34;
	vm13 =	vmand vm12, vm13;
	vm12 =	veq.s32 v61, v3  }
0x768: {  	v22 =	vand.u32 $0x3FF, v22;
	vm12 =	vmand vm7, vm12;
	vm7 =	veq.s32 v31, v3  }
0x769: {  	v5 =	vand.u32 $0x3FF, v5;
	vm11 =	vmand vm11, vm7;
	vm7 =	veq.s32 v28, v3  }
0x76a: {  	v28 =	vand.u32 $0x3FF, v30;
	vm9 =	vmand vm9, vm7;
	vm7 =	veq.s32 v29, v3  }
0x76b: {  	v30 =	vimm.s32 $0x0;
	vm5 =	vmand vm0, vm7;
	vm0 =	veq.s32 v28, v3  }
0x76c: {  	vm7 =	vmmov vm11;
	vm15 =	vmand vm4, vm0;
	vm0 =	veq.s32 v25, v3  }
0x76d: {  	v25 =	vand.u32 $0x3FF, v27;
	vm11 =	vmand vm8, vm0;
	vm0 =	veq.s32 v26, v3  }
0x76e: {  	vm8 =	vmmov vm15;
	v26 =	vld [tilespmem:$0x1FC50];
	vm15 =	vmand vm6, vm0;
	vm0 =	veq.s32 v25, v3  }
0x76f: {  	vm6 =	vmmov vm12;
	vm0 =	vmand vm3, vm0;
	vm3 =	veq.s32 v22, v3  }
0x770: {  	vm12 =	vmand vm2, vm3;
	vm2 =	veq.s32 v23, v3;
	v23 =	vimm.s32 $0x0  }
0x771: {  	v30 =	vsel vm9, $0xFFFFFFFF, v30;
	vm4 =	vmmov vm13;
	v23 =	vsel vm1, $0xFFFFFFFF, v23  }
0x772: {  	v22 =	vand.u32 $0x3FF, v24;
	vm3 =	vmand vm10, vm2;
	[tilespmem:$0x1FC40] =	vst v23;
	v23 =	vsel vm1, $0x1, v0  }
0x773: {  	vm1 =	veq.s32 v22, v3;
	vm2 =	vnez.u8 v26;
	v22 =	vadd.s32 v23, v21  }
0x774: {  	[tilespmem:$0x1FC70] =	vst v30;
	v23 =	vsel vm13, $0x1, v0;
	vm10 =	vmand vm14, vm1;
	vm1 =	veq.s32 v5, v3  }
0x775: {  	v24 =	vld [tilespmem:s31+$0x70];
	v5 =	vsel vm7, $0x1, v0;
	v21 =	vshll.u32 v21, $0x4;
	v25 =	vadd.s32 v23, v22  }
0x776: {  	v23 =	vsel vm6, $0x1, v0;
	vm13 =	vmand vm2, vm1;
	vm1 =	veq.s32 v19, v3;
	v19 =	vld [tilespmem:$0x1FC60]  }
0x777: {  	v21 =	vor.u32 v1, v21;
	v22 =	vshll.u32 v22, $0x4;
	v37 =	vadd.s32 v23, v25  }
0x778: {  	v23 =	vadd.s32 v5, v37;
	v5 =	vsel vm9, $0x1, v0;
	vm9 =	vmmov vm5  }
0x779: {  	v27 =	vadd.s32 v5, v23;
	v5 =	vsel vm5, $0x1, v0;
	vm5 =	vmmov vm15  }
0x77a: {  	v23 =	vshll.u32 v23, $0x4;
	v30 =	vadd.s32 v5, v27;
	v5 =	vsel vm8, $0x1, v0  }
0x77b: {  	v27 =	vshll.u32 v27, $0x4;
	vm2 =	vnez.u8 v19;
	v19 =	vmax.f32 v24, $0.0e+00  }
0x77c: {  	v29 =	vadd.s32 v5, v30;
	v5 =	vsel vm11, $0x1, v0;
	v26 =	vshrl.u32 v19, $0x15  }
0x77d: {  	vm14 =	vmand vm2, vm1;
	vm1 =	vgt.f32 v24, $0.0e+00;
	v26 =	vand.u32 $0x3FF, v26  }
0x77e: {  	v24 =	vadd.s32 v5, v29;
	v5 =	vsel vm15, $0x1, v0;
	vm2 =	veq.s32 v26, v3;
	v26 =	vld [tilespmem:$0x1FC70]  }
0x77f: {  	v30 =	vshll.u32 v30, $0x4;
	v62 =	vadd.s32 v5, v24;
	v5 =	vsel vm0, $0x1, v0  }
0x780: {  	s31 =	sld [smem:$0x7F6];
	v63 =	vsel vm14, $0x1, v0;
	v31 =	vadd.s32 v5, v62;
	v5 =	vsel vm12, $0x1, v0  }
0x781: {  	v32 =	vshll.u32 v62, $0x4;
	v35 =	vadd.s32 v5, v31;
	v5 =	vsel vm3, $0x1, v0  }
0x782: {  	vm15 =	vmand vm1, vm2;
	v36 =	vadd.s32 v5, v35;
	v5 =	vsel vm10, $0x1, v0  }
0x783: {  	p2 =	seq.s32 s31, $0x1;
	v5 =	vadd.s32 v5, v36;
	vm1 =	vnez.u8 v26;
	v26 =	vsel vm13, $0x1, v0  }
0x784: {  	s24 =	smov.u32 @p2 s25;
	vm2 =	vmmov vm9;
	v38 =	vsel vm15, $0x1, v0;
	v28 =	vadd.s32 v26, v5  }
0x785: {  	s24 =	smov.u32 @p4 s26;
	v26 =	vshll.u32 v28, $0x4;
	v33 =	vadd.s32 v63, v28;
	v28 =	vshll.u32 v5, $0x4  }
0x786: {  	s24 =	smov.u32 @p5 s28;
	v34 =	vshll.u32 v33, $0x4;
	v5 =	vadd.s32 v38, v33;
	v33 =	vshll.u32 v31, $0x4  }
0x787: {  	p1 =	por p1, p3;
	s24 =	smov.u32 @p0 s29;
	v31 =	vshll.u32 v35, $0x4;
	v35 =	vshll.u32 v36, $0x4;
	v36 =	vshll.u32 v29, $0x4  }
0x788: {  	s25 =	simm.s32 $0x0;
	s26 =	simm.s32 $0x8180;
	s24 =	smov.u32 @p6 s30;
	v29 =	vshll.u32 v24, $0x4;
	v24 =	vshll.u32 v25, $0x4;
	v25 =	vshll.u32 v37, $0x4  }
.LBB2_64:
0x789: {  	v33 =	vor.u32 v1, v33  }
0x78a: {  	v37 =	vshll.u32 v5, $0x4;
	v28 =	vor.u32 v1, v28  }
0x78b: {  	v38 =	vld [tilespmem:s26+$0x70];
	v26 =	vor.u32 v1, v26;
	v34 =	vor.u32 v1, v34;
	v31 =	vor.u32 v1, v31  }
0x78c: {  	v35 =	vor.u32 v1, v35;
	v29 =	vor.u32 v1, v29;
	v32 =	vor.u32 v1, v32;
	v45 =	vld [tilespmem:$0x1FC40]  }
0x78d: {  	v39 =	vld [tilespmem:s26+$0x60];
	v27 =	vor.u32 v1, v27;
	v30 =	vor.u32 v1, v30;
	v12 =	vand.u32 $0x1FFFFF, v12  }
0x78e: {  	v36 =	vor.u32 v1, v36;
	v25 =	vor.u32 v1, v25;
	v43 =	vld [tilespmem:s26+$0x20];
	v8 =	vand.u32 $0x1FFFFF, v8;
	[tilespmem:v33+s17+$0x0] =	vst.idx.msk vm12, v12  }
0x78f: {  	v40 =	vld [tilespmem:s26+$0x50];
	v23 =	vor.u32 v1, v23;
	v20 =	vand.u32 $0x1FFFFF, v20;
	v4 =	vand.u32 $0x1FFFFF, v4;
	[tilespmem:v28+s17+$0x0] =	vst.idx.msk vm13, v8  }
0x790: {  	v41 =	vld [tilespmem:s26+$0x40];
	v44 =	vand.u32 $0x1FFFFF, v16;
	v22 =	vor.u32 v1, v22;
	v6 =	vand.u32 $0x1FFFFF, v6;
	[tilespmem:v26+s17+$0x0] =	vst.idx.msk vm14, v4  }
0x791: {  	v42 =	vld [tilespmem:s26+$0x30];
	v48 =	vand.u32 $0x1FFFFF, v17;
	v7 =	vand.u32 $0x1FFFFF, v7;
	vm9 =	vnez.u8 v45;
	[tilespmem:v35+s17+$0x0] =	vst.idx.msk vm10, v6  }
0x792: {  	v16 =	vld [tilespmem:s26+$0x10];
	v17 =	vand.u32 $0x1FFFFF, v14;
	v14 =	vand.u32 $0x1FFFFF, v15;
	v9 =	vand.u32 $0x1FFFFF, v9;
	[tilespmem:v31+s17+$0x0] =	vst.idx.msk vm3, v7  }
0x793: {  	v11 =	vand.u32 $0x1FFFFF, v11;
	v18 =	vand.u32 $0x1FFFFF, v18;
	v10 =	vand.u32 $0x1FFFFF, v10;
	v26 =	vld [tilespmem:s26+$0xFFFFFFA0];
	[tilespmem:v32+s17+$0x0] =	vst.idx.msk vm0, v9  }
0x794: {  	v15 =	vld [tilespmem:s26+$0x0];
	v8 =	vand.u32 $0x1FFFFF, v19;
	v12 =	vimm.s32 $0x0;
	v19 =	vmax.f32 v38, $0.0e+00;
	[tilespmem:v29+s17+$0x0] =	vst.idx.msk vm5, v10  }
0x795: {  	v50 =	vld [tilespmem:s26+$0xFFFFFFB0];
	v4 =	vimm.s32 $0x0;
	v6 =	vimm.s32 $0x0;
	v7 =	vimm.s32 $0x0;
	[tilespmem:v25+s17+$0x0] =	vst.idx.msk vm7, v17  }
0x796: {  	v51 =	vld [tilespmem:s26+$0xFFFFFF90];
	v9 =	vimm.s32 $0x0;
	v10 =	vimm.s32 $0x0;
	[tilespmem:v34+s17+$0x0] =	vst.idx.msk vm15, v8;
	v25 =	vshrl.u32 v19, $0x15  }
0x797: {  	v8 =	vimm.s32 $0x0;
	v25 =	vand.u32 $0x3FF, v25;
	[tilespmem:v21+s17+$0x0] =	vst.idx.msk vm9, v20;
	v20 =	vld [tilespmem:s26+$0xFFFFFFF0];
	vm9 =	vgt.f32 v39, $0.0e+00  }
0x798: {  	vm12 =	vgt.f32 v26, $0.0e+00;
	v17 =	vmax.f32 v26, $0.0e+00;
	[tilespmem:v36+s17+$0x0] =	vst.idx.msk vm11, v18;
	v18 =	vld [tilespmem:s26+$0xFFFFFFE0];
	v12 =	vsel vm9, $0xFFFFFFFF, v12  }
0x799: {  	v28 =	vld [tilespmem:s26+$0xFFFFFFC0];
	v21 =	vor.u32 v1, v37;
	vm9 =	vgt.f32 v38, $0.0e+00;
	[tilespmem:$0x1FC10] =	vst v12;
	v12 =	vimm.s32 $0x0  }
0x79a: {  	[tilespmem:v30+s17+$0x0] =	vst.idx.msk vm8, v11;
	v11 =	vimm.s32 $0x0;
	v31 =	vld [tilespmem:s26+$0xFFFFFF80];
	v12 =	vsel vm9, $0xFFFFFFFF, v12;
	vm9 =	vgt.f32 v41, $0.0e+00  }
0x79b: {  	vm11 =	vgt.f32 v51, $0.0e+00;
	[tilespmem:$0x1FC20] =	vst v12;
	v8 =	vsel vm9, $0xFFFFFFFF, v8;
	vm9 =	vgt.f32 v40, $0.0e+00  }
0x79c: {  	v12 =	vmax.f32 v43, $0.0e+00;
	[tilespmem:$0x1FBF0] =	vst v8;
	v8 =	vimm.s32 $0x0;
	vm3 =	vgt.f32 v20, $0.0e+00  }
0x79d: {  	v49 =	vld [tilespmem:s26+$0xFFFFFFD0];
	[tilespmem:v22+s17+$0x0] =	vst.idx.msk vm4, v44;
	vm0 =	vgt.f32 v18, $0.0e+00;
	v22 =	vshrl.u32 v12, $0x15;
	v8 =	vsel vm9, $0xFFFFFFFF, v8  }
0x79e: {  	vm9 =	vgt.f32 v43, $0.0e+00;
	v7 =	vsel vm3, $0xFFFFFFFF, v7;
	vm3 =	vgt.f32 v15, $0.0e+00  }
0x79f: {  	v9 =	vsel vm0, $0xFFFFFFFF, v9;
	vm0 =	vgt.f32 v28, $0.0e+00;
	vm10 =	vgt.f32 v31, $0.0e+00;
	[tilespmem:$0x1FC00] =	vst v8  }
0x7a0: {  	v22 =	vand.u32 $0x3FF, v22;
	v4 =	vsel vm9, $0xFFFFFFFF, v4;
	vm9 =	vgt.f32 v42, $0.0e+00;
	[tilespmem:$0x1FBA0] =	vst v7  }
0x7a1: {  	v8 =	vmax.f32 v40, $0.0e+00;
	v7 =	vimm.s32 $0x0;
	[tilespmem:$0x1FB90] =	vst v9;
	v9 =	vmax.f32 v16, $0.0e+00  }
0x7a2: {  	[tilespmem:v23+s17+$0x0] =	vst.idx.msk vm1, v14;
	v10 =	vsel vm0, $0xFFFFFFFF, v10;
	vm0 =	vgt.f32 v49, $0.0e+00;
	vm8 =	veq.s32 v22, v3  }
0x7a3: {  	v22 =	vimm.s32 $0x0;
	[tilespmem:$0x1FBD0] =	vst v4;
	v4 =	vimm.s32 $0x0;
	v7 =	vsel vm3, $0xFFFFFFFF, v7  }
0x7a4: {  	[tilespmem:$0x1FB70] =	vst v10;
	v10 =	vimm.s32 $0x0;
	v23 =	vshrl.u32 v8, $0x15;
	v4 =	vsel vm9, $0xFFFFFFFF, v4  }
0x7a5: {  	vm9 =	vgt.f32 v16, $0.0e+00;
	v10 =	vsel vm0, $0xFFFFFFFF, v10;
	vm0 =	vgt.f32 v50, $0.0e+00  }
0x7a6: {  	[tilespmem:$0x1FBB0] =	vst v7;
	v7 =	vmax.f32 v42, $0.0e+00;
	v23 =	vand.u32 $0x3FF, v23;
	v11 =	vsel vm0, $0xFFFFFFFF, v11  }
0x7a7: {  	[tilespmem:$0x1FB60] =	vst v11;
	v11 =	vmax.f32 v18, $0.0e+00;
	v18 =	vmax.f32 v20, $0.0e+00;
	v20 =	vmax.f32 v31, $0.0e+00  }
0x7a8: {  	v16 =	vmax.f32 v51, $0.0e+00;
	vm14 =	veq.s32 v23, v3;
	v57 =	vshrl.u32 v20, $0x15;
	v23 =	vld [tilespmem:$0x1FB60]  }
0x7a9: {  	vm0 =	veq.s32 v25, v3;
	v25 =	vimm.s32 $0x0;
	v37 =	vand.u32 $0x3FF, v57  }
0x7aa: {  	v54 =	vshrl.u32 v16, $0x15;
	v25 =	vsel vm0, $0xFFFFFFFF, v25;
	vm0 =	veq.s32 v37, v3  }
0x7ab: {  	v26 =	vshrl.u32 v7, $0x15;
	v34 =	vand.u32 $0x3FF, v54;
	vm4 =	vmand vm10, vm0  }
0x7ac: {  	[tilespmem:$0x1FB80] =	vst v10;
	v26 =	vand.u32 $0x3FF, v26;
	vm0 =	veq.s32 v34, v3;
	v22 =	vsel vm4, $0xFFFFFFFF, v22  }
0x7ad: {  	[tilespmem:$0x1FC40] =	vst v22;
	v22 =	vsel vm4, $0x1, v0;
	vm4 =	vmand vm11, vm0;
	vm11 =	vnez.u8 v23;
	v23 =	vld [tilespmem:$0x1FB70]  }
0x7ae: {  	v14 =	vmax.f32 v50, $0.0e+00;
	v6 =	vsel vm9, $0xFFFFFFFF, v6;
	vm9 =	veq.s32 v26, v3;
	v26 =	vld [tilespmem:$0x1FB80]  }
0x7af: {  	v56 =	vshrl.u32 v14, $0x15;
	v10 =	vmax.f32 v15, $0.0e+00;
	v15 =	vmax.f32 v28, $0.0e+00  }
0x7b0: {  	v36 =	vand.u32 $0x3FF, v56;
	v31 =	vshrl.u32 v15, $0x15  }
0x7b1: {  	v31 =	vand.u32 $0x3FF, v31;
	vm10 =	veq.s32 v36, v3  }
0x7b2: {  	vm1 =	veq.s32 v31, v3;
	vm10 =	vmand vm11, vm10;
	vm11 =	vnez.u8 v23  }
0x7b3: {  	v13 =	vand.u32 $0x1FFFFF, v13;
	vm1 =	vmand vm11, vm1;
	vm11 =	vnez.u8 v26;
	v26 =	vld [tilespmem:$0x1FB90]  }
0x7b4: {  	[tilespmem:v27+s17+$0x0] =	vst.idx.msk vm2, v13;
	v13 =	vmax.f32 v49, $0.0e+00  }
0x7b5: {  	v52 =	vshrl.u32 v13, $0x15  }
0x7b6: {  	v32 =	vand.u32 $0x3FF, v52  }
0x7b7: {  	vm2 =	veq.s32 v32, v3  }
0x7b8: {  	vm2 =	vmand vm11, vm2;
	vm11 =	vnez.u8 v26;
	v26 =	vld [tilespmem:$0x1FBA0];
	_ =	sdelay $0x1  }
0x7b9: {  	v53 =	vshrl.u32 v11, $0x15  }
0x7ba: {  	v33 =	vand.u32 $0x3FF, v53  }
0x7bb: {  	vm3 =	veq.s32 v33, v3  }
0x7bc: {  	v24 =	vor.u32 v1, v24;
	vm3 =	vmand vm11, vm3;
	vm11 =	vnez.u8 v26;
	v26 =	vld [tilespmem:$0x1FBB0];
	_ =	sdelay $0x1  }
0x7bd: {  	v28 =	vshrl.u32 v18, $0x15  }
0x7be: {  	[tilespmem:$0x1FBE0] =	vst v4;
	v28 =	vand.u32 $0x3FF, v28  }
0x7bf: {  	v55 =	vshrl.u32 v17, $0x15;
	v4 =	vmax.f32 v39, $0.0e+00;
	[tilespmem:$0x1FBC0] =	vst v6;
	vm5 =	veq.s32 v28, v3  }
0x7c0: {  	[tilespmem:v24+s17+$0x0] =	vst.idx.msk vm6, v48;
	v24 =	vshrl.u32 v4, $0x15;
	vm11 =	vmand vm11, vm5;
	vm5 =	vnez.u8 v26;
	v26 =	vld [tilespmem:$0x1FBC0]  }
0x7c1: {  	v35 =	vand.u32 $0x3FF, v55;
	v29 =	vshrl.u32 v10, $0x15;
	v24 =	vand.u32 $0x3FF, v24  }
0x7c2: {  	v29 =	vand.u32 $0x3FF, v29;
	vm15 =	veq.s32 v24, v3;
	vm0 =	veq.s32 v35, v3  }
0x7c3: {  	v22 =	vadd.s32 v22, v5;
	v5 =	vsel vm4, $0x1, v0;
	vm0 =	vmand vm12, vm0  }
0x7c4: {  	vm6 =	veq.s32 v29, v3;
	v24 =	vadd.s32 v5, v22;
	v5 =	vsel vm0, $0x1, v0  }
0x7c5: {  	vm5 =	vmand vm5, vm6;
	vm6 =	vmmov vm0;
	vm0 =	vnez.u8 v26;
	v26 =	vld [tilespmem:$0x1FBD0]  }
0x7c6: {  	v30 =	vshrl.u32 v9, $0x15  }
0x7c7: {  	v30 =	vand.u32 $0x3FF, v30  }
0x7c8: {  	vm7 =	veq.s32 v30, v3  }
0x7c9: {  	v6 =	vmax.f32 v41, $0.0e+00;
	[tilespmem:$0x1FC30] =	vst v25;
	v25 =	vadd.s32 v5, v24;
	v5 =	vsel vm10, $0x1, v0  }
0x7ca: {  	vm0 =	vmand vm0, vm7;
	vm7 =	vmmov vm10;
	vm10 =	vnez.u8 v26;
	v26 =	vld [tilespmem:$0x1FBE0]  }
0x7cb: {  	v27 =	vshrl.u32 v6, $0x15  }
0x7cc: {  	v27 =	vand.u32 $0x3FF, v27;
	v23 =	vadd.s32 v5, v25;
	v5 =	vsel vm1, $0x1, v0  }
0x7cd: {  	vm13 =	veq.s32 v27, v3;
	v27 =	vadd.s32 v5, v23;
	v5 =	vsel vm2, $0x1, v0  }
0x7ce: {  	v30 =	vadd.s32 v5, v27;
	v5 =	vsel vm3, $0x1, v0  }
0x7cf: {  	vm12 =	vmand vm10, vm8;
	vm8 =	vmmov vm3;
	vm3 =	vnez.u8 v26;
	v26 =	vld [tilespmem:$0x1FBF0];
	_ =	sdelay $0x3  }
0x7d0: {  	v29 =	vadd.s32 v5, v30  }
0x7d1: {  	v5 =	vsel vm11, $0x1, v0;
	vm3 =	vmand vm3, vm9;
	vm9 =	vnez.u8 v26;
	v26 =	vld [tilespmem:$0x1FC00]  }
0x7d2: {  	v58 =	vadd.s32 v5, v29;
	v5 =	vsel vm5, $0x1, v0  }
0x7d3: {  	v59 =	vadd.s32 v5, v58;
	v5 =	vsel vm0, $0x1, v0  }
0x7d4: {  	v28 =	vld [tilespmem:$0x1FC10];
	v31 =	vadd.s32 v5, v59;
	v5 =	vsel vm12, $0x1, v0  }
0x7d5: {  	v60 =	vadd.s32 v5, v31  }
0x7d6: {  	v5 =	vsel vm3, $0x1, v0;
	vm10 =	vmand vm9, vm13;
	vm9 =	vnez.u8 v26  }
0x7d7: {  	v61 =	vadd.s32 v5, v60;
	v5 =	vsel vm10, $0x1, v0;
	vm13 =	vmand vm9, vm14  }
0x7d8: {  	v5 =	vadd.s32 v5, v61;
	v26 =	vsel vm13, $0x1, v0  }
0x7d9: {  	vm9 =	vnez.u8 v28;
	v28 =	vadd.s32 v26, v5;
	v26 =	vld [tilespmem:$0x1FC20];
	_ =	sdelay $0x4  }
0x7da: {  	vm14 =	vmand vm9, vm15;
	vm9 =	vnez.u8 v26;
	v26 =	vld [tilespmem:$0x1FC30];
	_ =	sdelay $0x1  }
0x7db: {  	s25 =	sadd.s32 $0x10, s25;
	v22 =	vshll.u32 v22, $0x4;
	v24 =	vshll.u32 v24, $0x4;
	v25 =	vshll.u32 v25, $0x4  }
0x7dc: {  	p0 =	slt.u32 s25, $0x7F0;
	v23 =	vshll.u32 v23, $0x4;
	v27 =	vshll.u32 v27, $0x4;
	v30 =	vshll.u32 v30, $0x4  }
.Ltmp49:
0x7dd: {  	v36 =	vshll.u32 v29, $0x4;
	v29 =	vshll.u32 v58, $0x4;
	v62 =	vsel vm14, $0x1, v0;
	(pc) =	sbr.rel @p0 .LBB2_64-.Ltmp49, $4  }
0x7de: {  	v32 =	vshll.u32 v59, $0x4;
	v33 =	vadd.s32 v62, v28;
	vm15 =	vnez.u8 v26  }
0x7df: {  	v35 =	vshll.u32 v61, $0x4;
	v34 =	vshll.u32 v33, $0x4;
	vm15 =	vmand vm9, vm15  }
0x7e0: {  	v26 =	vshll.u32 v28, $0x4;
	v28 =	vshll.u32 v5, $0x4;
	v63 =	vsel vm15, $0x1, v0  }
0x7e1: {  	s26 =	sadd.s32 $0x100, s26;
	v5 =	vadd.s32 v63, v33;
	v33 =	vshll.u32 v31, $0x4;
	v31 =	vshll.u32 v60, $0x4  }
0x7e2: {  	v3 =	vxor.u32 $0x80000000, v5  }
0x7e3: {  	(xrf0) =	vmax.scan.msk.u32 $0xffff, v3;
	_ =	sdelay $0x5  }
0x7e4: {  	v3, _, _ =	vpop (xrf0)  }
0x7e5: {  	(v2sf) =	vpush v3, $0xF;
	_ =	sdelay $0x4  }
0x7e6: {  	v26 =	vor.u32 v1, v26  }
0x7e7: {  	v56 =	vor.u32 v1, v35  }
0x7e8: {  	v57 =	vor.u32 v1, v31  }
0x7e9: {  	v58 =	vor.u32 v1, v32  }
0x7ea: {  	v55 =	vld [tilespmem:$0x1FC40];
	v59 =	vor.u32 v1, v29;
	v4 =	vand.u32 $0x1FFFFF, v4  }
0x7eb: {  	v6 =	vand.u32 $0x1FFFFF, v6;
	[tilespmem:v26+s17+$0x0] =	vst.idx.msk vm14, v4;
	v3 =	vor.u32 v1, v36  }
0x7ec: {  	v33 =	vor.u32 v1, v33;
	v7 =	vand.u32 $0x1FFFFF, v7;
	[tilespmem:v56+s17+$0x0] =	vst.idx.msk vm10, v6  }
0x7ed: {  	v28 =	vor.u32 v1, v28;
	v9 =	vand.u32 $0x1FFFFF, v9;
	[tilespmem:v57+s17+$0x0] =	vst.idx.msk vm3, v7  }
0x7ee: {  	v34 =	vor.u32 v1, v34;
	v10 =	vand.u32 $0x1FFFFF, v10;
	[tilespmem:v58+s17+$0x0] =	vst.idx.msk vm0, v9  }
0x7ef: {  	v18 =	vand.u32 $0x1FFFFF, v18;
	vm9 =	vnez.u8 v55;
	v4 =	vor.u32 v1, v27;
	[tilespmem:v59+s17+$0x0] =	vst.idx.msk vm5, v10  }
0x7f0: {  	[tilespmem:v3+s17+$0x0] =	vst.idx.msk vm11, v18;
	v3 =	vand.u32 $0x1FFFFF, v12;
	s0 =	spop (v2sf)  }
0x7f1: {  	v7 =	vor.u32 v1, v25;
	[tilespmem:v33+s17+$0x0] =	vst.idx.msk vm12, v3;
	v3 =	vand.u32 $0x1FFFFF, v8;
	s25 =	sxor.u32 $0x80000000, s0  }
0x7f2: {  	v62 =	vor.u32 v1, v22;
	[tilespmem:v28+s17+$0x0] =	vst.idx.msk vm13, v3;
	v3 =	vand.u32 $0x1FFFFF, v19;
	s1 =	sshra.s32 s25, $0x1F  }
0x7f3: {  	v63 =	vand.u32 $0x1FFFFF, v13;
	[tilespmem:v34+s17+$0x0] =	vst.idx.msk vm15, v3;
	v3 =	vor.u32 v1, v30;
	s1 =	sshrl.u32 s1, $0x1E  }
0x7f4: {  	v20 =	vand.u32 $0x1FFFFF, v20;
	v6 =	vor.u32 v1, v23;
	[tilespmem:v4+s17+$0x0] =	vst.idx.msk vm2, v63;
	s1 =	sadd.s32 s1, s25  }
0x7f5: {  	v60 =	vor.u32 v1, v24;
	v4 =	vand.u32 $0x1FFFFF, v14;
	[tilespmem:v21+s17+$0x0] =	vst.idx.msk vm9, v20;
	s26 =	sand.u32 $0xFFFFFFFC, s1  }
.Ltmp50:
0x7f6: {  	[tilespmem:v7+s17+$0x0] =	vst.idx.msk vm7, v4;
	v4 =	vand.u32 $0x1FFFFF, v16;
	s28 =	ssub.s32 s25, s26;
	(pc) =	sbr.rel .LBB2_66-.Ltmp50, $4  }
0x7f7: {  	v61 =	vand.u32 $0x1FFFFF, v11;
	[tilespmem:v62+s17+$0x0] =	vst.idx.msk vm4, v4;
	s0 =	sshll.u32 s0, $0x6;
	s30 =	sshll.u32 s28, $0x6  }
0x7f8: {  	[tilespmem:v3+s17+$0x0] =	vst.idx.msk vm8, v61;
	v3 =	vand.u32 $0x1FFFFF, v15;
	s0 =	ssub.s32 s0, s30  }
0x7f9: {  	s24 =	ssub.s32 $0x800, s24;
	[tilespmem:v6+s17+$0x0] =	vst.idx.msk vm1, v3;
	v3 =	vand.u32 $0x1FFFFF, v17;
	s0 =	sshra.s32 s0, $0x2  }
0x7fa: {  	s31 =	simm.s32 $0x0;
	[tilespmem:v60+s17+$0x0] =	vst.idx.msk vm6, v3;
	s29 =	sadd.s32 $0x14000, s0;
	s0 =	simm.s32 $0x0  }
.LBB2_70:
0x7fb: {  	(xrf0) =	vadd.scan.msk.s32 $0xffff, v4;
	_ =	sdelay $0x5  }
0x7fc: {  	v3, _, _ =	vpop (xrf0)  }
0x7fd: {  	(v2sf) =	vpush v3, $0xF;
	_ =	sdelay $0xe  }
0x7fe: {  	s1 =	spop (v2sf)  }
0x7ff: {  	s31 =	sadd.s32 $0x1, s31;
	p0 =	slt.s32 s1, s24  }
0x800: {  	s30 =	smov.u32 @p0 s0;
	p0 =	sne.s32 s31, $0x15  }
.Ltmp51:
0x801: {  	_ = 	snop;
	(pc) =	sbr.rel @!p0 .LBB2_71-.Ltmp51, $2  }
0x802: {  	_ =	sdelay $0x2  }
0x803: {  	s0 =	smov.u32 s30  }
.LBB2_66:
0x804: {  	p0 =	slt.s32 s26, $0x1  }
.Ltmp52:
0x805: {  	_ = 	snop;
	(pc) =	sbr.rel @p0 .LBB2_67-.Ltmp52, $4  }
0x806: {  	_ = 	snop  }
0x807: {  	s1 =	sshrl.u32 s18, s31  }
0x808: {  	s30 =	sor.u32 s1, s0  }
0x809: {  	v3 =	vmov s30  }
0x80a: {  	s3 =	simm.s32 $0x14020  }
0x80b: {  	v7 =	vld [tilespmem:s3+$0xFFFFFFE0];
	_ =	sdelay $0x2  }
0x80c: {  	v4 =	vld [tilespmem:s3+$0x10]  }
0x80d: {  	p0 =	sgt.s32 s26, $0x4;
	v8 =	vld [tilespmem:s3+$0xFFFFFFF0]  }
.Ltmp53:
0x80e: {  	vm4 =	vge.s32 v7, v3;
	v7 =	vld [tilespmem:s3+$0x0];
	(pc) =	sbr.rel @!p0 .LBB2_86-.Ltmp53, $4  }
0x80f: {  	v6 =	vimm.s32 $0x0;
	v9 =	vadd.s32 $0xFFFFFFFE, v5  }
0x810: {  	v10 =	vadd.s32 $0xFFFFFFFD, v5;
	vm2 =	vgt.s32 v5, $0x0;
	v11 =	vadd.s32 $0xFFFFFFFF, v5  }
0x811: {  	vm0 =	vgt.s32 v10, $0x0;
	vm3 =	vgt.s32 v11, $0x0;
	vm1 =	vgt.s32 v9, $0x0  }
0x812: {  	s1 =	simm.s32 $0x4;
	vm5 =	vge.s32 v8, v3;
	s3 =	simm.s32 $0x14060;
	vm4 =	vmand vm2, vm4;
	vm2 =	vge.s32 v4, v3;
	v4 =	vmovc v5  }
.LBB2_85:
0x813: {  	v8 =	vld [tilespmem:s3+$0x10];
	v9 =	vsel vm4, $0x1, v0;
	vm3 =	vmand vm3, vm5;
	vm4 =	vge.s32 v7, v3  }
0x814: {  	s1 =	sadd.s32 $0x4, s1;
	v10 =	vld [tilespmem:s3+$0xFFFFFFE0];
	v6 =	vadd.s32 v9, v6;
	v7 =	vsel vm3, $0x1, v0;
	vm1 =	vmand vm1, vm4  }
0x815: {  	vm0 =	vmand vm0, vm2;
	p0 =	slt.s32 s1, s26;
	v9 =	vld [tilespmem:s3+$0xFFFFFFF0];
	v6 =	vadd.s32 v7, v6;
	v11 =	vsel vm1, $0x1, v0  }
.Ltmp54:
0x816: {  	v4 =	vadd.s32 $0xFFFFFFFC, v4;
	v7 =	vld [tilespmem:s3+$0x0];
	v6 =	vadd.s32 v11, v6;
	v11 =	vsel vm0, $0x1, v0;
	(pc) =	sbr.rel @p0 .LBB2_85-.Ltmp54, $4  }
0x817: {  	v12 =	vadd.s32 $0xFFFFFFFE, v4;
	v13 =	vadd.s32 $0xFFFFFFFD, v4;
	v6 =	vadd.s32 v11, v6  }
0x818: {  	vm2 =	vgt.s32 v4, $0x0;
	vm0 =	vgt.s32 v13, $0x0;
	v11 =	vadd.s32 $0xFFFFFFFF, v4  }
0x819: {  	vm1 =	vgt.s32 v12, $0x0;
	vm3 =	vgt.s32 v11, $0x0;
	vm4 =	vge.s32 v10, v3  }
0x81a: {  	s3 =	sadd.s32 $0x40, s3;
	vm4 =	vmand vm2, vm4;
	vm5 =	vge.s32 v9, v3;
	vm2 =	vge.s32 v8, v3  }
.LBB2_86:
.Ltmp55:
0x81b: {  	v8 =	vsel vm4, $0x1, v0;
	vm3 =	vmand vm3, vm5;
	vm15 =	vge.s32 v7, v3;
	(pc) =	sbr.rel .LBB2_68-.Ltmp55, $4  }
0x81c: {  	v6 =	vadd.s32 v8, v6;
	v7 =	vsel vm3, $0x1, v0;
	vm1 =	vmand vm1, vm15  }
0x81d: {  	vm0 =	vmand vm0, vm2;
	v6 =	vadd.s32 v7, v6;
	v7 =	vsel vm1, $0x1, v0  }
0x81e: {  	v8 =	vsel vm0, $0x1, v0;
	v7 =	vadd.s32 v7, v6  }
0x81f: {  	v6 =	vadd.s32 $0xFFFFFFFC, v4;
	v4 =	vadd.s32 v8, v7  }
.LBB2_67:
0x820: {  	v4 =	vimm.s32 $0x0;
	v6 =	vmov v5  }
.LBB2_68:
0x821: {  	p0 =	sge.s32 s26, s25  }
.Ltmp56:
0x822: {  	_ = 	snop;
	(pc) =	sbr.rel @p0 .LBB2_70-.Ltmp56, $2  }
0x823: {  	_ =	sdelay $0x2  }
0x824: {  	s1 =	smov.u32 s29;
	s3 =	smov.u32 s28  }
.LBB2_69:
0x825: {  	v7 =	vld [tilespmem:s1+$0x0];
	_ =	sdelay $0x2  }
0x826: {  	p0 =	sne.s32 s3, $0x1  }
.Ltmp57:
0x827: {  	_ = 	snop;
	(pc) =	sbr.rel @p0 .LBB2_69-.Ltmp57, $4  }
0x828: {  	vm1 =	vgt.s32 v6, $0x0;
	vm0 =	vge.s32 v7, v3  }
0x829: {  	vm0 =	vmand vm1, vm0  }
0x82a: {  	v7 =	vsel vm0, $0x1, v0  }
0x82b: {  	v6 =	vadd.s32 $0xFFFFFFFF, v6;
	s1 =	sadd.s32 $0x10, s1;
	s3 =	sadd.s32 $0xFFFFFFFF, s3;
	v4 =	vadd.s32 v7, v4  }
.Ltmp58:
0x82c: {  	_ = 	snop;
	(pc) =	sbr.rel .LBB2_70-.Ltmp58, $1  }
0x82d: {  	_ =	sdelay $0x3  }
.LBB2_71:
0x82e: {  	s24 =	simm.s32 $0x8080  }
0x82f: {  	s1 =	sld [smem:$0x7F7];
	v4 =	vld [tilespmem:s24+$0x70]  }
0x830: {  	s0 =	sshll.u32 s23, $0x15;
	v5 =	vld [tilespmem:s24+$0xFFFFFF90]  }
0x831: {  	s0 =	sor.u32 s0, s30;
	v6 =	vld [tilespmem:s24+$0xFFFFFFA0]  }
0x832: {  	v7 =	vld [tilespmem:s24+$0xFFFFFFB0];
	s0 =	simm.s32 @!p1 $0x0;
	p0 =	seq.s32 s1, $0x1  }
0x833: {  	v8 =	vld [tilespmem:s24+$0xFFFFFFC0];
	s0 =	simm.s32 @!p0 $0x0  }
0x834: {  	v9 =	vld [tilespmem:s24+$0xFFFFFFD0];
	v3 =	vmov s0;
	v4 =	vmax.f32 v4, $0.0e+00  }
0x835: {  	v10 =	vld [tilespmem:s24+$0xFFFFFFE0];
	v5 =	vmax.f32 v5, $0.0e+00;
	vm0 =	vgt.s32 v3, v4  }
0x836: {  	v11 =	vld [tilespmem:s24+$0xFFFFFFF0];
	v6 =	vmax.f32 v6, $0.0e+00;
	vm1 =	vgt.s32 v3, v5;
	v4 =	vsel vm0, $0x0, v4  }
0x837: {  	v12 =	vld [tilespmem:s24+$0x0];
	v7 =	vmax.f32 v7, $0.0e+00;
	v5 =	vsel vm1, $0x0, v5;
	vm0 =	vgt.s32 v3, v6;
	[tilespmem:s24+$0x70] =	vst v4  }
0x838: {  	[tilespmem:s24+$0xFFFFFF90] =	vst v5;
	v4 =	vsel vm0, $0x0, v6;
	vm0 =	vgt.s32 v3, v7;
	v5 =	vmax.f32 v8, $0.0e+00;
	v8 =	vld [tilespmem:s24+$0x10]  }
0x839: {  	v13 =	vld [tilespmem:s24+$0x20];
	v6 =	vmax.f32 v9, $0.0e+00;
	[tilespmem:s24+$0xFFFFFFA0] =	vst v4;
	v4 =	vsel vm0, $0x0, v7;
	vm0 =	vgt.s32 v3, v5  }
0x83a: {  	v7 =	vmax.f32 v10, $0.0e+00;
	[tilespmem:s24+$0xFFFFFFB0] =	vst v4;
	v5 =	vsel vm0, $0x0, v5;
	vm0 =	vgt.s32 v3, v6;
	v4 =	vld [tilespmem:s24+$0x30]  }
0x83b: {  	v9 =	vmax.f32 v11, $0.0e+00;
	[tilespmem:s24+$0xFFFFFFC0] =	vst v5;
	v6 =	vsel vm0, $0x0, v6;
	vm0 =	vgt.s32 v3, v7;
	v5 =	vld [tilespmem:s24+$0x40]  }
0x83c: {  	v10 =	vmax.f32 v12, $0.0e+00;
	[tilespmem:s24+$0xFFFFFFD0] =	vst v6;
	v7 =	vsel vm0, $0x0, v7;
	vm0 =	vgt.s32 v3, v9;
	v6 =	vld [tilespmem:s24+$0x50]  }
0x83d: {  	[tilespmem:s24+$0xFFFFFFE0] =	vst v7;
	v11 =	vsel vm0, $0x0, v9;
	vm0 =	vgt.s32 v3, v10;
	v9 =	vmax.f32 v8, $0.0e+00;
	v7 =	vld [tilespmem:s24+$0x60]  }
0x83e: {  	s23 =	simm.s32 $0x8180;
	s0 =	simm.s32 $0x0;
	v8 =	vld [tilespmem:s24+$0xFFFFFF80];
	[tilespmem:s24+$0xFFFFFFF0] =	vst v11;
	v11 =	vsel vm0, $0x0, v10;
	vm0 =	vgt.s32 v3, v9;
	v10 =	vmax.f32 v13, $0.0e+00  }
.LBB2_72:
0x83f: {  	v12 =	vld [tilespmem:s23+$0x70];
	s0 =	sadd.s32 $0x10, s0;
	[tilespmem:s24+$0x0] =	vst v11;
	v9 =	vsel vm0, $0x0, v9;
	vm0 =	vgt.s32 v3, v10;
	v4 =	vmax.f32 v4, $0.0e+00  }
0x840: {  	v11 =	vld [tilespmem:s23+$0xFFFFFF90];
	p0 =	slt.u32 s0, $0x7F0;
	[tilespmem:s24+$0x10] =	vst v9;
	v9 =	vsel vm0, $0x0, v10;
	vm0 =	vgt.s32 v3, v4;
	v5 =	vmax.f32 v5, $0.0e+00  }
0x841: {  	v10 =	vld [tilespmem:s23+$0xFFFFFFA0];
	[tilespmem:s24+$0x20] =	vst v9;
	v4 =	vsel vm0, $0x0, v4;
	vm0 =	vgt.s32 v3, v5;
	v6 =	vmax.f32 v6, $0.0e+00  }
0x842: {  	v9 =	vld [tilespmem:s23+$0xFFFFFFB0];
	[tilespmem:s24+$0x30] =	vst v4;
	v4 =	vsel vm0, $0x0, v5;
	vm0 =	vgt.s32 v3, v6;
	v5 =	vmax.f32 v7, $0.0e+00  }
0x843: {  	v7 =	vld [tilespmem:s23+$0xFFFFFFC0];
	v8 =	vmax.f32 v8, $0.0e+00;
	[tilespmem:s24+$0x40] =	vst v4;
	v4 =	vsel vm0, $0x0, v6;
	vm0 =	vgt.s32 v3, v5  }
0x844: {  	v6 =	vld [tilespmem:s23+$0xFFFFFFD0];
	v12 =	vmax.f32 v12, $0.0e+00;
	vm1 =	vgt.s32 v3, v8;
	[tilespmem:s24+$0x50] =	vst v4;
	v4 =	vsel vm0, $0x0, v5  }
0x845: {  	v5 =	vmax.f32 v11, $0.0e+00;
	v11 =	vld [tilespmem:s23+$0xFFFFFFE0];
	vm0 =	vgt.s32 v3, v12;
	v8 =	vsel vm1, $0x0, v8;
	[tilespmem:s24+$0x60] =	vst v4  }
0x846: {  	vm1 =	vgt.s32 v3, v5;
	v4 =	vmax.f32 v10, $0.0e+00;
	v10 =	vld [tilespmem:s23+$0xFFFFFFF0];
	v12 =	vsel vm0, $0x0, v12;
	[tilespmem:s24+$0xFFFFFF80] =	vst v8;
	s24 =	smov.u32 s23  }
0x847: {  	v5 =	vsel vm1, $0x0, v5;
	vm0 =	vgt.s32 v3, v4;
	v8 =	vmax.f32 v9, $0.0e+00;
	v9 =	vld [tilespmem:s23+$0x0];
	[tilespmem:s23+$0x70] =	vst v12  }
0x848: {  	[tilespmem:s23+$0xFFFFFF90] =	vst v5;
	v4 =	vsel vm0, $0x0, v4;
	vm0 =	vgt.s32 v3, v8;
	v5 =	vmax.f32 v7, $0.0e+00;
	v7 =	vld [tilespmem:s23+$0x10]  }
0x849: {  	[tilespmem:s23+$0xFFFFFFA0] =	vst v4;
	v4 =	vsel vm0, $0x0, v8;
	vm0 =	vgt.s32 v3, v5;
	v6 =	vmax.f32 v6, $0.0e+00;
	v12 =	vld [tilespmem:s23+$0x20]  }
.Ltmp59:
0x84a: {  	[tilespmem:s23+$0xFFFFFFB0] =	vst v4;
	v5 =	vsel vm0, $0x0, v5;
	vm0 =	vgt.s32 v3, v6;
	v8 =	vmax.f32 v11, $0.0e+00;
	v4 =	vld [tilespmem:s23+$0x30];
	(pc) =	sbr.rel @p0 .LBB2_72-.Ltmp59, $4  }
0x84b: {  	[tilespmem:s23+$0xFFFFFFC0] =	vst v5;
	v6 =	vsel vm0, $0x0, v6;
	vm0 =	vgt.s32 v3, v8;
	v10 =	vmax.f32 v10, $0.0e+00;
	v5 =	vld [tilespmem:s23+$0x40]  }
0x84c: {  	[tilespmem:s23+$0xFFFFFFD0] =	vst v6;
	v8 =	vsel vm0, $0x0, v8;
	vm0 =	vgt.s32 v3, v10;
	v11 =	vmax.f32 v9, $0.0e+00;
	v6 =	vld [tilespmem:s23+$0x50]  }
0x84d: {  	[tilespmem:s23+$0xFFFFFFE0] =	vst v8;
	v10 =	vsel vm0, $0x0, v10;
	vm0 =	vgt.s32 v3, v11;
	v9 =	vmax.f32 v7, $0.0e+00;
	v7 =	vld [tilespmem:s23+$0x60]  }
0x84e: {  	s23 =	sadd.s32 $0x100, s23;
	v8 =	vld [tilespmem:s24+$0xFFFFFF80];
	[tilespmem:s24+$0xFFFFFFF0] =	vst v10;
	v11 =	vsel vm0, $0x0, v11;
	vm0 =	vgt.s32 v3, v9;
	v10 =	vmax.f32 v12, $0.0e+00  }
0x84f: {  	[tilespmem:s24+$0x0] =	vst v11;
	v9 =	vsel vm0, $0x0, v9;
	vm11 =	vgt.s32 v3, v10;
	v4 =	vmax.f32 v4, $0.0e+00  }
0x850: {  	[tilespmem:s24+$0x10] =	vst v9;
	v58 =	vsel vm11, $0x0, v10;
	vm12 =	vgt.s32 v3, v4;
	v5 =	vmax.f32 v5, $0.0e+00  }
0x851: {  	[tilespmem:s24+$0x20] =	vst v58;
	v4 =	vsel vm12, $0x0, v4;
	vm13 =	vgt.s32 v3, v5;
	v6 =	vmax.f32 v6, $0.0e+00  }
0x852: {  	[tilespmem:s24+$0x30] =	vst v4;
	v59 =	vsel vm13, $0x0, v5;
	vm14 =	vgt.s32 v3, v6;
	v60 =	vmax.f32 v7, $0.0e+00  }
0x853: {  	v61 =	vmax.f32 v8, $0.0e+00;
	[tilespmem:s24+$0x40] =	vst v59;
	v62 =	vsel vm14, $0x0, v6;
	vm15 =	vgt.s32 v3, v60  }
0x854: {  	vm1 =	vgt.s32 v3, v61;
	[tilespmem:s24+$0x50] =	vst v62;
	v3 =	vsel vm15, $0x0, v60  }
0x855: {  	v63 =	vsel vm1, $0x0, v61;
	[tilespmem:s24+$0x60] =	vst v3  }
0x856: {  	s22 =	sadd.s32 $0x1, s22;
	[tilespmem:s24+$0xFFFFFF80] =	vst v63  }
0x857: {  	[hbm4b:s10+s12] =	stream.strided.scatter [tilespmem:s15], [sflag:$0x4], $0x8000, s13, s12, $0x38;
	[tilespmem:$0x1C000] =	vst v63  }
0x858: {  	p0 =	sne.s32 s22, s11;
	_ =	swait.ge [sflag:s20], $0x8000  }
.Ltmp60:
0x859: {  	[sflag:s20] =	ssyncset.done $0x0;
	(pc) =	sbr.rel @p0 .LBB2_1-.Ltmp60, $4  }
0x85a: {  	[sflag:s20] =	ssyncadd.s32 $0xFFFF8000  }
0x85b: {  	_ =	swait.ge [sflag:s21], $0x8000  }
0x85c: {  	[sflag:s21] =	ssyncset.done $0x0  }
0x85d: {  	[sflag:s21] =	ssyncadd.s32 $0xFFFF8000  }
0x85e: {  	_ =	sfence.sel $0x180000  }
0x85f: {  	[bflag:$0x0] =	sbarrier.arrive $0xFFFF  }
0x860: {  	_ =	strace $0x90000047  }
0x861: {  	s0 =	stileid.u32;
	[bflag:$0x2] =	sbarrier.arrive $0xFFFF  }
0x862: {  	p0 =	sne.s32 s0, $0x0;
	s0 =	rddreg [dreg:$0x2]  }
0x863: {  	s0 =	sadd.s32 @!p0 $0x100000, s0  }
0x864: {  	[sflag:s0] =	ssyncadd.tile.s32 @!p0 $0x1;
	_ =	shalt  }
.Lfunc_end2:
_tile_overlayer_lowered:
.L_overlay_start_2:
0x865: {  	(tag) =	ssettag $0x2  }
0x866: {  	s0 =	rddreg [dreg:$0x0];
	s2 =	stileid.u32  }
0x867: {  	s1 =	rddreg [dreg:$0x1];
	p0 =	sne.s32 s2, $0x0  }
0x868: {  	s3 =	rddreg [dreg:$0x2];
	[bflag:$0x3] =	sbarrier.arrive $0xFFFF;
	s2 =	simm.s32 @!p0 $0x1C05  }
0x869: {  	[timem:s3], [sflag:s2] =	dma.local @!p0 [hbm:s0], s1  }
0x86a: {  	s0 =	simm.s32 @!p0 $0x5  }
0x86b: {  	_ =	swait.ge @!p0 [sflag:s0], s1  }
0x86c: {  	s1 =	ssub.s32 @!p0 $0x0, s1;
	[sflag:s0] =	ssyncset.done @!p0 $0x0  }
0x86d: {  	[sflag:s0] =	ssyncadd.s32 @!p0 s1  }
0x86e: {  	[bflag:$0x3] =	sbarrier.arrive $0xFFFF  }
0x86f: {  	_ =	shalt  }

</sc_bundles>
